<compile_context>
chip_gen: v7x
topology: tpu7x:2x2x1
jax: 0.10.2.dev20260603
libtpu: 0.0.44.dev20260713+nightly
codegen_flags: <defaults>
</compile_context>

<pallas_src>
import functools

import jax
import jax.numpy as jnp
from jax import lax
from jax.experimental import pallas as pl
from jax.experimental.pallas import tpu as pltpu
from jax.experimental.pallas import tpu_sc as plsc

IN_F = 16384
OUT_F = 16384
NNZ = 268435
B = 64

NC = 2
NS = 16
NW = NC * NS
L = 16

K = 128
NBLK = -(-NNZ // (NW * K))
CPT = NBLK * K
LAST_BASE = ((NNZ - CPT + 7) // 8) * 8
OVERLAP = (NW - 1) * CPT - LAST_BASE
TAIL = LAST_BASE + CPT - NNZ
NNZ_AL = ((NNZ + 7) // 8) * 8

_mesh = plsc.VectorSubcoreMesh(core_axis_name="c", subcore_axis_name="s")

_BCAST_DNUMS = lax.GatherDimensionNumbers(
    offset_dims=(), collapsed_slice_dims=(0,), start_index_map=(0,))


def _bcast_lane(vec, j):
    idx = jnp.full((L, 1), j, jnp.int32)
    return lax.gather(vec, idx, _BCAST_DNUMS, (1,),
                      mode=lax.GatherScatterMode.PROMISE_IN_BOUNDS)


@functools.partial(
    pl.kernel,
    mesh=_mesh,
    compiler_params=pltpu.CompilerParams(use_tc_tiling_on_sc=False),
    out_type=jax.ShapeDtypeStruct((NC, OUT_F, B), jnp.float32),
    scratch_types=[
        pltpu.VMEM((CPT,), jnp.int32),
        pltpu.VMEM((CPT,), jnp.float32),
        pltpu.VMEM((2, K), jnp.int32),
        pltpu.VMEM((2, K, B), jnp.float32),
        pltpu.VMEM((2, K, B), jnp.float32),
        pltpu.VMEM_SHARED((OUT_F, B), jnp.float32),
        pltpu.SemaphoreType.DMA,
        pltpu.SemaphoreType.DMA,
        pltpu.SemaphoreType.DMA,
        pltpu.SemaphoreType.DMA,
        pltpu.SemaphoreType.DMA,
        pltpu.SemaphoreType.DMA,
    ],
)
def _sc_spmm(xt_hbm, conn_hbm, w_hbm, out_hbm,
             cols_all, w_all, rows_v, gbuf, sbuf, acc,
             gsem0, gsem1, ssem0, ssem1, rsem0, rsem1):
    gsem = (gsem0, gsem1)
    ssem = (ssem0, ssem1)
    rsem = (rsem0, rsem1)
    cid = lax.axis_index("c")
    sid = lax.axis_index("s")
    wid = sid * NC + cid
    base = jnp.minimum(wid * CPT, LAST_BASE)

    pltpu.async_copy(conn_hbm.at[pl.ds(NNZ_AL + base, CPT)], cols_all,
                     rsem0)
    pltpu.async_copy(w_hbm.at[pl.ds(base, CPT)], w_all, rsem1)

    zero16 = jnp.zeros((L,), jnp.float32)

    def zbody(i, _):
        gbuf[0, i // 4, pl.ds((i % 4) * L, L)] = zero16
        return 0

    lax.fori_loop(0, K * 4, zbody, 0)
    rpt = OUT_F // NS
    for j in range(rpt // K):
        pltpu.sync_copy(gbuf.at[0], acc.at[pl.ds(sid * rpt + j * K, K)])

    pltpu.make_async_copy(conn_hbm.at[pl.ds(NNZ_AL + base, CPT)],
                          cols_all, rsem0).wait()
    pltpu.make_async_copy(w_hbm.at[pl.ds(base, CPT)], w_all,
                          rsem1).wait()

    @pl.when(wid == NW - 1)
    def _():
        for i in range(OVERLAP // L):
            w_all[pl.ds(i * L, L)] = zero16
        t = w_all[pl.ds((OVERLAP // L) * L, L)]
        w_all[pl.ds((OVERLAP // L) * L, L)] = jnp.where(
            jnp.arange(L) < OVERLAP % L, jnp.zeros((L,), jnp.float32), t)

    plsc.subcore_barrier()

    for j in range(2):
        pltpu.async_copy(xt_hbm.at[cols_all.at[pl.ds(j * K, K)]],
                         gbuf.at[j], gsem[j])

    def outer(g, _):
        for j in range(2):
            b = g * 2 + j

            @pl.when(g >= 1)
            def _():
                pltpu.make_async_copy(
                    sbuf.at[j], acc.at[rows_v.at[j]], ssem[j]).wait()

            pltpu.async_copy(conn_hbm.at[pl.ds(base + b * K, K)],
                             rows_v.at[j], rsem[j])
            pltpu.make_async_copy(
                xt_hbm.at[cols_all.at[pl.ds(b * K, K)]],
                gbuf.at[j], gsem[j]).wait()

            def mul16(i16, _):
                w16 = w_all[pl.ds(b * K + i16 * L, L)]
                for jj in range(L):
                    wb = _bcast_lane(w16, jj)
                    e = i16 * L + jj
                    for v in range(B // L):
                        sbuf[j, e, pl.ds(v * L, L)] = (
                            gbuf[j, e, pl.ds(v * L, L)] * wb)
                return 0

            lax.fori_loop(0, K // L, mul16, 0)

            @pl.when(g < NBLK // 2 - 1)
            def _():
                pltpu.async_copy(
                    xt_hbm.at[cols_all.at[pl.ds((b + 2) * K, K)]],
                    gbuf.at[j], gsem[j])

            pltpu.make_async_copy(conn_hbm.at[pl.ds(base + b * K, K)],
                                  rows_v.at[j], rsem[j]).wait()
            pltpu.async_copy(sbuf.at[j], acc.at[rows_v.at[j]], ssem[j],
                             add=True)
        return 0

    lax.fori_loop(0, NBLK // 2, outer, 0)

    for j in range(2):
        pltpu.make_async_copy(sbuf.at[j], acc.at[rows_v.at[j]],
                              ssem[j]).wait()
    plsc.subcore_barrier()

    pltpu.sync_copy(acc.at[pl.ds(sid * rpt, rpt)],
                    out_hbm.at[cid, pl.ds(sid * rpt, rpt)])


_RB = 1024


def _combine_body(p_ref, b_ref, o_ref):
    s = p_ref[0] + p_ref[1]
    o_ref[...] = s.T + b_ref[...]


def kernel(inputs, connectivity, weights, bias):
    lead = inputs.shape[:-1]
    x = inputs.reshape(-1, inputs.shape[-1])
    xt = x.T

    conn = connectivity.reshape(2, NNZ)
    conn_p = jnp.concatenate(
        [conn[0], jnp.zeros((NNZ_AL - NNZ,), jnp.int32),
         conn[1], jnp.zeros((2 * L,), jnp.int32)])
    w_p = jnp.concatenate([weights, jnp.zeros((2 * L,), jnp.float32)])

    partial = _sc_spmm(xt, conn_p, w_p)

    out = pl.pallas_call(
        _combine_body,
        grid=(OUT_F // _RB,),
        in_specs=[
            pl.BlockSpec((NC, _RB, B), lambda i: (0, i, 0)),
            pl.BlockSpec((1, _RB), lambda i: (0, i)),
        ],
        out_specs=pl.BlockSpec((B, _RB), lambda i: (0, i)),
        out_shape=jax.ShapeDtypeStruct((B, OUT_F), jnp.float32),
    )(partial, bias.reshape(1, OUT_F))
    return out.reshape((*lead, OUT_F))

# --- scband reference (transcript-rebuilt; emitter-appended) ---
"""Pipeline reference for scband-sparse-linear-88218628260171 (READ-ONLY COPY).

The authoritative reference and input builder live on the scoring server;
editing this copy changes nothing except your own understanding.
"""

import jax, jax.numpy as jnp
import numpy as np

IN_F = 16384
OUT_F = 16384
NNZ = 268435
B = 64


def setup_inputs(seed: int = 0) -> dict:
    key = jax.random.key(seed)
    k1, k2, k3, k4 = jax.random.split(key, 4)
    inputs = jax.random.normal(k1, (B, IN_F), dtype=jnp.float32)
    connectivity = jax.random.randint(k2, (2, NNZ), 0, IN_F, dtype=jnp.int32)
    bound = 1.0 / np.sqrt(IN_F)
    weights = jax.random.uniform(k3, (NNZ,), minval=-bound, maxval=bound, dtype=jnp.float32)
    bias = jax.random.uniform(k4, (OUT_F,), minval=-bound, maxval=bound, dtype=jnp.float32)
    return {"inputs": inputs, "connectivity": connectivity, "weights": weights, "bias": bias}


def reference(inputs, connectivity, weights, bias):
    rows = connectivity[0]
    cols = connectivity[1]
    lead = inputs.shape[:-1]
    x = inputs.reshape(-1, inputs.shape[-1])  # [B, in]
    # sparse.mm(W, x.T).T : out[b, r] = sum_k values[k] * x[b, cols[k]] for rows[k]==r
    gathered = x.T[cols]                      # [nnz, B] gather of input columns
    contrib = weights[:, None] * gathered     # [nnz, B]
    out_t = jax.ops.segment_sum(contrib, rows, num_segments=OUT_F)  # [out, B]
    out = out_t.T + bias[None, :]
    return out.reshape((*lead, OUT_F))

if __name__ == "__main__":
    import jax
    _d = setup_inputs()
    print(jax.jit(kernel)(*tuple(_d.values())))

</pallas_src>

<mosaic_0001>
#map = affine_map<(d0, d1) -> (0, 0)>
#map1 = affine_map<(d0, d1) -> (0)>
#map2 = affine_map<(d0, d1) -> (0, 0, 0)>
module attributes {stable_mosaic.version = 14 : i64} {
  func.func @_sc_spmm(%arg0: i32, %arg1: i32, %arg2: memref<16384x64xf32, #tpu.memory_space<hbm>>, %arg3: memref<536907xi32, #tpu.memory_space<hbm>>, %arg4: memref<268467xf32, #tpu.memory_space<hbm>>, %arg5: memref<2x16384x64xf32, #tpu.memory_space<hbm>>, %arg6: memref<8448xi32, #tpu.memory_space<vmem>>, %arg7: memref<8448xf32, #tpu.memory_space<vmem>>, %arg8: memref<2x128xi32, #tpu.memory_space<vmem>>, %arg9: memref<2x128x64xf32, #tpu.memory_space<vmem>>, %arg10: memref<2x128x64xf32, #tpu.memory_space<vmem>>, %arg11: memref<16384x64xf32, #tpu.memory_space<vmem_shared>>, %arg12: memref<!tpu.dma_semaphore, #tpu.memory_space<semaphore_mem>>, %arg13: memref<!tpu.dma_semaphore, #tpu.memory_space<semaphore_mem>>, %arg14: memref<!tpu.dma_semaphore, #tpu.memory_space<semaphore_mem>>, %arg15: memref<!tpu.dma_semaphore, #tpu.memory_space<semaphore_mem>>, %arg16: memref<!tpu.dma_semaphore, #tpu.memory_space<semaphore_mem>>, %arg17: memref<!tpu.dma_semaphore, #tpu.memory_space<semaphore_mem>>) attributes {dimension_semantics = [#tpu.dimension_semantics<core_parallel>, #tpu.dimension_semantics<subcore_parallel>], iteration_bounds = array<i64: 2, 16>, scalar_prefetch = 0 : i64, scratch_operands = 12 : i64, tpu.core_type = #tpu.core_type<sc_vector_subcore>, window_params = [{transform_indices = #map}, {transform_indices = #map1}, {transform_indices = #map1}, {transform_indices = #map2}]} {
    %mul3A = arith.constant 2 : i32
    %mul3A_0 = arith.muli %arg1, %mul3A : i32
    %add3A = arith.addi %mul3A_0, %arg0 : i32
    %mul3A_1 = arith.constant 8448 : i32
    %mul3A_2 = arith.muli %add3A, %mul3A_1 : i32
    %min3A = arith.constant 259992 : i32
    %min3A_3 = arith.minsi %mul3A_2, %min3A : i32
    %add3A_4 = arith.constant 268440 : i32
    %add3A_5 = arith.addi %add3A_4, %min3A_3 : i32
    %dma_start3A = tpu.memref_slice %arg3[%add3A_5] : memref<536907xi32, #tpu.memory_space<hbm>> -> memref<8448xi32, #tpu.memory_space<hbm>>
    %dma_start3A_6 = tpu.memref_slice %arg3[%add3A_5] : memref<536907xi32, #tpu.memory_space<hbm>> -> memref<8448xi32, #tpu.memory_space<hbm>>
    tpu.enqueue_dma source(%dma_start3A_6 : memref<8448xi32, #tpu.memory_space<hbm>>) target(%arg6 : memref<8448xi32, #tpu.memory_space<vmem>>) target_semaphore(%arg16 : memref<!tpu.dma_semaphore, #tpu.memory_space<semaphore_mem>>)
    %dma_start3A_7 = tpu.memref_slice %arg4[%min3A_3] : memref<268467xf32, #tpu.memory_space<hbm>> -> memref<8448xf32, #tpu.memory_space<hbm>>
    %dma_start3A_8 = tpu.memref_slice %arg4[%min3A_3] : memref<268467xf32, #tpu.memory_space<hbm>> -> memref<8448xf32, #tpu.memory_space<hbm>>
    tpu.enqueue_dma source(%dma_start3A_8 : memref<8448xf32, #tpu.memory_space<hbm>>) target(%arg7 : memref<8448xf32, #tpu.memory_space<vmem>>) target_semaphore(%arg17 : memref<!tpu.dma_semaphore, #tpu.memory_space<semaphore_mem>>)
    %broadcast_in_dim3A = arith.constant 0.000000e+00 : f32
    %broadcast_in_dim3A_9 = vector.broadcast %broadcast_in_dim3A : f32 to vector<16xf32>
    %scan3A = arith.constant 0 : i32
    %scan3A_10 = arith.constant 0 : i32
    %scan3A_11 = arith.constant 512 : i32
    %scan3A_12 = arith.addi %scan3A_10, %scan3A_11 : i32
    %scan3A_13 = arith.constant 1 : i32
    %scan3A_14 = scf.for %scan3A_118 = %scan3A_10 to %scan3A_12 step %scan3A_13 iter_args(%scan3A_119 = %scan3A) -> (i32)  : i32 {
      %jit3A = arith.constant 4 : i32
      %div3A = arith.divsi %scan3A_118, %jit3A : i32
      %sign3A = arith.constant 0 : i32
      %sign3A_120 = arith.cmpi sgt, %scan3A_118, %sign3A : i32
      %sign3A_121 = arith.extui %sign3A_120 : i1 to i32
      %sign3A_122 = arith.constant 0 : i32
      %sign3A_123 = arith.cmpi slt, %scan3A_118, %sign3A_122 : i32
      %sign3A_124 = arith.extui %sign3A_123 : i1 to i32
      %sign3A_125 = arith.subi %sign3A_121, %sign3A_124 : i32
      %sign3A_126 = arith.constant 0 : i32
      %sign3A_127 = arith.cmpi sgt, %jit3A, %sign3A_126 : i32
      %sign3A_128 = arith.extui %sign3A_127 : i1 to i32
      %sign3A_129 = arith.constant 0 : i32
      %sign3A_130 = arith.cmpi slt, %jit3A, %sign3A_129 : i32
      %sign3A_131 = arith.extui %sign3A_130 : i1 to i32
      %sign3A_132 = arith.subi %sign3A_128, %sign3A_131 : i32
      %ne3A = arith.cmpi ne, %sign3A_125, %sign3A_132 : i32
      %rem3A = arith.remsi %scan3A_118, %jit3A : i32
      %ne3A_133 = arith.constant 0 : i32
      %ne3A_134 = arith.cmpi ne, %rem3A, %ne3A_133 : i32
      %and3A = arith.andi %ne3A, %ne3A_134 : i1
      %sub3A = arith.constant 1 : i32
      %sub3A_135 = arith.subi %div3A, %sub3A : i32
      %select_n3A = arith.select %and3A, %sub3A_135, %div3A : i32
      %jit3A_136 = arith.constant 4 : i32
      %eq3A_137 = arith.constant 0 : i32
      %eq3A_138 = arith.cmpi eq, %jit3A_136, %eq3A_137 : i32
      %jit3A_139 = arith.constant 1 : i32
      %select_n3A_140 = arith.select %eq3A_138, %jit3A_139, %jit3A_136 : i32
      %rem3A_141 = arith.remsi %scan3A_118, %select_n3A_140 : i32
      %ne3A_142 = arith.constant 0 : i32
      %ne3A_143 = arith.cmpi ne, %rem3A_141, %ne3A_142 : i32
      %lt3A = arith.constant 0 : i32
      %lt3A_144 = arith.cmpi slt, %rem3A_141, %lt3A : i32
      %lt3A_145 = arith.constant 0 : i32
      %lt3A_146 = arith.cmpi slt, %select_n3A_140, %lt3A_145 : i32
      %ne3A_147 = arith.xori %lt3A_144, %lt3A_146 : i1
      %and3A_148 = arith.andi %ne3A_147, %ne3A_143 : i1
      %add3A_149 = arith.addi %rem3A_141, %select_n3A_140 : i32
      %select_n3A_150 = arith.select %and3A_148, %add3A_149, %rem3A_141 : i32
      %mul3A_151 = arith.constant 16 : i32
      %mul3A_152 = arith.muli %select_n3A_150, %mul3A_151 : i32
      %swap3A = arith.constant 0 : i32
      %swap3A_153 = arith.index_cast %swap3A : i32 to index
      %swap3A_154 = arith.index_cast %select_n3A : i32 to index
      %swap3A_155 = arith.index_cast %mul3A_152 : i32 to index
      %swap3A_156 = tpu.vector_load %arg9[%swap3A_153, %swap3A_154, %swap3A_155] {strides = array<i32>} : memref<2x128x64xf32, #tpu.memory_space<vmem>>, vector<1x1x16xf32>,
      %swap3A_157 = vector.shape_cast %swap3A_156 : vector<1x1x16xf32> to vector<16xf32>
      %swap3A_158 = vector.shape_cast %broadcast_in_dim3A_9 : vector<16xf32> to vector<1x1x16xf32>
      tpu.vector_store %arg9[%swap3A_153, %swap3A_154, %swap3A_155], %swap3A_158 {strides = array<i32>} : memref<2x128x64xf32, #tpu.memory_space<vmem>>, vector<1x1x16xf32>,
      %scan3A_159 = arith.constant 0 : i32
      scf.yield %scan3A_159 : i32
    }
    %scan3A_15 = arith.constant 512 : i32
    %mul3A_16 = arith.constant 1024 : i32
    %mul3A_17 = arith.muli %arg1, %mul3A_16 : i32
    %add3A_18 = arith.constant 0 : i32
    %add3A_19 = arith.addi %mul3A_17, %add3A_18 : i32
    %run_scoped3A = arith.constant 0 : i32
    "tpu.region"() ({
      %run_scoped3A_118 = tpu.sem_alloc : memref<!tpu.dma_semaphore, #tpu.memory_space<semaphore_mem>>
      %dma_start3A_119 = arith.constant 0 : i32
      %dma_start3A_120 = arith.constant 0 : i32
      %dma_start3A_121 = tpu.memref_slice %arg9[%run_scoped3A, %dma_start3A_119, %dma_start3A_120] : memref<2x128x64xf32, #tpu.memory_space<vmem>> -> memref<1x128x64xf32, #tpu.memory_space<vmem>>
      %dma_start3A_122 = tpu.memref_squeeze %dma_start3A_121 : memref<1x128x64xf32, #tpu.memory_space<vmem>> -> memref<128x64xf32, #tpu.memory_space<vmem>>
      %dma_start3A_123 = arith.constant 0 : i32
      %dma_start3A_124 = tpu.memref_slice %arg11[%add3A_19, %dma_start3A_123] : memref<16384x64xf32, #tpu.memory_space<vmem_shared>> -> memref<128x64xf32, #tpu.memory_space<vmem_shared>>
      %dma_start3A_125 = arith.constant 0 : i32
      %dma_start3A_126 = tpu.memref_slice %arg11[%add3A_19, %dma_start3A_125] : memref<16384x64xf32, #tpu.memory_space<vmem_shared>> -> memref<128x64xf32, #tpu.memory_space<vmem_shared>>
      %dma_start3A_127 = arith.constant 0 : i32
      %dma_start3A_128 = arith.constant 0 : i32
      %dma_start3A_129 = tpu.memref_slice %arg9[%run_scoped3A, %dma_start3A_127, %dma_start3A_128] : memref<2x128x64xf32, #tpu.memory_space<vmem>> -> memref<1x128x64xf32, #tpu.memory_space<vmem>>
      %dma_start3A_130 = tpu.memref_squeeze %dma_start3A_129 : memref<1x128x64xf32, #tpu.memory_space<vmem>> -> memref<128x64xf32, #tpu.memory_space<vmem>>
      tpu.enqueue_dma source(%dma_start3A_130 : memref<128x64xf32, #tpu.memory_space<vmem>>) target(%dma_start3A_126 : memref<128x64xf32, #tpu.memory_space<vmem_shared>>) target_semaphore(%run_scoped3A_118 : memref<!tpu.dma_semaphore, #tpu.memory_space<semaphore_mem>>)
      %dma_wait3A_131 = arith.constant 0 : i32
      %dma_wait3A_132 = arith.constant 0 : i32
      %dma_wait3A_133 = tpu.memref_slice %arg9[%run_scoped3A, %dma_wait3A_131, %dma_wait3A_132] : memref<2x128x64xf32, #tpu.memory_space<vmem>> -> memref<1x128x64xf32, #tpu.memory_space<vmem>>
      %dma_wait3A_134 = tpu.memref_squeeze %dma_wait3A_133 : memref<1x128x64xf32, #tpu.memory_space<vmem>> -> memref<128x64xf32, #tpu.memory_space<vmem>>
      %dma_wait3A_135 = arith.constant 0 : i32
      %dma_wait3A_136 = tpu.memref_slice %arg11[%add3A_19, %dma_wait3A_135] : memref<16384x64xf32, #tpu.memory_space<vmem_shared>> -> memref<128x64xf32, #tpu.memory_space<vmem_shared>>
      %dma_wait3A_137 = arith.constant 0 : i32
      %dma_wait3A_138 = tpu.memref_slice %arg11[%add3A_19, %dma_wait3A_137] : memref<16384x64xf32, #tpu.memory_space<vmem_shared>> -> memref<128x64xf32, #tpu.memory_space<vmem_shared>>
      %dma_wait3A_139 = arith.constant 0 : i32
      %dma_wait3A_140 = arith.constant 0 : i32
      %dma_wait3A_141 = tpu.memref_slice %arg9[%run_scoped3A, %dma_wait3A_139, %dma_wait3A_140] : memref<2x128x64xf32, #tpu.memory_space<vmem>> -> memref<1x128x64xf32, #tpu.memory_space<vmem>>
      %dma_wait3A_142 = tpu.memref_squeeze %dma_wait3A_141 : memref<1x128x64xf32, #tpu.memory_space<vmem>> -> memref<128x64xf32, #tpu.memory_space<vmem>>
      tpu.wait_dma2 semaphore(%run_scoped3A_118 : memref<!tpu.dma_semaphore, #tpu.memory_space<semaphore_mem>>) src(%dma_wait3A_142 : memref<128x64xf32, #tpu.memory_space<vmem>>) dst(%dma_wait3A_138 : memref<128x64xf32, #tpu.memory_space<vmem_shared>>)
      tpu.yield
    }) : () -> ()
    %mul3A_20 = arith.constant 1024 : i32
    %mul3A_21 = arith.muli %arg1, %mul3A_20 : i32
    %add3A_22 = arith.constant 128 : i32
    %add3A_23 = arith.addi %mul3A_21, %add3A_22 : i32
    %run_scoped3A_24 = arith.constant 0 : i32
    "tpu.region"() ({
      %run_scoped3A_118 = tpu.sem_alloc : memref<!tpu.dma_semaphore, #tpu.memory_space<semaphore_mem>>
      %dma_start3A_119 = arith.constant 0 : i32
      %dma_start3A_120 = arith.constant 0 : i32
      %dma_start3A_121 = tpu.memref_slice %arg9[%run_scoped3A_24, %dma_start3A_119, %dma_start3A_120] : memref<2x128x64xf32, #tpu.memory_space<vmem>> -> memref<1x128x64xf32, #tpu.memory_space<vmem>>
      %dma_start3A_122 = tpu.memref_squeeze %dma_start3A_121 : memref<1x128x64xf32, #tpu.memory_space<vmem>> -> memref<128x64xf32, #tpu.memory_space<vmem>>
      %dma_start3A_123 = arith.constant 0 : i32
      %dma_start3A_124 = tpu.memref_slice %arg11[%add3A_23, %dma_start3A_123] : memref<16384x64xf32, #tpu.memory_space<vmem_shared>> -> memref<128x64xf32, #tpu.memory_space<vmem_shared>>
      %dma_start3A_125 = arith.constant 0 : i32
      %dma_start3A_126 = tpu.memref_slice %arg11[%add3A_23, %dma_start3A_125] : memref<16384x64xf32, #tpu.memory_space<vmem_shared>> -> memref<128x64xf32, #tpu.memory_space<vmem_shared>>
      %dma_start3A_127 = arith.constant 0 : i32
      %dma_start3A_128 = arith.constant 0 : i32
      %dma_start3A_129 = tpu.memref_slice %arg9[%run_scoped3A_24, %dma_start3A_127, %dma_start3A_128] : memref<2x128x64xf32, #tpu.memory_space<vmem>> -> memref<1x128x64xf32, #tpu.memory_space<vmem>>
      %dma_start3A_130 = tpu.memref_squeeze %dma_start3A_129 : memref<1x128x64xf32, #tpu.memory_space<vmem>> -> memref<128x64xf32, #tpu.memory_space<vmem>>
      tpu.enqueue_dma source(%dma_start3A_130 : memref<128x64xf32, #tpu.memory_space<vmem>>) target(%dma_start3A_126 : memref<128x64xf32, #tpu.memory_space<vmem_shared>>) target_semaphore(%run_scoped3A_118 : memref<!tpu.dma_semaphore, #tpu.memory_space<semaphore_mem>>)
      %dma_wait3A_131 = arith.constant 0 : i32
      %dma_wait3A_132 = arith.constant 0 : i32
      %dma_wait3A_133 = tpu.memref_slice %arg9[%run_scoped3A_24, %dma_wait3A_131, %dma_wait3A_132] : memref<2x128x64xf32, #tpu.memory_space<vmem>> -> memref<1x128x64xf32, #tpu.memory_space<vmem>>
      %dma_wait3A_134 = tpu.memref_squeeze %dma_wait3A_133 : memref<1x128x64xf32, #tpu.memory_space<vmem>> -> memref<128x64xf32, #tpu.memory_space<vmem>>
      %dma_wait3A_135 = arith.constant 0 : i32
      %dma_wait3A_136 = tpu.memref_slice %arg11[%add3A_23, %dma_wait3A_135] : memref<16384x64xf32, #tpu.memory_space<vmem_shared>> -> memref<128x64xf32, #tpu.memory_space<vmem_shared>>
      %dma_wait3A_137 = arith.constant 0 : i32
      %dma_wait3A_138 = tpu.memref_slice %arg11[%add3A_23, %dma_wait3A_137] : memref<16384x64xf32, #tpu.memory_space<vmem_shared>> -> memref<128x64xf32, #tpu.memory_space<vmem_shared>>
      %dma_wait3A_139 = arith.constant 0 : i32
      %dma_wait3A_140 = arith.constant 0 : i32
      %dma_wait3A_141 = tpu.memref_slice %arg9[%run_scoped3A_24, %dma_wait3A_139, %dma_wait3A_140] : memref<2x128x64xf32, #tpu.memory_space<vmem>> -> memref<1x128x64xf32, #tpu.memory_space<vmem>>
      %dma_wait3A_142 = tpu.memref_squeeze %dma_wait3A_141 : memref<1x128x64xf32, #tpu.memory_space<vmem>> -> memref<128x64xf32, #tpu.memory_space<vmem>>
      tpu.wait_dma2 semaphore(%run_scoped3A_118 : memref<!tpu.dma_semaphore, #tpu.memory_space<semaphore_mem>>) src(%dma_wait3A_142 : memref<128x64xf32, #tpu.memory_space<vmem>>) dst(%dma_wait3A_138 : memref<128x64xf32, #tpu.memory_space<vmem_shared>>)
      tpu.yield
    }) : () -> ()
    %mul3A_25 = arith.constant 1024 : i32
    %mul3A_26 = arith.muli %arg1, %mul3A_25 : i32
    %add3A_27 = arith.constant 256 : i32
    %add3A_28 = arith.addi %mul3A_26, %add3A_27 : i32
    %run_scoped3A_29 = arith.constant 0 : i32
    "tpu.region"() ({
      %run_scoped3A_118 = tpu.sem_alloc : memref<!tpu.dma_semaphore, #tpu.memory_space<semaphore_mem>>
      %dma_start3A_119 = arith.constant 0 : i32
      %dma_start3A_120 = arith.constant 0 : i32
      %dma_start3A_121 = tpu.memref_slice %arg9[%run_scoped3A_29, %dma_start3A_119, %dma_start3A_120] : memref<2x128x64xf32, #tpu.memory_space<vmem>> -> memref<1x128x64xf32, #tpu.memory_space<vmem>>
      %dma_start3A_122 = tpu.memref_squeeze %dma_start3A_121 : memref<1x128x64xf32, #tpu.memory_space<vmem>> -> memref<128x64xf32, #tpu.memory_space<vmem>>
      %dma_start3A_123 = arith.constant 0 : i32
      %dma_start3A_124 = tpu.memref_slice %arg11[%add3A_28, %dma_start3A_123] : memref<16384x64xf32, #tpu.memory_space<vmem_shared>> -> memref<128x64xf32, #tpu.memory_space<vmem_shared>>
      %dma_start3A_125 = arith.constant 0 : i32
      %dma_start3A_126 = tpu.memref_slice %arg11[%add3A_28, %dma_start3A_125] : memref<16384x64xf32, #tpu.memory_space<vmem_shared>> -> memref<128x64xf32, #tpu.memory_space<vmem_shared>>
      %dma_start3A_127 = arith.constant 0 : i32
      %dma_start3A_128 = arith.constant 0 : i32
      %dma_start3A_129 = tpu.memref_slice %arg9[%run_scoped3A_29, %dma_start3A_127, %dma_start3A_128] : memref<2x128x64xf32, #tpu.memory_space<vmem>> -> memref<1x128x64xf32, #tpu.memory_space<vmem>>
      %dma_start3A_130 = tpu.memref_squeeze %dma_start3A_129 : memref<1x128x64xf32, #tpu.memory_space<vmem>> -> memref<128x64xf32, #tpu.memory_space<vmem>>
      tpu.enqueue_dma source(%dma_start3A_130 : memref<128x64xf32, #tpu.memory_space<vmem>>) target(%dma_start3A_126 : memref<128x64xf32, #tpu.memory_space<vmem_shared>>) target_semaphore(%run_scoped3A_118 : memref<!tpu.dma_semaphore, #tpu.memory_space<semaphore_mem>>)
      %dma_wait3A_131 = arith.constant 0 : i32
      %dma_wait3A_132 = arith.constant 0 : i32
      %dma_wait3A_133 = tpu.memref_slice %arg9[%run_scoped3A_29, %dma_wait3A_131, %dma_wait3A_132] : memref<2x128x64xf32, #tpu.memory_space<vmem>> -> memref<1x128x64xf32, #tpu.memory_space<vmem>>
      %dma_wait3A_134 = tpu.memref_squeeze %dma_wait3A_133 : memref<1x128x64xf32, #tpu.memory_space<vmem>> -> memref<128x64xf32, #tpu.memory_space<vmem>>
      %dma_wait3A_135 = arith.constant 0 : i32
      %dma_wait3A_136 = tpu.memref_slice %arg11[%add3A_28, %dma_wait3A_135] : memref<16384x64xf32, #tpu.memory_space<vmem_shared>> -> memref<128x64xf32, #tpu.memory_space<vmem_shared>>
      %dma_wait3A_137 = arith.constant 0 : i32
      %dma_wait3A_138 = tpu.memref_slice %arg11[%add3A_28, %dma_wait3A_137] : memref<16384x64xf32, #tpu.memory_space<vmem_shared>> -> memref<128x64xf32, #tpu.memory_space<vmem_shared>>
      %dma_wait3A_139 = arith.constant 0 : i32
      %dma_wait3A_140 = arith.constant 0 : i32
      %dma_wait3A_141 = tpu.memref_slice %arg9[%run_scoped3A_29, %dma_wait3A_139, %dma_wait3A_140] : memref<2x128x64xf32, #tpu.memory_space<vmem>> -> memref<1x128x64xf32, #tpu.memory_space<vmem>>
      %dma_wait3A_142 = tpu.memref_squeeze %dma_wait3A_141 : memref<1x128x64xf32, #tpu.memory_space<vmem>> -> memref<128x64xf32, #tpu.memory_space<vmem>>
      tpu.wait_dma2 semaphore(%run_scoped3A_118 : memref<!tpu.dma_semaphore, #tpu.memory_space<semaphore_mem>>) src(%dma_wait3A_142 : memref<128x64xf32, #tpu.memory_space<vmem>>) dst(%dma_wait3A_138 : memref<128x64xf32, #tpu.memory_space<vmem_shared>>)
      tpu.yield
    }) : () -> ()
    %mul3A_30 = arith.constant 1024 : i32
    %mul3A_31 = arith.muli %arg1, %mul3A_30 : i32
    %add3A_32 = arith.constant 384 : i32
    %add3A_33 = arith.addi %mul3A_31, %add3A_32 : i32
    %run_scoped3A_34 = arith.constant 0 : i32
    "tpu.region"() ({
      %run_scoped3A_118 = tpu.sem_alloc : memref<!tpu.dma_semaphore, #tpu.memory_space<semaphore_mem>>
      %dma_start3A_119 = arith.constant 0 : i32
      %dma_start3A_120 = arith.constant 0 : i32
      %dma_start3A_121 = tpu.memref_slice %arg9[%run_scoped3A_34, %dma_start3A_119, %dma_start3A_120] : memref<2x128x64xf32, #tpu.memory_space<vmem>> -> memref<1x128x64xf32, #tpu.memory_space<vmem>>
      %dma_start3A_122 = tpu.memref_squeeze %dma_start3A_121 : memref<1x128x64xf32, #tpu.memory_space<vmem>> -> memref<128x64xf32, #tpu.memory_space<vmem>>
      %dma_start3A_123 = arith.constant 0 : i32
      %dma_start3A_124 = tpu.memref_slice %arg11[%add3A_33, %dma_start3A_123] : memref<16384x64xf32, #tpu.memory_space<vmem_shared>> -> memref<128x64xf32, #tpu.memory_space<vmem_shared>>
      %dma_start3A_125 = arith.constant 0 : i32
      %dma_start3A_126 = tpu.memref_slice %arg11[%add3A_33, %dma_start3A_125] : memref<16384x64xf32, #tpu.memory_space<vmem_shared>> -> memref<128x64xf32, #tpu.memory_space<vmem_shared>>
      %dma_start3A_127 = arith.constant 0 : i32
      %dma_start3A_128 = arith.constant 0 : i32
      %dma_start3A_129 = tpu.memref_slice %arg9[%run_scoped3A_34, %dma_start3A_127, %dma_start3A_128] : memref<2x128x64xf32, #tpu.memory_space<vmem>> -> memref<1x128x64xf32, #tpu.memory_space<vmem>>
      %dma_start3A_130 = tpu.memref_squeeze %dma_start3A_129 : memref<1x128x64xf32, #tpu.memory_space<vmem>> -> memref<128x64xf32, #tpu.memory_space<vmem>>
      tpu.enqueue_dma source(%dma_start3A_130 : memref<128x64xf32, #tpu.memory_space<vmem>>) target(%dma_start3A_126 : memref<128x64xf32, #tpu.memory_space<vmem_shared>>) target_semaphore(%run_scoped3A_118 : memref<!tpu.dma_semaphore, #tpu.memory_space<semaphore_mem>>)
      %dma_wait3A_131 = arith.constant 0 : i32
      %dma_wait3A_132 = arith.constant 0 : i32
      %dma_wait3A_133 = tpu.memref_slice %arg9[%run_scoped3A_34, %dma_wait3A_131, %dma_wait3A_132] : memref<2x128x64xf32, #tpu.memory_space<vmem>> -> memref<1x128x64xf32, #tpu.memory_space<vmem>>
      %dma_wait3A_134 = tpu.memref_squeeze %dma_wait3A_133 : memref<1x128x64xf32, #tpu.memory_space<vmem>> -> memref<128x64xf32, #tpu.memory_space<vmem>>
      %dma_wait3A_135 = arith.constant 0 : i32
      %dma_wait3A_136 = tpu.memref_slice %arg11[%add3A_33, %dma_wait3A_135] : memref<16384x64xf32, #tpu.memory_space<vmem_shared>> -> memref<128x64xf32, #tpu.memory_space<vmem_shared>>
      %dma_wait3A_137 = arith.constant 0 : i32
      %dma_wait3A_138 = tpu.memref_slice %arg11[%add3A_33, %dma_wait3A_137] : memref<16384x64xf32, #tpu.memory_space<vmem_shared>> -> memref<128x64xf32, #tpu.memory_space<vmem_shared>>
      %dma_wait3A_139 = arith.constant 0 : i32
      %dma_wait3A_140 = arith.constant 0 : i32
      %dma_wait3A_141 = tpu.memref_slice %arg9[%run_scoped3A_34, %dma_wait3A_139, %dma_wait3A_140] : memref<2x128x64xf32, #tpu.memory_space<vmem>> -> memref<1x128x64xf32, #tpu.memory_space<vmem>>
      %dma_wait3A_142 = tpu.memref_squeeze %dma_wait3A_141 : memref<1x128x64xf32, #tpu.memory_space<vmem>> -> memref<128x64xf32, #tpu.memory_space<vmem>>
      tpu.wait_dma2 semaphore(%run_scoped3A_118 : memref<!tpu.dma_semaphore, #tpu.memory_space<semaphore_mem>>) src(%dma_wait3A_142 : memref<128x64xf32, #tpu.memory_space<vmem>>) dst(%dma_wait3A_138 : memref<128x64xf32, #tpu.memory_space<vmem_shared>>)
      tpu.yield
    }) : () -> ()
    %mul3A_35 = arith.constant 1024 : i32
    %mul3A_36 = arith.muli %arg1, %mul3A_35 : i32
    %add3A_37 = arith.constant 512 : i32
    %add3A_38 = arith.addi %mul3A_36, %add3A_37 : i32
    %run_scoped3A_39 = arith.constant 0 : i32
    "tpu.region"() ({
      %run_scoped3A_118 = tpu.sem_alloc : memref<!tpu.dma_semaphore, #tpu.memory_space<semaphore_mem>>
      %dma_start3A_119 = arith.constant 0 : i32
      %dma_start3A_120 = arith.constant 0 : i32
      %dma_start3A_121 = tpu.memref_slice %arg9[%run_scoped3A_39, %dma_start3A_119, %dma_start3A_120] : memref<2x128x64xf32, #tpu.memory_space<vmem>> -> memref<1x128x64xf32, #tpu.memory_space<vmem>>
      %dma_start3A_122 = tpu.memref_squeeze %dma_start3A_121 : memref<1x128x64xf32, #tpu.memory_space<vmem>> -> memref<128x64xf32, #tpu.memory_space<vmem>>
      %dma_start3A_123 = arith.constant 0 : i32
      %dma_start3A_124 = tpu.memref_slice %arg11[%add3A_38, %dma_start3A_123] : memref<16384x64xf32, #tpu.memory_space<vmem_shared>> -> memref<128x64xf32, #tpu.memory_space<vmem_shared>>
      %dma_start3A_125 = arith.constant 0 : i32
      %dma_start3A_126 = tpu.memref_slice %arg11[%add3A_38, %dma_start3A_125] : memref<16384x64xf32, #tpu.memory_space<vmem_shared>> -> memref<128x64xf32, #tpu.memory_space<vmem_shared>>
      %dma_start3A_127 = arith.constant 0 : i32
      %dma_start3A_128 = arith.constant 0 : i32
      %dma_start3A_129 = tpu.memref_slice %arg9[%run_scoped3A_39, %dma_start3A_127, %dma_start3A_128] : memref<2x128x64xf32, #tpu.memory_space<vmem>> -> memref<1x128x64xf32, #tpu.memory_space<vmem>>
      %dma_start3A_130 = tpu.memref_squeeze %dma_start3A_129 : memref<1x128x64xf32, #tpu.memory_space<vmem>> -> memref<128x64xf32, #tpu.memory_space<vmem>>
      tpu.enqueue_dma source(%dma_start3A_130 : memref<128x64xf32, #tpu.memory_space<vmem>>) target(%dma_start3A_126 : memref<128x64xf32, #tpu.memory_space<vmem_shared>>) target_semaphore(%run_scoped3A_118 : memref<!tpu.dma_semaphore, #tpu.memory_space<semaphore_mem>>)
      %dma_wait3A_131 = arith.constant 0 : i32
      %dma_wait3A_132 = arith.constant 0 : i32
      %dma_wait3A_133 = tpu.memref_slice %arg9[%run_scoped3A_39, %dma_wait3A_131, %dma_wait3A_132] : memref<2x128x64xf32, #tpu.memory_space<vmem>> -> memref<1x128x64xf32, #tpu.memory_space<vmem>>
      %dma_wait3A_134 = tpu.memref_squeeze %dma_wait3A_133 : memref<1x128x64xf32, #tpu.memory_space<vmem>> -> memref<128x64xf32, #tpu.memory_space<vmem>>
      %dma_wait3A_135 = arith.constant 0 : i32
      %dma_wait3A_136 = tpu.memref_slice %arg11[%add3A_38, %dma_wait3A_135] : memref<16384x64xf32, #tpu.memory_space<vmem_shared>> -> memref<128x64xf32, #tpu.memory_space<vmem_shared>>
      %dma_wait3A_137 = arith.constant 0 : i32
      %dma_wait3A_138 = tpu.memref_slice %arg11[%add3A_38, %dma_wait3A_137] : memref<16384x64xf32, #tpu.memory_space<vmem_shared>> -> memref<128x64xf32, #tpu.memory_space<vmem_shared>>
      %dma_wait3A_139 = arith.constant 0 : i32
      %dma_wait3A_140 = arith.constant 0 : i32
      %dma_wait3A_141 = tpu.memref_slice %arg9[%run_scoped3A_39, %dma_wait3A_139, %dma_wait3A_140] : memref<2x128x64xf32, #tpu.memory_space<vmem>> -> memref<1x128x64xf32, #tpu.memory_space<vmem>>
      %dma_wait3A_142 = tpu.memref_squeeze %dma_wait3A_141 : memref<1x128x64xf32, #tpu.memory_space<vmem>> -> memref<128x64xf32, #tpu.memory_space<vmem>>
      tpu.wait_dma2 semaphore(%run_scoped3A_118 : memref<!tpu.dma_semaphore, #tpu.memory_space<semaphore_mem>>) src(%dma_wait3A_142 : memref<128x64xf32, #tpu.memory_space<vmem>>) dst(%dma_wait3A_138 : memref<128x64xf32, #tpu.memory_space<vmem_shared>>)
      tpu.yield
    }) : () -> ()
    %mul3A_40 = arith.constant 1024 : i32
    %mul3A_41 = arith.muli %arg1, %mul3A_40 : i32
    %add3A_42 = arith.constant 640 : i32
    %add3A_43 = arith.addi %mul3A_41, %add3A_42 : i32
    %run_scoped3A_44 = arith.constant 0 : i32
    "tpu.region"() ({
      %run_scoped3A_118 = tpu.sem_alloc : memref<!tpu.dma_semaphore, #tpu.memory_space<semaphore_mem>>
      %dma_start3A_119 = arith.constant 0 : i32
      %dma_start3A_120 = arith.constant 0 : i32
      %dma_start3A_121 = tpu.memref_slice %arg9[%run_scoped3A_44, %dma_start3A_119, %dma_start3A_120] : memref<2x128x64xf32, #tpu.memory_space<vmem>> -> memref<1x128x64xf32, #tpu.memory_space<vmem>>
      %dma_start3A_122 = tpu.memref_squeeze %dma_start3A_121 : memref<1x128x64xf32, #tpu.memory_space<vmem>> -> memref<128x64xf32, #tpu.memory_space<vmem>>
      %dma_start3A_123 = arith.constant 0 : i32
      %dma_start3A_124 = tpu.memref_slice %arg11[%add3A_43, %dma_start3A_123] : memref<16384x64xf32, #tpu.memory_space<vmem_shared>> -> memref<128x64xf32, #tpu.memory_space<vmem_shared>>
      %dma_start3A_125 = arith.constant 0 : i32
      %dma_start3A_126 = tpu.memref_slice %arg11[%add3A_43, %dma_start3A_125] : memref<16384x64xf32, #tpu.memory_space<vmem_shared>> -> memref<128x64xf32, #tpu.memory_space<vmem_shared>>
      %dma_start3A_127 = arith.constant 0 : i32
      %dma_start3A_128 = arith.constant 0 : i32
      %dma_start3A_129 = tpu.memref_slice %arg9[%run_scoped3A_44, %dma_start3A_127, %dma_start3A_128] : memref<2x128x64xf32, #tpu.memory_space<vmem>> -> memref<1x128x64xf32, #tpu.memory_space<vmem>>
      %dma_start3A_130 = tpu.memref_squeeze %dma_start3A_129 : memref<1x128x64xf32, #tpu.memory_space<vmem>> -> memref<128x64xf32, #tpu.memory_space<vmem>>
      tpu.enqueue_dma source(%dma_start3A_130 : memref<128x64xf32, #tpu.memory_space<vmem>>) target(%dma_start3A_126 : memref<128x64xf32, #tpu.memory_space<vmem_shared>>) target_semaphore(%run_scoped3A_118 : memref<!tpu.dma_semaphore, #tpu.memory_space<semaphore_mem>>)
      %dma_wait3A_131 = arith.constant 0 : i32
      %dma_wait3A_132 = arith.constant 0 : i32
      %dma_wait3A_133 = tpu.memref_slice %arg9[%run_scoped3A_44, %dma_wait3A_131, %dma_wait3A_132] : memref<2x128x64xf32, #tpu.memory_space<vmem>> -> memref<1x128x64xf32, #tpu.memory_space<vmem>>
      %dma_wait3A_134 = tpu.memref_squeeze %dma_wait3A_133 : memref<1x128x64xf32, #tpu.memory_space<vmem>> -> memref<128x64xf32, #tpu.memory_space<vmem>>
      %dma_wait3A_135 = arith.constant 0 : i32
      %dma_wait3A_136 = tpu.memref_slice %arg11[%add3A_43, %dma_wait3A_135] : memref<16384x64xf32, #tpu.memory_space<vmem_shared>> -> memref<128x64xf32, #tpu.memory_space<vmem_shared>>
      %dma_wait3A_137 = arith.constant 0 : i32
      %dma_wait3A_138 = tpu.memref_slice %arg11[%add3A_43, %dma_wait3A_137] : memref<16384x64xf32, #tpu.memory_space<vmem_shared>> -> memref<128x64xf32, #tpu.memory_space<vmem_shared>>
      %dma_wait3A_139 = arith.constant 0 : i32
      %dma_wait3A_140 = arith.constant 0 : i32
      %dma_wait3A_141 = tpu.memref_slice %arg9[%run_scoped3A_44, %dma_wait3A_139, %dma_wait3A_140] : memref<2x128x64xf32, #tpu.memory_space<vmem>> -> memref<1x128x64xf32, #tpu.memory_space<vmem>>
      %dma_wait3A_142 = tpu.memref_squeeze %dma_wait3A_141 : memref<1x128x64xf32, #tpu.memory_space<vmem>> -> memref<128x64xf32, #tpu.memory_space<vmem>>
      tpu.wait_dma2 semaphore(%run_scoped3A_118 : memref<!tpu.dma_semaphore, #tpu.memory_space<semaphore_mem>>) src(%dma_wait3A_142 : memref<128x64xf32, #tpu.memory_space<vmem>>) dst(%dma_wait3A_138 : memref<128x64xf32, #tpu.memory_space<vmem_shared>>)
      tpu.yield
    }) : () -> ()
    %mul3A_45 = arith.constant 1024 : i32
    %mul3A_46 = arith.muli %arg1, %mul3A_45 : i32
    %add3A_47 = arith.constant 768 : i32
    %add3A_48 = arith.addi %mul3A_46, %add3A_47 : i32
    %run_scoped3A_49 = arith.constant 0 : i32
    "tpu.region"() ({
      %run_scoped3A_118 = tpu.sem_alloc : memref<!tpu.dma_semaphore, #tpu.memory_space<semaphore_mem>>
      %dma_start3A_119 = arith.constant 0 : i32
      %dma_start3A_120 = arith.constant 0 : i32
      %dma_start3A_121 = tpu.memref_slice %arg9[%run_scoped3A_49, %dma_start3A_119, %dma_start3A_120] : memref<2x128x64xf32, #tpu.memory_space<vmem>> -> memref<1x128x64xf32, #tpu.memory_space<vmem>>
      %dma_start3A_122 = tpu.memref_squeeze %dma_start3A_121 : memref<1x128x64xf32, #tpu.memory_space<vmem>> -> memref<128x64xf32, #tpu.memory_space<vmem>>
      %dma_start3A_123 = arith.constant 0 : i32
      %dma_start3A_124 = tpu.memref_slice %arg11[%add3A_48, %dma_start3A_123] : memref<16384x64xf32, #tpu.memory_space<vmem_shared>> -> memref<128x64xf32, #tpu.memory_space<vmem_shared>>
      %dma_start3A_125 = arith.constant 0 : i32
      %dma_start3A_126 = tpu.memref_slice %arg11[%add3A_48, %dma_start3A_125] : memref<16384x64xf32, #tpu.memory_space<vmem_shared>> -> memref<128x64xf32, #tpu.memory_space<vmem_shared>>
      %dma_start3A_127 = arith.constant 0 : i32
      %dma_start3A_128 = arith.constant 0 : i32
      %dma_start3A_129 = tpu.memref_slice %arg9[%run_scoped3A_49, %dma_start3A_127, %dma_start3A_128] : memref<2x128x64xf32, #tpu.memory_space<vmem>> -> memref<1x128x64xf32, #tpu.memory_space<vmem>>
      %dma_start3A_130 = tpu.memref_squeeze %dma_start3A_129 : memref<1x128x64xf32, #tpu.memory_space<vmem>> -> memref<128x64xf32, #tpu.memory_space<vmem>>
      tpu.enqueue_dma source(%dma_start3A_130 : memref<128x64xf32, #tpu.memory_space<vmem>>) target(%dma_start3A_126 : memref<128x64xf32, #tpu.memory_space<vmem_shared>>) target_semaphore(%run_scoped3A_118 : memref<!tpu.dma_semaphore, #tpu.memory_space<semaphore_mem>>)
      %dma_wait3A_131 = arith.constant 0 : i32
      %dma_wait3A_132 = arith.constant 0 : i32
      %dma_wait3A_133 = tpu.memref_slice %arg9[%run_scoped3A_49, %dma_wait3A_131, %dma_wait3A_132] : memref<2x128x64xf32, #tpu.memory_space<vmem>> -> memref<1x128x64xf32, #tpu.memory_space<vmem>>
      %dma_wait3A_134 = tpu.memref_squeeze %dma_wait3A_133 : memref<1x128x64xf32, #tpu.memory_space<vmem>> -> memref<128x64xf32, #tpu.memory_space<vmem>>
      %dma_wait3A_135 = arith.constant 0 : i32
      %dma_wait3A_136 = tpu.memref_slice %arg11[%add3A_48, %dma_wait3A_135] : memref<16384x64xf32, #tpu.memory_space<vmem_shared>> -> memref<128x64xf32, #tpu.memory_space<vmem_shared>>
      %dma_wait3A_137 = arith.constant 0 : i32
      %dma_wait3A_138 = tpu.memref_slice %arg11[%add3A_48, %dma_wait3A_137] : memref<16384x64xf32, #tpu.memory_space<vmem_shared>> -> memref<128x64xf32, #tpu.memory_space<vmem_shared>>
      %dma_wait3A_139 = arith.constant 0 : i32
      %dma_wait3A_140 = arith.constant 0 : i32
      %dma_wait3A_141 = tpu.memref_slice %arg9[%run_scoped3A_49, %dma_wait3A_139, %dma_wait3A_140] : memref<2x128x64xf32, #tpu.memory_space<vmem>> -> memref<1x128x64xf32, #tpu.memory_space<vmem>>
      %dma_wait3A_142 = tpu.memref_squeeze %dma_wait3A_141 : memref<1x128x64xf32, #tpu.memory_space<vmem>> -> memref<128x64xf32, #tpu.memory_space<vmem>>
      tpu.wait_dma2 semaphore(%run_scoped3A_118 : memref<!tpu.dma_semaphore, #tpu.memory_space<semaphore_mem>>) src(%dma_wait3A_142 : memref<128x64xf32, #tpu.memory_space<vmem>>) dst(%dma_wait3A_138 : memref<128x64xf32, #tpu.memory_space<vmem_shared>>)
      tpu.yield
    }) : () -> ()
    %mul3A_50 = arith.constant 1024 : i32
    %mul3A_51 = arith.muli %arg1, %mul3A_50 : i32
    %add3A_52 = arith.constant 896 : i32
    %add3A_53 = arith.addi %mul3A_51, %add3A_52 : i32
    %run_scoped3A_54 = arith.constant 0 : i32
    "tpu.region"() ({
      %run_scoped3A_118 = tpu.sem_alloc : memref<!tpu.dma_semaphore, #tpu.memory_space<semaphore_mem>>
      %dma_start3A_119 = arith.constant 0 : i32
      %dma_start3A_120 = arith.constant 0 : i32
      %dma_start3A_121 = tpu.memref_slice %arg9[%run_scoped3A_54, %dma_start3A_119, %dma_start3A_120] : memref<2x128x64xf32, #tpu.memory_space<vmem>> -> memref<1x128x64xf32, #tpu.memory_space<vmem>>
      %dma_start3A_122 = tpu.memref_squeeze %dma_start3A_121 : memref<1x128x64xf32, #tpu.memory_space<vmem>> -> memref<128x64xf32, #tpu.memory_space<vmem>>
      %dma_start3A_123 = arith.constant 0 : i32
      %dma_start3A_124 = tpu.memref_slice %arg11[%add3A_53, %dma_start3A_123] : memref<16384x64xf32, #tpu.memory_space<vmem_shared>> -> memref<128x64xf32, #tpu.memory_space<vmem_shared>>
      %dma_start3A_125 = arith.constant 0 : i32
      %dma_start3A_126 = tpu.memref_slice %arg11[%add3A_53, %dma_start3A_125] : memref<16384x64xf32, #tpu.memory_space<vmem_shared>> -> memref<128x64xf32, #tpu.memory_space<vmem_shared>>
      %dma_start3A_127 = arith.constant 0 : i32
      %dma_start3A_128 = arith.constant 0 : i32
      %dma_start3A_129 = tpu.memref_slice %arg9[%run_scoped3A_54, %dma_start3A_127, %dma_start3A_128] : memref<2x128x64xf32, #tpu.memory_space<vmem>> -> memref<1x128x64xf32, #tpu.memory_space<vmem>>
      %dma_start3A_130 = tpu.memref_squeeze %dma_start3A_129 : memref<1x128x64xf32, #tpu.memory_space<vmem>> -> memref<128x64xf32, #tpu.memory_space<vmem>>
      tpu.enqueue_dma source(%dma_start3A_130 : memref<128x64xf32, #tpu.memory_space<vmem>>) target(%dma_start3A_126 : memref<128x64xf32, #tpu.memory_space<vmem_shared>>) target_semaphore(%run_scoped3A_118 : memref<!tpu.dma_semaphore, #tpu.memory_space<semaphore_mem>>)
      %dma_wait3A_131 = arith.constant 0 : i32
      %dma_wait3A_132 = arith.constant 0 : i32
      %dma_wait3A_133 = tpu.memref_slice %arg9[%run_scoped3A_54, %dma_wait3A_131, %dma_wait3A_132] : memref<2x128x64xf32, #tpu.memory_space<vmem>> -> memref<1x128x64xf32, #tpu.memory_space<vmem>>
      %dma_wait3A_134 = tpu.memref_squeeze %dma_wait3A_133 : memref<1x128x64xf32, #tpu.memory_space<vmem>> -> memref<128x64xf32, #tpu.memory_space<vmem>>
      %dma_wait3A_135 = arith.constant 0 : i32
      %dma_wait3A_136 = tpu.memref_slice %arg11[%add3A_53, %dma_wait3A_135] : memref<16384x64xf32, #tpu.memory_space<vmem_shared>> -> memref<128x64xf32, #tpu.memory_space<vmem_shared>>
      %dma_wait3A_137 = arith.constant 0 : i32
      %dma_wait3A_138 = tpu.memref_slice %arg11[%add3A_53, %dma_wait3A_137] : memref<16384x64xf32, #tpu.memory_space<vmem_shared>> -> memref<128x64xf32, #tpu.memory_space<vmem_shared>>
      %dma_wait3A_139 = arith.constant 0 : i32
      %dma_wait3A_140 = arith.constant 0 : i32
      %dma_wait3A_141 = tpu.memref_slice %arg9[%run_scoped3A_54, %dma_wait3A_139, %dma_wait3A_140] : memref<2x128x64xf32, #tpu.memory_space<vmem>> -> memref<1x128x64xf32, #tpu.memory_space<vmem>>
      %dma_wait3A_142 = tpu.memref_squeeze %dma_wait3A_141 : memref<1x128x64xf32, #tpu.memory_space<vmem>> -> memref<128x64xf32, #tpu.memory_space<vmem>>
      tpu.wait_dma2 semaphore(%run_scoped3A_118 : memref<!tpu.dma_semaphore, #tpu.memory_space<semaphore_mem>>) src(%dma_wait3A_142 : memref<128x64xf32, #tpu.memory_space<vmem>>) dst(%dma_wait3A_138 : memref<128x64xf32, #tpu.memory_space<vmem_shared>>)
      tpu.yield
    }) : () -> ()
    %add3A_55 = arith.constant 268440 : i32
    %add3A_56 = arith.addi %add3A_55, %min3A_3 : i32
    %dma_wait3A = tpu.memref_slice %arg3[%add3A_56] : memref<536907xi32, #tpu.memory_space<hbm>> -> memref<8448xi32, #tpu.memory_space<hbm>>
    %dma_wait3A_57 = tpu.memref_slice %arg3[%add3A_56] : memref<536907xi32, #tpu.memory_space<hbm>> -> memref<8448xi32, #tpu.memory_space<hbm>>
    tpu.wait_dma2 semaphore(%arg16 : memref<!tpu.dma_semaphore, #tpu.memory_space<semaphore_mem>>) src(%dma_wait3A_57 : memref<8448xi32, #tpu.memory_space<hbm>>) dst(%arg6 : memref<8448xi32, #tpu.memory_space<vmem>>)
    %dma_wait3A_58 = tpu.memref_slice %arg4[%min3A_3] : memref<268467xf32, #tpu.memory_space<hbm>> -> memref<8448xf32, #tpu.memory_space<hbm>>
    %dma_wait3A_59 = tpu.memref_slice %arg4[%min3A_3] : memref<268467xf32, #tpu.memory_space<hbm>> -> memref<8448xf32, #tpu.memory_space<hbm>>
    tpu.wait_dma2 semaphore(%arg17 : memref<!tpu.dma_semaphore, #tpu.memory_space<semaphore_mem>>) src(%dma_wait3A_59 : memref<8448xf32, #tpu.memory_space<hbm>>) dst(%arg7 : memref<8448xf32, #tpu.memory_space<vmem>>)
    %eq3A = arith.constant 31 : i32
    %eq3A_60 = arith.cmpi eq, %add3A, %eq3A : i32
    %convert_element_type3A = arith.extui %eq3A_60 : i1 to i32
    %cond3A = arith.constant 0 : i32
    %cond3A_61 = arith.cmpi ne, %convert_element_type3A, %cond3A : i32
    scf.if %cond3A_61 {
      %swap3A = arith.constant 0 : index
      %swap3A_118 = tpu.vector_load %arg7[%swap3A] {strides = array<i32>} : memref<8448xf32, #tpu.memory_space<vmem>>, vector<16xf32>,
      %swap3A_119 = vector.shape_cast %swap3A_118 : vector<16xf32> to vector<16xf32>
      %swap3A_120 = vector.shape_cast %broadcast_in_dim3A_9 : vector<16xf32> to vector<16xf32>
      tpu.vector_store %arg7[%swap3A], %swap3A_120 {strides = array<i32>} : memref<8448xf32, #tpu.memory_space<vmem>>, vector<16xf32>,
      %swap3A_121 = arith.constant 16 : index
      %swap3A_122 = tpu.vector_load %arg7[%swap3A_121] {strides = array<i32>} : memref<8448xf32, #tpu.memory_space<vmem>>, vector<16xf32>,
      %swap3A_123 = vector.shape_cast %swap3A_122 : vector<16xf32> to vector<16xf32>
      %swap3A_124 = vector.shape_cast %broadcast_in_dim3A_9 : vector<16xf32> to vector<16xf32>
      tpu.vector_store %arg7[%swap3A_121], %swap3A_124 {strides = array<i32>} : memref<8448xf32, #tpu.memory_space<vmem>>, vector<16xf32>,
      %swap3A_125 = arith.constant 32 : index
      %swap3A_126 = tpu.vector_load %arg7[%swap3A_125] {strides = array<i32>} : memref<8448xf32, #tpu.memory_space<vmem>>, vector<16xf32>,
      %swap3A_127 = vector.shape_cast %swap3A_126 : vector<16xf32> to vector<16xf32>
      %swap3A_128 = vector.shape_cast %broadcast_in_dim3A_9 : vector<16xf32> to vector<16xf32>
      tpu.vector_store %arg7[%swap3A_125], %swap3A_128 {strides = array<i32>} : memref<8448xf32, #tpu.memory_space<vmem>>, vector<16xf32>,
      %swap3A_129 = arith.constant 48 : index
      %swap3A_130 = tpu.vector_load %arg7[%swap3A_129] {strides = array<i32>} : memref<8448xf32, #tpu.memory_space<vmem>>, vector<16xf32>,
      %swap3A_131 = vector.shape_cast %swap3A_130 : vector<16xf32> to vector<16xf32>
      %swap3A_132 = vector.shape_cast %broadcast_in_dim3A_9 : vector<16xf32> to vector<16xf32>
      tpu.vector_store %arg7[%swap3A_129], %swap3A_132 {strides = array<i32>} : memref<8448xf32, #tpu.memory_space<vmem>>, vector<16xf32>,
      %swap3A_133 = arith.constant 64 : index
      %swap3A_134 = tpu.vector_load %arg7[%swap3A_133] {strides = array<i32>} : memref<8448xf32, #tpu.memory_space<vmem>>, vector<16xf32>,
      %swap3A_135 = vector.shape_cast %swap3A_134 : vector<16xf32> to vector<16xf32>
      %swap3A_136 = vector.shape_cast %broadcast_in_dim3A_9 : vector<16xf32> to vector<16xf32>
      tpu.vector_store %arg7[%swap3A_133], %swap3A_136 {strides = array<i32>} : memref<8448xf32, #tpu.memory_space<vmem>>, vector<16xf32>,
      %swap3A_137 = arith.constant 80 : index
      %swap3A_138 = tpu.vector_load %arg7[%swap3A_137] {strides = array<i32>} : memref<8448xf32, #tpu.memory_space<vmem>>, vector<16xf32>,
      %swap3A_139 = vector.shape_cast %swap3A_138 : vector<16xf32> to vector<16xf32>
      %swap3A_140 = vector.shape_cast %broadcast_in_dim3A_9 : vector<16xf32> to vector<16xf32>
      tpu.vector_store %arg7[%swap3A_137], %swap3A_140 {strides = array<i32>} : memref<8448xf32, #tpu.memory_space<vmem>>, vector<16xf32>,
      %swap3A_141 = arith.constant 96 : index
      %swap3A_142 = tpu.vector_load %arg7[%swap3A_141] {strides = array<i32>} : memref<8448xf32, #tpu.memory_space<vmem>>, vector<16xf32>,
      %swap3A_143 = vector.shape_cast %swap3A_142 : vector<16xf32> to vector<16xf32>
      %swap3A_144 = vector.shape_cast %broadcast_in_dim3A_9 : vector<16xf32> to vector<16xf32>
      tpu.vector_store %arg7[%swap3A_141], %swap3A_144 {strides = array<i32>} : memref<8448xf32, #tpu.memory_space<vmem>>, vector<16xf32>,
      %swap3A_145 = arith.constant 112 : index
      %swap3A_146 = tpu.vector_load %arg7[%swap3A_145] {strides = array<i32>} : memref<8448xf32, #tpu.memory_space<vmem>>, vector<16xf32>,
      %swap3A_147 = vector.shape_cast %swap3A_146 : vector<16xf32> to vector<16xf32>
      %swap3A_148 = vector.shape_cast %broadcast_in_dim3A_9 : vector<16xf32> to vector<16xf32>
      tpu.vector_store %arg7[%swap3A_145], %swap3A_148 {strides = array<i32>} : memref<8448xf32, #tpu.memory_space<vmem>>, vector<16xf32>,
      %swap3A_149 = arith.constant 128 : index
      %swap3A_150 = tpu.vector_load %arg7[%swap3A_149] {strides = array<i32>} : memref<8448xf32, #tpu.memory_space<vmem>>, vector<16xf32>,
      %swap3A_151 = vector.shape_cast %swap3A_150 : vector<16xf32> to vector<16xf32>
      %swap3A_152 = vector.shape_cast %broadcast_in_dim3A_9 : vector<16xf32> to vector<16xf32>
      tpu.vector_store %arg7[%swap3A_149], %swap3A_152 {strides = array<i32>} : memref<8448xf32, #tpu.memory_space<vmem>>, vector<16xf32>,
      %swap3A_153 = arith.constant 144 : index
      %swap3A_154 = tpu.vector_load %arg7[%swap3A_153] {strides = array<i32>} : memref<8448xf32, #tpu.memory_space<vmem>>, vector<16xf32>,
      %swap3A_155 = vector.shape_cast %swap3A_154 : vector<16xf32> to vector<16xf32>
      %swap3A_156 = vector.shape_cast %broadcast_in_dim3A_9 : vector<16xf32> to vector<16xf32>
      tpu.vector_store %arg7[%swap3A_153], %swap3A_156 {strides = array<i32>} : memref<8448xf32, #tpu.memory_space<vmem>>, vector<16xf32>,
      %swap3A_157 = arith.constant 160 : index
      %swap3A_158 = tpu.vector_load %arg7[%swap3A_157] {strides = array<i32>} : memref<8448xf32, #tpu.memory_space<vmem>>, vector<16xf32>,
      %swap3A_159 = vector.shape_cast %swap3A_158 : vector<16xf32> to vector<16xf32>
      %swap3A_160 = vector.shape_cast %broadcast_in_dim3A_9 : vector<16xf32> to vector<16xf32>
      tpu.vector_store %arg7[%swap3A_157], %swap3A_160 {strides = array<i32>} : memref<8448xf32, #tpu.memory_space<vmem>>, vector<16xf32>,
      %swap3A_161 = arith.constant 176 : index
      %swap3A_162 = tpu.vector_load %arg7[%swap3A_161] {strides = array<i32>} : memref<8448xf32, #tpu.memory_space<vmem>>, vector<16xf32>,
      %swap3A_163 = vector.shape_cast %swap3A_162 : vector<16xf32> to vector<16xf32>
      %swap3A_164 = vector.shape_cast %broadcast_in_dim3A_9 : vector<16xf32> to vector<16xf32>
      tpu.vector_store %arg7[%swap3A_161], %swap3A_164 {strides = array<i32>} : memref<8448xf32, #tpu.memory_space<vmem>>, vector<16xf32>,
      %swap3A_165 = arith.constant 192 : index
      %swap3A_166 = tpu.vector_load %arg7[%swap3A_165] {strides = array<i32>} : memref<8448xf32, #tpu.memory_space<vmem>>, vector<16xf32>,
      %swap3A_167 = vector.shape_cast %swap3A_166 : vector<16xf32> to vector<16xf32>
      %swap3A_168 = vector.shape_cast %broadcast_in_dim3A_9 : vector<16xf32> to vector<16xf32>
      tpu.vector_store %arg7[%swap3A_165], %swap3A_168 {strides = array<i32>} : memref<8448xf32, #tpu.memory_space<vmem>>, vector<16xf32>,
      %swap3A_169 = arith.constant 208 : index
      %swap3A_170 = tpu.vector_load %arg7[%swap3A_169] {strides = array<i32>} : memref<8448xf32, #tpu.memory_space<vmem>>, vector<16xf32>,
      %swap3A_171 = vector.shape_cast %swap3A_170 : vector<16xf32> to vector<16xf32>
      %swap3A_172 = vector.shape_cast %broadcast_in_dim3A_9 : vector<16xf32> to vector<16xf32>
      tpu.vector_store %arg7[%swap3A_169], %swap3A_172 {strides = array<i32>} : memref<8448xf32, #tpu.memory_space<vmem>>, vector<16xf32>,
      %swap3A_173 = arith.constant 224 : index
      %swap3A_174 = tpu.vector_load %arg7[%swap3A_173] {strides = array<i32>} : memref<8448xf32, #tpu.memory_space<vmem>>, vector<16xf32>,
      %swap3A_175 = vector.shape_cast %swap3A_174 : vector<16xf32> to vector<16xf32>
      %swap3A_176 = vector.shape_cast %broadcast_in_dim3A_9 : vector<16xf32> to vector<16xf32>
      tpu.vector_store %arg7[%swap3A_173], %swap3A_176 {strides = array<i32>} : memref<8448xf32, #tpu.memory_space<vmem>>, vector<16xf32>,
      %swap3A_177 = arith.constant 240 : index
      %swap3A_178 = tpu.vector_load %arg7[%swap3A_177] {strides = array<i32>} : memref<8448xf32, #tpu.memory_space<vmem>>, vector<16xf32>,
      %swap3A_179 = vector.shape_cast %swap3A_178 : vector<16xf32> to vector<16xf32>
      %swap3A_180 = vector.shape_cast %broadcast_in_dim3A_9 : vector<16xf32> to vector<16xf32>
      tpu.vector_store %arg7[%swap3A_177], %swap3A_180 {strides = array<i32>} : memref<8448xf32, #tpu.memory_space<vmem>>, vector<16xf32>,
      %swap3A_181 = arith.constant 256 : index
      %swap3A_182 = tpu.vector_load %arg7[%swap3A_181] {strides = array<i32>} : memref<8448xf32, #tpu.memory_space<vmem>>, vector<16xf32>,
      %swap3A_183 = vector.shape_cast %swap3A_182 : vector<16xf32> to vector<16xf32>
      %swap3A_184 = vector.shape_cast %broadcast_in_dim3A_9 : vector<16xf32> to vector<16xf32>
      tpu.vector_store %arg7[%swap3A_181], %swap3A_184 {strides = array<i32>} : memref<8448xf32, #tpu.memory_space<vmem>>, vector<16xf32>,
      %swap3A_185 = arith.constant 272 : index
      %swap3A_186 = tpu.vector_load %arg7[%swap3A_185] {strides = array<i32>} : memref<8448xf32, #tpu.memory_space<vmem>>, vector<16xf32>,
      %swap3A_187 = vector.shape_cast %swap3A_186 : vector<16xf32> to vector<16xf32>
      %swap3A_188 = vector.shape_cast %broadcast_in_dim3A_9 : vector<16xf32> to vector<16xf32>
      tpu.vector_store %arg7[%swap3A_185], %swap3A_188 {strides = array<i32>} : memref<8448xf32, #tpu.memory_space<vmem>>, vector<16xf32>,
      %swap3A_189 = arith.constant 288 : index
      %swap3A_190 = tpu.vector_load %arg7[%swap3A_189] {strides = array<i32>} : memref<8448xf32, #tpu.memory_space<vmem>>, vector<16xf32>,
      %swap3A_191 = vector.shape_cast %swap3A_190 : vector<16xf32> to vector<16xf32>
      %swap3A_192 = vector.shape_cast %broadcast_in_dim3A_9 : vector<16xf32> to vector<16xf32>
      tpu.vector_store %arg7[%swap3A_189], %swap3A_192 {strides = array<i32>} : memref<8448xf32, #tpu.memory_space<vmem>>, vector<16xf32>,
      %swap3A_193 = arith.constant 304 : index
      %swap3A_194 = tpu.vector_load %arg7[%swap3A_193] {strides = array<i32>} : memref<8448xf32, #tpu.memory_space<vmem>>, vector<16xf32>,
      %swap3A_195 = vector.shape_cast %swap3A_194 : vector<16xf32> to vector<16xf32>
      %swap3A_196 = vector.shape_cast %broadcast_in_dim3A_9 : vector<16xf32> to vector<16xf32>
      tpu.vector_store %arg7[%swap3A_193], %swap3A_196 {strides = array<i32>} : memref<8448xf32, #tpu.memory_space<vmem>>, vector<16xf32>,
      %swap3A_197 = arith.constant 320 : index
      %swap3A_198 = tpu.vector_load %arg7[%swap3A_197] {strides = array<i32>} : memref<8448xf32, #tpu.memory_space<vmem>>, vector<16xf32>,
      %swap3A_199 = vector.shape_cast %swap3A_198 : vector<16xf32> to vector<16xf32>
      %swap3A_200 = vector.shape_cast %broadcast_in_dim3A_9 : vector<16xf32> to vector<16xf32>
      tpu.vector_store %arg7[%swap3A_197], %swap3A_200 {strides = array<i32>} : memref<8448xf32, #tpu.memory_space<vmem>>, vector<16xf32>,
      %swap3A_201 = arith.constant 336 : index
      %swap3A_202 = tpu.vector_load %arg7[%swap3A_201] {strides = array<i32>} : memref<8448xf32, #tpu.memory_space<vmem>>, vector<16xf32>,
      %swap3A_203 = vector.shape_cast %swap3A_202 : vector<16xf32> to vector<16xf32>
      %swap3A_204 = vector.shape_cast %broadcast_in_dim3A_9 : vector<16xf32> to vector<16xf32>
      tpu.vector_store %arg7[%swap3A_201], %swap3A_204 {strides = array<i32>} : memref<8448xf32, #tpu.memory_space<vmem>>, vector<16xf32>,
      %swap3A_205 = arith.constant 352 : index
      %swap3A_206 = tpu.vector_load %arg7[%swap3A_205] {strides = array<i32>} : memref<8448xf32, #tpu.memory_space<vmem>>, vector<16xf32>,
      %swap3A_207 = vector.shape_cast %swap3A_206 : vector<16xf32> to vector<16xf32>
      %swap3A_208 = vector.shape_cast %broadcast_in_dim3A_9 : vector<16xf32> to vector<16xf32>
      tpu.vector_store %arg7[%swap3A_205], %swap3A_208 {strides = array<i32>} : memref<8448xf32, #tpu.memory_space<vmem>>, vector<16xf32>,
      %swap3A_209 = arith.constant 368 : index
      %swap3A_210 = tpu.vector_load %arg7[%swap3A_209] {strides = array<i32>} : memref<8448xf32, #tpu.memory_space<vmem>>, vector<16xf32>,
      %swap3A_211 = vector.shape_cast %swap3A_210 : vector<16xf32> to vector<16xf32>
      %swap3A_212 = vector.shape_cast %broadcast_in_dim3A_9 : vector<16xf32> to vector<16xf32>
      tpu.vector_store %arg7[%swap3A_209], %swap3A_212 {strides = array<i32>} : memref<8448xf32, #tpu.memory_space<vmem>>, vector<16xf32>,
      %swap3A_213 = arith.constant 384 : index
      %swap3A_214 = tpu.vector_load %arg7[%swap3A_213] {strides = array<i32>} : memref<8448xf32, #tpu.memory_space<vmem>>, vector<16xf32>,
      %swap3A_215 = vector.shape_cast %swap3A_214 : vector<16xf32> to vector<16xf32>
      %swap3A_216 = vector.shape_cast %broadcast_in_dim3A_9 : vector<16xf32> to vector<16xf32>
      tpu.vector_store %arg7[%swap3A_213], %swap3A_216 {strides = array<i32>} : memref<8448xf32, #tpu.memory_space<vmem>>, vector<16xf32>,
      %swap3A_217 = arith.constant 400 : index
      %swap3A_218 = tpu.vector_load %arg7[%swap3A_217] {strides = array<i32>} : memref<8448xf32, #tpu.memory_space<vmem>>, vector<16xf32>,
      %swap3A_219 = vector.shape_cast %swap3A_218 : vector<16xf32> to vector<16xf32>
      %swap3A_220 = vector.shape_cast %broadcast_in_dim3A_9 : vector<16xf32> to vector<16xf32>
      tpu.vector_store %arg7[%swap3A_217], %swap3A_220 {strides = array<i32>} : memref<8448xf32, #tpu.memory_space<vmem>>, vector<16xf32>,
      %swap3A_221 = arith.constant 416 : index
      %swap3A_222 = tpu.vector_load %arg7[%swap3A_221] {strides = array<i32>} : memref<8448xf32, #tpu.memory_space<vmem>>, vector<16xf32>,
      %swap3A_223 = vector.shape_cast %swap3A_222 : vector<16xf32> to vector<16xf32>
      %swap3A_224 = vector.shape_cast %broadcast_in_dim3A_9 : vector<16xf32> to vector<16xf32>
      tpu.vector_store %arg7[%swap3A_221], %swap3A_224 {strides = array<i32>} : memref<8448xf32, #tpu.memory_space<vmem>>, vector<16xf32>,
      %swap3A_225 = arith.constant 432 : index
      %swap3A_226 = tpu.vector_load %arg7[%swap3A_225] {strides = array<i32>} : memref<8448xf32, #tpu.memory_space<vmem>>, vector<16xf32>,
      %swap3A_227 = vector.shape_cast %swap3A_226 : vector<16xf32> to vector<16xf32>
      %swap3A_228 = vector.shape_cast %broadcast_in_dim3A_9 : vector<16xf32> to vector<16xf32>
      tpu.vector_store %arg7[%swap3A_225], %swap3A_228 {strides = array<i32>} : memref<8448xf32, #tpu.memory_space<vmem>>, vector<16xf32>,
      %swap3A_229 = arith.constant 448 : index
      %swap3A_230 = tpu.vector_load %arg7[%swap3A_229] {strides = array<i32>} : memref<8448xf32, #tpu.memory_space<vmem>>, vector<16xf32>,
      %swap3A_231 = vector.shape_cast %swap3A_230 : vector<16xf32> to vector<16xf32>
      %swap3A_232 = vector.shape_cast %broadcast_in_dim3A_9 : vector<16xf32> to vector<16xf32>
      tpu.vector_store %arg7[%swap3A_229], %swap3A_232 {strides = array<i32>} : memref<8448xf32, #tpu.memory_space<vmem>>, vector<16xf32>,
      %swap3A_233 = arith.constant 464 : index
      %swap3A_234 = tpu.vector_load %arg7[%swap3A_233] {strides = array<i32>} : memref<8448xf32, #tpu.memory_space<vmem>>, vector<16xf32>,
      %swap3A_235 = vector.shape_cast %swap3A_234 : vector<16xf32> to vector<16xf32>
      %swap3A_236 = vector.shape_cast %broadcast_in_dim3A_9 : vector<16xf32> to vector<16xf32>
      tpu.vector_store %arg7[%swap3A_233], %swap3A_236 {strides = array<i32>} : memref<8448xf32, #tpu.memory_space<vmem>>, vector<16xf32>,
      %swap3A_237 = arith.constant 480 : index
      %swap3A_238 = tpu.vector_load %arg7[%swap3A_237] {strides = array<i32>} : memref<8448xf32, #tpu.memory_space<vmem>>, vector<16xf32>,
      %swap3A_239 = vector.shape_cast %swap3A_238 : vector<16xf32> to vector<16xf32>
      %swap3A_240 = vector.shape_cast %broadcast_in_dim3A_9 : vector<16xf32> to vector<16xf32>
      tpu.vector_store %arg7[%swap3A_237], %swap3A_240 {strides = array<i32>} : memref<8448xf32, #tpu.memory_space<vmem>>, vector<16xf32>,
      %swap3A_241 = arith.constant 496 : index
      %swap3A_242 = tpu.vector_load %arg7[%swap3A_241] {strides = array<i32>} : memref<8448xf32, #tpu.memory_space<vmem>>, vector<16xf32>,
      %swap3A_243 = vector.shape_cast %swap3A_242 : vector<16xf32> to vector<16xf32>
      %swap3A_244 = vector.shape_cast %broadcast_in_dim3A_9 : vector<16xf32> to vector<16xf32>
      tpu.vector_store %arg7[%swap3A_241], %swap3A_244 {strides = array<i32>} : memref<8448xf32, #tpu.memory_space<vmem>>, vector<16xf32>,
      %swap3A_245 = arith.constant 512 : index
      %swap3A_246 = tpu.vector_load %arg7[%swap3A_245] {strides = array<i32>} : memref<8448xf32, #tpu.memory_space<vmem>>, vector<16xf32>,
      %swap3A_247 = vector.shape_cast %swap3A_246 : vector<16xf32> to vector<16xf32>
      %swap3A_248 = vector.shape_cast %broadcast_in_dim3A_9 : vector<16xf32> to vector<16xf32>
      tpu.vector_store %arg7[%swap3A_245], %swap3A_248 {strides = array<i32>} : memref<8448xf32, #tpu.memory_space<vmem>>, vector<16xf32>,
      %swap3A_249 = arith.constant 528 : index
      %swap3A_250 = tpu.vector_load %arg7[%swap3A_249] {strides = array<i32>} : memref<8448xf32, #tpu.memory_space<vmem>>, vector<16xf32>,
      %swap3A_251 = vector.shape_cast %swap3A_250 : vector<16xf32> to vector<16xf32>
      %swap3A_252 = vector.shape_cast %broadcast_in_dim3A_9 : vector<16xf32> to vector<16xf32>
      tpu.vector_store %arg7[%swap3A_249], %swap3A_252 {strides = array<i32>} : memref<8448xf32, #tpu.memory_space<vmem>>, vector<16xf32>,
      %swap3A_253 = arith.constant 544 : index
      %swap3A_254 = tpu.vector_load %arg7[%swap3A_253] {strides = array<i32>} : memref<8448xf32, #tpu.memory_space<vmem>>, vector<16xf32>,
      %swap3A_255 = vector.shape_cast %swap3A_254 : vector<16xf32> to vector<16xf32>
      %swap3A_256 = vector.shape_cast %broadcast_in_dim3A_9 : vector<16xf32> to vector<16xf32>
      tpu.vector_store %arg7[%swap3A_253], %swap3A_256 {strides = array<i32>} : memref<8448xf32, #tpu.memory_space<vmem>>, vector<16xf32>,
      %swap3A_257 = arith.constant 560 : index
      %swap3A_258 = tpu.vector_load %arg7[%swap3A_257] {strides = array<i32>} : memref<8448xf32, #tpu.memory_space<vmem>>, vector<16xf32>,
      %swap3A_259 = vector.shape_cast %swap3A_258 : vector<16xf32> to vector<16xf32>
      %swap3A_260 = vector.shape_cast %broadcast_in_dim3A_9 : vector<16xf32> to vector<16xf32>
      tpu.vector_store %arg7[%swap3A_257], %swap3A_260 {strides = array<i32>} : memref<8448xf32, #tpu.memory_space<vmem>>, vector<16xf32>,
      %swap3A_261 = arith.constant 576 : index
      %swap3A_262 = tpu.vector_load %arg7[%swap3A_261] {strides = array<i32>} : memref<8448xf32, #tpu.memory_space<vmem>>, vector<16xf32>,
      %swap3A_263 = vector.shape_cast %swap3A_262 : vector<16xf32> to vector<16xf32>
      %swap3A_264 = vector.shape_cast %broadcast_in_dim3A_9 : vector<16xf32> to vector<16xf32>
      tpu.vector_store %arg7[%swap3A_261], %swap3A_264 {strides = array<i32>} : memref<8448xf32, #tpu.memory_space<vmem>>, vector<16xf32>,
      %swap3A_265 = arith.constant 592 : index
      %swap3A_266 = tpu.vector_load %arg7[%swap3A_265] {strides = array<i32>} : memref<8448xf32, #tpu.memory_space<vmem>>, vector<16xf32>,
      %swap3A_267 = vector.shape_cast %swap3A_266 : vector<16xf32> to vector<16xf32>
      %swap3A_268 = vector.shape_cast %broadcast_in_dim3A_9 : vector<16xf32> to vector<16xf32>
      tpu.vector_store %arg7[%swap3A_265], %swap3A_268 {strides = array<i32>} : memref<8448xf32, #tpu.memory_space<vmem>>, vector<16xf32>,
      %swap3A_269 = arith.constant 608 : index
      %swap3A_270 = tpu.vector_load %arg7[%swap3A_269] {strides = array<i32>} : memref<8448xf32, #tpu.memory_space<vmem>>, vector<16xf32>,
      %swap3A_271 = vector.shape_cast %swap3A_270 : vector<16xf32> to vector<16xf32>
      %swap3A_272 = vector.shape_cast %broadcast_in_dim3A_9 : vector<16xf32> to vector<16xf32>
      tpu.vector_store %arg7[%swap3A_269], %swap3A_272 {strides = array<i32>} : memref<8448xf32, #tpu.memory_space<vmem>>, vector<16xf32>,
      %swap3A_273 = arith.constant 624 : index
      %swap3A_274 = tpu.vector_load %arg7[%swap3A_273] {strides = array<i32>} : memref<8448xf32, #tpu.memory_space<vmem>>, vector<16xf32>,
      %swap3A_275 = vector.shape_cast %swap3A_274 : vector<16xf32> to vector<16xf32>
      %swap3A_276 = vector.shape_cast %broadcast_in_dim3A_9 : vector<16xf32> to vector<16xf32>
      tpu.vector_store %arg7[%swap3A_273], %swap3A_276 {strides = array<i32>} : memref<8448xf32, #tpu.memory_space<vmem>>, vector<16xf32>,
      %swap3A_277 = arith.constant 640 : index
      %swap3A_278 = tpu.vector_load %arg7[%swap3A_277] {strides = array<i32>} : memref<8448xf32, #tpu.memory_space<vmem>>, vector<16xf32>,
      %swap3A_279 = vector.shape_cast %swap3A_278 : vector<16xf32> to vector<16xf32>
      %swap3A_280 = vector.shape_cast %broadcast_in_dim3A_9 : vector<16xf32> to vector<16xf32>
      tpu.vector_store %arg7[%swap3A_277], %swap3A_280 {strides = array<i32>} : memref<8448xf32, #tpu.memory_space<vmem>>, vector<16xf32>,
      %swap3A_281 = arith.constant 656 : index
      %swap3A_282 = tpu.vector_load %arg7[%swap3A_281] {strides = array<i32>} : memref<8448xf32, #tpu.memory_space<vmem>>, vector<16xf32>,
      %swap3A_283 = vector.shape_cast %swap3A_282 : vector<16xf32> to vector<16xf32>
      %swap3A_284 = vector.shape_cast %broadcast_in_dim3A_9 : vector<16xf32> to vector<16xf32>
      tpu.vector_store %arg7[%swap3A_281], %swap3A_284 {strides = array<i32>} : memref<8448xf32, #tpu.memory_space<vmem>>, vector<16xf32>,
      %swap3A_285 = arith.constant 672 : index
      %swap3A_286 = tpu.vector_load %arg7[%swap3A_285] {strides = array<i32>} : memref<8448xf32, #tpu.memory_space<vmem>>, vector<16xf32>,
      %swap3A_287 = vector.shape_cast %swap3A_286 : vector<16xf32> to vector<16xf32>
      %swap3A_288 = vector.shape_cast %broadcast_in_dim3A_9 : vector<16xf32> to vector<16xf32>
      tpu.vector_store %arg7[%swap3A_285], %swap3A_288 {strides = array<i32>} : memref<8448xf32, #tpu.memory_space<vmem>>, vector<16xf32>,
      %swap3A_289 = arith.constant 688 : index
      %swap3A_290 = tpu.vector_load %arg7[%swap3A_289] {strides = array<i32>} : memref<8448xf32, #tpu.memory_space<vmem>>, vector<16xf32>,
      %swap3A_291 = vector.shape_cast %swap3A_290 : vector<16xf32> to vector<16xf32>
      %swap3A_292 = vector.shape_cast %broadcast_in_dim3A_9 : vector<16xf32> to vector<16xf32>
      tpu.vector_store %arg7[%swap3A_289], %swap3A_292 {strides = array<i32>} : memref<8448xf32, #tpu.memory_space<vmem>>, vector<16xf32>,
      %swap3A_293 = arith.constant 704 : index
      %swap3A_294 = tpu.vector_load %arg7[%swap3A_293] {strides = array<i32>} : memref<8448xf32, #tpu.memory_space<vmem>>, vector<16xf32>,
      %swap3A_295 = vector.shape_cast %swap3A_294 : vector<16xf32> to vector<16xf32>
      %swap3A_296 = vector.shape_cast %broadcast_in_dim3A_9 : vector<16xf32> to vector<16xf32>
      tpu.vector_store %arg7[%swap3A_293], %swap3A_296 {strides = array<i32>} : memref<8448xf32, #tpu.memory_space<vmem>>, vector<16xf32>,
      %swap3A_297 = arith.constant 720 : index
      %swap3A_298 = tpu.vector_load %arg7[%swap3A_297] {strides = array<i32>} : memref<8448xf32, #tpu.memory_space<vmem>>, vector<16xf32>,
      %swap3A_299 = vector.shape_cast %swap3A_298 : vector<16xf32> to vector<16xf32>
      %swap3A_300 = vector.shape_cast %broadcast_in_dim3A_9 : vector<16xf32> to vector<16xf32>
      tpu.vector_store %arg7[%swap3A_297], %swap3A_300 {strides = array<i32>} : memref<8448xf32, #tpu.memory_space<vmem>>, vector<16xf32>,
      %swap3A_301 = arith.constant 736 : index
      %swap3A_302 = tpu.vector_load %arg7[%swap3A_301] {strides = array<i32>} : memref<8448xf32, #tpu.memory_space<vmem>>, vector<16xf32>,
      %swap3A_303 = vector.shape_cast %swap3A_302 : vector<16xf32> to vector<16xf32>
      %swap3A_304 = vector.shape_cast %broadcast_in_dim3A_9 : vector<16xf32> to vector<16xf32>
      tpu.vector_store %arg7[%swap3A_301], %swap3A_304 {strides = array<i32>} : memref<8448xf32, #tpu.memory_space<vmem>>, vector<16xf32>,
      %swap3A_305 = arith.constant 752 : index
      %swap3A_306 = tpu.vector_load %arg7[%swap3A_305] {strides = array<i32>} : memref<8448xf32, #tpu.memory_space<vmem>>, vector<16xf32>,
      %swap3A_307 = vector.shape_cast %swap3A_306 : vector<16xf32> to vector<16xf32>
      %swap3A_308 = vector.shape_cast %broadcast_in_dim3A_9 : vector<16xf32> to vector<16xf32>
      tpu.vector_store %arg7[%swap3A_305], %swap3A_308 {strides = array<i32>} : memref<8448xf32, #tpu.memory_space<vmem>>, vector<16xf32>,
      %swap3A_309 = arith.constant 768 : index
      %swap3A_310 = tpu.vector_load %arg7[%swap3A_309] {strides = array<i32>} : memref<8448xf32, #tpu.memory_space<vmem>>, vector<16xf32>,
      %swap3A_311 = vector.shape_cast %swap3A_310 : vector<16xf32> to vector<16xf32>
      %swap3A_312 = vector.shape_cast %broadcast_in_dim3A_9 : vector<16xf32> to vector<16xf32>
      tpu.vector_store %arg7[%swap3A_309], %swap3A_312 {strides = array<i32>} : memref<8448xf32, #tpu.memory_space<vmem>>, vector<16xf32>,
      %swap3A_313 = arith.constant 784 : index
      %swap3A_314 = tpu.vector_load %arg7[%swap3A_313] {strides = array<i32>} : memref<8448xf32, #tpu.memory_space<vmem>>, vector<16xf32>,
      %swap3A_315 = vector.shape_cast %swap3A_314 : vector<16xf32> to vector<16xf32>
      %swap3A_316 = vector.shape_cast %broadcast_in_dim3A_9 : vector<16xf32> to vector<16xf32>
      tpu.vector_store %arg7[%swap3A_313], %swap3A_316 {strides = array<i32>} : memref<8448xf32, #tpu.memory_space<vmem>>, vector<16xf32>,
      %swap3A_317 = arith.constant 800 : index
      %swap3A_318 = tpu.vector_load %arg7[%swap3A_317] {strides = array<i32>} : memref<8448xf32, #tpu.memory_space<vmem>>, vector<16xf32>,
      %swap3A_319 = vector.shape_cast %swap3A_318 : vector<16xf32> to vector<16xf32>
      %swap3A_320 = vector.shape_cast %broadcast_in_dim3A_9 : vector<16xf32> to vector<16xf32>
      tpu.vector_store %arg7[%swap3A_317], %swap3A_320 {strides = array<i32>} : memref<8448xf32, #tpu.memory_space<vmem>>, vector<16xf32>,
      %swap3A_321 = arith.constant 816 : index
      %swap3A_322 = tpu.vector_load %arg7[%swap3A_321] {strides = array<i32>} : memref<8448xf32, #tpu.memory_space<vmem>>, vector<16xf32>,
      %swap3A_323 = vector.shape_cast %swap3A_322 : vector<16xf32> to vector<16xf32>
      %swap3A_324 = vector.shape_cast %broadcast_in_dim3A_9 : vector<16xf32> to vector<16xf32>
      tpu.vector_store %arg7[%swap3A_321], %swap3A_324 {strides = array<i32>} : memref<8448xf32, #tpu.memory_space<vmem>>, vector<16xf32>,
      %swap3A_325 = arith.constant 832 : index
      %swap3A_326 = tpu.vector_load %arg7[%swap3A_325] {strides = array<i32>} : memref<8448xf32, #tpu.memory_space<vmem>>, vector<16xf32>,
      %swap3A_327 = vector.shape_cast %swap3A_326 : vector<16xf32> to vector<16xf32>
      %swap3A_328 = vector.shape_cast %broadcast_in_dim3A_9 : vector<16xf32> to vector<16xf32>
      tpu.vector_store %arg7[%swap3A_325], %swap3A_328 {strides = array<i32>} : memref<8448xf32, #tpu.memory_space<vmem>>, vector<16xf32>,
      %swap3A_329 = arith.constant 848 : index
      %swap3A_330 = tpu.vector_load %arg7[%swap3A_329] {strides = array<i32>} : memref<8448xf32, #tpu.memory_space<vmem>>, vector<16xf32>,
      %swap3A_331 = vector.shape_cast %swap3A_330 : vector<16xf32> to vector<16xf32>
      %swap3A_332 = vector.shape_cast %broadcast_in_dim3A_9 : vector<16xf32> to vector<16xf32>
      tpu.vector_store %arg7[%swap3A_329], %swap3A_332 {strides = array<i32>} : memref<8448xf32, #tpu.memory_space<vmem>>, vector<16xf32>,
      %swap3A_333 = arith.constant 864 : index
      %swap3A_334 = tpu.vector_load %arg7[%swap3A_333] {strides = array<i32>} : memref<8448xf32, #tpu.memory_space<vmem>>, vector<16xf32>,
      %swap3A_335 = vector.shape_cast %swap3A_334 : vector<16xf32> to vector<16xf32>
      %swap3A_336 = vector.shape_cast %broadcast_in_dim3A_9 : vector<16xf32> to vector<16xf32>
      tpu.vector_store %arg7[%swap3A_333], %swap3A_336 {strides = array<i32>} : memref<8448xf32, #tpu.memory_space<vmem>>, vector<16xf32>,
      %swap3A_337 = arith.constant 880 : index
      %swap3A_338 = tpu.vector_load %arg7[%swap3A_337] {strides = array<i32>} : memref<8448xf32, #tpu.memory_space<vmem>>, vector<16xf32>,
      %swap3A_339 = vector.shape_cast %swap3A_338 : vector<16xf32> to vector<16xf32>
      %swap3A_340 = vector.shape_cast %broadcast_in_dim3A_9 : vector<16xf32> to vector<16xf32>
      tpu.vector_store %arg7[%swap3A_337], %swap3A_340 {strides = array<i32>} : memref<8448xf32, #tpu.memory_space<vmem>>, vector<16xf32>,
      %swap3A_341 = arith.constant 896 : index
      %swap3A_342 = tpu.vector_load %arg7[%swap3A_341] {strides = array<i32>} : memref<8448xf32, #tpu.memory_space<vmem>>, vector<16xf32>,
      %swap3A_343 = vector.shape_cast %swap3A_342 : vector<16xf32> to vector<16xf32>
      %swap3A_344 = vector.shape_cast %broadcast_in_dim3A_9 : vector<16xf32> to vector<16xf32>
      tpu.vector_store %arg7[%swap3A_341], %swap3A_344 {strides = array<i32>} : memref<8448xf32, #tpu.memory_space<vmem>>, vector<16xf32>,
      %swap3A_345 = arith.constant 912 : index
      %swap3A_346 = tpu.vector_load %arg7[%swap3A_345] {strides = array<i32>} : memref<8448xf32, #tpu.memory_space<vmem>>, vector<16xf32>,
      %swap3A_347 = vector.shape_cast %swap3A_346 : vector<16xf32> to vector<16xf32>
      %swap3A_348 = vector.shape_cast %broadcast_in_dim3A_9 : vector<16xf32> to vector<16xf32>
      tpu.vector_store %arg7[%swap3A_345], %swap3A_348 {strides = array<i32>} : memref<8448xf32, #tpu.memory_space<vmem>>, vector<16xf32>,
      %swap3A_349 = arith.constant 928 : index
      %swap3A_350 = tpu.vector_load %arg7[%swap3A_349] {strides = array<i32>} : memref<8448xf32, #tpu.memory_space<vmem>>, vector<16xf32>,
      %swap3A_351 = vector.shape_cast %swap3A_350 : vector<16xf32> to vector<16xf32>
      %swap3A_352 = vector.shape_cast %broadcast_in_dim3A_9 : vector<16xf32> to vector<16xf32>
      tpu.vector_store %arg7[%swap3A_349], %swap3A_352 {strides = array<i32>} : memref<8448xf32, #tpu.memory_space<vmem>>, vector<16xf32>,
      %swap3A_353 = arith.constant 944 : index
      %swap3A_354 = tpu.vector_load %arg7[%swap3A_353] {strides = array<i32>} : memref<8448xf32, #tpu.memory_space<vmem>>, vector<16xf32>,
      %swap3A_355 = vector.shape_cast %swap3A_354 : vector<16xf32> to vector<16xf32>
      %swap3A_356 = vector.shape_cast %broadcast_in_dim3A_9 : vector<16xf32> to vector<16xf32>
      tpu.vector_store %arg7[%swap3A_353], %swap3A_356 {strides = array<i32>} : memref<8448xf32, #tpu.memory_space<vmem>>, vector<16xf32>,
      %swap3A_357 = arith.constant 960 : index
      %swap3A_358 = tpu.vector_load %arg7[%swap3A_357] {strides = array<i32>} : memref<8448xf32, #tpu.memory_space<vmem>>, vector<16xf32>,
      %swap3A_359 = vector.shape_cast %swap3A_358 : vector<16xf32> to vector<16xf32>
      %swap3A_360 = vector.shape_cast %broadcast_in_dim3A_9 : vector<16xf32> to vector<16xf32>
      tpu.vector_store %arg7[%swap3A_357], %swap3A_360 {strides = array<i32>} : memref<8448xf32, #tpu.memory_space<vmem>>, vector<16xf32>,
      %swap3A_361 = arith.constant 976 : index
      %swap3A_362 = tpu.vector_load %arg7[%swap3A_361] {strides = array<i32>} : memref<8448xf32, #tpu.memory_space<vmem>>, vector<16xf32>,
      %swap3A_363 = vector.shape_cast %swap3A_362 : vector<16xf32> to vector<16xf32>
      %swap3A_364 = vector.shape_cast %broadcast_in_dim3A_9 : vector<16xf32> to vector<16xf32>
      tpu.vector_store %arg7[%swap3A_361], %swap3A_364 {strides = array<i32>} : memref<8448xf32, #tpu.memory_space<vmem>>, vector<16xf32>,
      %swap3A_365 = arith.constant 992 : index
      %swap3A_366 = tpu.vector_load %arg7[%swap3A_365] {strides = array<i32>} : memref<8448xf32, #tpu.memory_space<vmem>>, vector<16xf32>,
      %swap3A_367 = vector.shape_cast %swap3A_366 : vector<16xf32> to vector<16xf32>
      %swap3A_368 = vector.shape_cast %broadcast_in_dim3A_9 : vector<16xf32> to vector<16xf32>
      tpu.vector_store %arg7[%swap3A_365], %swap3A_368 {strides = array<i32>} : memref<8448xf32, #tpu.memory_space<vmem>>, vector<16xf32>,
      %swap3A_369 = arith.constant 1008 : index
      %swap3A_370 = tpu.vector_load %arg7[%swap3A_369] {strides = array<i32>} : memref<8448xf32, #tpu.memory_space<vmem>>, vector<16xf32>,
      %swap3A_371 = vector.shape_cast %swap3A_370 : vector<16xf32> to vector<16xf32>
      %swap3A_372 = vector.shape_cast %broadcast_in_dim3A_9 : vector<16xf32> to vector<16xf32>
      tpu.vector_store %arg7[%swap3A_369], %swap3A_372 {strides = array<i32>} : memref<8448xf32, #tpu.memory_space<vmem>>, vector<16xf32>,
      %swap3A_373 = arith.constant 1024 : index
      %swap3A_374 = tpu.vector_load %arg7[%swap3A_373] {strides = array<i32>} : memref<8448xf32, #tpu.memory_space<vmem>>, vector<16xf32>,
      %swap3A_375 = vector.shape_cast %swap3A_374 : vector<16xf32> to vector<16xf32>
      %swap3A_376 = vector.shape_cast %broadcast_in_dim3A_9 : vector<16xf32> to vector<16xf32>
      tpu.vector_store %arg7[%swap3A_373], %swap3A_376 {strides = array<i32>} : memref<8448xf32, #tpu.memory_space<vmem>>, vector<16xf32>,
      %swap3A_377 = arith.constant 1040 : index
      %swap3A_378 = tpu.vector_load %arg7[%swap3A_377] {strides = array<i32>} : memref<8448xf32, #tpu.memory_space<vmem>>, vector<16xf32>,
      %swap3A_379 = vector.shape_cast %swap3A_378 : vector<16xf32> to vector<16xf32>
      %swap3A_380 = vector.shape_cast %broadcast_in_dim3A_9 : vector<16xf32> to vector<16xf32>
      tpu.vector_store %arg7[%swap3A_377], %swap3A_380 {strides = array<i32>} : memref<8448xf32, #tpu.memory_space<vmem>>, vector<16xf32>,
      %swap3A_381 = arith.constant 1056 : index
      %swap3A_382 = tpu.vector_load %arg7[%swap3A_381] {strides = array<i32>} : memref<8448xf32, #tpu.memory_space<vmem>>, vector<16xf32>,
      %swap3A_383 = vector.shape_cast %swap3A_382 : vector<16xf32> to vector<16xf32>
      %swap3A_384 = vector.shape_cast %broadcast_in_dim3A_9 : vector<16xf32> to vector<16xf32>
      tpu.vector_store %arg7[%swap3A_381], %swap3A_384 {strides = array<i32>} : memref<8448xf32, #tpu.memory_space<vmem>>, vector<16xf32>,
      %swap3A_385 = arith.constant 1072 : index
      %swap3A_386 = tpu.vector_load %arg7[%swap3A_385] {strides = array<i32>} : memref<8448xf32, #tpu.memory_space<vmem>>, vector<16xf32>,
      %swap3A_387 = vector.shape_cast %swap3A_386 : vector<16xf32> to vector<16xf32>
      %swap3A_388 = vector.shape_cast %broadcast_in_dim3A_9 : vector<16xf32> to vector<16xf32>
      tpu.vector_store %arg7[%swap3A_385], %swap3A_388 {strides = array<i32>} : memref<8448xf32, #tpu.memory_space<vmem>>, vector<16xf32>,
      %swap3A_389 = arith.constant 1088 : index
      %swap3A_390 = tpu.vector_load %arg7[%swap3A_389] {strides = array<i32>} : memref<8448xf32, #tpu.memory_space<vmem>>, vector<16xf32>,
      %swap3A_391 = vector.shape_cast %swap3A_390 : vector<16xf32> to vector<16xf32>
      %swap3A_392 = vector.shape_cast %broadcast_in_dim3A_9 : vector<16xf32> to vector<16xf32>
      tpu.vector_store %arg7[%swap3A_389], %swap3A_392 {strides = array<i32>} : memref<8448xf32, #tpu.memory_space<vmem>>, vector<16xf32>,
      %swap3A_393 = arith.constant 1104 : index
      %swap3A_394 = tpu.vector_load %arg7[%swap3A_393] {strides = array<i32>} : memref<8448xf32, #tpu.memory_space<vmem>>, vector<16xf32>,
      %swap3A_395 = vector.shape_cast %swap3A_394 : vector<16xf32> to vector<16xf32>
      %swap3A_396 = vector.shape_cast %broadcast_in_dim3A_9 : vector<16xf32> to vector<16xf32>
      tpu.vector_store %arg7[%swap3A_393], %swap3A_396 {strides = array<i32>} : memref<8448xf32, #tpu.memory_space<vmem>>, vector<16xf32>,
      %swap3A_397 = arith.constant 1120 : index
      %swap3A_398 = tpu.vector_load %arg7[%swap3A_397] {strides = array<i32>} : memref<8448xf32, #tpu.memory_space<vmem>>, vector<16xf32>,
      %swap3A_399 = vector.shape_cast %swap3A_398 : vector<16xf32> to vector<16xf32>
      %swap3A_400 = vector.shape_cast %broadcast_in_dim3A_9 : vector<16xf32> to vector<16xf32>
      tpu.vector_store %arg7[%swap3A_397], %swap3A_400 {strides = array<i32>} : memref<8448xf32, #tpu.memory_space<vmem>>, vector<16xf32>,
      %swap3A_401 = arith.constant 1136 : index
      %swap3A_402 = tpu.vector_load %arg7[%swap3A_401] {strides = array<i32>} : memref<8448xf32, #tpu.memory_space<vmem>>, vector<16xf32>,
      %swap3A_403 = vector.shape_cast %swap3A_402 : vector<16xf32> to vector<16xf32>
      %swap3A_404 = vector.shape_cast %broadcast_in_dim3A_9 : vector<16xf32> to vector<16xf32>
      tpu.vector_store %arg7[%swap3A_401], %swap3A_404 {strides = array<i32>} : memref<8448xf32, #tpu.memory_space<vmem>>, vector<16xf32>,
      %swap3A_405 = arith.constant 1152 : index
      %swap3A_406 = tpu.vector_load %arg7[%swap3A_405] {strides = array<i32>} : memref<8448xf32, #tpu.memory_space<vmem>>, vector<16xf32>,
      %swap3A_407 = vector.shape_cast %swap3A_406 : vector<16xf32> to vector<16xf32>
      %swap3A_408 = vector.shape_cast %broadcast_in_dim3A_9 : vector<16xf32> to vector<16xf32>
      tpu.vector_store %arg7[%swap3A_405], %swap3A_408 {strides = array<i32>} : memref<8448xf32, #tpu.memory_space<vmem>>, vector<16xf32>,
      %swap3A_409 = arith.constant 1168 : index
      %swap3A_410 = tpu.vector_load %arg7[%swap3A_409] {strides = array<i32>} : memref<8448xf32, #tpu.memory_space<vmem>>, vector<16xf32>,
      %swap3A_411 = vector.shape_cast %swap3A_410 : vector<16xf32> to vector<16xf32>
      %swap3A_412 = vector.shape_cast %broadcast_in_dim3A_9 : vector<16xf32> to vector<16xf32>
      tpu.vector_store %arg7[%swap3A_409], %swap3A_412 {strides = array<i32>} : memref<8448xf32, #tpu.memory_space<vmem>>, vector<16xf32>,
      %swap3A_413 = arith.constant 1184 : index
      %swap3A_414 = tpu.vector_load %arg7[%swap3A_413] {strides = array<i32>} : memref<8448xf32, #tpu.memory_space<vmem>>, vector<16xf32>,
      %swap3A_415 = vector.shape_cast %swap3A_414 : vector<16xf32> to vector<16xf32>
      %swap3A_416 = vector.shape_cast %broadcast_in_dim3A_9 : vector<16xf32> to vector<16xf32>
      tpu.vector_store %arg7[%swap3A_413], %swap3A_416 {strides = array<i32>} : memref<8448xf32, #tpu.memory_space<vmem>>, vector<16xf32>,
      %swap3A_417 = arith.constant 1200 : index
      %swap3A_418 = tpu.vector_load %arg7[%swap3A_417] {strides = array<i32>} : memref<8448xf32, #tpu.memory_space<vmem>>, vector<16xf32>,
      %swap3A_419 = vector.shape_cast %swap3A_418 : vector<16xf32> to vector<16xf32>
      %swap3A_420 = vector.shape_cast %broadcast_in_dim3A_9 : vector<16xf32> to vector<16xf32>
      tpu.vector_store %arg7[%swap3A_417], %swap3A_420 {strides = array<i32>} : memref<8448xf32, #tpu.memory_space<vmem>>, vector<16xf32>,
      %swap3A_421 = arith.constant 1216 : index
      %swap3A_422 = tpu.vector_load %arg7[%swap3A_421] {strides = array<i32>} : memref<8448xf32, #tpu.memory_space<vmem>>, vector<16xf32>,
      %swap3A_423 = vector.shape_cast %swap3A_422 : vector<16xf32> to vector<16xf32>
      %swap3A_424 = vector.shape_cast %broadcast_in_dim3A_9 : vector<16xf32> to vector<16xf32>
      tpu.vector_store %arg7[%swap3A_421], %swap3A_424 {strides = array<i32>} : memref<8448xf32, #tpu.memory_space<vmem>>, vector<16xf32>,
      %swap3A_425 = arith.constant 1232 : index
      %swap3A_426 = tpu.vector_load %arg7[%swap3A_425] {strides = array<i32>} : memref<8448xf32, #tpu.memory_space<vmem>>, vector<16xf32>,
      %swap3A_427 = vector.shape_cast %swap3A_426 : vector<16xf32> to vector<16xf32>
      %swap3A_428 = vector.shape_cast %broadcast_in_dim3A_9 : vector<16xf32> to vector<16xf32>
      tpu.vector_store %arg7[%swap3A_425], %swap3A_428 {strides = array<i32>} : memref<8448xf32, #tpu.memory_space<vmem>>, vector<16xf32>,
      %swap3A_429 = arith.constant 1248 : index
      %swap3A_430 = tpu.vector_load %arg7[%swap3A_429] {strides = array<i32>} : memref<8448xf32, #tpu.memory_space<vmem>>, vector<16xf32>,
      %swap3A_431 = vector.shape_cast %swap3A_430 : vector<16xf32> to vector<16xf32>
      %swap3A_432 = vector.shape_cast %broadcast_in_dim3A_9 : vector<16xf32> to vector<16xf32>
      tpu.vector_store %arg7[%swap3A_429], %swap3A_432 {strides = array<i32>} : memref<8448xf32, #tpu.memory_space<vmem>>, vector<16xf32>,
      %swap3A_433 = arith.constant 1264 : index
      %swap3A_434 = tpu.vector_load %arg7[%swap3A_433] {strides = array<i32>} : memref<8448xf32, #tpu.memory_space<vmem>>, vector<16xf32>,
      %swap3A_435 = vector.shape_cast %swap3A_434 : vector<16xf32> to vector<16xf32>
      %swap3A_436 = vector.shape_cast %broadcast_in_dim3A_9 : vector<16xf32> to vector<16xf32>
      tpu.vector_store %arg7[%swap3A_433], %swap3A_436 {strides = array<i32>} : memref<8448xf32, #tpu.memory_space<vmem>>, vector<16xf32>,
      %swap3A_437 = arith.constant 1280 : index
      %swap3A_438 = tpu.vector_load %arg7[%swap3A_437] {strides = array<i32>} : memref<8448xf32, #tpu.memory_space<vmem>>, vector<16xf32>,
      %swap3A_439 = vector.shape_cast %swap3A_438 : vector<16xf32> to vector<16xf32>
      %swap3A_440 = vector.shape_cast %broadcast_in_dim3A_9 : vector<16xf32> to vector<16xf32>
      tpu.vector_store %arg7[%swap3A_437], %swap3A_440 {strides = array<i32>} : memref<8448xf32, #tpu.memory_space<vmem>>, vector<16xf32>,
      %swap3A_441 = arith.constant 1296 : index
      %swap3A_442 = tpu.vector_load %arg7[%swap3A_441] {strides = array<i32>} : memref<8448xf32, #tpu.memory_space<vmem>>, vector<16xf32>,
      %swap3A_443 = vector.shape_cast %swap3A_442 : vector<16xf32> to vector<16xf32>
      %swap3A_444 = vector.shape_cast %broadcast_in_dim3A_9 : vector<16xf32> to vector<16xf32>
      tpu.vector_store %arg7[%swap3A_441], %swap3A_444 {strides = array<i32>} : memref<8448xf32, #tpu.memory_space<vmem>>, vector<16xf32>,
      %swap3A_445 = arith.constant 1312 : index
      %swap3A_446 = tpu.vector_load %arg7[%swap3A_445] {strides = array<i32>} : memref<8448xf32, #tpu.memory_space<vmem>>, vector<16xf32>,
      %swap3A_447 = vector.shape_cast %swap3A_446 : vector<16xf32> to vector<16xf32>
      %swap3A_448 = vector.shape_cast %broadcast_in_dim3A_9 : vector<16xf32> to vector<16xf32>
      tpu.vector_store %arg7[%swap3A_445], %swap3A_448 {strides = array<i32>} : memref<8448xf32, #tpu.memory_space<vmem>>, vector<16xf32>,
      %swap3A_449 = arith.constant 1328 : index
      %swap3A_450 = tpu.vector_load %arg7[%swap3A_449] {strides = array<i32>} : memref<8448xf32, #tpu.memory_space<vmem>>, vector<16xf32>,
      %swap3A_451 = vector.shape_cast %swap3A_450 : vector<16xf32> to vector<16xf32>
      %swap3A_452 = vector.shape_cast %broadcast_in_dim3A_9 : vector<16xf32> to vector<16xf32>
      tpu.vector_store %arg7[%swap3A_449], %swap3A_452 {strides = array<i32>} : memref<8448xf32, #tpu.memory_space<vmem>>, vector<16xf32>,
      %swap3A_453 = arith.constant 1344 : index
      %swap3A_454 = tpu.vector_load %arg7[%swap3A_453] {strides = array<i32>} : memref<8448xf32, #tpu.memory_space<vmem>>, vector<16xf32>,
      %swap3A_455 = vector.shape_cast %swap3A_454 : vector<16xf32> to vector<16xf32>
      %swap3A_456 = vector.shape_cast %broadcast_in_dim3A_9 : vector<16xf32> to vector<16xf32>
      tpu.vector_store %arg7[%swap3A_453], %swap3A_456 {strides = array<i32>} : memref<8448xf32, #tpu.memory_space<vmem>>, vector<16xf32>,
      %swap3A_457 = arith.constant 1360 : index
      %swap3A_458 = tpu.vector_load %arg7[%swap3A_457] {strides = array<i32>} : memref<8448xf32, #tpu.memory_space<vmem>>, vector<16xf32>,
      %swap3A_459 = vector.shape_cast %swap3A_458 : vector<16xf32> to vector<16xf32>
      %swap3A_460 = vector.shape_cast %broadcast_in_dim3A_9 : vector<16xf32> to vector<16xf32>
      tpu.vector_store %arg7[%swap3A_457], %swap3A_460 {strides = array<i32>} : memref<8448xf32, #tpu.memory_space<vmem>>, vector<16xf32>,
      %swap3A_461 = arith.constant 1376 : index
      %swap3A_462 = tpu.vector_load %arg7[%swap3A_461] {strides = array<i32>} : memref<8448xf32, #tpu.memory_space<vmem>>, vector<16xf32>,
      %swap3A_463 = vector.shape_cast %swap3A_462 : vector<16xf32> to vector<16xf32>
      %swap3A_464 = vector.shape_cast %broadcast_in_dim3A_9 : vector<16xf32> to vector<16xf32>
      tpu.vector_store %arg7[%swap3A_461], %swap3A_464 {strides = array<i32>} : memref<8448xf32, #tpu.memory_space<vmem>>, vector<16xf32>,
      %swap3A_465 = arith.constant 1392 : index
      %swap3A_466 = tpu.vector_load %arg7[%swap3A_465] {strides = array<i32>} : memref<8448xf32, #tpu.memory_space<vmem>>, vector<16xf32>,
      %swap3A_467 = vector.shape_cast %swap3A_466 : vector<16xf32> to vector<16xf32>
      %swap3A_468 = vector.shape_cast %broadcast_in_dim3A_9 : vector<16xf32> to vector<16xf32>
      tpu.vector_store %arg7[%swap3A_465], %swap3A_468 {strides = array<i32>} : memref<8448xf32, #tpu.memory_space<vmem>>, vector<16xf32>,
      %swap3A_469 = arith.constant 1408 : index
      %swap3A_470 = tpu.vector_load %arg7[%swap3A_469] {strides = array<i32>} : memref<8448xf32, #tpu.memory_space<vmem>>, vector<16xf32>,
      %swap3A_471 = vector.shape_cast %swap3A_470 : vector<16xf32> to vector<16xf32>
      %swap3A_472 = vector.shape_cast %broadcast_in_dim3A_9 : vector<16xf32> to vector<16xf32>
      tpu.vector_store %arg7[%swap3A_469], %swap3A_472 {strides = array<i32>} : memref<8448xf32, #tpu.memory_space<vmem>>, vector<16xf32>,
      %swap3A_473 = arith.constant 1424 : index
      %swap3A_474 = tpu.vector_load %arg7[%swap3A_473] {strides = array<i32>} : memref<8448xf32, #tpu.memory_space<vmem>>, vector<16xf32>,
      %swap3A_475 = vector.shape_cast %swap3A_474 : vector<16xf32> to vector<16xf32>
      %swap3A_476 = vector.shape_cast %broadcast_in_dim3A_9 : vector<16xf32> to vector<16xf32>
      tpu.vector_store %arg7[%swap3A_473], %swap3A_476 {strides = array<i32>} : memref<8448xf32, #tpu.memory_space<vmem>>, vector<16xf32>,
      %swap3A_477 = arith.constant 1440 : index
      %swap3A_478 = tpu.vector_load %arg7[%swap3A_477] {strides = array<i32>} : memref<8448xf32, #tpu.memory_space<vmem>>, vector<16xf32>,
      %swap3A_479 = vector.shape_cast %swap3A_478 : vector<16xf32> to vector<16xf32>
      %swap3A_480 = vector.shape_cast %broadcast_in_dim3A_9 : vector<16xf32> to vector<16xf32>
      tpu.vector_store %arg7[%swap3A_477], %swap3A_480 {strides = array<i32>} : memref<8448xf32, #tpu.memory_space<vmem>>, vector<16xf32>,
      %swap3A_481 = arith.constant 1456 : index
      %swap3A_482 = tpu.vector_load %arg7[%swap3A_481] {strides = array<i32>} : memref<8448xf32, #tpu.memory_space<vmem>>, vector<16xf32>,
      %swap3A_483 = vector.shape_cast %swap3A_482 : vector<16xf32> to vector<16xf32>
      %swap3A_484 = vector.shape_cast %broadcast_in_dim3A_9 : vector<16xf32> to vector<16xf32>
      tpu.vector_store %arg7[%swap3A_481], %swap3A_484 {strides = array<i32>} : memref<8448xf32, #tpu.memory_space<vmem>>, vector<16xf32>,
      %swap3A_485 = arith.constant 1472 : index
      %swap3A_486 = tpu.vector_load %arg7[%swap3A_485] {strides = array<i32>} : memref<8448xf32, #tpu.memory_space<vmem>>, vector<16xf32>,
      %swap3A_487 = vector.shape_cast %swap3A_486 : vector<16xf32> to vector<16xf32>
      %swap3A_488 = vector.shape_cast %broadcast_in_dim3A_9 : vector<16xf32> to vector<16xf32>
      tpu.vector_store %arg7[%swap3A_485], %swap3A_488 {strides = array<i32>} : memref<8448xf32, #tpu.memory_space<vmem>>, vector<16xf32>,
      %swap3A_489 = arith.constant 1488 : index
      %swap3A_490 = tpu.vector_load %arg7[%swap3A_489] {strides = array<i32>} : memref<8448xf32, #tpu.memory_space<vmem>>, vector<16xf32>,
      %swap3A_491 = vector.shape_cast %swap3A_490 : vector<16xf32> to vector<16xf32>
      %swap3A_492 = vector.shape_cast %broadcast_in_dim3A_9 : vector<16xf32> to vector<16xf32>
      tpu.vector_store %arg7[%swap3A_489], %swap3A_492 {strides = array<i32>} : memref<8448xf32, #tpu.memory_space<vmem>>, vector<16xf32>,
      %swap3A_493 = arith.constant 1504 : index
      %swap3A_494 = tpu.vector_load %arg7[%swap3A_493] {strides = array<i32>} : memref<8448xf32, #tpu.memory_space<vmem>>, vector<16xf32>,
      %swap3A_495 = vector.shape_cast %swap3A_494 : vector<16xf32> to vector<16xf32>
      %swap3A_496 = vector.shape_cast %broadcast_in_dim3A_9 : vector<16xf32> to vector<16xf32>
      tpu.vector_store %arg7[%swap3A_493], %swap3A_496 {strides = array<i32>} : memref<8448xf32, #tpu.memory_space<vmem>>, vector<16xf32>,
      %swap3A_497 = arith.constant 1520 : index
      %swap3A_498 = tpu.vector_load %arg7[%swap3A_497] {strides = array<i32>} : memref<8448xf32, #tpu.memory_space<vmem>>, vector<16xf32>,
      %swap3A_499 = vector.shape_cast %swap3A_498 : vector<16xf32> to vector<16xf32>
      %swap3A_500 = vector.shape_cast %broadcast_in_dim3A_9 : vector<16xf32> to vector<16xf32>
      tpu.vector_store %arg7[%swap3A_497], %swap3A_500 {strides = array<i32>} : memref<8448xf32, #tpu.memory_space<vmem>>, vector<16xf32>,
      %swap3A_501 = arith.constant 1536 : index
      %swap3A_502 = tpu.vector_load %arg7[%swap3A_501] {strides = array<i32>} : memref<8448xf32, #tpu.memory_space<vmem>>, vector<16xf32>,
      %swap3A_503 = vector.shape_cast %swap3A_502 : vector<16xf32> to vector<16xf32>
      %swap3A_504 = vector.shape_cast %broadcast_in_dim3A_9 : vector<16xf32> to vector<16xf32>
      tpu.vector_store %arg7[%swap3A_501], %swap3A_504 {strides = array<i32>} : memref<8448xf32, #tpu.memory_space<vmem>>, vector<16xf32>,
      %swap3A_505 = arith.constant 1552 : index
      %swap3A_506 = tpu.vector_load %arg7[%swap3A_505] {strides = array<i32>} : memref<8448xf32, #tpu.memory_space<vmem>>, vector<16xf32>,
      %swap3A_507 = vector.shape_cast %swap3A_506 : vector<16xf32> to vector<16xf32>
      %swap3A_508 = vector.shape_cast %broadcast_in_dim3A_9 : vector<16xf32> to vector<16xf32>
      tpu.vector_store %arg7[%swap3A_505], %swap3A_508 {strides = array<i32>} : memref<8448xf32, #tpu.memory_space<vmem>>, vector<16xf32>,
      %swap3A_509 = arith.constant 1568 : index
      %swap3A_510 = tpu.vector_load %arg7[%swap3A_509] {strides = array<i32>} : memref<8448xf32, #tpu.memory_space<vmem>>, vector<16xf32>,
      %swap3A_511 = vector.shape_cast %swap3A_510 : vector<16xf32> to vector<16xf32>
      %swap3A_512 = vector.shape_cast %broadcast_in_dim3A_9 : vector<16xf32> to vector<16xf32>
      tpu.vector_store %arg7[%swap3A_509], %swap3A_512 {strides = array<i32>} : memref<8448xf32, #tpu.memory_space<vmem>>, vector<16xf32>,
      %swap3A_513 = arith.constant 1584 : index
      %swap3A_514 = tpu.vector_load %arg7[%swap3A_513] {strides = array<i32>} : memref<8448xf32, #tpu.memory_space<vmem>>, vector<16xf32>,
      %swap3A_515 = vector.shape_cast %swap3A_514 : vector<16xf32> to vector<16xf32>
      %swap3A_516 = vector.shape_cast %broadcast_in_dim3A_9 : vector<16xf32> to vector<16xf32>
      tpu.vector_store %arg7[%swap3A_513], %swap3A_516 {strides = array<i32>} : memref<8448xf32, #tpu.memory_space<vmem>>, vector<16xf32>,
      %swap3A_517 = arith.constant 1600 : index
      %swap3A_518 = tpu.vector_load %arg7[%swap3A_517] {strides = array<i32>} : memref<8448xf32, #tpu.memory_space<vmem>>, vector<16xf32>,
      %swap3A_519 = vector.shape_cast %swap3A_518 : vector<16xf32> to vector<16xf32>
      %swap3A_520 = vector.shape_cast %broadcast_in_dim3A_9 : vector<16xf32> to vector<16xf32>
      tpu.vector_store %arg7[%swap3A_517], %swap3A_520 {strides = array<i32>} : memref<8448xf32, #tpu.memory_space<vmem>>, vector<16xf32>,
      %swap3A_521 = arith.constant 1616 : index
      %swap3A_522 = tpu.vector_load %arg7[%swap3A_521] {strides = array<i32>} : memref<8448xf32, #tpu.memory_space<vmem>>, vector<16xf32>,
      %swap3A_523 = vector.shape_cast %swap3A_522 : vector<16xf32> to vector<16xf32>
      %swap3A_524 = vector.shape_cast %broadcast_in_dim3A_9 : vector<16xf32> to vector<16xf32>
      tpu.vector_store %arg7[%swap3A_521], %swap3A_524 {strides = array<i32>} : memref<8448xf32, #tpu.memory_space<vmem>>, vector<16xf32>,
      %swap3A_525 = arith.constant 1632 : index
      %swap3A_526 = tpu.vector_load %arg7[%swap3A_525] {strides = array<i32>} : memref<8448xf32, #tpu.memory_space<vmem>>, vector<16xf32>,
      %swap3A_527 = vector.shape_cast %swap3A_526 : vector<16xf32> to vector<16xf32>
      %swap3A_528 = vector.shape_cast %broadcast_in_dim3A_9 : vector<16xf32> to vector<16xf32>
      tpu.vector_store %arg7[%swap3A_525], %swap3A_528 {strides = array<i32>} : memref<8448xf32, #tpu.memory_space<vmem>>, vector<16xf32>,
      %swap3A_529 = arith.constant 1648 : index
      %swap3A_530 = tpu.vector_load %arg7[%swap3A_529] {strides = array<i32>} : memref<8448xf32, #tpu.memory_space<vmem>>, vector<16xf32>,
      %swap3A_531 = vector.shape_cast %swap3A_530 : vector<16xf32> to vector<16xf32>
      %swap3A_532 = vector.shape_cast %broadcast_in_dim3A_9 : vector<16xf32> to vector<16xf32>
      tpu.vector_store %arg7[%swap3A_529], %swap3A_532 {strides = array<i32>} : memref<8448xf32, #tpu.memory_space<vmem>>, vector<16xf32>,
      %swap3A_533 = arith.constant 1664 : index
      %swap3A_534 = tpu.vector_load %arg7[%swap3A_533] {strides = array<i32>} : memref<8448xf32, #tpu.memory_space<vmem>>, vector<16xf32>,
      %swap3A_535 = vector.shape_cast %swap3A_534 : vector<16xf32> to vector<16xf32>
      %swap3A_536 = vector.shape_cast %broadcast_in_dim3A_9 : vector<16xf32> to vector<16xf32>
      tpu.vector_store %arg7[%swap3A_533], %swap3A_536 {strides = array<i32>} : memref<8448xf32, #tpu.memory_space<vmem>>, vector<16xf32>,
      %swap3A_537 = arith.constant 1680 : index
      %swap3A_538 = tpu.vector_load %arg7[%swap3A_537] {strides = array<i32>} : memref<8448xf32, #tpu.memory_space<vmem>>, vector<16xf32>,
      %swap3A_539 = vector.shape_cast %swap3A_538 : vector<16xf32> to vector<16xf32>
      %swap3A_540 = vector.shape_cast %broadcast_in_dim3A_9 : vector<16xf32> to vector<16xf32>
      tpu.vector_store %arg7[%swap3A_537], %swap3A_540 {strides = array<i32>} : memref<8448xf32, #tpu.memory_space<vmem>>, vector<16xf32>,
      %swap3A_541 = arith.constant 1696 : index
      %swap3A_542 = tpu.vector_load %arg7[%swap3A_541] {strides = array<i32>} : memref<8448xf32, #tpu.memory_space<vmem>>, vector<16xf32>,
      %swap3A_543 = vector.shape_cast %swap3A_542 : vector<16xf32> to vector<16xf32>
      %swap3A_544 = vector.shape_cast %broadcast_in_dim3A_9 : vector<16xf32> to vector<16xf32>
      tpu.vector_store %arg7[%swap3A_541], %swap3A_544 {strides = array<i32>} : memref<8448xf32, #tpu.memory_space<vmem>>, vector<16xf32>,
      %swap3A_545 = arith.constant 1712 : index
      %swap3A_546 = tpu.vector_load %arg7[%swap3A_545] {strides = array<i32>} : memref<8448xf32, #tpu.memory_space<vmem>>, vector<16xf32>,
      %swap3A_547 = vector.shape_cast %swap3A_546 : vector<16xf32> to vector<16xf32>
      %swap3A_548 = vector.shape_cast %broadcast_in_dim3A_9 : vector<16xf32> to vector<16xf32>
      tpu.vector_store %arg7[%swap3A_545], %swap3A_548 {strides = array<i32>} : memref<8448xf32, #tpu.memory_space<vmem>>, vector<16xf32>,
      %swap3A_549 = arith.constant 1728 : index
      %swap3A_550 = tpu.vector_load %arg7[%swap3A_549] {strides = array<i32>} : memref<8448xf32, #tpu.memory_space<vmem>>, vector<16xf32>,
      %swap3A_551 = vector.shape_cast %swap3A_550 : vector<16xf32> to vector<16xf32>
      %swap3A_552 = vector.shape_cast %broadcast_in_dim3A_9 : vector<16xf32> to vector<16xf32>
      tpu.vector_store %arg7[%swap3A_549], %swap3A_552 {strides = array<i32>} : memref<8448xf32, #tpu.memory_space<vmem>>, vector<16xf32>,
      %swap3A_553 = arith.constant 1744 : index
      %swap3A_554 = tpu.vector_load %arg7[%swap3A_553] {strides = array<i32>} : memref<8448xf32, #tpu.memory_space<vmem>>, vector<16xf32>,
      %swap3A_555 = vector.shape_cast %swap3A_554 : vector<16xf32> to vector<16xf32>
      %swap3A_556 = vector.shape_cast %broadcast_in_dim3A_9 : vector<16xf32> to vector<16xf32>
      tpu.vector_store %arg7[%swap3A_553], %swap3A_556 {strides = array<i32>} : memref<8448xf32, #tpu.memory_space<vmem>>, vector<16xf32>,
      %swap3A_557 = arith.constant 1760 : index
      %swap3A_558 = tpu.vector_load %arg7[%swap3A_557] {strides = array<i32>} : memref<8448xf32, #tpu.memory_space<vmem>>, vector<16xf32>,
      %swap3A_559 = vector.shape_cast %swap3A_558 : vector<16xf32> to vector<16xf32>
      %swap3A_560 = vector.shape_cast %broadcast_in_dim3A_9 : vector<16xf32> to vector<16xf32>
      tpu.vector_store %arg7[%swap3A_557], %swap3A_560 {strides = array<i32>} : memref<8448xf32, #tpu.memory_space<vmem>>, vector<16xf32>,
      %swap3A_561 = arith.constant 1776 : index
      %swap3A_562 = tpu.vector_load %arg7[%swap3A_561] {strides = array<i32>} : memref<8448xf32, #tpu.memory_space<vmem>>, vector<16xf32>,
      %swap3A_563 = vector.shape_cast %swap3A_562 : vector<16xf32> to vector<16xf32>
      %swap3A_564 = vector.shape_cast %broadcast_in_dim3A_9 : vector<16xf32> to vector<16xf32>
      tpu.vector_store %arg7[%swap3A_561], %swap3A_564 {strides = array<i32>} : memref<8448xf32, #tpu.memory_space<vmem>>, vector<16xf32>,
      %swap3A_565 = arith.constant 1792 : index
      %swap3A_566 = tpu.vector_load %arg7[%swap3A_565] {strides = array<i32>} : memref<8448xf32, #tpu.memory_space<vmem>>, vector<16xf32>,
      %swap3A_567 = vector.shape_cast %swap3A_566 : vector<16xf32> to vector<16xf32>
      %swap3A_568 = vector.shape_cast %broadcast_in_dim3A_9 : vector<16xf32> to vector<16xf32>
      tpu.vector_store %arg7[%swap3A_565], %swap3A_568 {strides = array<i32>} : memref<8448xf32, #tpu.memory_space<vmem>>, vector<16xf32>,
      %swap3A_569 = arith.constant 1808 : index
      %swap3A_570 = tpu.vector_load %arg7[%swap3A_569] {strides = array<i32>} : memref<8448xf32, #tpu.memory_space<vmem>>, vector<16xf32>,
      %swap3A_571 = vector.shape_cast %swap3A_570 : vector<16xf32> to vector<16xf32>
      %swap3A_572 = vector.shape_cast %broadcast_in_dim3A_9 : vector<16xf32> to vector<16xf32>
      tpu.vector_store %arg7[%swap3A_569], %swap3A_572 {strides = array<i32>} : memref<8448xf32, #tpu.memory_space<vmem>>, vector<16xf32>,
      %swap3A_573 = arith.constant 1824 : index
      %swap3A_574 = tpu.vector_load %arg7[%swap3A_573] {strides = array<i32>} : memref<8448xf32, #tpu.memory_space<vmem>>, vector<16xf32>,
      %swap3A_575 = vector.shape_cast %swap3A_574 : vector<16xf32> to vector<16xf32>
      %swap3A_576 = vector.shape_cast %broadcast_in_dim3A_9 : vector<16xf32> to vector<16xf32>
      tpu.vector_store %arg7[%swap3A_573], %swap3A_576 {strides = array<i32>} : memref<8448xf32, #tpu.memory_space<vmem>>, vector<16xf32>,
      %swap3A_577 = arith.constant 1840 : index
      %swap3A_578 = tpu.vector_load %arg7[%swap3A_577] {strides = array<i32>} : memref<8448xf32, #tpu.memory_space<vmem>>, vector<16xf32>,
      %swap3A_579 = vector.shape_cast %swap3A_578 : vector<16xf32> to vector<16xf32>
      %swap3A_580 = vector.shape_cast %broadcast_in_dim3A_9 : vector<16xf32> to vector<16xf32>
      tpu.vector_store %arg7[%swap3A_577], %swap3A_580 {strides = array<i32>} : memref<8448xf32, #tpu.memory_space<vmem>>, vector<16xf32>,
      %swap3A_581 = arith.constant 1856 : index
      %swap3A_582 = tpu.vector_load %arg7[%swap3A_581] {strides = array<i32>} : memref<8448xf32, #tpu.memory_space<vmem>>, vector<16xf32>,
      %swap3A_583 = vector.shape_cast %swap3A_582 : vector<16xf32> to vector<16xf32>
      %swap3A_584 = vector.shape_cast %broadcast_in_dim3A_9 : vector<16xf32> to vector<16xf32>
      tpu.vector_store %arg7[%swap3A_581], %swap3A_584 {strides = array<i32>} : memref<8448xf32, #tpu.memory_space<vmem>>, vector<16xf32>,
      %swap3A_585 = arith.constant 1872 : index
      %swap3A_586 = tpu.vector_load %arg7[%swap3A_585] {strides = array<i32>} : memref<8448xf32, #tpu.memory_space<vmem>>, vector<16xf32>,
      %swap3A_587 = vector.shape_cast %swap3A_586 : vector<16xf32> to vector<16xf32>
      %swap3A_588 = vector.shape_cast %broadcast_in_dim3A_9 : vector<16xf32> to vector<16xf32>
      tpu.vector_store %arg7[%swap3A_585], %swap3A_588 {strides = array<i32>} : memref<8448xf32, #tpu.memory_space<vmem>>, vector<16xf32>,
      %get3A = arith.constant 1888 : index
      %get3A_589 = tpu.vector_load %arg7[%get3A] {strides = array<i32>} : memref<8448xf32, #tpu.memory_space<vmem>>, vector<16xf32>,
      %get3A_590 = vector.shape_cast %get3A_589 : vector<16xf32> to vector<16xf32>
      %iota3A = tpu.iota {dimensions = array<i32: 0>} : vector<16xi32>
      %lt3A = arith.constant 8 : i32
      %lt3A_591 = vector.broadcast %lt3A : i32 to vector<16xi32>
      %lt3A_592 = arith.cmpi slt, %iota3A, %lt3A_591 : vector<16xi32>
      %broadcast_in_dim3A_593 = arith.constant 0.000000e+00 : f32
      %broadcast_in_dim3A_594 = vector.broadcast %broadcast_in_dim3A_593 : f32 to vector<16xf32>
      %select_n3A = arith.select %lt3A_592, %broadcast_in_dim3A_594, %get3A_590 : vector<16xi1>, vector<16xf32>
      %swap3A_595 = arith.constant 1888 : index
      %swap3A_596 = tpu.vector_load %arg7[%swap3A_595] {strides = array<i32>} : memref<8448xf32, #tpu.memory_space<vmem>>, vector<16xf32>,
      %swap3A_597 = vector.shape_cast %swap3A_596 : vector<16xf32> to vector<16xf32>
      %swap3A_598 = vector.shape_cast %select_n3A : vector<16xf32> to vector<16xf32>
      tpu.vector_store %arg7[%swap3A_595], %swap3A_598 {strides = array<i32>} : memref<8448xf32, #tpu.memory_space<vmem>>, vector<16xf32>,
    } else {
    }
    %barrier3A = arith.constant 0 : index
    tpu.barrier barrier_id(%barrier3A)
    %dma_start3A_62 = arith.constant 0 : i32
    %dma_start3A_63 = arith.constant 0 : i32
    %dma_start3A_64 = arith.constant 0 : i32
    %dma_start3A_65 = tpu.memref_slice %arg9[%dma_start3A_62, %dma_start3A_63, %dma_start3A_64] : memref<2x128x64xf32, #tpu.memory_space<vmem>> -> memref<1x128x64xf32, #tpu.memory_space<vmem>>
    %dma_start3A_66 = tpu.memref_squeeze %dma_start3A_65 : memref<1x128x64xf32, #tpu.memory_space<vmem>> -> memref<128x64xf32, #tpu.memory_space<vmem>>
    %dma_start3A_67 = arith.constant 0 : i32
    %dma_start3A_68 = tpu.memref_slice %arg6[%dma_start3A_67] : memref<8448xi32, #tpu.memory_space<vmem>> -> memref<128xi32, #tpu.memory_space<vmem>>
    %dma_start3A_69 = arith.constant 0 : i32
    %dma_start3A_70 = arith.constant 0 : i32
    %dma_start3A_71 = tpu.memref_slice %arg2[%dma_start3A_69, %dma_start3A_70] : memref<16384x64xf32, #tpu.memory_space<hbm>> -> memref<16384x64xf32, #tpu.memory_space<hbm>>
    tpu.enqueue_indirect_dma source(%dma_start3A_71 : memref<16384x64xf32, #tpu.memory_space<hbm>>) target(%dma_start3A_66 : memref<128x64xf32, #tpu.memory_space<vmem>>) offsets(%dma_start3A_68 : memref<128xi32, #tpu.memory_space<vmem>>) semaphore(%arg12 : memref<!tpu.dma_semaphore, #tpu.memory_space<semaphore_mem>>)
    %dma_start3A_72 = arith.constant 1 : i32
    %dma_start3A_73 = arith.constant 0 : i32
    %dma_start3A_74 = arith.constant 0 : i32
    %dma_start3A_75 = tpu.memref_slice %arg9[%dma_start3A_72, %dma_start3A_73, %dma_start3A_74] : memref<2x128x64xf32, #tpu.memory_space<vmem>> -> memref<1x128x64xf32, #tpu.memory_space<vmem>>
    %dma_start3A_76 = tpu.memref_squeeze %dma_start3A_75 : memref<1x128x64xf32, #tpu.memory_space<vmem>> -> memref<128x64xf32, #tpu.memory_space<vmem>>
    %dma_start3A_77 = arith.constant 128 : i32
    %dma_start3A_78 = tpu.memref_slice %arg6[%dma_start3A_77] : memref<8448xi32, #tpu.memory_space<vmem>> -> memref<128xi32, #tpu.memory_space<vmem>>
    %dma_start3A_79 = arith.constant 0 : i32
    %dma_start3A_80 = arith.constant 0 : i32
    %dma_start3A_81 = tpu.memref_slice %arg2[%dma_start3A_79, %dma_start3A_80] : memref<16384x64xf32, #tpu.memory_space<hbm>> -> memref<16384x64xf32, #tpu.memory_space<hbm>>
    tpu.enqueue_indirect_dma source(%dma_start3A_81 : memref<16384x64xf32, #tpu.memory_space<hbm>>) target(%dma_start3A_76 : memref<128x64xf32, #tpu.memory_space<vmem>>) offsets(%dma_start3A_78 : memref<128xi32, #tpu.memory_space<vmem>>) semaphore(%arg13 : memref<!tpu.dma_semaphore, #tpu.memory_space<semaphore_mem>>)
    %scan3A_82 = arith.constant 0 : i32
    %scan3A_83 = arith.constant 0 : i32
    %scan3A_84 = arith.constant 33 : i32
    %scan3A_85 = arith.addi %scan3A_83, %scan3A_84 : i32
    %scan3A_86 = arith.constant 1 : i32
    %scan3A_87 = scf.for %scan3A_118 = %scan3A_83 to %scan3A_85 step %scan3A_86 iter_args(%scan3A_119 = %scan3A_82) -> (i32)  : i32 {
      %mul3A_120 = arith.constant 2 : i32
      %mul3A_121 = arith.muli %scan3A_118, %mul3A_120 : i32
      %add3A_122 = arith.constant 0 : i32
      %add3A_123 = arith.addi %mul3A_121, %add3A_122 : i32
      %ge3A = arith.constant 1 : i32
      %ge3A_124 = arith.cmpi sge, %scan3A_118, %ge3A : i32
      %convert_element_type3A_125 = arith.extui %ge3A_124 : i1 to i32
      %cond3A_126 = arith.constant 0 : i32
      %cond3A_127 = arith.cmpi ne, %convert_element_type3A_125, %cond3A_126 : i32
      scf.if %cond3A_127 {
        %dma_wait3A_255 = arith.constant 0 : i32
        %dma_wait3A_256 = arith.constant 0 : i32
        %dma_wait3A_257 = arith.constant 0 : i32
        %dma_wait3A_258 = arith.constant 0 : i32
        %dma_wait3A_259 = tpu.memref_slice %arg10[%dma_wait3A_255, %dma_wait3A_257, %dma_wait3A_258] : memref<2x128x64xf32, #tpu.memory_space<vmem>> -> memref<1x128x64xf32, #tpu.memory_space<vmem>>
        %dma_wait3A_260 = tpu.memref_squeeze %dma_wait3A_259 : memref<1x128x64xf32, #tpu.memory_space<vmem>> -> memref<128x64xf32, #tpu.memory_space<vmem>>
        %dma_wait3A_261 = arith.constant 0 : i32
        %dma_wait3A_262 = tpu.memref_slice %arg8[%dma_wait3A_256, %dma_wait3A_261] : memref<2x128xi32, #tpu.memory_space<vmem>> -> memref<1x128xi32, #tpu.memory_space<vmem>>
        %dma_wait3A_263 = tpu.memref_squeeze %dma_wait3A_262 : memref<1x128xi32, #tpu.memory_space<vmem>> -> memref<128xi32, #tpu.memory_space<vmem>>
        %dma_wait3A_264 = arith.constant 0 : i32
        %dma_wait3A_265 = arith.constant 0 : i32
        %dma_wait3A_266 = tpu.memref_slice %arg11[%dma_wait3A_264, %dma_wait3A_265] : memref<16384x64xf32, #tpu.memory_space<vmem_shared>> -> memref<16384x64xf32, #tpu.memory_space<vmem_shared>>
        tpu.wait_indirect_dma semaphore(%arg14 : memref<!tpu.dma_semaphore, #tpu.memory_space<semaphore_mem>>) src(%dma_wait3A_260 : memref<128x64xf32, #tpu.memory_space<vmem>>) dst(%dma_wait3A_266 : memref<16384x64xf32, #tpu.memory_space<vmem_shared>>)
      } else {
      }
      %mul3A_128 = arith.constant 128 : i32
      %mul3A_129 = arith.muli %add3A_123, %mul3A_128 : i32
      %add3A_130 = arith.addi %min3A_3, %mul3A_129 : i32
      %dma_start3A_131 = arith.constant 0 : i32
      %dma_start3A_132 = arith.constant 0 : i32
      %dma_start3A_133 = tpu.memref_slice %arg8[%dma_start3A_131, %dma_start3A_132] : memref<2x128xi32, #tpu.memory_space<vmem>> -> memref<1x128xi32, #tpu.memory_space<vmem>>
      %dma_start3A_134 = tpu.memref_squeeze %dma_start3A_133 : memref<1x128xi32, #tpu.memory_space<vmem>> -> memref<128xi32, #tpu.memory_space<vmem>>
      %dma_start3A_135 = tpu.memref_slice %arg3[%add3A_130] : memref<536907xi32, #tpu.memory_space<hbm>> -> memref<128xi32, #tpu.memory_space<hbm>>
      %dma_start3A_136 = arith.constant 0 : i32
      %dma_start3A_137 = tpu.memref_slice %arg8[%dma_start3A_131, %dma_start3A_136] : memref<2x128xi32, #tpu.memory_space<vmem>> -> memref<1x128xi32, #tpu.memory_space<vmem>>
      %dma_start3A_138 = tpu.memref_squeeze %dma_start3A_137 : memref<1x128xi32, #tpu.memory_space<vmem>> -> memref<128xi32, #tpu.memory_space<vmem>>
      %dma_start3A_139 = tpu.memref_slice %arg3[%add3A_130] : memref<536907xi32, #tpu.memory_space<hbm>> -> memref<128xi32, #tpu.memory_space<hbm>>
      tpu.enqueue_dma source(%dma_start3A_139 : memref<128xi32, #tpu.memory_space<hbm>>) target(%dma_start3A_138 : memref<128xi32, #tpu.memory_space<vmem>>) target_semaphore(%arg16 : memref<!tpu.dma_semaphore, #tpu.memory_space<semaphore_mem>>)
      %mul3A_140 = arith.constant 128 : i32
      %mul3A_141 = arith.muli %add3A_123, %mul3A_140 : i32
      %dma_wait3A_142 = arith.constant 0 : i32
      %dma_wait3A_143 = arith.constant 0 : i32
      %dma_wait3A_144 = arith.constant 0 : i32
      %dma_wait3A_145 = tpu.memref_slice %arg9[%dma_wait3A_142, %dma_wait3A_143, %dma_wait3A_144] : memref<2x128x64xf32, #tpu.memory_space<vmem>> -> memref<1x128x64xf32, #tpu.memory_space<vmem>>
      %dma_wait3A_146 = tpu.memref_squeeze %dma_wait3A_145 : memref<1x128x64xf32, #tpu.memory_space<vmem>> -> memref<128x64xf32, #tpu.memory_space<vmem>>
      %dma_wait3A_147 = tpu.memref_slice %arg6[%mul3A_141] : memref<8448xi32, #tpu.memory_space<vmem>> -> memref<128xi32, #tpu.memory_space<vmem>>
      %dma_wait3A_148 = arith.constant 0 : i32
      %dma_wait3A_149 = arith.constant 0 : i32
      %dma_wait3A_150 = tpu.memref_slice %arg2[%dma_wait3A_148, %dma_wait3A_149] : memref<16384x64xf32, #tpu.memory_space<hbm>> -> memref<16384x64xf32, #tpu.memory_space<hbm>>
      tpu.wait_indirect_dma semaphore(%arg12 : memref<!tpu.dma_semaphore, #tpu.memory_space<semaphore_mem>>) src(%dma_wait3A_150 : memref<16384x64xf32, #tpu.memory_space<hbm>>) dst(%dma_wait3A_146 : memref<128x64xf32, #tpu.memory_space<vmem>>)
      %scan3A_151 = arith.constant 0 : i32
      %scan3A_152 = arith.constant 0 : i32
      %scan3A_153 = arith.constant 8 : i32
      %scan3A_154 = arith.addi %scan3A_152, %scan3A_153 : i32
      %scan3A_155 = arith.constant 1 : i32
      %scan3A_156 = scf.for %scan3A_255 = %scan3A_152 to %scan3A_154 step %scan3A_155 iter_args(%scan3A_256 = %scan3A_151) -> (i32)  : i32 {
        %mul3A_257 = arith.constant 128 : i32
        %mul3A_258 = arith.muli %add3A_123, %mul3A_257 : i32
        %mul3A_259 = arith.constant 16 : i32
        %mul3A_260 = arith.muli %scan3A_255, %mul3A_259 : i32
        %add3A_261 = arith.addi %mul3A_258, %mul3A_260 : i32
        %get3A = arith.index_cast %add3A_261 : i32 to index
        %get3A_262 = tpu.vector_load %arg7[%get3A] {strides = array<i32>} : memref<8448xf32, #tpu.memory_space<vmem>>, vector<16xf32>,
        %get3A_263 = vector.shape_cast %get3A_262 : vector<16xf32> to vector<16xf32>
        %broadcast_in_dim3A_264 = arith.constant 0 : i32
        %broadcast_in_dim3A_265 = vector.broadcast %broadcast_in_dim3A_264 : i32 to vector<16x1xi32>
        %gather3A = vector.shape_cast %broadcast_in_dim3A_265 : vector<16x1xi32> to vector<16xi32>
        %gather3A_266 = tpu.dynamic_gather %get3A_263[%gather3A] in [0] : vector<16xf32>, vector<16xi32> -> vector<16xf32>
        %mul3A_267 = arith.constant 16 : i32
        %mul3A_268 = arith.muli %scan3A_255, %mul3A_267 : i32
        %add3A_269 = arith.constant 0 : i32
        %add3A_270 = arith.addi %mul3A_268, %add3A_269 : i32
        %get3A_271 = arith.constant 0 : i32
        %get3A_272 = arith.index_cast %get3A_271 : i32 to index
        %get3A_273 = arith.index_cast %add3A_270 : i32 to index
        %get3A_274 = arith.constant 0 : index
        %get3A_275 = tpu.vector_load %arg9[%get3A_272, %get3A_273, %get3A_274] {strides = array<i32>} : memref<2x128x64xf32, #tpu.memory_space<vmem>>, vector<1x1x16xf32>,
        %get3A_276 = vector.shape_cast %get3A_275 : vector<1x1x16xf32> to vector<16xf32>
        %mul3A_277 = arith.mulf %get3A_276, %gather3A_266 : vector<16xf32>
        %swap3A = arith.constant 0 : i32
        %swap3A_278 = arith.index_cast %swap3A : i32 to index
        %swap3A_279 = arith.index_cast %add3A_270 : i32 to index
        %swap3A_280 = arith.constant 0 : index
        %swap3A_281 = tpu.vector_load %arg10[%swap3A_278, %swap3A_279, %swap3A_280] {strides = array<i32>} : memref<2x128x64xf32, #tpu.memory_space<vmem>>, vector<1x1x16xf32>,
        %swap3A_282 = vector.shape_cast %swap3A_281 : vector<1x1x16xf32> to vector<16xf32>
        %swap3A_283 = vector.shape_cast %mul3A_277 : vector<16xf32> to vector<1x1x16xf32>
        tpu.vector_store %arg10[%swap3A_278, %swap3A_279, %swap3A_280], %swap3A_283 {strides = array<i32>} : memref<2x128x64xf32, #tpu.memory_space<vmem>>, vector<1x1x16xf32>,
        %get3A_284 = arith.constant 0 : i32
        %get3A_285 = arith.index_cast %get3A_284 : i32 to index
        %get3A_286 = arith.index_cast %add3A_270 : i32 to index
        %get3A_287 = arith.constant 16 : index
        %get3A_288 = tpu.vector_load %arg9[%get3A_285, %get3A_286, %get3A_287] {strides = array<i32>} : memref<2x128x64xf32, #tpu.memory_space<vmem>>, vector<1x1x16xf32>,
        %get3A_289 = vector.shape_cast %get3A_288 : vector<1x1x16xf32> to vector<16xf32>
        %mul3A_290 = arith.mulf %get3A_289, %gather3A_266 : vector<16xf32>
        %swap3A_291 = arith.constant 0 : i32
        %swap3A_292 = arith.index_cast %swap3A_291 : i32 to index
        %swap3A_293 = arith.index_cast %add3A_270 : i32 to index
        %swap3A_294 = arith.constant 16 : index
        %swap3A_295 = tpu.vector_load %arg10[%swap3A_292, %swap3A_293, %swap3A_294] {strides = array<i32>} : memref<2x128x64xf32, #tpu.memory_space<vmem>>, vector<1x1x16xf32>,
        %swap3A_296 = vector.shape_cast %swap3A_295 : vector<1x1x16xf32> to vector<16xf32>
        %swap3A_297 = vector.shape_cast %mul3A_290 : vector<16xf32> to vector<1x1x16xf32>
        tpu.vector_store %arg10[%swap3A_292, %swap3A_293, %swap3A_294], %swap3A_297 {strides = array<i32>} : memref<2x128x64xf32, #tpu.memory_space<vmem>>, vector<1x1x16xf32>,
        %get3A_298 = arith.constant 0 : i32
        %get3A_299 = arith.index_cast %get3A_298 : i32 to index
        %get3A_300 = arith.index_cast %add3A_270 : i32 to index
        %get3A_301 = arith.constant 32 : index
        %get3A_302 = tpu.vector_load %arg9[%get3A_299, %get3A_300, %get3A_301] {strides = array<i32>} : memref<2x128x64xf32, #tpu.memory_space<vmem>>, vector<1x1x16xf32>,
        %get3A_303 = vector.shape_cast %get3A_302 : vector<1x1x16xf32> to vector<16xf32>
        %mul3A_304 = arith.mulf %get3A_303, %gather3A_266 : vector<16xf32>
        %swap3A_305 = arith.constant 0 : i32
        %swap3A_306 = arith.index_cast %swap3A_305 : i32 to index
        %swap3A_307 = arith.index_cast %add3A_270 : i32 to index
        %swap3A_308 = arith.constant 32 : index
        %swap3A_309 = tpu.vector_load %arg10[%swap3A_306, %swap3A_307, %swap3A_308] {strides = array<i32>} : memref<2x128x64xf32, #tpu.memory_space<vmem>>, vector<1x1x16xf32>,
        %swap3A_310 = vector.shape_cast %swap3A_309 : vector<1x1x16xf32> to vector<16xf32>
        %swap3A_311 = vector.shape_cast %mul3A_304 : vector<16xf32> to vector<1x1x16xf32>
        tpu.vector_store %arg10[%swap3A_306, %swap3A_307, %swap3A_308], %swap3A_311 {strides = array<i32>} : memref<2x128x64xf32, #tpu.memory_space<vmem>>, vector<1x1x16xf32>,
        %get3A_312 = arith.constant 0 : i32
        %get3A_313 = arith.index_cast %get3A_312 : i32 to index
        %get3A_314 = arith.index_cast %add3A_270 : i32 to index
        %get3A_315 = arith.constant 48 : index
        %get3A_316 = tpu.vector_load %arg9[%get3A_313, %get3A_314, %get3A_315] {strides = array<i32>} : memref<2x128x64xf32, #tpu.memory_space<vmem>>, vector<1x1x16xf32>,
        %get3A_317 = vector.shape_cast %get3A_316 : vector<1x1x16xf32> to vector<16xf32>
        %mul3A_318 = arith.mulf %get3A_317, %gather3A_266 : vector<16xf32>
        %swap3A_319 = arith.constant 0 : i32
        %swap3A_320 = arith.index_cast %swap3A_319 : i32 to index
        %swap3A_321 = arith.index_cast %add3A_270 : i32 to index
        %swap3A_322 = arith.constant 48 : index
        %swap3A_323 = tpu.vector_load %arg10[%swap3A_320, %swap3A_321, %swap3A_322] {strides = array<i32>} : memref<2x128x64xf32, #tpu.memory_space<vmem>>, vector<1x1x16xf32>,
        %swap3A_324 = vector.shape_cast %swap3A_323 : vector<1x1x16xf32> to vector<16xf32>
        %swap3A_325 = vector.shape_cast %mul3A_318 : vector<16xf32> to vector<1x1x16xf32>
        tpu.vector_store %arg10[%swap3A_320, %swap3A_321, %swap3A_322], %swap3A_325 {strides = array<i32>} : memref<2x128x64xf32, #tpu.memory_space<vmem>>, vector<1x1x16xf32>,
        %broadcast_in_dim3A_326 = arith.constant 1 : i32
        %broadcast_in_dim3A_327 = vector.broadcast %broadcast_in_dim3A_326 : i32 to vector<16x1xi32>
        %gather3A_328 = vector.shape_cast %broadcast_in_dim3A_327 : vector<16x1xi32> to vector<16xi32>
        %gather3A_329 = tpu.dynamic_gather %get3A_263[%gather3A_328] in [0] : vector<16xf32>, vector<16xi32> -> vector<16xf32>
        %mul3A_330 = arith.constant 16 : i32
        %mul3A_331 = arith.muli %scan3A_255, %mul3A_330 : i32
        %add3A_332 = arith.constant 1 : i32
        %add3A_333 = arith.addi %mul3A_331, %add3A_332 : i32
        %get3A_334 = arith.constant 0 : i32
        %get3A_335 = arith.index_cast %get3A_334 : i32 to index
        %get3A_336 = arith.index_cast %add3A_333 : i32 to index
        %get3A_337 = arith.constant 0 : index
        %get3A_338 = tpu.vector_load %arg9[%get3A_335, %get3A_336, %get3A_337] {strides = array<i32>} : memref<2x128x64xf32, #tpu.memory_space<vmem>>, vector<1x1x16xf32>,
        %get3A_339 = vector.shape_cast %get3A_338 : vector<1x1x16xf32> to vector<16xf32>
        %mul3A_340 = arith.mulf %get3A_339, %gather3A_329 : vector<16xf32>
        %swap3A_341 = arith.constant 0 : i32
        %swap3A_342 = arith.index_cast %swap3A_341 : i32 to index
        %swap3A_343 = arith.index_cast %add3A_333 : i32 to index
        %swap3A_344 = arith.constant 0 : index
        %swap3A_345 = tpu.vector_load %arg10[%swap3A_342, %swap3A_343, %swap3A_344] {strides = array<i32>} : memref<2x128x64xf32, #tpu.memory_space<vmem>>, vector<1x1x16xf32>,
        %swap3A_346 = vector.shape_cast %swap3A_345 : vector<1x1x16xf32> to vector<16xf32>
        %swap3A_347 = vector.shape_cast %mul3A_340 : vector<16xf32> to vector<1x1x16xf32>
        tpu.vector_store %arg10[%swap3A_342, %swap3A_343, %swap3A_344], %swap3A_347 {strides = array<i32>} : memref<2x128x64xf32, #tpu.memory_space<vmem>>, vector<1x1x16xf32>,
        %get3A_348 = arith.constant 0 : i32
        %get3A_349 = arith.index_cast %get3A_348 : i32 to index
        %get3A_350 = arith.index_cast %add3A_333 : i32 to index
        %get3A_351 = arith.constant 16 : index
        %get3A_352 = tpu.vector_load %arg9[%get3A_349, %get3A_350, %get3A_351] {strides = array<i32>} : memref<2x128x64xf32, #tpu.memory_space<vmem>>, vector<1x1x16xf32>,
        %get3A_353 = vector.shape_cast %get3A_352 : vector<1x1x16xf32> to vector<16xf32>
        %mul3A_354 = arith.mulf %get3A_353, %gather3A_329 : vector<16xf32>
        %swap3A_355 = arith.constant 0 : i32
        %swap3A_356 = arith.index_cast %swap3A_355 : i32 to index
        %swap3A_357 = arith.index_cast %add3A_333 : i32 to index
        %swap3A_358 = arith.constant 16 : index
        %swap3A_359 = tpu.vector_load %arg10[%swap3A_356, %swap3A_357, %swap3A_358] {strides = array<i32>} : memref<2x128x64xf32, #tpu.memory_space<vmem>>, vector<1x1x16xf32>,
        %swap3A_360 = vector.shape_cast %swap3A_359 : vector<1x1x16xf32> to vector<16xf32>
        %swap3A_361 = vector.shape_cast %mul3A_354 : vector<16xf32> to vector<1x1x16xf32>
        tpu.vector_store %arg10[%swap3A_356, %swap3A_357, %swap3A_358], %swap3A_361 {strides = array<i32>} : memref<2x128x64xf32, #tpu.memory_space<vmem>>, vector<1x1x16xf32>,
        %get3A_362 = arith.constant 0 : i32
        %get3A_363 = arith.index_cast %get3A_362 : i32 to index
        %get3A_364 = arith.index_cast %add3A_333 : i32 to index
        %get3A_365 = arith.constant 32 : index
        %get3A_366 = tpu.vector_load %arg9[%get3A_363, %get3A_364, %get3A_365] {strides = array<i32>} : memref<2x128x64xf32, #tpu.memory_space<vmem>>, vector<1x1x16xf32>,
        %get3A_367 = vector.shape_cast %get3A_366 : vector<1x1x16xf32> to vector<16xf32>
        %mul3A_368 = arith.mulf %get3A_367, %gather3A_329 : vector<16xf32>
        %swap3A_369 = arith.constant 0 : i32
        %swap3A_370 = arith.index_cast %swap3A_369 : i32 to index
        %swap3A_371 = arith.index_cast %add3A_333 : i32 to index
        %swap3A_372 = arith.constant 32 : index
        %swap3A_373 = tpu.vector_load %arg10[%swap3A_370, %swap3A_371, %swap3A_372] {strides = array<i32>} : memref<2x128x64xf32, #tpu.memory_space<vmem>>, vector<1x1x16xf32>,
        %swap3A_374 = vector.shape_cast %swap3A_373 : vector<1x1x16xf32> to vector<16xf32>
        %swap3A_375 = vector.shape_cast %mul3A_368 : vector<16xf32> to vector<1x1x16xf32>
        tpu.vector_store %arg10[%swap3A_370, %swap3A_371, %swap3A_372], %swap3A_375 {strides = array<i32>} : memref<2x128x64xf32, #tpu.memory_space<vmem>>, vector<1x1x16xf32>,
        %get3A_376 = arith.constant 0 : i32
        %get3A_377 = arith.index_cast %get3A_376 : i32 to index
        %get3A_378 = arith.index_cast %add3A_333 : i32 to index
        %get3A_379 = arith.constant 48 : index
        %get3A_380 = tpu.vector_load %arg9[%get3A_377, %get3A_378, %get3A_379] {strides = array<i32>} : memref<2x128x64xf32, #tpu.memory_space<vmem>>, vector<1x1x16xf32>,
        %get3A_381 = vector.shape_cast %get3A_380 : vector<1x1x16xf32> to vector<16xf32>
        %mul3A_382 = arith.mulf %get3A_381, %gather3A_329 : vector<16xf32>
        %swap3A_383 = arith.constant 0 : i32
        %swap3A_384 = arith.index_cast %swap3A_383 : i32 to index
        %swap3A_385 = arith.index_cast %add3A_333 : i32 to index
        %swap3A_386 = arith.constant 48 : index
        %swap3A_387 = tpu.vector_load %arg10[%swap3A_384, %swap3A_385, %swap3A_386] {strides = array<i32>} : memref<2x128x64xf32, #tpu.memory_space<vmem>>, vector<1x1x16xf32>,
        %swap3A_388 = vector.shape_cast %swap3A_387 : vector<1x1x16xf32> to vector<16xf32>
        %swap3A_389 = vector.shape_cast %mul3A_382 : vector<16xf32> to vector<1x1x16xf32>
        tpu.vector_store %arg10[%swap3A_384, %swap3A_385, %swap3A_386], %swap3A_389 {strides = array<i32>} : memref<2x128x64xf32, #tpu.memory_space<vmem>>, vector<1x1x16xf32>,
        %broadcast_in_dim3A_390 = arith.constant 2 : i32
        %broadcast_in_dim3A_391 = vector.broadcast %broadcast_in_dim3A_390 : i32 to vector<16x1xi32>
        %gather3A_392 = vector.shape_cast %broadcast_in_dim3A_391 : vector<16x1xi32> to vector<16xi32>
        %gather3A_393 = tpu.dynamic_gather %get3A_263[%gather3A_392] in [0] : vector<16xf32>, vector<16xi32> -> vector<16xf32>
        %mul3A_394 = arith.constant 16 : i32
        %mul3A_395 = arith.muli %scan3A_255, %mul3A_394 : i32
        %add3A_396 = arith.constant 2 : i32
        %add3A_397 = arith.addi %mul3A_395, %add3A_396 : i32
        %get3A_398 = arith.constant 0 : i32
        %get3A_399 = arith.index_cast %get3A_398 : i32 to index
        %get3A_400 = arith.index_cast %add3A_397 : i32 to index
        %get3A_401 = arith.constant 0 : index
        %get3A_402 = tpu.vector_load %arg9[%get3A_399, %get3A_400, %get3A_401] {strides = array<i32>} : memref<2x128x64xf32, #tpu.memory_space<vmem>>, vector<1x1x16xf32>,
        %get3A_403 = vector.shape_cast %get3A_402 : vector<1x1x16xf32> to vector<16xf32>
        %mul3A_404 = arith.mulf %get3A_403, %gather3A_393 : vector<16xf32>
        %swap3A_405 = arith.constant 0 : i32
        %swap3A_406 = arith.index_cast %swap3A_405 : i32 to index
        %swap3A_407 = arith.index_cast %add3A_397 : i32 to index
        %swap3A_408 = arith.constant 0 : index
        %swap3A_409 = tpu.vector_load %arg10[%swap3A_406, %swap3A_407, %swap3A_408] {strides = array<i32>} : memref<2x128x64xf32, #tpu.memory_space<vmem>>, vector<1x1x16xf32>,
        %swap3A_410 = vector.shape_cast %swap3A_409 : vector<1x1x16xf32> to vector<16xf32>
        %swap3A_411 = vector.shape_cast %mul3A_404 : vector<16xf32> to vector<1x1x16xf32>
        tpu.vector_store %arg10[%swap3A_406, %swap3A_407, %swap3A_408], %swap3A_411 {strides = array<i32>} : memref<2x128x64xf32, #tpu.memory_space<vmem>>, vector<1x1x16xf32>,
        %get3A_412 = arith.constant 0 : i32
        %get3A_413 = arith.index_cast %get3A_412 : i32 to index
        %get3A_414 = arith.index_cast %add3A_397 : i32 to index
        %get3A_415 = arith.constant 16 : index
        %get3A_416 = tpu.vector_load %arg9[%get3A_413, %get3A_414, %get3A_415] {strides = array<i32>} : memref<2x128x64xf32, #tpu.memory_space<vmem>>, vector<1x1x16xf32>,
        %get3A_417 = vector.shape_cast %get3A_416 : vector<1x1x16xf32> to vector<16xf32>
        %mul3A_418 = arith.mulf %get3A_417, %gather3A_393 : vector<16xf32>
        %swap3A_419 = arith.constant 0 : i32
        %swap3A_420 = arith.index_cast %swap3A_419 : i32 to index
        %swap3A_421 = arith.index_cast %add3A_397 : i32 to index
        %swap3A_422 = arith.constant 16 : index
        %swap3A_423 = tpu.vector_load %arg10[%swap3A_420, %swap3A_421, %swap3A_422] {strides = array<i32>} : memref<2x128x64xf32, #tpu.memory_space<vmem>>, vector<1x1x16xf32>,
        %swap3A_424 = vector.shape_cast %swap3A_423 : vector<1x1x16xf32> to vector<16xf32>
        %swap3A_425 = vector.shape_cast %mul3A_418 : vector<16xf32> to vector<1x1x16xf32>
        tpu.vector_store %arg10[%swap3A_420, %swap3A_421, %swap3A_422], %swap3A_425 {strides = array<i32>} : memref<2x128x64xf32, #tpu.memory_space<vmem>>, vector<1x1x16xf32>,
        %get3A_426 = arith.constant 0 : i32
        %get3A_427 = arith.index_cast %get3A_426 : i32 to index
        %get3A_428 = arith.index_cast %add3A_397 : i32 to index
        %get3A_429 = arith.constant 32 : index
        %get3A_430 = tpu.vector_load %arg9[%get3A_427, %get3A_428, %get3A_429] {strides = array<i32>} : memref<2x128x64xf32, #tpu.memory_space<vmem>>, vector<1x1x16xf32>,
        %get3A_431 = vector.shape_cast %get3A_430 : vector<1x1x16xf32> to vector<16xf32>
        %mul3A_432 = arith.mulf %get3A_431, %gather3A_393 : vector<16xf32>
        %swap3A_433 = arith.constant 0 : i32
        %swap3A_434 = arith.index_cast %swap3A_433 : i32 to index
        %swap3A_435 = arith.index_cast %add3A_397 : i32 to index
        %swap3A_436 = arith.constant 32 : index
        %swap3A_437 = tpu.vector_load %arg10[%swap3A_434, %swap3A_435, %swap3A_436] {strides = array<i32>} : memref<2x128x64xf32, #tpu.memory_space<vmem>>, vector<1x1x16xf32>,
        %swap3A_438 = vector.shape_cast %swap3A_437 : vector<1x1x16xf32> to vector<16xf32>
        %swap3A_439 = vector.shape_cast %mul3A_432 : vector<16xf32> to vector<1x1x16xf32>
        tpu.vector_store %arg10[%swap3A_434, %swap3A_435, %swap3A_436], %swap3A_439 {strides = array<i32>} : memref<2x128x64xf32, #tpu.memory_space<vmem>>, vector<1x1x16xf32>,
        %get3A_440 = arith.constant 0 : i32
        %get3A_441 = arith.index_cast %get3A_440 : i32 to index
        %get3A_442 = arith.index_cast %add3A_397 : i32 to index
        %get3A_443 = arith.constant 48 : index
        %get3A_444 = tpu.vector_load %arg9[%get3A_441, %get3A_442, %get3A_443] {strides = array<i32>} : memref<2x128x64xf32, #tpu.memory_space<vmem>>, vector<1x1x16xf32>,
        %get3A_445 = vector.shape_cast %get3A_444 : vector<1x1x16xf32> to vector<16xf32>
        %mul3A_446 = arith.mulf %get3A_445, %gather3A_393 : vector<16xf32>
        %swap3A_447 = arith.constant 0 : i32
        %swap3A_448 = arith.index_cast %swap3A_447 : i32 to index
        %swap3A_449 = arith.index_cast %add3A_397 : i32 to index
        %swap3A_450 = arith.constant 48 : index
        %swap3A_451 = tpu.vector_load %arg10[%swap3A_448, %swap3A_449, %swap3A_450] {strides = array<i32>} : memref<2x128x64xf32, #tpu.memory_space<vmem>>, vector<1x1x16xf32>,
        %swap3A_452 = vector.shape_cast %swap3A_451 : vector<1x1x16xf32> to vector<16xf32>
        %swap3A_453 = vector.shape_cast %mul3A_446 : vector<16xf32> to vector<1x1x16xf32>
        tpu.vector_store %arg10[%swap3A_448, %swap3A_449, %swap3A_450], %swap3A_453 {strides = array<i32>} : memref<2x128x64xf32, #tpu.memory_space<vmem>>, vector<1x1x16xf32>,
        %broadcast_in_dim3A_454 = arith.constant 3 : i32
        %broadcast_in_dim3A_455 = vector.broadcast %broadcast_in_dim3A_454 : i32 to vector<16x1xi32>
        %gather3A_456 = vector.shape_cast %broadcast_in_dim3A_455 : vector<16x1xi32> to vector<16xi32>
        %gather3A_457 = tpu.dynamic_gather %get3A_263[%gather3A_456] in [0] : vector<16xf32>, vector<16xi32> -> vector<16xf32>
        %mul3A_458 = arith.constant 16 : i32
        %mul3A_459 = arith.muli %scan3A_255, %mul3A_458 : i32
        %add3A_460 = arith.constant 3 : i32
        %add3A_461 = arith.addi %mul3A_459, %add3A_460 : i32
        %get3A_462 = arith.constant 0 : i32
        %get3A_463 = arith.index_cast %get3A_462 : i32 to index
        %get3A_464 = arith.index_cast %add3A_461 : i32 to index
        %get3A_465 = arith.constant 0 : index
        %get3A_466 = tpu.vector_load %arg9[%get3A_463, %get3A_464, %get3A_465] {strides = array<i32>} : memref<2x128x64xf32, #tpu.memory_space<vmem>>, vector<1x1x16xf32>,
        %get3A_467 = vector.shape_cast %get3A_466 : vector<1x1x16xf32> to vector<16xf32>
        %mul3A_468 = arith.mulf %get3A_467, %gather3A_457 : vector<16xf32>
        %swap3A_469 = arith.constant 0 : i32
        %swap3A_470 = arith.index_cast %swap3A_469 : i32 to index
        %swap3A_471 = arith.index_cast %add3A_461 : i32 to index
        %swap3A_472 = arith.constant 0 : index
        %swap3A_473 = tpu.vector_load %arg10[%swap3A_470, %swap3A_471, %swap3A_472] {strides = array<i32>} : memref<2x128x64xf32, #tpu.memory_space<vmem>>, vector<1x1x16xf32>,
        %swap3A_474 = vector.shape_cast %swap3A_473 : vector<1x1x16xf32> to vector<16xf32>
        %swap3A_475 = vector.shape_cast %mul3A_468 : vector<16xf32> to vector<1x1x16xf32>
        tpu.vector_store %arg10[%swap3A_470, %swap3A_471, %swap3A_472], %swap3A_475 {strides = array<i32>} : memref<2x128x64xf32, #tpu.memory_space<vmem>>, vector<1x1x16xf32>,
        %get3A_476 = arith.constant 0 : i32
        %get3A_477 = arith.index_cast %get3A_476 : i32 to index
        %get3A_478 = arith.index_cast %add3A_461 : i32 to index
        %get3A_479 = arith.constant 16 : index
        %get3A_480 = tpu.vector_load %arg9[%get3A_477, %get3A_478, %get3A_479] {strides = array<i32>} : memref<2x128x64xf32, #tpu.memory_space<vmem>>, vector<1x1x16xf32>,
        %get3A_481 = vector.shape_cast %get3A_480 : vector<1x1x16xf32> to vector<16xf32>
        %mul3A_482 = arith.mulf %get3A_481, %gather3A_457 : vector<16xf32>
        %swap3A_483 = arith.constant 0 : i32
        %swap3A_484 = arith.index_cast %swap3A_483 : i32 to index
        %swap3A_485 = arith.index_cast %add3A_461 : i32 to index
        %swap3A_486 = arith.constant 16 : index
        %swap3A_487 = tpu.vector_load %arg10[%swap3A_484, %swap3A_485, %swap3A_486] {strides = array<i32>} : memref<2x128x64xf32, #tpu.memory_space<vmem>>, vector<1x1x16xf32>,
        %swap3A_488 = vector.shape_cast %swap3A_487 : vector<1x1x16xf32> to vector<16xf32>
        %swap3A_489 = vector.shape_cast %mul3A_482 : vector<16xf32> to vector<1x1x16xf32>
        tpu.vector_store %arg10[%swap3A_484, %swap3A_485, %swap3A_486], %swap3A_489 {strides = array<i32>} : memref<2x128x64xf32, #tpu.memory_space<vmem>>, vector<1x1x16xf32>,
        %get3A_490 = arith.constant 0 : i32
        %get3A_491 = arith.index_cast %get3A_490 : i32 to index
        %get3A_492 = arith.index_cast %add3A_461 : i32 to index
        %get3A_493 = arith.constant 32 : index
        %get3A_494 = tpu.vector_load %arg9[%get3A_491, %get3A_492, %get3A_493] {strides = array<i32>} : memref<2x128x64xf32, #tpu.memory_space<vmem>>, vector<1x1x16xf32>,
        %get3A_495 = vector.shape_cast %get3A_494 : vector<1x1x16xf32> to vector<16xf32>
        %mul3A_496 = arith.mulf %get3A_495, %gather3A_457 : vector<16xf32>
        %swap3A_497 = arith.constant 0 : i32
        %swap3A_498 = arith.index_cast %swap3A_497 : i32 to index
        %swap3A_499 = arith.index_cast %add3A_461 : i32 to index
        %swap3A_500 = arith.constant 32 : index
        %swap3A_501 = tpu.vector_load %arg10[%swap3A_498, %swap3A_499, %swap3A_500] {strides = array<i32>} : memref<2x128x64xf32, #tpu.memory_space<vmem>>, vector<1x1x16xf32>,
        %swap3A_502 = vector.shape_cast %swap3A_501 : vector<1x1x16xf32> to vector<16xf32>
        %swap3A_503 = vector.shape_cast %mul3A_496 : vector<16xf32> to vector<1x1x16xf32>
        tpu.vector_store %arg10[%swap3A_498, %swap3A_499, %swap3A_500], %swap3A_503 {strides = array<i32>} : memref<2x128x64xf32, #tpu.memory_space<vmem>>, vector<1x1x16xf32>,
        %get3A_504 = arith.constant 0 : i32
        %get3A_505 = arith.index_cast %get3A_504 : i32 to index
        %get3A_506 = arith.index_cast %add3A_461 : i32 to index
        %get3A_507 = arith.constant 48 : index
        %get3A_508 = tpu.vector_load %arg9[%get3A_505, %get3A_506, %get3A_507] {strides = array<i32>} : memref<2x128x64xf32, #tpu.memory_space<vmem>>, vector<1x1x16xf32>,
        %get3A_509 = vector.shape_cast %get3A_508 : vector<1x1x16xf32> to vector<16xf32>
        %mul3A_510 = arith.mulf %get3A_509, %gather3A_457 : vector<16xf32>
        %swap3A_511 = arith.constant 0 : i32
        %swap3A_512 = arith.index_cast %swap3A_511 : i32 to index
        %swap3A_513 = arith.index_cast %add3A_461 : i32 to index
        %swap3A_514 = arith.constant 48 : index
        %swap3A_515 = tpu.vector_load %arg10[%swap3A_512, %swap3A_513, %swap3A_514] {strides = array<i32>} : memref<2x128x64xf32, #tpu.memory_space<vmem>>, vector<1x1x16xf32>,
        %swap3A_516 = vector.shape_cast %swap3A_515 : vector<1x1x16xf32> to vector<16xf32>
        %swap3A_517 = vector.shape_cast %mul3A_510 : vector<16xf32> to vector<1x1x16xf32>
        tpu.vector_store %arg10[%swap3A_512, %swap3A_513, %swap3A_514], %swap3A_517 {strides = array<i32>} : memref<2x128x64xf32, #tpu.memory_space<vmem>>, vector<1x1x16xf32>,
        %broadcast_in_dim3A_518 = arith.constant 4 : i32
        %broadcast_in_dim3A_519 = vector.broadcast %broadcast_in_dim3A_518 : i32 to vector<16x1xi32>
        %gather3A_520 = vector.shape_cast %broadcast_in_dim3A_519 : vector<16x1xi32> to vector<16xi32>
        %gather3A_521 = tpu.dynamic_gather %get3A_263[%gather3A_520] in [0] : vector<16xf32>, vector<16xi32> -> vector<16xf32>
        %mul3A_522 = arith.constant 16 : i32
        %mul3A_523 = arith.muli %scan3A_255, %mul3A_522 : i32
        %add3A_524 = arith.constant 4 : i32
        %add3A_525 = arith.addi %mul3A_523, %add3A_524 : i32
        %get3A_526 = arith.constant 0 : i32
        %get3A_527 = arith.index_cast %get3A_526 : i32 to index
        %get3A_528 = arith.index_cast %add3A_525 : i32 to index
        %get3A_529 = arith.constant 0 : index
        %get3A_530 = tpu.vector_load %arg9[%get3A_527, %get3A_528, %get3A_529] {strides = array<i32>} : memref<2x128x64xf32, #tpu.memory_space<vmem>>, vector<1x1x16xf32>,
        %get3A_531 = vector.shape_cast %get3A_530 : vector<1x1x16xf32> to vector<16xf32>
        %mul3A_532 = arith.mulf %get3A_531, %gather3A_521 : vector<16xf32>
        %swap3A_533 = arith.constant 0 : i32
        %swap3A_534 = arith.index_cast %swap3A_533 : i32 to index
        %swap3A_535 = arith.index_cast %add3A_525 : i32 to index
        %swap3A_536 = arith.constant 0 : index
        %swap3A_537 = tpu.vector_load %arg10[%swap3A_534, %swap3A_535, %swap3A_536] {strides = array<i32>} : memref<2x128x64xf32, #tpu.memory_space<vmem>>, vector<1x1x16xf32>,
        %swap3A_538 = vector.shape_cast %swap3A_537 : vector<1x1x16xf32> to vector<16xf32>
        %swap3A_539 = vector.shape_cast %mul3A_532 : vector<16xf32> to vector<1x1x16xf32>
        tpu.vector_store %arg10[%swap3A_534, %swap3A_535, %swap3A_536], %swap3A_539 {strides = array<i32>} : memref<2x128x64xf32, #tpu.memory_space<vmem>>, vector<1x1x16xf32>,
        %get3A_540 = arith.constant 0 : i32
        %get3A_541 = arith.index_cast %get3A_540 : i32 to index
        %get3A_542 = arith.index_cast %add3A_525 : i32 to index
        %get3A_543 = arith.constant 16 : index
        %get3A_544 = tpu.vector_load %arg9[%get3A_541, %get3A_542, %get3A_543] {strides = array<i32>} : memref<2x128x64xf32, #tpu.memory_space<vmem>>, vector<1x1x16xf32>,
        %get3A_545 = vector.shape_cast %get3A_544 : vector<1x1x16xf32> to vector<16xf32>
        %mul3A_546 = arith.mulf %get3A_545, %gather3A_521 : vector<16xf32>
        %swap3A_547 = arith.constant 0 : i32
        %swap3A_548 = arith.index_cast %swap3A_547 : i32 to index
        %swap3A_549 = arith.index_cast %add3A_525 : i32 to index
        %swap3A_550 = arith.constant 16 : index
        %swap3A_551 = tpu.vector_load %arg10[%swap3A_548, %swap3A_549, %swap3A_550] {strides = array<i32>} : memref<2x128x64xf32, #tpu.memory_space<vmem>>, vector<1x1x16xf32>,
        %swap3A_552 = vector.shape_cast %swap3A_551 : vector<1x1x16xf32> to vector<16xf32>
        %swap3A_553 = vector.shape_cast %mul3A_546 : vector<16xf32> to vector<1x1x16xf32>
        tpu.vector_store %arg10[%swap3A_548, %swap3A_549, %swap3A_550], %swap3A_553 {strides = array<i32>} : memref<2x128x64xf32, #tpu.memory_space<vmem>>, vector<1x1x16xf32>,
        %get3A_554 = arith.constant 0 : i32
        %get3A_555 = arith.index_cast %get3A_554 : i32 to index
        %get3A_556 = arith.index_cast %add3A_525 : i32 to index
        %get3A_557 = arith.constant 32 : index
        %get3A_558 = tpu.vector_load %arg9[%get3A_555, %get3A_556, %get3A_557] {strides = array<i32>} : memref<2x128x64xf32, #tpu.memory_space<vmem>>, vector<1x1x16xf32>,
        %get3A_559 = vector.shape_cast %get3A_558 : vector<1x1x16xf32> to vector<16xf32>
        %mul3A_560 = arith.mulf %get3A_559, %gather3A_521 : vector<16xf32>
        %swap3A_561 = arith.constant 0 : i32
        %swap3A_562 = arith.index_cast %swap3A_561 : i32 to index
        %swap3A_563 = arith.index_cast %add3A_525 : i32 to index
        %swap3A_564 = arith.constant 32 : index
        %swap3A_565 = tpu.vector_load %arg10[%swap3A_562, %swap3A_563, %swap3A_564] {strides = array<i32>} : memref<2x128x64xf32, #tpu.memory_space<vmem>>, vector<1x1x16xf32>,
        %swap3A_566 = vector.shape_cast %swap3A_565 : vector<1x1x16xf32> to vector<16xf32>
        %swap3A_567 = vector.shape_cast %mul3A_560 : vector<16xf32> to vector<1x1x16xf32>
        tpu.vector_store %arg10[%swap3A_562, %swap3A_563, %swap3A_564], %swap3A_567 {strides = array<i32>} : memref<2x128x64xf32, #tpu.memory_space<vmem>>, vector<1x1x16xf32>,
        %get3A_568 = arith.constant 0 : i32
        %get3A_569 = arith.index_cast %get3A_568 : i32 to index
        %get3A_570 = arith.index_cast %add3A_525 : i32 to index
        %get3A_571 = arith.constant 48 : index
        %get3A_572 = tpu.vector_load %arg9[%get3A_569, %get3A_570, %get3A_571] {strides = array<i32>} : memref<2x128x64xf32, #tpu.memory_space<vmem>>, vector<1x1x16xf32>,
        %get3A_573 = vector.shape_cast %get3A_572 : vector<1x1x16xf32> to vector<16xf32>
        %mul3A_574 = arith.mulf %get3A_573, %gather3A_521 : vector<16xf32>
        %swap3A_575 = arith.constant 0 : i32
        %swap3A_576 = arith.index_cast %swap3A_575 : i32 to index
        %swap3A_577 = arith.index_cast %add3A_525 : i32 to index
        %swap3A_578 = arith.constant 48 : index
        %swap3A_579 = tpu.vector_load %arg10[%swap3A_576, %swap3A_577, %swap3A_578] {strides = array<i32>} : memref<2x128x64xf32, #tpu.memory_space<vmem>>, vector<1x1x16xf32>,
        %swap3A_580 = vector.shape_cast %swap3A_579 : vector<1x1x16xf32> to vector<16xf32>
        %swap3A_581 = vector.shape_cast %mul3A_574 : vector<16xf32> to vector<1x1x16xf32>
        tpu.vector_store %arg10[%swap3A_576, %swap3A_577, %swap3A_578], %swap3A_581 {strides = array<i32>} : memref<2x128x64xf32, #tpu.memory_space<vmem>>, vector<1x1x16xf32>,
        %broadcast_in_dim3A_582 = arith.constant 5 : i32
        %broadcast_in_dim3A_583 = vector.broadcast %broadcast_in_dim3A_582 : i32 to vector<16x1xi32>
        %gather3A_584 = vector.shape_cast %broadcast_in_dim3A_583 : vector<16x1xi32> to vector<16xi32>
        %gather3A_585 = tpu.dynamic_gather %get3A_263[%gather3A_584] in [0] : vector<16xf32>, vector<16xi32> -> vector<16xf32>
        %mul3A_586 = arith.constant 16 : i32
        %mul3A_587 = arith.muli %scan3A_255, %mul3A_586 : i32
        %add3A_588 = arith.constant 5 : i32
        %add3A_589 = arith.addi %mul3A_587, %add3A_588 : i32
        %get3A_590 = arith.constant 0 : i32
        %get3A_591 = arith.index_cast %get3A_590 : i32 to index
        %get3A_592 = arith.index_cast %add3A_589 : i32 to index
        %get3A_593 = arith.constant 0 : index
        %get3A_594 = tpu.vector_load %arg9[%get3A_591, %get3A_592, %get3A_593] {strides = array<i32>} : memref<2x128x64xf32, #tpu.memory_space<vmem>>, vector<1x1x16xf32>,
        %get3A_595 = vector.shape_cast %get3A_594 : vector<1x1x16xf32> to vector<16xf32>
        %mul3A_596 = arith.mulf %get3A_595, %gather3A_585 : vector<16xf32>
        %swap3A_597 = arith.constant 0 : i32
        %swap3A_598 = arith.index_cast %swap3A_597 : i32 to index
        %swap3A_599 = arith.index_cast %add3A_589 : i32 to index
        %swap3A_600 = arith.constant 0 : index
        %swap3A_601 = tpu.vector_load %arg10[%swap3A_598, %swap3A_599, %swap3A_600] {strides = array<i32>} : memref<2x128x64xf32, #tpu.memory_space<vmem>>, vector<1x1x16xf32>,
        %swap3A_602 = vector.shape_cast %swap3A_601 : vector<1x1x16xf32> to vector<16xf32>
        %swap3A_603 = vector.shape_cast %mul3A_596 : vector<16xf32> to vector<1x1x16xf32>
        tpu.vector_store %arg10[%swap3A_598, %swap3A_599, %swap3A_600], %swap3A_603 {strides = array<i32>} : memref<2x128x64xf32, #tpu.memory_space<vmem>>, vector<1x1x16xf32>,
        %get3A_604 = arith.constant 0 : i32
        %get3A_605 = arith.index_cast %get3A_604 : i32 to index
        %get3A_606 = arith.index_cast %add3A_589 : i32 to index
        %get3A_607 = arith.constant 16 : index
        %get3A_608 = tpu.vector_load %arg9[%get3A_605, %get3A_606, %get3A_607] {strides = array<i32>} : memref<2x128x64xf32, #tpu.memory_space<vmem>>, vector<1x1x16xf32>,
        %get3A_609 = vector.shape_cast %get3A_608 : vector<1x1x16xf32> to vector<16xf32>
        %mul3A_610 = arith.mulf %get3A_609, %gather3A_585 : vector<16xf32>
        %swap3A_611 = arith.constant 0 : i32
        %swap3A_612 = arith.index_cast %swap3A_611 : i32 to index
        %swap3A_613 = arith.index_cast %add3A_589 : i32 to index
        %swap3A_614 = arith.constant 16 : index
        %swap3A_615 = tpu.vector_load %arg10[%swap3A_612, %swap3A_613, %swap3A_614] {strides = array<i32>} : memref<2x128x64xf32, #tpu.memory_space<vmem>>, vector<1x1x16xf32>,
        %swap3A_616 = vector.shape_cast %swap3A_615 : vector<1x1x16xf32> to vector<16xf32>
        %swap3A_617 = vector.shape_cast %mul3A_610 : vector<16xf32> to vector<1x1x16xf32>
        tpu.vector_store %arg10[%swap3A_612, %swap3A_613, %swap3A_614], %swap3A_617 {strides = array<i32>} : memref<2x128x64xf32, #tpu.memory_space<vmem>>, vector<1x1x16xf32>,
        %get3A_618 = arith.constant 0 : i32
        %get3A_619 = arith.index_cast %get3A_618 : i32 to index
        %get3A_620 = arith.index_cast %add3A_589 : i32 to index
        %get3A_621 = arith.constant 32 : index
        %get3A_622 = tpu.vector_load %arg9[%get3A_619, %get3A_620, %get3A_621] {strides = array<i32>} : memref<2x128x64xf32, #tpu.memory_space<vmem>>, vector<1x1x16xf32>,
        %get3A_623 = vector.shape_cast %get3A_622 : vector<1x1x16xf32> to vector<16xf32>
        %mul3A_624 = arith.mulf %get3A_623, %gather3A_585 : vector<16xf32>
        %swap3A_625 = arith.constant 0 : i32
        %swap3A_626 = arith.index_cast %swap3A_625 : i32 to index
        %swap3A_627 = arith.index_cast %add3A_589 : i32 to index
        %swap3A_628 = arith.constant 32 : index
        %swap3A_629 = tpu.vector_load %arg10[%swap3A_626, %swap3A_627, %swap3A_628] {strides = array<i32>} : memref<2x128x64xf32, #tpu.memory_space<vmem>>, vector<1x1x16xf32>,
        %swap3A_630 = vector.shape_cast %swap3A_629 : vector<1x1x16xf32> to vector<16xf32>
        %swap3A_631 = vector.shape_cast %mul3A_624 : vector<16xf32> to vector<1x1x16xf32>
        tpu.vector_store %arg10[%swap3A_626, %swap3A_627, %swap3A_628], %swap3A_631 {strides = array<i32>} : memref<2x128x64xf32, #tpu.memory_space<vmem>>, vector<1x1x16xf32>,
        %get3A_632 = arith.constant 0 : i32
        %get3A_633 = arith.index_cast %get3A_632 : i32 to index
        %get3A_634 = arith.index_cast %add3A_589 : i32 to index
        %get3A_635 = arith.constant 48 : index
        %get3A_636 = tpu.vector_load %arg9[%get3A_633, %get3A_634, %get3A_635] {strides = array<i32>} : memref<2x128x64xf32, #tpu.memory_space<vmem>>, vector<1x1x16xf32>,
        %get3A_637 = vector.shape_cast %get3A_636 : vector<1x1x16xf32> to vector<16xf32>
        %mul3A_638 = arith.mulf %get3A_637, %gather3A_585 : vector<16xf32>
        %swap3A_639 = arith.constant 0 : i32
        %swap3A_640 = arith.index_cast %swap3A_639 : i32 to index
        %swap3A_641 = arith.index_cast %add3A_589 : i32 to index
        %swap3A_642 = arith.constant 48 : index
        %swap3A_643 = tpu.vector_load %arg10[%swap3A_640, %swap3A_641, %swap3A_642] {strides = array<i32>} : memref<2x128x64xf32, #tpu.memory_space<vmem>>, vector<1x1x16xf32>,
        %swap3A_644 = vector.shape_cast %swap3A_643 : vector<1x1x16xf32> to vector<16xf32>
        %swap3A_645 = vector.shape_cast %mul3A_638 : vector<16xf32> to vector<1x1x16xf32>
        tpu.vector_store %arg10[%swap3A_640, %swap3A_641, %swap3A_642], %swap3A_645 {strides = array<i32>} : memref<2x128x64xf32, #tpu.memory_space<vmem>>, vector<1x1x16xf32>,
        %broadcast_in_dim3A_646 = arith.constant 6 : i32
        %broadcast_in_dim3A_647 = vector.broadcast %broadcast_in_dim3A_646 : i32 to vector<16x1xi32>
        %gather3A_648 = vector.shape_cast %broadcast_in_dim3A_647 : vector<16x1xi32> to vector<16xi32>
        %gather3A_649 = tpu.dynamic_gather %get3A_263[%gather3A_648] in [0] : vector<16xf32>, vector<16xi32> -> vector<16xf32>
        %mul3A_650 = arith.constant 16 : i32
        %mul3A_651 = arith.muli %scan3A_255, %mul3A_650 : i32
        %add3A_652 = arith.constant 6 : i32
        %add3A_653 = arith.addi %mul3A_651, %add3A_652 : i32
        %get3A_654 = arith.constant 0 : i32
        %get3A_655 = arith.index_cast %get3A_654 : i32 to index
        %get3A_656 = arith.index_cast %add3A_653 : i32 to index
        %get3A_657 = arith.constant 0 : index
        %get3A_658 = tpu.vector_load %arg9[%get3A_655, %get3A_656, %get3A_657] {strides = array<i32>} : memref<2x128x64xf32, #tpu.memory_space<vmem>>, vector<1x1x16xf32>,
        %get3A_659 = vector.shape_cast %get3A_658 : vector<1x1x16xf32> to vector<16xf32>
        %mul3A_660 = arith.mulf %get3A_659, %gather3A_649 : vector<16xf32>
        %swap3A_661 = arith.constant 0 : i32
        %swap3A_662 = arith.index_cast %swap3A_661 : i32 to index
        %swap3A_663 = arith.index_cast %add3A_653 : i32 to index
        %swap3A_664 = arith.constant 0 : index
        %swap3A_665 = tpu.vector_load %arg10[%swap3A_662, %swap3A_663, %swap3A_664] {strides = array<i32>} : memref<2x128x64xf32, #tpu.memory_space<vmem>>, vector<1x1x16xf32>,
        %swap3A_666 = vector.shape_cast %swap3A_665 : vector<1x1x16xf32> to vector<16xf32>
        %swap3A_667 = vector.shape_cast %mul3A_660 : vector<16xf32> to vector<1x1x16xf32>
        tpu.vector_store %arg10[%swap3A_662, %swap3A_663, %swap3A_664], %swap3A_667 {strides = array<i32>} : memref<2x128x64xf32, #tpu.memory_space<vmem>>, vector<1x1x16xf32>,
        %get3A_668 = arith.constant 0 : i32
        %get3A_669 = arith.index_cast %get3A_668 : i32 to index
        %get3A_670 = arith.index_cast %add3A_653 : i32 to index
        %get3A_671 = arith.constant 16 : index
        %get3A_672 = tpu.vector_load %arg9[%get3A_669, %get3A_670, %get3A_671] {strides = array<i32>} : memref<2x128x64xf32, #tpu.memory_space<vmem>>, vector<1x1x16xf32>,
        %get3A_673 = vector.shape_cast %get3A_672 : vector<1x1x16xf32> to vector<16xf32>
        %mul3A_674 = arith.mulf %get3A_673, %gather3A_649 : vector<16xf32>
        %swap3A_675 = arith.constant 0 : i32
        %swap3A_676 = arith.index_cast %swap3A_675 : i32 to index
        %swap3A_677 = arith.index_cast %add3A_653 : i32 to index
        %swap3A_678 = arith.constant 16 : index
        %swap3A_679 = tpu.vector_load %arg10[%swap3A_676, %swap3A_677, %swap3A_678] {strides = array<i32>} : memref<2x128x64xf32, #tpu.memory_space<vmem>>, vector<1x1x16xf32>,
        %swap3A_680 = vector.shape_cast %swap3A_679 : vector<1x1x16xf32> to vector<16xf32>
        %swap3A_681 = vector.shape_cast %mul3A_674 : vector<16xf32> to vector<1x1x16xf32>
        tpu.vector_store %arg10[%swap3A_676, %swap3A_677, %swap3A_678], %swap3A_681 {strides = array<i32>} : memref<2x128x64xf32, #tpu.memory_space<vmem>>, vector<1x1x16xf32>,
        %get3A_682 = arith.constant 0 : i32
        %get3A_683 = arith.index_cast %get3A_682 : i32 to index
        %get3A_684 = arith.index_cast %add3A_653 : i32 to index
        %get3A_685 = arith.constant 32 : index
        %get3A_686 = tpu.vector_load %arg9[%get3A_683, %get3A_684, %get3A_685] {strides = array<i32>} : memref<2x128x64xf32, #tpu.memory_space<vmem>>, vector<1x1x16xf32>,
        %get3A_687 = vector.shape_cast %get3A_686 : vector<1x1x16xf32> to vector<16xf32>
        %mul3A_688 = arith.mulf %get3A_687, %gather3A_649 : vector<16xf32>
        %swap3A_689 = arith.constant 0 : i32
        %swap3A_690 = arith.index_cast %swap3A_689 : i32 to index
        %swap3A_691 = arith.index_cast %add3A_653 : i32 to index
        %swap3A_692 = arith.constant 32 : index
        %swap3A_693 = tpu.vector_load %arg10[%swap3A_690, %swap3A_691, %swap3A_692] {strides = array<i32>} : memref<2x128x64xf32, #tpu.memory_space<vmem>>, vector<1x1x16xf32>,
        %swap3A_694 = vector.shape_cast %swap3A_693 : vector<1x1x16xf32> to vector<16xf32>
        %swap3A_695 = vector.shape_cast %mul3A_688 : vector<16xf32> to vector<1x1x16xf32>
        tpu.vector_store %arg10[%swap3A_690, %swap3A_691, %swap3A_692], %swap3A_695 {strides = array<i32>} : memref<2x128x64xf32, #tpu.memory_space<vmem>>, vector<1x1x16xf32>,
        %get3A_696 = arith.constant 0 : i32
        %get3A_697 = arith.index_cast %get3A_696 : i32 to index
        %get3A_698 = arith.index_cast %add3A_653 : i32 to index
        %get3A_699 = arith.constant 48 : index
        %get3A_700 = tpu.vector_load %arg9[%get3A_697, %get3A_698, %get3A_699] {strides = array<i32>} : memref<2x128x64xf32, #tpu.memory_space<vmem>>, vector<1x1x16xf32>,
        %get3A_701 = vector.shape_cast %get3A_700 : vector<1x1x16xf32> to vector<16xf32>
        %mul3A_702 = arith.mulf %get3A_701, %gather3A_649 : vector<16xf32>
        %swap3A_703 = arith.constant 0 : i32
        %swap3A_704 = arith.index_cast %swap3A_703 : i32 to index
        %swap3A_705 = arith.index_cast %add3A_653 : i32 to index
        %swap3A_706 = arith.constant 48 : index
        %swap3A_707 = tpu.vector_load %arg10[%swap3A_704, %swap3A_705, %swap3A_706] {strides = array<i32>} : memref<2x128x64xf32, #tpu.memory_space<vmem>>, vector<1x1x16xf32>,
        %swap3A_708 = vector.shape_cast %swap3A_707 : vector<1x1x16xf32> to vector<16xf32>
        %swap3A_709 = vector.shape_cast %mul3A_702 : vector<16xf32> to vector<1x1x16xf32>
        tpu.vector_store %arg10[%swap3A_704, %swap3A_705, %swap3A_706], %swap3A_709 {strides = array<i32>} : memref<2x128x64xf32, #tpu.memory_space<vmem>>, vector<1x1x16xf32>,
        %broadcast_in_dim3A_710 = arith.constant 7 : i32
        %broadcast_in_dim3A_711 = vector.broadcast %broadcast_in_dim3A_710 : i32 to vector<16x1xi32>
        %gather3A_712 = vector.shape_cast %broadcast_in_dim3A_711 : vector<16x1xi32> to vector<16xi32>
        %gather3A_713 = tpu.dynamic_gather %get3A_263[%gather3A_712] in [0] : vector<16xf32>, vector<16xi32> -> vector<16xf32>
        %mul3A_714 = arith.constant 16 : i32
        %mul3A_715 = arith.muli %scan3A_255, %mul3A_714 : i32
        %add3A_716 = arith.constant 7 : i32
        %add3A_717 = arith.addi %mul3A_715, %add3A_716 : i32
        %get3A_718 = arith.constant 0 : i32
        %get3A_719 = arith.index_cast %get3A_718 : i32 to index
        %get3A_720 = arith.index_cast %add3A_717 : i32 to index
        %get3A_721 = arith.constant 0 : index
        %get3A_722 = tpu.vector_load %arg9[%get3A_719, %get3A_720, %get3A_721] {strides = array<i32>} : memref<2x128x64xf32, #tpu.memory_space<vmem>>, vector<1x1x16xf32>,
        %get3A_723 = vector.shape_cast %get3A_722 : vector<1x1x16xf32> to vector<16xf32>
        %mul3A_724 = arith.mulf %get3A_723, %gather3A_713 : vector<16xf32>
        %swap3A_725 = arith.constant 0 : i32
        %swap3A_726 = arith.index_cast %swap3A_725 : i32 to index
        %swap3A_727 = arith.index_cast %add3A_717 : i32 to index
        %swap3A_728 = arith.constant 0 : index
        %swap3A_729 = tpu.vector_load %arg10[%swap3A_726, %swap3A_727, %swap3A_728] {strides = array<i32>} : memref<2x128x64xf32, #tpu.memory_space<vmem>>, vector<1x1x16xf32>,
        %swap3A_730 = vector.shape_cast %swap3A_729 : vector<1x1x16xf32> to vector<16xf32>
        %swap3A_731 = vector.shape_cast %mul3A_724 : vector<16xf32> to vector<1x1x16xf32>
        tpu.vector_store %arg10[%swap3A_726, %swap3A_727, %swap3A_728], %swap3A_731 {strides = array<i32>} : memref<2x128x64xf32, #tpu.memory_space<vmem>>, vector<1x1x16xf32>,
        %get3A_732 = arith.constant 0 : i32
        %get3A_733 = arith.index_cast %get3A_732 : i32 to index
        %get3A_734 = arith.index_cast %add3A_717 : i32 to index
        %get3A_735 = arith.constant 16 : index
        %get3A_736 = tpu.vector_load %arg9[%get3A_733, %get3A_734, %get3A_735] {strides = array<i32>} : memref<2x128x64xf32, #tpu.memory_space<vmem>>, vector<1x1x16xf32>,
        %get3A_737 = vector.shape_cast %get3A_736 : vector<1x1x16xf32> to vector<16xf32>
        %mul3A_738 = arith.mulf %get3A_737, %gather3A_713 : vector<16xf32>
        %swap3A_739 = arith.constant 0 : i32
        %swap3A_740 = arith.index_cast %swap3A_739 : i32 to index
        %swap3A_741 = arith.index_cast %add3A_717 : i32 to index
        %swap3A_742 = arith.constant 16 : index
        %swap3A_743 = tpu.vector_load %arg10[%swap3A_740, %swap3A_741, %swap3A_742] {strides = array<i32>} : memref<2x128x64xf32, #tpu.memory_space<vmem>>, vector<1x1x16xf32>,
        %swap3A_744 = vector.shape_cast %swap3A_743 : vector<1x1x16xf32> to vector<16xf32>
        %swap3A_745 = vector.shape_cast %mul3A_738 : vector<16xf32> to vector<1x1x16xf32>
        tpu.vector_store %arg10[%swap3A_740, %swap3A_741, %swap3A_742], %swap3A_745 {strides = array<i32>} : memref<2x128x64xf32, #tpu.memory_space<vmem>>, vector<1x1x16xf32>,
        %get3A_746 = arith.constant 0 : i32
        %get3A_747 = arith.index_cast %get3A_746 : i32 to index
        %get3A_748 = arith.index_cast %add3A_717 : i32 to index
        %get3A_749 = arith.constant 32 : index
        %get3A_750 = tpu.vector_load %arg9[%get3A_747, %get3A_748, %get3A_749] {strides = array<i32>} : memref<2x128x64xf32, #tpu.memory_space<vmem>>, vector<1x1x16xf32>,
        %get3A_751 = vector.shape_cast %get3A_750 : vector<1x1x16xf32> to vector<16xf32>
        %mul3A_752 = arith.mulf %get3A_751, %gather3A_713 : vector<16xf32>
        %swap3A_753 = arith.constant 0 : i32
        %swap3A_754 = arith.index_cast %swap3A_753 : i32 to index
        %swap3A_755 = arith.index_cast %add3A_717 : i32 to index
        %swap3A_756 = arith.constant 32 : index
        %swap3A_757 = tpu.vector_load %arg10[%swap3A_754, %swap3A_755, %swap3A_756] {strides = array<i32>} : memref<2x128x64xf32, #tpu.memory_space<vmem>>, vector<1x1x16xf32>,
        %swap3A_758 = vector.shape_cast %swap3A_757 : vector<1x1x16xf32> to vector<16xf32>
        %swap3A_759 = vector.shape_cast %mul3A_752 : vector<16xf32> to vector<1x1x16xf32>
        tpu.vector_store %arg10[%swap3A_754, %swap3A_755, %swap3A_756], %swap3A_759 {strides = array<i32>} : memref<2x128x64xf32, #tpu.memory_space<vmem>>, vector<1x1x16xf32>,
        %get3A_760 = arith.constant 0 : i32
        %get3A_761 = arith.index_cast %get3A_760 : i32 to index
        %get3A_762 = arith.index_cast %add3A_717 : i32 to index
        %get3A_763 = arith.constant 48 : index
        %get3A_764 = tpu.vector_load %arg9[%get3A_761, %get3A_762, %get3A_763] {strides = array<i32>} : memref<2x128x64xf32, #tpu.memory_space<vmem>>, vector<1x1x16xf32>,
        %get3A_765 = vector.shape_cast %get3A_764 : vector<1x1x16xf32> to vector<16xf32>
        %mul3A_766 = arith.mulf %get3A_765, %gather3A_713 : vector<16xf32>
        %swap3A_767 = arith.constant 0 : i32
        %swap3A_768 = arith.index_cast %swap3A_767 : i32 to index
        %swap3A_769 = arith.index_cast %add3A_717 : i32 to index
        %swap3A_770 = arith.constant 48 : index
        %swap3A_771 = tpu.vector_load %arg10[%swap3A_768, %swap3A_769, %swap3A_770] {strides = array<i32>} : memref<2x128x64xf32, #tpu.memory_space<vmem>>, vector<1x1x16xf32>,
        %swap3A_772 = vector.shape_cast %swap3A_771 : vector<1x1x16xf32> to vector<16xf32>
        %swap3A_773 = vector.shape_cast %mul3A_766 : vector<16xf32> to vector<1x1x16xf32>
        tpu.vector_store %arg10[%swap3A_768, %swap3A_769, %swap3A_770], %swap3A_773 {strides = array<i32>} : memref<2x128x64xf32, #tpu.memory_space<vmem>>, vector<1x1x16xf32>,
        %broadcast_in_dim3A_774 = arith.constant 8 : i32
        %broadcast_in_dim3A_775 = vector.broadcast %broadcast_in_dim3A_774 : i32 to vector<16x1xi32>
        %gather3A_776 = vector.shape_cast %broadcast_in_dim3A_775 : vector<16x1xi32> to vector<16xi32>
        %gather3A_777 = tpu.dynamic_gather %get3A_263[%gather3A_776] in [0] : vector<16xf32>, vector<16xi32> -> vector<16xf32>
        %mul3A_778 = arith.constant 16 : i32
        %mul3A_779 = arith.muli %scan3A_255, %mul3A_778 : i32
        %add3A_780 = arith.constant 8 : i32
        %add3A_781 = arith.addi %mul3A_779, %add3A_780 : i32
        %get3A_782 = arith.constant 0 : i32
        %get3A_783 = arith.index_cast %get3A_782 : i32 to index
        %get3A_784 = arith.index_cast %add3A_781 : i32 to index
        %get3A_785 = arith.constant 0 : index
        %get3A_786 = tpu.vector_load %arg9[%get3A_783, %get3A_784, %get3A_785] {strides = array<i32>} : memref<2x128x64xf32, #tpu.memory_space<vmem>>, vector<1x1x16xf32>,
        %get3A_787 = vector.shape_cast %get3A_786 : vector<1x1x16xf32> to vector<16xf32>
        %mul3A_788 = arith.mulf %get3A_787, %gather3A_777 : vector<16xf32>
        %swap3A_789 = arith.constant 0 : i32
        %swap3A_790 = arith.index_cast %swap3A_789 : i32 to index
        %swap3A_791 = arith.index_cast %add3A_781 : i32 to index
        %swap3A_792 = arith.constant 0 : index
        %swap3A_793 = tpu.vector_load %arg10[%swap3A_790, %swap3A_791, %swap3A_792] {strides = array<i32>} : memref<2x128x64xf32, #tpu.memory_space<vmem>>, vector<1x1x16xf32>,
        %swap3A_794 = vector.shape_cast %swap3A_793 : vector<1x1x16xf32> to vector<16xf32>
        %swap3A_795 = vector.shape_cast %mul3A_788 : vector<16xf32> to vector<1x1x16xf32>
        tpu.vector_store %arg10[%swap3A_790, %swap3A_791, %swap3A_792], %swap3A_795 {strides = array<i32>} : memref<2x128x64xf32, #tpu.memory_space<vmem>>, vector<1x1x16xf32>,
        %get3A_796 = arith.constant 0 : i32
        %get3A_797 = arith.index_cast %get3A_796 : i32 to index
        %get3A_798 = arith.index_cast %add3A_781 : i32 to index
        %get3A_799 = arith.constant 16 : index
        %get3A_800 = tpu.vector_load %arg9[%get3A_797, %get3A_798, %get3A_799] {strides = array<i32>} : memref<2x128x64xf32, #tpu.memory_space<vmem>>, vector<1x1x16xf32>,
        %get3A_801 = vector.shape_cast %get3A_800 : vector<1x1x16xf32> to vector<16xf32>
        %mul3A_802 = arith.mulf %get3A_801, %gather3A_777 : vector<16xf32>
        %swap3A_803 = arith.constant 0 : i32
        %swap3A_804 = arith.index_cast %swap3A_803 : i32 to index
        %swap3A_805 = arith.index_cast %add3A_781 : i32 to index
        %swap3A_806 = arith.constant 16 : index
        %swap3A_807 = tpu.vector_load %arg10[%swap3A_804, %swap3A_805, %swap3A_806] {strides = array<i32>} : memref<2x128x64xf32, #tpu.memory_space<vmem>>, vector<1x1x16xf32>,
        %swap3A_808 = vector.shape_cast %swap3A_807 : vector<1x1x16xf32> to vector<16xf32>
        %swap3A_809 = vector.shape_cast %mul3A_802 : vector<16xf32> to vector<1x1x16xf32>
        tpu.vector_store %arg10[%swap3A_804, %swap3A_805, %swap3A_806], %swap3A_809 {strides = array<i32>} : memref<2x128x64xf32, #tpu.memory_space<vmem>>, vector<1x1x16xf32>,
        %get3A_810 = arith.constant 0 : i32
        %get3A_811 = arith.index_cast %get3A_810 : i32 to index
        %get3A_812 = arith.index_cast %add3A_781 : i32 to index
        %get3A_813 = arith.constant 32 : index
        %get3A_814 = tpu.vector_load %arg9[%get3A_811, %get3A_812, %get3A_813] {strides = array<i32>} : memref<2x128x64xf32, #tpu.memory_space<vmem>>, vector<1x1x16xf32>,
        %get3A_815 = vector.shape_cast %get3A_814 : vector<1x1x16xf32> to vector<16xf32>
        %mul3A_816 = arith.mulf %get3A_815, %gather3A_777 : vector<16xf32>
        %swap3A_817 = arith.constant 0 : i32
        %swap3A_818 = arith.index_cast %swap3A_817 : i32 to index
        %swap3A_819 = arith.index_cast %add3A_781 : i32 to index
        %swap3A_820 = arith.constant 32 : index
        %swap3A_821 = tpu.vector_load %arg10[%swap3A_818, %swap3A_819, %swap3A_820] {strides = array<i32>} : memref<2x128x64xf32, #tpu.memory_space<vmem>>, vector<1x1x16xf32>,
        %swap3A_822 = vector.shape_cast %swap3A_821 : vector<1x1x16xf32> to vector<16xf32>
        %swap3A_823 = vector.shape_cast %mul3A_816 : vector<16xf32> to vector<1x1x16xf32>
        tpu.vector_store %arg10[%swap3A_818, %swap3A_819, %swap3A_820], %swap3A_823 {strides = array<i32>} : memref<2x128x64xf32, #tpu.memory_space<vmem>>, vector<1x1x16xf32>,
        %get3A_824 = arith.constant 0 : i32
        %get3A_825 = arith.index_cast %get3A_824 : i32 to index
        %get3A_826 = arith.index_cast %add3A_781 : i32 to index
        %get3A_827 = arith.constant 48 : index
        %get3A_828 = tpu.vector_load %arg9[%get3A_825, %get3A_826, %get3A_827] {strides = array<i32>} : memref<2x128x64xf32, #tpu.memory_space<vmem>>, vector<1x1x16xf32>,
        %get3A_829 = vector.shape_cast %get3A_828 : vector<1x1x16xf32> to vector<16xf32>
        %mul3A_830 = arith.mulf %get3A_829, %gather3A_777 : vector<16xf32>
        %swap3A_831 = arith.constant 0 : i32
        %swap3A_832 = arith.index_cast %swap3A_831 : i32 to index
        %swap3A_833 = arith.index_cast %add3A_781 : i32 to index
        %swap3A_834 = arith.constant 48 : index
        %swap3A_835 = tpu.vector_load %arg10[%swap3A_832, %swap3A_833, %swap3A_834] {strides = array<i32>} : memref<2x128x64xf32, #tpu.memory_space<vmem>>, vector<1x1x16xf32>,
        %swap3A_836 = vector.shape_cast %swap3A_835 : vector<1x1x16xf32> to vector<16xf32>
        %swap3A_837 = vector.shape_cast %mul3A_830 : vector<16xf32> to vector<1x1x16xf32>
        tpu.vector_store %arg10[%swap3A_832, %swap3A_833, %swap3A_834], %swap3A_837 {strides = array<i32>} : memref<2x128x64xf32, #tpu.memory_space<vmem>>, vector<1x1x16xf32>,
        %broadcast_in_dim3A_838 = arith.constant 9 : i32
        %broadcast_in_dim3A_839 = vector.broadcast %broadcast_in_dim3A_838 : i32 to vector<16x1xi32>
        %gather3A_840 = vector.shape_cast %broadcast_in_dim3A_839 : vector<16x1xi32> to vector<16xi32>
        %gather3A_841 = tpu.dynamic_gather %get3A_263[%gather3A_840] in [0] : vector<16xf32>, vector<16xi32> -> vector<16xf32>
        %mul3A_842 = arith.constant 16 : i32
        %mul3A_843 = arith.muli %scan3A_255, %mul3A_842 : i32
        %add3A_844 = arith.constant 9 : i32
        %add3A_845 = arith.addi %mul3A_843, %add3A_844 : i32
        %get3A_846 = arith.constant 0 : i32
        %get3A_847 = arith.index_cast %get3A_846 : i32 to index
        %get3A_848 = arith.index_cast %add3A_845 : i32 to index
        %get3A_849 = arith.constant 0 : index
        %get3A_850 = tpu.vector_load %arg9[%get3A_847, %get3A_848, %get3A_849] {strides = array<i32>} : memref<2x128x64xf32, #tpu.memory_space<vmem>>, vector<1x1x16xf32>,
        %get3A_851 = vector.shape_cast %get3A_850 : vector<1x1x16xf32> to vector<16xf32>
        %mul3A_852 = arith.mulf %get3A_851, %gather3A_841 : vector<16xf32>
        %swap3A_853 = arith.constant 0 : i32
        %swap3A_854 = arith.index_cast %swap3A_853 : i32 to index
        %swap3A_855 = arith.index_cast %add3A_845 : i32 to index
        %swap3A_856 = arith.constant 0 : index
        %swap3A_857 = tpu.vector_load %arg10[%swap3A_854, %swap3A_855, %swap3A_856] {strides = array<i32>} : memref<2x128x64xf32, #tpu.memory_space<vmem>>, vector<1x1x16xf32>,
        %swap3A_858 = vector.shape_cast %swap3A_857 : vector<1x1x16xf32> to vector<16xf32>
        %swap3A_859 = vector.shape_cast %mul3A_852 : vector<16xf32> to vector<1x1x16xf32>
        tpu.vector_store %arg10[%swap3A_854, %swap3A_855, %swap3A_856], %swap3A_859 {strides = array<i32>} : memref<2x128x64xf32, #tpu.memory_space<vmem>>, vector<1x1x16xf32>,
        %get3A_860 = arith.constant 0 : i32
        %get3A_861 = arith.index_cast %get3A_860 : i32 to index
        %get3A_862 = arith.index_cast %add3A_845 : i32 to index
        %get3A_863 = arith.constant 16 : index
        %get3A_864 = tpu.vector_load %arg9[%get3A_861, %get3A_862, %get3A_863] {strides = array<i32>} : memref<2x128x64xf32, #tpu.memory_space<vmem>>, vector<1x1x16xf32>,
        %get3A_865 = vector.shape_cast %get3A_864 : vector<1x1x16xf32> to vector<16xf32>
        %mul3A_866 = arith.mulf %get3A_865, %gather3A_841 : vector<16xf32>
        %swap3A_867 = arith.constant 0 : i32
        %swap3A_868 = arith.index_cast %swap3A_867 : i32 to index
        %swap3A_869 = arith.index_cast %add3A_845 : i32 to index
        %swap3A_870 = arith.constant 16 : index
        %swap3A_871 = tpu.vector_load %arg10[%swap3A_868, %swap3A_869, %swap3A_870] {strides = array<i32>} : memref<2x128x64xf32, #tpu.memory_space<vmem>>, vector<1x1x16xf32>,
        %swap3A_872 = vector.shape_cast %swap3A_871 : vector<1x1x16xf32> to vector<16xf32>
        %swap3A_873 = vector.shape_cast %mul3A_866 : vector<16xf32> to vector<1x1x16xf32>
        tpu.vector_store %arg10[%swap3A_868, %swap3A_869, %swap3A_870], %swap3A_873 {strides = array<i32>} : memref<2x128x64xf32, #tpu.memory_space<vmem>>, vector<1x1x16xf32>,
        %get3A_874 = arith.constant 0 : i32
        %get3A_875 = arith.index_cast %get3A_874 : i32 to index
        %get3A_876 = arith.index_cast %add3A_845 : i32 to index
        %get3A_877 = arith.constant 32 : index
        %get3A_878 = tpu.vector_load %arg9[%get3A_875, %get3A_876, %get3A_877] {strides = array<i32>} : memref<2x128x64xf32, #tpu.memory_space<vmem>>, vector<1x1x16xf32>,
        %get3A_879 = vector.shape_cast %get3A_878 : vector<1x1x16xf32> to vector<16xf32>
        %mul3A_880 = arith.mulf %get3A_879, %gather3A_841 : vector<16xf32>
        %swap3A_881 = arith.constant 0 : i32
        %swap3A_882 = arith.index_cast %swap3A_881 : i32 to index
        %swap3A_883 = arith.index_cast %add3A_845 : i32 to index
        %swap3A_884 = arith.constant 32 : index
        %swap3A_885 = tpu.vector_load %arg10[%swap3A_882, %swap3A_883, %swap3A_884] {strides = array<i32>} : memref<2x128x64xf32, #tpu.memory_space<vmem>>, vector<1x1x16xf32>,
        %swap3A_886 = vector.shape_cast %swap3A_885 : vector<1x1x16xf32> to vector<16xf32>
        %swap3A_887 = vector.shape_cast %mul3A_880 : vector<16xf32> to vector<1x1x16xf32>
        tpu.vector_store %arg10[%swap3A_882, %swap3A_883, %swap3A_884], %swap3A_887 {strides = array<i32>} : memref<2x128x64xf32, #tpu.memory_space<vmem>>, vector<1x1x16xf32>,
        %get3A_888 = arith.constant 0 : i32
        %get3A_889 = arith.index_cast %get3A_888 : i32 to index
        %get3A_890 = arith.index_cast %add3A_845 : i32 to index
        %get3A_891 = arith.constant 48 : index
        %get3A_892 = tpu.vector_load %arg9[%get3A_889, %get3A_890, %get3A_891] {strides = array<i32>} : memref<2x128x64xf32, #tpu.memory_space<vmem>>, vector<1x1x16xf32>,
        %get3A_893 = vector.shape_cast %get3A_892 : vector<1x1x16xf32> to vector<16xf32>
        %mul3A_894 = arith.mulf %get3A_893, %gather3A_841 : vector<16xf32>
        %swap3A_895 = arith.constant 0 : i32
        %swap3A_896 = arith.index_cast %swap3A_895 : i32 to index
        %swap3A_897 = arith.index_cast %add3A_845 : i32 to index
        %swap3A_898 = arith.constant 48 : index
        %swap3A_899 = tpu.vector_load %arg10[%swap3A_896, %swap3A_897, %swap3A_898] {strides = array<i32>} : memref<2x128x64xf32, #tpu.memory_space<vmem>>, vector<1x1x16xf32>,
        %swap3A_900 = vector.shape_cast %swap3A_899 : vector<1x1x16xf32> to vector<16xf32>
        %swap3A_901 = vector.shape_cast %mul3A_894 : vector<16xf32> to vector<1x1x16xf32>
        tpu.vector_store %arg10[%swap3A_896, %swap3A_897, %swap3A_898], %swap3A_901 {strides = array<i32>} : memref<2x128x64xf32, #tpu.memory_space<vmem>>, vector<1x1x16xf32>,
        %broadcast_in_dim3A_902 = arith.constant 10 : i32
        %broadcast_in_dim3A_903 = vector.broadcast %broadcast_in_dim3A_902 : i32 to vector<16x1xi32>
        %gather3A_904 = vector.shape_cast %broadcast_in_dim3A_903 : vector<16x1xi32> to vector<16xi32>
        %gather3A_905 = tpu.dynamic_gather %get3A_263[%gather3A_904] in [0] : vector<16xf32>, vector<16xi32> -> vector<16xf32>
        %mul3A_906 = arith.constant 16 : i32
        %mul3A_907 = arith.muli %scan3A_255, %mul3A_906 : i32
        %add3A_908 = arith.constant 10 : i32
        %add3A_909 = arith.addi %mul3A_907, %add3A_908 : i32
        %get3A_910 = arith.constant 0 : i32
        %get3A_911 = arith.index_cast %get3A_910 : i32 to index
        %get3A_912 = arith.index_cast %add3A_909 : i32 to index
        %get3A_913 = arith.constant 0 : index
        %get3A_914 = tpu.vector_load %arg9[%get3A_911, %get3A_912, %get3A_913] {strides = array<i32>} : memref<2x128x64xf32, #tpu.memory_space<vmem>>, vector<1x1x16xf32>,
        %get3A_915 = vector.shape_cast %get3A_914 : vector<1x1x16xf32> to vector<16xf32>
        %mul3A_916 = arith.mulf %get3A_915, %gather3A_905 : vector<16xf32>
        %swap3A_917 = arith.constant 0 : i32
        %swap3A_918 = arith.index_cast %swap3A_917 : i32 to index
        %swap3A_919 = arith.index_cast %add3A_909 : i32 to index
        %swap3A_920 = arith.constant 0 : index
        %swap3A_921 = tpu.vector_load %arg10[%swap3A_918, %swap3A_919, %swap3A_920] {strides = array<i32>} : memref<2x128x64xf32, #tpu.memory_space<vmem>>, vector<1x1x16xf32>,
        %swap3A_922 = vector.shape_cast %swap3A_921 : vector<1x1x16xf32> to vector<16xf32>
        %swap3A_923 = vector.shape_cast %mul3A_916 : vector<16xf32> to vector<1x1x16xf32>
        tpu.vector_store %arg10[%swap3A_918, %swap3A_919, %swap3A_920], %swap3A_923 {strides = array<i32>} : memref<2x128x64xf32, #tpu.memory_space<vmem>>, vector<1x1x16xf32>,
        %get3A_924 = arith.constant 0 : i32
        %get3A_925 = arith.index_cast %get3A_924 : i32 to index
        %get3A_926 = arith.index_cast %add3A_909 : i32 to index
        %get3A_927 = arith.constant 16 : index
        %get3A_928 = tpu.vector_load %arg9[%get3A_925, %get3A_926, %get3A_927] {strides = array<i32>} : memref<2x128x64xf32, #tpu.memory_space<vmem>>, vector<1x1x16xf32>,
        %get3A_929 = vector.shape_cast %get3A_928 : vector<1x1x16xf32> to vector<16xf32>
        %mul3A_930 = arith.mulf %get3A_929, %gather3A_905 : vector<16xf32>
        %swap3A_931 = arith.constant 0 : i32
        %swap3A_932 = arith.index_cast %swap3A_931 : i32 to index
        %swap3A_933 = arith.index_cast %add3A_909 : i32 to index
        %swap3A_934 = arith.constant 16 : index
        %swap3A_935 = tpu.vector_load %arg10[%swap3A_932, %swap3A_933, %swap3A_934] {strides = array<i32>} : memref<2x128x64xf32, #tpu.memory_space<vmem>>, vector<1x1x16xf32>,
        %swap3A_936 = vector.shape_cast %swap3A_935 : vector<1x1x16xf32> to vector<16xf32>
        %swap3A_937 = vector.shape_cast %mul3A_930 : vector<16xf32> to vector<1x1x16xf32>
        tpu.vector_store %arg10[%swap3A_932, %swap3A_933, %swap3A_934], %swap3A_937 {strides = array<i32>} : memref<2x128x64xf32, #tpu.memory_space<vmem>>, vector<1x1x16xf32>,
        %get3A_938 = arith.constant 0 : i32
        %get3A_939 = arith.index_cast %get3A_938 : i32 to index
        %get3A_940 = arith.index_cast %add3A_909 : i32 to index
        %get3A_941 = arith.constant 32 : index
        %get3A_942 = tpu.vector_load %arg9[%get3A_939, %get3A_940, %get3A_941] {strides = array<i32>} : memref<2x128x64xf32, #tpu.memory_space<vmem>>, vector<1x1x16xf32>,
        %get3A_943 = vector.shape_cast %get3A_942 : vector<1x1x16xf32> to vector<16xf32>
        %mul3A_944 = arith.mulf %get3A_943, %gather3A_905 : vector<16xf32>
        %swap3A_945 = arith.constant 0 : i32
        %swap3A_946 = arith.index_cast %swap3A_945 : i32 to index
        %swap3A_947 = arith.index_cast %add3A_909 : i32 to index
        %swap3A_948 = arith.constant 32 : index
        %swap3A_949 = tpu.vector_load %arg10[%swap3A_946, %swap3A_947, %swap3A_948] {strides = array<i32>} : memref<2x128x64xf32, #tpu.memory_space<vmem>>, vector<1x1x16xf32>,
        %swap3A_950 = vector.shape_cast %swap3A_949 : vector<1x1x16xf32> to vector<16xf32>
        %swap3A_951 = vector.shape_cast %mul3A_944 : vector<16xf32> to vector<1x1x16xf32>
        tpu.vector_store %arg10[%swap3A_946, %swap3A_947, %swap3A_948], %swap3A_951 {strides = array<i32>} : memref<2x128x64xf32, #tpu.memory_space<vmem>>, vector<1x1x16xf32>,
        %get3A_952 = arith.constant 0 : i32
        %get3A_953 = arith.index_cast %get3A_952 : i32 to index
        %get3A_954 = arith.index_cast %add3A_909 : i32 to index
        %get3A_955 = arith.constant 48 : index
        %get3A_956 = tpu.vector_load %arg9[%get3A_953, %get3A_954, %get3A_955] {strides = array<i32>} : memref<2x128x64xf32, #tpu.memory_space<vmem>>, vector<1x1x16xf32>,
        %get3A_957 = vector.shape_cast %get3A_956 : vector<1x1x16xf32> to vector<16xf32>
        %mul3A_958 = arith.mulf %get3A_957, %gather3A_905 : vector<16xf32>
        %swap3A_959 = arith.constant 0 : i32
        %swap3A_960 = arith.index_cast %swap3A_959 : i32 to index
        %swap3A_961 = arith.index_cast %add3A_909 : i32 to index
        %swap3A_962 = arith.constant 48 : index
        %swap3A_963 = tpu.vector_load %arg10[%swap3A_960, %swap3A_961, %swap3A_962] {strides = array<i32>} : memref<2x128x64xf32, #tpu.memory_space<vmem>>, vector<1x1x16xf32>,
        %swap3A_964 = vector.shape_cast %swap3A_963 : vector<1x1x16xf32> to vector<16xf32>
        %swap3A_965 = vector.shape_cast %mul3A_958 : vector<16xf32> to vector<1x1x16xf32>
        tpu.vector_store %arg10[%swap3A_960, %swap3A_961, %swap3A_962], %swap3A_965 {strides = array<i32>} : memref<2x128x64xf32, #tpu.memory_space<vmem>>, vector<1x1x16xf32>,
        %broadcast_in_dim3A_966 = arith.constant 11 : i32
        %broadcast_in_dim3A_967 = vector.broadcast %broadcast_in_dim3A_966 : i32 to vector<16x1xi32>
        %gather3A_968 = vector.shape_cast %broadcast_in_dim3A_967 : vector<16x1xi32> to vector<16xi32>
        %gather3A_969 = tpu.dynamic_gather %get3A_263[%gather3A_968] in [0] : vector<16xf32>, vector<16xi32> -> vector<16xf32>
        %mul3A_970 = arith.constant 16 : i32
        %mul3A_971 = arith.muli %scan3A_255, %mul3A_970 : i32
        %add3A_972 = arith.constant 11 : i32
        %add3A_973 = arith.addi %mul3A_971, %add3A_972 : i32
        %get3A_974 = arith.constant 0 : i32
        %get3A_975 = arith.index_cast %get3A_974 : i32 to index
        %get3A_976 = arith.index_cast %add3A_973 : i32 to index
        %get3A_977 = arith.constant 0 : index
        %get3A_978 = tpu.vector_load %arg9[%get3A_975, %get3A_976, %get3A_977] {strides = array<i32>} : memref<2x128x64xf32, #tpu.memory_space<vmem>>, vector<1x1x16xf32>,
        %get3A_979 = vector.shape_cast %get3A_978 : vector<1x1x16xf32> to vector<16xf32>
        %mul3A_980 = arith.mulf %get3A_979, %gather3A_969 : vector<16xf32>
        %swap3A_981 = arith.constant 0 : i32
        %swap3A_982 = arith.index_cast %swap3A_981 : i32 to index
        %swap3A_983 = arith.index_cast %add3A_973 : i32 to index
        %swap3A_984 = arith.constant 0 : index
        %swap3A_985 = tpu.vector_load %arg10[%swap3A_982, %swap3A_983, %swap3A_984] {strides = array<i32>} : memref<2x128x64xf32, #tpu.memory_space<vmem>>, vector<1x1x16xf32>,
        %swap3A_986 = vector.shape_cast %swap3A_985 : vector<1x1x16xf32> to vector<16xf32>
        %swap3A_987 = vector.shape_cast %mul3A_980 : vector<16xf32> to vector<1x1x16xf32>
        tpu.vector_store %arg10[%swap3A_982, %swap3A_983, %swap3A_984], %swap3A_987 {strides = array<i32>} : memref<2x128x64xf32, #tpu.memory_space<vmem>>, vector<1x1x16xf32>,
        %get3A_988 = arith.constant 0 : i32
        %get3A_989 = arith.index_cast %get3A_988 : i32 to index
        %get3A_990 = arith.index_cast %add3A_973 : i32 to index
        %get3A_991 = arith.constant 16 : index
        %get3A_992 = tpu.vector_load %arg9[%get3A_989, %get3A_990, %get3A_991] {strides = array<i32>} : memref<2x128x64xf32, #tpu.memory_space<vmem>>, vector<1x1x16xf32>,
        %get3A_993 = vector.shape_cast %get3A_992 : vector<1x1x16xf32> to vector<16xf32>
        %mul3A_994 = arith.mulf %get3A_993, %gather3A_969 : vector<16xf32>
        %swap3A_995 = arith.constant 0 : i32
        %swap3A_996 = arith.index_cast %swap3A_995 : i32 to index
        %swap3A_997 = arith.index_cast %add3A_973 : i32 to index
        %swap3A_998 = arith.constant 16 : index
        %swap3A_999 = tpu.vector_load %arg10[%swap3A_996, %swap3A_997, %swap3A_998] {strides = array<i32>} : memref<2x128x64xf32, #tpu.memory_space<vmem>>, vector<1x1x16xf32>,
        %swap3A_1000 = vector.shape_cast %swap3A_999 : vector<1x1x16xf32> to vector<16xf32>
        %swap3A_1001 = vector.shape_cast %mul3A_994 : vector<16xf32> to vector<1x1x16xf32>
        tpu.vector_store %arg10[%swap3A_996, %swap3A_997, %swap3A_998], %swap3A_1001 {strides = array<i32>} : memref<2x128x64xf32, #tpu.memory_space<vmem>>, vector<1x1x16xf32>,
        %get3A_1002 = arith.constant 0 : i32
        %get3A_1003 = arith.index_cast %get3A_1002 : i32 to index
        %get3A_1004 = arith.index_cast %add3A_973 : i32 to index
        %get3A_1005 = arith.constant 32 : index
        %get3A_1006 = tpu.vector_load %arg9[%get3A_1003, %get3A_1004, %get3A_1005] {strides = array<i32>} : memref<2x128x64xf32, #tpu.memory_space<vmem>>, vector<1x1x16xf32>,
        %get3A_1007 = vector.shape_cast %get3A_1006 : vector<1x1x16xf32> to vector<16xf32>
        %mul3A_1008 = arith.mulf %get3A_1007, %gather3A_969 : vector<16xf32>
        %swap3A_1009 = arith.constant 0 : i32
        %swap3A_1010 = arith.index_cast %swap3A_1009 : i32 to index
        %swap3A_1011 = arith.index_cast %add3A_973 : i32 to index
        %swap3A_1012 = arith.constant 32 : index
        %swap3A_1013 = tpu.vector_load %arg10[%swap3A_1010, %swap3A_1011, %swap3A_1012] {strides = array<i32>} : memref<2x128x64xf32, #tpu.memory_space<vmem>>, vector<1x1x16xf32>,
        %swap3A_1014 = vector.shape_cast %swap3A_1013 : vector<1x1x16xf32> to vector<16xf32>
        %swap3A_1015 = vector.shape_cast %mul3A_1008 : vector<16xf32> to vector<1x1x16xf32>
        tpu.vector_store %arg10[%swap3A_1010, %swap3A_1011, %swap3A_1012], %swap3A_1015 {strides = array<i32>} : memref<2x128x64xf32, #tpu.memory_space<vmem>>, vector<1x1x16xf32>,
        %get3A_1016 = arith.constant 0 : i32
        %get3A_1017 = arith.index_cast %get3A_1016 : i32 to index
        %get3A_1018 = arith.index_cast %add3A_973 : i32 to index
        %get3A_1019 = arith.constant 48 : index
        %get3A_1020 = tpu.vector_load %arg9[%get3A_1017, %get3A_1018, %get3A_1019] {strides = array<i32>} : memref<2x128x64xf32, #tpu.memory_space<vmem>>, vector<1x1x16xf32>,
        %get3A_1021 = vector.shape_cast %get3A_1020 : vector<1x1x16xf32> to vector<16xf32>
        %mul3A_1022 = arith.mulf %get3A_1021, %gather3A_969 : vector<16xf32>
        %swap3A_1023 = arith.constant 0 : i32
        %swap3A_1024 = arith.index_cast %swap3A_1023 : i32 to index
        %swap3A_1025 = arith.index_cast %add3A_973 : i32 to index
        %swap3A_1026 = arith.constant 48 : index
        %swap3A_1027 = tpu.vector_load %arg10[%swap3A_1024, %swap3A_1025, %swap3A_1026] {strides = array<i32>} : memref<2x128x64xf32, #tpu.memory_space<vmem>>, vector<1x1x16xf32>,
        %swap3A_1028 = vector.shape_cast %swap3A_1027 : vector<1x1x16xf32> to vector<16xf32>
        %swap3A_1029 = vector.shape_cast %mul3A_1022 : vector<16xf32> to vector<1x1x16xf32>
        tpu.vector_store %arg10[%swap3A_1024, %swap3A_1025, %swap3A_1026], %swap3A_1029 {strides = array<i32>} : memref<2x128x64xf32, #tpu.memory_space<vmem>>, vector<1x1x16xf32>,
        %broadcast_in_dim3A_1030 = arith.constant 12 : i32
        %broadcast_in_dim3A_1031 = vector.broadcast %broadcast_in_dim3A_1030 : i32 to vector<16x1xi32>
        %gather3A_1032 = vector.shape_cast %broadcast_in_dim3A_1031 : vector<16x1xi32> to vector<16xi32>
        %gather3A_1033 = tpu.dynamic_gather %get3A_263[%gather3A_1032] in [0] : vector<16xf32>, vector<16xi32> -> vector<16xf32>
        %mul3A_1034 = arith.constant 16 : i32
        %mul3A_1035 = arith.muli %scan3A_255, %mul3A_1034 : i32
        %add3A_1036 = arith.constant 12 : i32
        %add3A_1037 = arith.addi %mul3A_1035, %add3A_1036 : i32
        %get3A_1038 = arith.constant 0 : i32
        %get3A_1039 = arith.index_cast %get3A_1038 : i32 to index
        %get3A_1040 = arith.index_cast %add3A_1037 : i32 to index
        %get3A_1041 = arith.constant 0 : index
        %get3A_1042 = tpu.vector_load %arg9[%get3A_1039, %get3A_1040, %get3A_1041] {strides = array<i32>} : memref<2x128x64xf32, #tpu.memory_space<vmem>>, vector<1x1x16xf32>,
        %get3A_1043 = vector.shape_cast %get3A_1042 : vector<1x1x16xf32> to vector<16xf32>
        %mul3A_1044 = arith.mulf %get3A_1043, %gather3A_1033 : vector<16xf32>
        %swap3A_1045 = arith.constant 0 : i32
        %swap3A_1046 = arith.index_cast %swap3A_1045 : i32 to index
        %swap3A_1047 = arith.index_cast %add3A_1037 : i32 to index
        %swap3A_1048 = arith.constant 0 : index
        %swap3A_1049 = tpu.vector_load %arg10[%swap3A_1046, %swap3A_1047, %swap3A_1048] {strides = array<i32>} : memref<2x128x64xf32, #tpu.memory_space<vmem>>, vector<1x1x16xf32>,
        %swap3A_1050 = vector.shape_cast %swap3A_1049 : vector<1x1x16xf32> to vector<16xf32>
        %swap3A_1051 = vector.shape_cast %mul3A_1044 : vector<16xf32> to vector<1x1x16xf32>
        tpu.vector_store %arg10[%swap3A_1046, %swap3A_1047, %swap3A_1048], %swap3A_1051 {strides = array<i32>} : memref<2x128x64xf32, #tpu.memory_space<vmem>>, vector<1x1x16xf32>,
        %get3A_1052 = arith.constant 0 : i32
        %get3A_1053 = arith.index_cast %get3A_1052 : i32 to index
        %get3A_1054 = arith.index_cast %add3A_1037 : i32 to index
        %get3A_1055 = arith.constant 16 : index
        %get3A_1056 = tpu.vector_load %arg9[%get3A_1053, %get3A_1054, %get3A_1055] {strides = array<i32>} : memref<2x128x64xf32, #tpu.memory_space<vmem>>, vector<1x1x16xf32>,
        %get3A_1057 = vector.shape_cast %get3A_1056 : vector<1x1x16xf32> to vector<16xf32>
        %mul3A_1058 = arith.mulf %get3A_1057, %gather3A_1033 : vector<16xf32>
        %swap3A_1059 = arith.constant 0 : i32
        %swap3A_1060 = arith.index_cast %swap3A_1059 : i32 to index
        %swap3A_1061 = arith.index_cast %add3A_1037 : i32 to index
        %swap3A_1062 = arith.constant 16 : index
        %swap3A_1063 = tpu.vector_load %arg10[%swap3A_1060, %swap3A_1061, %swap3A_1062] {strides = array<i32>} : memref<2x128x64xf32, #tpu.memory_space<vmem>>, vector<1x1x16xf32>,
        %swap3A_1064 = vector.shape_cast %swap3A_1063 : vector<1x1x16xf32> to vector<16xf32>
        %swap3A_1065 = vector.shape_cast %mul3A_1058 : vector<16xf32> to vector<1x1x16xf32>
        tpu.vector_store %arg10[%swap3A_1060, %swap3A_1061, %swap3A_1062], %swap3A_1065 {strides = array<i32>} : memref<2x128x64xf32, #tpu.memory_space<vmem>>, vector<1x1x16xf32>,
        %get3A_1066 = arith.constant 0 : i32
        %get3A_1067 = arith.index_cast %get3A_1066 : i32 to index
        %get3A_1068 = arith.index_cast %add3A_1037 : i32 to index
        %get3A_1069 = arith.constant 32 : index
        %get3A_1070 = tpu.vector_load %arg9[%get3A_1067, %get3A_1068, %get3A_1069] {strides = array<i32>} : memref<2x128x64xf32, #tpu.memory_space<vmem>>, vector<1x1x16xf32>,
        %get3A_1071 = vector.shape_cast %get3A_1070 : vector<1x1x16xf32> to vector<16xf32>
        %mul3A_1072 = arith.mulf %get3A_1071, %gather3A_1033 : vector<16xf32>
        %swap3A_1073 = arith.constant 0 : i32
        %swap3A_1074 = arith.index_cast %swap3A_1073 : i32 to index
        %swap3A_1075 = arith.index_cast %add3A_1037 : i32 to index
        %swap3A_1076 = arith.constant 32 : index
        %swap3A_1077 = tpu.vector_load %arg10[%swap3A_1074, %swap3A_1075, %swap3A_1076] {strides = array<i32>} : memref<2x128x64xf32, #tpu.memory_space<vmem>>, vector<1x1x16xf32>,
        %swap3A_1078 = vector.shape_cast %swap3A_1077 : vector<1x1x16xf32> to vector<16xf32>
        %swap3A_1079 = vector.shape_cast %mul3A_1072 : vector<16xf32> to vector<1x1x16xf32>
        tpu.vector_store %arg10[%swap3A_1074, %swap3A_1075, %swap3A_1076], %swap3A_1079 {strides = array<i32>} : memref<2x128x64xf32, #tpu.memory_space<vmem>>, vector<1x1x16xf32>,
        %get3A_1080 = arith.constant 0 : i32
        %get3A_1081 = arith.index_cast %get3A_1080 : i32 to index
        %get3A_1082 = arith.index_cast %add3A_1037 : i32 to index
        %get3A_1083 = arith.constant 48 : index
        %get3A_1084 = tpu.vector_load %arg9[%get3A_1081, %get3A_1082, %get3A_1083] {strides = array<i32>} : memref<2x128x64xf32, #tpu.memory_space<vmem>>, vector<1x1x16xf32>,
        %get3A_1085 = vector.shape_cast %get3A_1084 : vector<1x1x16xf32> to vector<16xf32>
        %mul3A_1086 = arith.mulf %get3A_1085, %gather3A_1033 : vector<16xf32>
        %swap3A_1087 = arith.constant 0 : i32
        %swap3A_1088 = arith.index_cast %swap3A_1087 : i32 to index
        %swap3A_1089 = arith.index_cast %add3A_1037 : i32 to index
        %swap3A_1090 = arith.constant 48 : index
        %swap3A_1091 = tpu.vector_load %arg10[%swap3A_1088, %swap3A_1089, %swap3A_1090] {strides = array<i32>} : memref<2x128x64xf32, #tpu.memory_space<vmem>>, vector<1x1x16xf32>,
        %swap3A_1092 = vector.shape_cast %swap3A_1091 : vector<1x1x16xf32> to vector<16xf32>
        %swap3A_1093 = vector.shape_cast %mul3A_1086 : vector<16xf32> to vector<1x1x16xf32>
        tpu.vector_store %arg10[%swap3A_1088, %swap3A_1089, %swap3A_1090], %swap3A_1093 {strides = array<i32>} : memref<2x128x64xf32, #tpu.memory_space<vmem>>, vector<1x1x16xf32>,
        %broadcast_in_dim3A_1094 = arith.constant 13 : i32
        %broadcast_in_dim3A_1095 = vector.broadcast %broadcast_in_dim3A_1094 : i32 to vector<16x1xi32>
        %gather3A_1096 = vector.shape_cast %broadcast_in_dim3A_1095 : vector<16x1xi32> to vector<16xi32>
        %gather3A_1097 = tpu.dynamic_gather %get3A_263[%gather3A_1096] in [0] : vector<16xf32>, vector<16xi32> -> vector<16xf32>
        %mul3A_1098 = arith.constant 16 : i32
        %mul3A_1099 = arith.muli %scan3A_255, %mul3A_1098 : i32
        %add3A_1100 = arith.constant 13 : i32
        %add3A_1101 = arith.addi %mul3A_1099, %add3A_1100 : i32
        %get3A_1102 = arith.constant 0 : i32
        %get3A_1103 = arith.index_cast %get3A_1102 : i32 to index
        %get3A_1104 = arith.index_cast %add3A_1101 : i32 to index
        %get3A_1105 = arith.constant 0 : index
        %get3A_1106 = tpu.vector_load %arg9[%get3A_1103, %get3A_1104, %get3A_1105] {strides = array<i32>} : memref<2x128x64xf32, #tpu.memory_space<vmem>>, vector<1x1x16xf32>,
        %get3A_1107 = vector.shape_cast %get3A_1106 : vector<1x1x16xf32> to vector<16xf32>
        %mul3A_1108 = arith.mulf %get3A_1107, %gather3A_1097 : vector<16xf32>
        %swap3A_1109 = arith.constant 0 : i32
        %swap3A_1110 = arith.index_cast %swap3A_1109 : i32 to index
        %swap3A_1111 = arith.index_cast %add3A_1101 : i32 to index
        %swap3A_1112 = arith.constant 0 : index
        %swap3A_1113 = tpu.vector_load %arg10[%swap3A_1110, %swap3A_1111, %swap3A_1112] {strides = array<i32>} : memref<2x128x64xf32, #tpu.memory_space<vmem>>, vector<1x1x16xf32>,
        %swap3A_1114 = vector.shape_cast %swap3A_1113 : vector<1x1x16xf32> to vector<16xf32>
        %swap3A_1115 = vector.shape_cast %mul3A_1108 : vector<16xf32> to vector<1x1x16xf32>
        tpu.vector_store %arg10[%swap3A_1110, %swap3A_1111, %swap3A_1112], %swap3A_1115 {strides = array<i32>} : memref<2x128x64xf32, #tpu.memory_space<vmem>>, vector<1x1x16xf32>,
        %get3A_1116 = arith.constant 0 : i32
        %get3A_1117 = arith.index_cast %get3A_1116 : i32 to index
        %get3A_1118 = arith.index_cast %add3A_1101 : i32 to index
        %get3A_1119 = arith.constant 16 : index
        %get3A_1120 = tpu.vector_load %arg9[%get3A_1117, %get3A_1118, %get3A_1119] {strides = array<i32>} : memref<2x128x64xf32, #tpu.memory_space<vmem>>, vector<1x1x16xf32>,
        %get3A_1121 = vector.shape_cast %get3A_1120 : vector<1x1x16xf32> to vector<16xf32>
        %mul3A_1122 = arith.mulf %get3A_1121, %gather3A_1097 : vector<16xf32>
        %swap3A_1123 = arith.constant 0 : i32
        %swap3A_1124 = arith.index_cast %swap3A_1123 : i32 to index
        %swap3A_1125 = arith.index_cast %add3A_1101 : i32 to index
        %swap3A_1126 = arith.constant 16 : index
        %swap3A_1127 = tpu.vector_load %arg10[%swap3A_1124, %swap3A_1125, %swap3A_1126] {strides = array<i32>} : memref<2x128x64xf32, #tpu.memory_space<vmem>>, vector<1x1x16xf32>,
        %swap3A_1128 = vector.shape_cast %swap3A_1127 : vector<1x1x16xf32> to vector<16xf32>
        %swap3A_1129 = vector.shape_cast %mul3A_1122 : vector<16xf32> to vector<1x1x16xf32>
        tpu.vector_store %arg10[%swap3A_1124, %swap3A_1125, %swap3A_1126], %swap3A_1129 {strides = array<i32>} : memref<2x128x64xf32, #tpu.memory_space<vmem>>, vector<1x1x16xf32>,
        %get3A_1130 = arith.constant 0 : i32
        %get3A_1131 = arith.index_cast %get3A_1130 : i32 to index
        %get3A_1132 = arith.index_cast %add3A_1101 : i32 to index
        %get3A_1133 = arith.constant 32 : index
        %get3A_1134 = tpu.vector_load %arg9[%get3A_1131, %get3A_1132, %get3A_1133] {strides = array<i32>} : memref<2x128x64xf32, #tpu.memory_space<vmem>>, vector<1x1x16xf32>,
        %get3A_1135 = vector.shape_cast %get3A_1134 : vector<1x1x16xf32> to vector<16xf32>
        %mul3A_1136 = arith.mulf %get3A_1135, %gather3A_1097 : vector<16xf32>
        %swap3A_1137 = arith.constant 0 : i32
        %swap3A_1138 = arith.index_cast %swap3A_1137 : i32 to index
        %swap3A_1139 = arith.index_cast %add3A_1101 : i32 to index
        %swap3A_1140 = arith.constant 32 : index
        %swap3A_1141 = tpu.vector_load %arg10[%swap3A_1138, %swap3A_1139, %swap3A_1140] {strides = array<i32>} : memref<2x128x64xf32, #tpu.memory_space<vmem>>, vector<1x1x16xf32>,
        %swap3A_1142 = vector.shape_cast %swap3A_1141 : vector<1x1x16xf32> to vector<16xf32>
        %swap3A_1143 = vector.shape_cast %mul3A_1136 : vector<16xf32> to vector<1x1x16xf32>
        tpu.vector_store %arg10[%swap3A_1138, %swap3A_1139, %swap3A_1140], %swap3A_1143 {strides = array<i32>} : memref<2x128x64xf32, #tpu.memory_space<vmem>>, vector<1x1x16xf32>,
        %get3A_1144 = arith.constant 0 : i32
        %get3A_1145 = arith.index_cast %get3A_1144 : i32 to index
        %get3A_1146 = arith.index_cast %add3A_1101 : i32 to index
        %get3A_1147 = arith.constant 48 : index
        %get3A_1148 = tpu.vector_load %arg9[%get3A_1145, %get3A_1146, %get3A_1147] {strides = array<i32>} : memref<2x128x64xf32, #tpu.memory_space<vmem>>, vector<1x1x16xf32>,
        %get3A_1149 = vector.shape_cast %get3A_1148 : vector<1x1x16xf32> to vector<16xf32>
        %mul3A_1150 = arith.mulf %get3A_1149, %gather3A_1097 : vector<16xf32>
        %swap3A_1151 = arith.constant 0 : i32
        %swap3A_1152 = arith.index_cast %swap3A_1151 : i32 to index
        %swap3A_1153 = arith.index_cast %add3A_1101 : i32 to index
        %swap3A_1154 = arith.constant 48 : index
        %swap3A_1155 = tpu.vector_load %arg10[%swap3A_1152, %swap3A_1153, %swap3A_1154] {strides = array<i32>} : memref<2x128x64xf32, #tpu.memory_space<vmem>>, vector<1x1x16xf32>,
        %swap3A_1156 = vector.shape_cast %swap3A_1155 : vector<1x1x16xf32> to vector<16xf32>
        %swap3A_1157 = vector.shape_cast %mul3A_1150 : vector<16xf32> to vector<1x1x16xf32>
        tpu.vector_store %arg10[%swap3A_1152, %swap3A_1153, %swap3A_1154], %swap3A_1157 {strides = array<i32>} : memref<2x128x64xf32, #tpu.memory_space<vmem>>, vector<1x1x16xf32>,
        %broadcast_in_dim3A_1158 = arith.constant 14 : i32
        %broadcast_in_dim3A_1159 = vector.broadcast %broadcast_in_dim3A_1158 : i32 to vector<16x1xi32>
        %gather3A_1160 = vector.shape_cast %broadcast_in_dim3A_1159 : vector<16x1xi32> to vector<16xi32>
        %gather3A_1161 = tpu.dynamic_gather %get3A_263[%gather3A_1160] in [0] : vector<16xf32>, vector<16xi32> -> vector<16xf32>
        %mul3A_1162 = arith.constant 16 : i32
        %mul3A_1163 = arith.muli %scan3A_255, %mul3A_1162 : i32
        %add3A_1164 = arith.constant 14 : i32
        %add3A_1165 = arith.addi %mul3A_1163, %add3A_1164 : i32
        %get3A_1166 = arith.constant 0 : i32
        %get3A_1167 = arith.index_cast %get3A_1166 : i32 to index
        %get3A_1168 = arith.index_cast %add3A_1165 : i32 to index
        %get3A_1169 = arith.constant 0 : index
        %get3A_1170 = tpu.vector_load %arg9[%get3A_1167, %get3A_1168, %get3A_1169] {strides = array<i32>} : memref<2x128x64xf32, #tpu.memory_space<vmem>>, vector<1x1x16xf32>,
        %get3A_1171 = vector.shape_cast %get3A_1170 : vector<1x1x16xf32> to vector<16xf32>
        %mul3A_1172 = arith.mulf %get3A_1171, %gather3A_1161 : vector<16xf32>
        %swap3A_1173 = arith.constant 0 : i32
        %swap3A_1174 = arith.index_cast %swap3A_1173 : i32 to index
        %swap3A_1175 = arith.index_cast %add3A_1165 : i32 to index
        %swap3A_1176 = arith.constant 0 : index
        %swap3A_1177 = tpu.vector_load %arg10[%swap3A_1174, %swap3A_1175, %swap3A_1176] {strides = array<i32>} : memref<2x128x64xf32, #tpu.memory_space<vmem>>, vector<1x1x16xf32>,
        %swap3A_1178 = vector.shape_cast %swap3A_1177 : vector<1x1x16xf32> to vector<16xf32>
        %swap3A_1179 = vector.shape_cast %mul3A_1172 : vector<16xf32> to vector<1x1x16xf32>
        tpu.vector_store %arg10[%swap3A_1174, %swap3A_1175, %swap3A_1176], %swap3A_1179 {strides = array<i32>} : memref<2x128x64xf32, #tpu.memory_space<vmem>>, vector<1x1x16xf32>,
        %get3A_1180 = arith.constant 0 : i32
        %get3A_1181 = arith.index_cast %get3A_1180 : i32 to index
        %get3A_1182 = arith.index_cast %add3A_1165 : i32 to index
        %get3A_1183 = arith.constant 16 : index
        %get3A_1184 = tpu.vector_load %arg9[%get3A_1181, %get3A_1182, %get3A_1183] {strides = array<i32>} : memref<2x128x64xf32, #tpu.memory_space<vmem>>, vector<1x1x16xf32>,
        %get3A_1185 = vector.shape_cast %get3A_1184 : vector<1x1x16xf32> to vector<16xf32>
        %mul3A_1186 = arith.mulf %get3A_1185, %gather3A_1161 : vector<16xf32>
        %swap3A_1187 = arith.constant 0 : i32
        %swap3A_1188 = arith.index_cast %swap3A_1187 : i32 to index
        %swap3A_1189 = arith.index_cast %add3A_1165 : i32 to index
        %swap3A_1190 = arith.constant 16 : index
        %swap3A_1191 = tpu.vector_load %arg10[%swap3A_1188, %swap3A_1189, %swap3A_1190] {strides = array<i32>} : memref<2x128x64xf32, #tpu.memory_space<vmem>>, vector<1x1x16xf32>,
        %swap3A_1192 = vector.shape_cast %swap3A_1191 : vector<1x1x16xf32> to vector<16xf32>
        %swap3A_1193 = vector.shape_cast %mul3A_1186 : vector<16xf32> to vector<1x1x16xf32>
        tpu.vector_store %arg10[%swap3A_1188, %swap3A_1189, %swap3A_1190], %swap3A_1193 {strides = array<i32>} : memref<2x128x64xf32, #tpu.memory_space<vmem>>, vector<1x1x16xf32>,
        %get3A_1194 = arith.constant 0 : i32
        %get3A_1195 = arith.index_cast %get3A_1194 : i32 to index
        %get3A_1196 = arith.index_cast %add3A_1165 : i32 to index
        %get3A_1197 = arith.constant 32 : index
        %get3A_1198 = tpu.vector_load %arg9[%get3A_1195, %get3A_1196, %get3A_1197] {strides = array<i32>} : memref<2x128x64xf32, #tpu.memory_space<vmem>>, vector<1x1x16xf32>,
        %get3A_1199 = vector.shape_cast %get3A_1198 : vector<1x1x16xf32> to vector<16xf32>
        %mul3A_1200 = arith.mulf %get3A_1199, %gather3A_1161 : vector<16xf32>
        %swap3A_1201 = arith.constant 0 : i32
        %swap3A_1202 = arith.index_cast %swap3A_1201 : i32 to index
        %swap3A_1203 = arith.index_cast %add3A_1165 : i32 to index
        %swap3A_1204 = arith.constant 32 : index
        %swap3A_1205 = tpu.vector_load %arg10[%swap3A_1202, %swap3A_1203, %swap3A_1204] {strides = array<i32>} : memref<2x128x64xf32, #tpu.memory_space<vmem>>, vector<1x1x16xf32>,
        %swap3A_1206 = vector.shape_cast %swap3A_1205 : vector<1x1x16xf32> to vector<16xf32>
        %swap3A_1207 = vector.shape_cast %mul3A_1200 : vector<16xf32> to vector<1x1x16xf32>
        tpu.vector_store %arg10[%swap3A_1202, %swap3A_1203, %swap3A_1204], %swap3A_1207 {strides = array<i32>} : memref<2x128x64xf32, #tpu.memory_space<vmem>>, vector<1x1x16xf32>,
        %get3A_1208 = arith.constant 0 : i32
        %get3A_1209 = arith.index_cast %get3A_1208 : i32 to index
        %get3A_1210 = arith.index_cast %add3A_1165 : i32 to index
        %get3A_1211 = arith.constant 48 : index
        %get3A_1212 = tpu.vector_load %arg9[%get3A_1209, %get3A_1210, %get3A_1211] {strides = array<i32>} : memref<2x128x64xf32, #tpu.memory_space<vmem>>, vector<1x1x16xf32>,
        %get3A_1213 = vector.shape_cast %get3A_1212 : vector<1x1x16xf32> to vector<16xf32>
        %mul3A_1214 = arith.mulf %get3A_1213, %gather3A_1161 : vector<16xf32>
        %swap3A_1215 = arith.constant 0 : i32
        %swap3A_1216 = arith.index_cast %swap3A_1215 : i32 to index
        %swap3A_1217 = arith.index_cast %add3A_1165 : i32 to index
        %swap3A_1218 = arith.constant 48 : index
        %swap3A_1219 = tpu.vector_load %arg10[%swap3A_1216, %swap3A_1217, %swap3A_1218] {strides = array<i32>} : memref<2x128x64xf32, #tpu.memory_space<vmem>>, vector<1x1x16xf32>,
        %swap3A_1220 = vector.shape_cast %swap3A_1219 : vector<1x1x16xf32> to vector<16xf32>
        %swap3A_1221 = vector.shape_cast %mul3A_1214 : vector<16xf32> to vector<1x1x16xf32>
        tpu.vector_store %arg10[%swap3A_1216, %swap3A_1217, %swap3A_1218], %swap3A_1221 {strides = array<i32>} : memref<2x128x64xf32, #tpu.memory_space<vmem>>, vector<1x1x16xf32>,
        %broadcast_in_dim3A_1222 = arith.constant 15 : i32
        %broadcast_in_dim3A_1223 = vector.broadcast %broadcast_in_dim3A_1222 : i32 to vector<16x1xi32>
        %gather3A_1224 = vector.shape_cast %broadcast_in_dim3A_1223 : vector<16x1xi32> to vector<16xi32>
        %gather3A_1225 = tpu.dynamic_gather %get3A_263[%gather3A_1224] in [0] : vector<16xf32>, vector<16xi32> -> vector<16xf32>
        %mul3A_1226 = arith.constant 16 : i32
        %mul3A_1227 = arith.muli %scan3A_255, %mul3A_1226 : i32
        %add3A_1228 = arith.constant 15 : i32
        %add3A_1229 = arith.addi %mul3A_1227, %add3A_1228 : i32
        %get3A_1230 = arith.constant 0 : i32
        %get3A_1231 = arith.index_cast %get3A_1230 : i32 to index
        %get3A_1232 = arith.index_cast %add3A_1229 : i32 to index
        %get3A_1233 = arith.constant 0 : index
        %get3A_1234 = tpu.vector_load %arg9[%get3A_1231, %get3A_1232, %get3A_1233] {strides = array<i32>} : memref<2x128x64xf32, #tpu.memory_space<vmem>>, vector<1x1x16xf32>,
        %get3A_1235 = vector.shape_cast %get3A_1234 : vector<1x1x16xf32> to vector<16xf32>
        %mul3A_1236 = arith.mulf %get3A_1235, %gather3A_1225 : vector<16xf32>
        %swap3A_1237 = arith.constant 0 : i32
        %swap3A_1238 = arith.index_cast %swap3A_1237 : i32 to index
        %swap3A_1239 = arith.index_cast %add3A_1229 : i32 to index
        %swap3A_1240 = arith.constant 0 : index
        %swap3A_1241 = tpu.vector_load %arg10[%swap3A_1238, %swap3A_1239, %swap3A_1240] {strides = array<i32>} : memref<2x128x64xf32, #tpu.memory_space<vmem>>, vector<1x1x16xf32>,
        %swap3A_1242 = vector.shape_cast %swap3A_1241 : vector<1x1x16xf32> to vector<16xf32>
        %swap3A_1243 = vector.shape_cast %mul3A_1236 : vector<16xf32> to vector<1x1x16xf32>
        tpu.vector_store %arg10[%swap3A_1238, %swap3A_1239, %swap3A_1240], %swap3A_1243 {strides = array<i32>} : memref<2x128x64xf32, #tpu.memory_space<vmem>>, vector<1x1x16xf32>,
        %get3A_1244 = arith.constant 0 : i32
        %get3A_1245 = arith.index_cast %get3A_1244 : i32 to index
        %get3A_1246 = arith.index_cast %add3A_1229 : i32 to index
        %get3A_1247 = arith.constant 16 : index
        %get3A_1248 = tpu.vector_load %arg9[%get3A_1245, %get3A_1246, %get3A_1247] {strides = array<i32>} : memref<2x128x64xf32, #tpu.memory_space<vmem>>, vector<1x1x16xf32>,
        %get3A_1249 = vector.shape_cast %get3A_1248 : vector<1x1x16xf32> to vector<16xf32>
        %mul3A_1250 = arith.mulf %get3A_1249, %gather3A_1225 : vector<16xf32>
        %swap3A_1251 = arith.constant 0 : i32
        %swap3A_1252 = arith.index_cast %swap3A_1251 : i32 to index
        %swap3A_1253 = arith.index_cast %add3A_1229 : i32 to index
        %swap3A_1254 = arith.constant 16 : index
        %swap3A_1255 = tpu.vector_load %arg10[%swap3A_1252, %swap3A_1253, %swap3A_1254] {strides = array<i32>} : memref<2x128x64xf32, #tpu.memory_space<vmem>>, vector<1x1x16xf32>,
        %swap3A_1256 = vector.shape_cast %swap3A_1255 : vector<1x1x16xf32> to vector<16xf32>
        %swap3A_1257 = vector.shape_cast %mul3A_1250 : vector<16xf32> to vector<1x1x16xf32>
        tpu.vector_store %arg10[%swap3A_1252, %swap3A_1253, %swap3A_1254], %swap3A_1257 {strides = array<i32>} : memref<2x128x64xf32, #tpu.memory_space<vmem>>, vector<1x1x16xf32>,
        %get3A_1258 = arith.constant 0 : i32
        %get3A_1259 = arith.index_cast %get3A_1258 : i32 to index
        %get3A_1260 = arith.index_cast %add3A_1229 : i32 to index
        %get3A_1261 = arith.constant 32 : index
        %get3A_1262 = tpu.vector_load %arg9[%get3A_1259, %get3A_1260, %get3A_1261] {strides = array<i32>} : memref<2x128x64xf32, #tpu.memory_space<vmem>>, vector<1x1x16xf32>,
        %get3A_1263 = vector.shape_cast %get3A_1262 : vector<1x1x16xf32> to vector<16xf32>
        %mul3A_1264 = arith.mulf %get3A_1263, %gather3A_1225 : vector<16xf32>
        %swap3A_1265 = arith.constant 0 : i32
        %swap3A_1266 = arith.index_cast %swap3A_1265 : i32 to index
        %swap3A_1267 = arith.index_cast %add3A_1229 : i32 to index
        %swap3A_1268 = arith.constant 32 : index
        %swap3A_1269 = tpu.vector_load %arg10[%swap3A_1266, %swap3A_1267, %swap3A_1268] {strides = array<i32>} : memref<2x128x64xf32, #tpu.memory_space<vmem>>, vector<1x1x16xf32>,
        %swap3A_1270 = vector.shape_cast %swap3A_1269 : vector<1x1x16xf32> to vector<16xf32>
        %swap3A_1271 = vector.shape_cast %mul3A_1264 : vector<16xf32> to vector<1x1x16xf32>
        tpu.vector_store %arg10[%swap3A_1266, %swap3A_1267, %swap3A_1268], %swap3A_1271 {strides = array<i32>} : memref<2x128x64xf32, #tpu.memory_space<vmem>>, vector<1x1x16xf32>,
        %get3A_1272 = arith.constant 0 : i32
        %get3A_1273 = arith.index_cast %get3A_1272 : i32 to index
        %get3A_1274 = arith.index_cast %add3A_1229 : i32 to index
        %get3A_1275 = arith.constant 48 : index
        %get3A_1276 = tpu.vector_load %arg9[%get3A_1273, %get3A_1274, %get3A_1275] {strides = array<i32>} : memref<2x128x64xf32, #tpu.memory_space<vmem>>, vector<1x1x16xf32>,
        %get3A_1277 = vector.shape_cast %get3A_1276 : vector<1x1x16xf32> to vector<16xf32>
        %mul3A_1278 = arith.mulf %get3A_1277, %gather3A_1225 : vector<16xf32>
        %swap3A_1279 = arith.constant 0 : i32
        %swap3A_1280 = arith.index_cast %swap3A_1279 : i32 to index
        %swap3A_1281 = arith.index_cast %add3A_1229 : i32 to index
        %swap3A_1282 = arith.constant 48 : index
        %swap3A_1283 = tpu.vector_load %arg10[%swap3A_1280, %swap3A_1281, %swap3A_1282] {strides = array<i32>} : memref<2x128x64xf32, #tpu.memory_space<vmem>>, vector<1x1x16xf32>,
        %swap3A_1284 = vector.shape_cast %swap3A_1283 : vector<1x1x16xf32> to vector<16xf32>
        %swap3A_1285 = vector.shape_cast %mul3A_1278 : vector<16xf32> to vector<1x1x16xf32>
        tpu.vector_store %arg10[%swap3A_1280, %swap3A_1281, %swap3A_1282], %swap3A_1285 {strides = array<i32>} : memref<2x128x64xf32, #tpu.memory_space<vmem>>, vector<1x1x16xf32>,
        %scan3A_1286 = arith.constant 0 : i32
        scf.yield %scan3A_1286 : i32
      }
      %scan3A_157 = arith.constant 8 : i32
      %lt3A = arith.constant 32 : i32
      %lt3A_158 = arith.cmpi slt, %scan3A_118, %lt3A : i32
      %convert_element_type3A_159 = arith.extui %lt3A_158 : i1 to i32
      %cond3A_160 = arith.constant 0 : i32
      %cond3A_161 = arith.cmpi ne, %convert_element_type3A_159, %cond3A_160 : i32
      scf.if %cond3A_161 {
        %add3A_255 = arith.constant 2 : i32
        %add3A_256 = arith.addi %add3A_123, %add3A_255 : i32
        %mul3A_257 = arith.constant 128 : i32
        %mul3A_258 = arith.muli %add3A_256, %mul3A_257 : i32
        %dma_start3A_259 = arith.constant 0 : i32
        %dma_start3A_260 = arith.constant 0 : i32
        %dma_start3A_261 = arith.constant 0 : i32
        %dma_start3A_262 = tpu.memref_slice %arg9[%dma_start3A_259, %dma_start3A_260, %dma_start3A_261] : memref<2x128x64xf32, #tpu.memory_space<vmem>> -> memref<1x128x64xf32, #tpu.memory_space<vmem>>
        %dma_start3A_263 = tpu.memref_squeeze %dma_start3A_262 : memref<1x128x64xf32, #tpu.memory_space<vmem>> -> memref<128x64xf32, #tpu.memory_space<vmem>>
        %dma_start3A_264 = tpu.memref_slice %arg6[%mul3A_258] : memref<8448xi32, #tpu.memory_space<vmem>> -> memref<128xi32, #tpu.memory_space<vmem>>
        %dma_start3A_265 = arith.constant 0 : i32
        %dma_start3A_266 = arith.constant 0 : i32
        %dma_start3A_267 = tpu.memref_slice %arg2[%dma_start3A_265, %dma_start3A_266] : memref<16384x64xf32, #tpu.memory_space<hbm>> -> memref<16384x64xf32, #tpu.memory_space<hbm>>
        tpu.enqueue_indirect_dma source(%dma_start3A_267 : memref<16384x64xf32, #tpu.memory_space<hbm>>) target(%dma_start3A_263 : memref<128x64xf32, #tpu.memory_space<vmem>>) offsets(%dma_start3A_264 : memref<128xi32, #tpu.memory_space<vmem>>) semaphore(%arg12 : memref<!tpu.dma_semaphore, #tpu.memory_space<semaphore_mem>>)
      } else {
      }
      %mul3A_162 = arith.constant 128 : i32
      %mul3A_163 = arith.muli %add3A_123, %mul3A_162 : i32
      %add3A_164 = arith.addi %min3A_3, %mul3A_163 : i32
      %dma_wait3A_165 = arith.constant 0 : i32
      %dma_wait3A_166 = arith.constant 0 : i32
      %dma_wait3A_167 = tpu.memref_slice %arg8[%dma_wait3A_165, %dma_wait3A_166] : memref<2x128xi32, #tpu.memory_space<vmem>> -> memref<1x128xi32, #tpu.memory_space<vmem>>
      %dma_wait3A_168 = tpu.memref_squeeze %dma_wait3A_167 : memref<1x128xi32, #tpu.memory_space<vmem>> -> memref<128xi32, #tpu.memory_space<vmem>>
      %dma_wait3A_169 = tpu.memref_slice %arg3[%add3A_164] : memref<536907xi32, #tpu.memory_space<hbm>> -> memref<128xi32, #tpu.memory_space<hbm>>
      %dma_wait3A_170 = arith.constant 0 : i32
      %dma_wait3A_171 = tpu.memref_slice %arg8[%dma_wait3A_165, %dma_wait3A_170] : memref<2x128xi32, #tpu.memory_space<vmem>> -> memref<1x128xi32, #tpu.memory_space<vmem>>
      %dma_wait3A_172 = tpu.memref_squeeze %dma_wait3A_171 : memref<1x128xi32, #tpu.memory_space<vmem>> -> memref<128xi32, #tpu.memory_space<vmem>>
      %dma_wait3A_173 = tpu.memref_slice %arg3[%add3A_164] : memref<536907xi32, #tpu.memory_space<hbm>> -> memref<128xi32, #tpu.memory_space<hbm>>
      tpu.wait_dma2 semaphore(%arg16 : memref<!tpu.dma_semaphore, #tpu.memory_space<semaphore_mem>>) src(%dma_wait3A_173 : memref<128xi32, #tpu.memory_space<hbm>>) dst(%dma_wait3A_172 : memref<128xi32, #tpu.memory_space<vmem>>)
      %dma_start3A_174 = arith.constant 0 : i32
      %dma_start3A_175 = arith.constant 0 : i32
      %dma_start3A_176 = arith.constant 0 : i32
      %dma_start3A_177 = arith.constant 0 : i32
      %dma_start3A_178 = tpu.memref_slice %arg10[%dma_start3A_174, %dma_start3A_176, %dma_start3A_177] : memref<2x128x64xf32, #tpu.memory_space<vmem>> -> memref<1x128x64xf32, #tpu.memory_space<vmem>>
      %dma_start3A_179 = tpu.memref_squeeze %dma_start3A_178 : memref<1x128x64xf32, #tpu.memory_space<vmem>> -> memref<128x64xf32, #tpu.memory_space<vmem>>
      %dma_start3A_180 = arith.constant 0 : i32
      %dma_start3A_181 = tpu.memref_slice %arg8[%dma_start3A_175, %dma_start3A_180] : memref<2x128xi32, #tpu.memory_space<vmem>> -> memref<1x128xi32, #tpu.memory_space<vmem>>
      %dma_start3A_182 = tpu.memref_squeeze %dma_start3A_181 : memref<1x128xi32, #tpu.memory_space<vmem>> -> memref<128xi32, #tpu.memory_space<vmem>>
      %dma_start3A_183 = arith.constant 0 : i32
      %dma_start3A_184 = arith.constant 0 : i32
      %dma_start3A_185 = tpu.memref_slice %arg11[%dma_start3A_183, %dma_start3A_184] : memref<16384x64xf32, #tpu.memory_space<vmem_shared>> -> memref<16384x64xf32, #tpu.memory_space<vmem_shared>>
      tpu.enqueue_indirect_dma source(%dma_start3A_179 : memref<128x64xf32, #tpu.memory_space<vmem>>) target(%dma_start3A_185 : memref<16384x64xf32, #tpu.memory_space<vmem_shared>>) offsets(%dma_start3A_182 : memref<128xi32, #tpu.memory_space<vmem>>) semaphore(%arg14 : memref<!tpu.dma_semaphore, #tpu.memory_space<semaphore_mem>>) {add = true}
      %mul3A_186 = arith.constant 2 : i32
      %mul3A_187 = arith.muli %scan3A_118, %mul3A_186 : i32
      %add3A_188 = arith.constant 1 : i32
      %add3A_189 = arith.addi %mul3A_187, %add3A_188 : i32
      %ge3A_190 = arith.constant 1 : i32
      %ge3A_191 = arith.cmpi sge, %scan3A_118, %ge3A_190 : i32
      %convert_element_type3A_192 = arith.extui %ge3A_191 : i1 to i32
      %cond3A_193 = arith.constant 0 : i32
      %cond3A_194 = arith.cmpi ne, %convert_element_type3A_192, %cond3A_193 : i32
      scf.if %cond3A_194 {
        %dma_wait3A_255 = arith.constant 1 : i32
        %dma_wait3A_256 = arith.constant 1 : i32
        %dma_wait3A_257 = arith.constant 0 : i32
        %dma_wait3A_258 = arith.constant 0 : i32
        %dma_wait3A_259 = tpu.memref_slice %arg10[%dma_wait3A_255, %dma_wait3A_257, %dma_wait3A_258] : memref<2x128x64xf32, #tpu.memory_space<vmem>> -> memref<1x128x64xf32, #tpu.memory_space<vmem>>
        %dma_wait3A_260 = tpu.memref_squeeze %dma_wait3A_259 : memref<1x128x64xf32, #tpu.memory_space<vmem>> -> memref<128x64xf32, #tpu.memory_space<vmem>>
        %dma_wait3A_261 = arith.constant 0 : i32
        %dma_wait3A_262 = tpu.memref_slice %arg8[%dma_wait3A_256, %dma_wait3A_261] : memref<2x128xi32, #tpu.memory_space<vmem>> -> memref<1x128xi32, #tpu.memory_space<vmem>>
        %dma_wait3A_263 = tpu.memref_squeeze %dma_wait3A_262 : memref<1x128xi32, #tpu.memory_space<vmem>> -> memref<128xi32, #tpu.memory_space<vmem>>
        %dma_wait3A_264 = arith.constant 0 : i32
        %dma_wait3A_265 = arith.constant 0 : i32
        %dma_wait3A_266 = tpu.memref_slice %arg11[%dma_wait3A_264, %dma_wait3A_265] : memref<16384x64xf32, #tpu.memory_space<vmem_shared>> -> memref<16384x64xf32, #tpu.memory_space<vmem_shared>>
        tpu.wait_indirect_dma semaphore(%arg15 : memref<!tpu.dma_semaphore, #tpu.memory_space<semaphore_mem>>) src(%dma_wait3A_260 : memref<128x64xf32, #tpu.memory_space<vmem>>) dst(%dma_wait3A_266 : memref<16384x64xf32, #tpu.memory_space<vmem_shared>>)
      } else {
      }
      %mul3A_195 = arith.constant 128 : i32
      %mul3A_196 = arith.muli %add3A_189, %mul3A_195 : i32
      %add3A_197 = arith.addi %min3A_3, %mul3A_196 : i32
      %dma_start3A_198 = arith.constant 1 : i32
      %dma_start3A_199 = arith.constant 0 : i32
      %dma_start3A_200 = tpu.memref_slice %arg8[%dma_start3A_198, %dma_start3A_199] : memref<2x128xi32, #tpu.memory_space<vmem>> -> memref<1x128xi32, #tpu.memory_space<vmem>>
      %dma_start3A_201 = tpu.memref_squeeze %dma_start3A_200 : memref<1x128xi32, #tpu.memory_space<vmem>> -> memref<128xi32, #tpu.memory_space<vmem>>
      %dma_start3A_202 = tpu.memref_slice %arg3[%add3A_197] : memref<536907xi32, #tpu.memory_space<hbm>> -> memref<128xi32, #tpu.memory_space<hbm>>
      %dma_start3A_203 = arith.constant 0 : i32
      %dma_start3A_204 = tpu.memref_slice %arg8[%dma_start3A_198, %dma_start3A_203] : memref<2x128xi32, #tpu.memory_space<vmem>> -> memref<1x128xi32, #tpu.memory_space<vmem>>
      %dma_start3A_205 = tpu.memref_squeeze %dma_start3A_204 : memref<1x128xi32, #tpu.memory_space<vmem>> -> memref<128xi32, #tpu.memory_space<vmem>>
      %dma_start3A_206 = tpu.memref_slice %arg3[%add3A_197] : memref<536907xi32, #tpu.memory_space<hbm>> -> memref<128xi32, #tpu.memory_space<hbm>>
      tpu.enqueue_dma source(%dma_start3A_206 : memref<128xi32, #tpu.memory_space<hbm>>) target(%dma_start3A_205 : memref<128xi32, #tpu.memory_space<vmem>>) target_semaphore(%arg17 : memref<!tpu.dma_semaphore, #tpu.memory_space<semaphore_mem>>)
      %mul3A_207 = arith.constant 128 : i32
      %mul3A_208 = arith.muli %add3A_189, %mul3A_207 : i32
      %dma_wait3A_209 = arith.constant 1 : i32
      %dma_wait3A_210 = arith.constant 0 : i32
      %dma_wait3A_211 = arith.constant 0 : i32
      %dma_wait3A_212 = tpu.memref_slice %arg9[%dma_wait3A_209, %dma_wait3A_210, %dma_wait3A_211] : memref<2x128x64xf32, #tpu.memory_space<vmem>> -> memref<1x128x64xf32, #tpu.memory_space<vmem>>
      %dma_wait3A_213 = tpu.memref_squeeze %dma_wait3A_212 : memref<1x128x64xf32, #tpu.memory_space<vmem>> -> memref<128x64xf32, #tpu.memory_space<vmem>>
      %dma_wait3A_214 = tpu.memref_slice %arg6[%mul3A_208] : memref<8448xi32, #tpu.memory_space<vmem>> -> memref<128xi32, #tpu.memory_space<vmem>>
      %dma_wait3A_215 = arith.constant 0 : i32
      %dma_wait3A_216 = arith.constant 0 : i32
      %dma_wait3A_217 = tpu.memref_slice %arg2[%dma_wait3A_215, %dma_wait3A_216] : memref<16384x64xf32, #tpu.memory_space<hbm>> -> memref<16384x64xf32, #tpu.memory_space<hbm>>
      tpu.wait_indirect_dma semaphore(%arg13 : memref<!tpu.dma_semaphore, #tpu.memory_space<semaphore_mem>>) src(%dma_wait3A_217 : memref<16384x64xf32, #tpu.memory_space<hbm>>) dst(%dma_wait3A_213 : memref<128x64xf32, #tpu.memory_space<vmem>>)
      %scan3A_218 = arith.constant 0 : i32
      %scan3A_219 = arith.constant 0 : i32
      %scan3A_220 = arith.constant 8 : i32
      %scan3A_221 = arith.addi %scan3A_219, %scan3A_220 : i32
      %scan3A_222 = arith.constant 1 : i32
      %scan3A_223 = scf.for %scan3A_255 = %scan3A_219 to %scan3A_221 step %scan3A_222 iter_args(%scan3A_256 = %scan3A_218) -> (i32)  : i32 {
        %mul3A_257 = arith.constant 128 : i32
        %mul3A_258 = arith.muli %add3A_189, %mul3A_257 : i32
        %mul3A_259 = arith.constant 16 : i32
        %mul3A_260 = arith.muli %scan3A_255, %mul3A_259 : i32
        %add3A_261 = arith.addi %mul3A_258, %mul3A_260 : i32
        %get3A = arith.index_cast %add3A_261 : i32 to index
        %get3A_262 = tpu.vector_load %arg7[%get3A] {strides = array<i32>} : memref<8448xf32, #tpu.memory_space<vmem>>, vector<16xf32>,
        %get3A_263 = vector.shape_cast %get3A_262 : vector<16xf32> to vector<16xf32>
        %broadcast_in_dim3A_264 = arith.constant 0 : i32
        %broadcast_in_dim3A_265 = vector.broadcast %broadcast_in_dim3A_264 : i32 to vector<16x1xi32>
        %gather3A = vector.shape_cast %broadcast_in_dim3A_265 : vector<16x1xi32> to vector<16xi32>
        %gather3A_266 = tpu.dynamic_gather %get3A_263[%gather3A] in [0] : vector<16xf32>, vector<16xi32> -> vector<16xf32>
        %mul3A_267 = arith.constant 16 : i32
        %mul3A_268 = arith.muli %scan3A_255, %mul3A_267 : i32
        %add3A_269 = arith.constant 0 : i32
        %add3A_270 = arith.addi %mul3A_268, %add3A_269 : i32
        %get3A_271 = arith.constant 1 : i32
        %get3A_272 = arith.index_cast %get3A_271 : i32 to index
        %get3A_273 = arith.index_cast %add3A_270 : i32 to index
        %get3A_274 = arith.constant 0 : index
        %get3A_275 = tpu.vector_load %arg9[%get3A_272, %get3A_273, %get3A_274] {strides = array<i32>} : memref<2x128x64xf32, #tpu.memory_space<vmem>>, vector<1x1x16xf32>,
        %get3A_276 = vector.shape_cast %get3A_275 : vector<1x1x16xf32> to vector<16xf32>
        %mul3A_277 = arith.mulf %get3A_276, %gather3A_266 : vector<16xf32>
        %swap3A = arith.constant 1 : i32
        %swap3A_278 = arith.index_cast %swap3A : i32 to index
        %swap3A_279 = arith.index_cast %add3A_270 : i32 to index
        %swap3A_280 = arith.constant 0 : index
        %swap3A_281 = tpu.vector_load %arg10[%swap3A_278, %swap3A_279, %swap3A_280] {strides = array<i32>} : memref<2x128x64xf32, #tpu.memory_space<vmem>>, vector<1x1x16xf32>,
        %swap3A_282 = vector.shape_cast %swap3A_281 : vector<1x1x16xf32> to vector<16xf32>
        %swap3A_283 = vector.shape_cast %mul3A_277 : vector<16xf32> to vector<1x1x16xf32>
        tpu.vector_store %arg10[%swap3A_278, %swap3A_279, %swap3A_280], %swap3A_283 {strides = array<i32>} : memref<2x128x64xf32, #tpu.memory_space<vmem>>, vector<1x1x16xf32>,
        %get3A_284 = arith.constant 1 : i32
        %get3A_285 = arith.index_cast %get3A_284 : i32 to index
        %get3A_286 = arith.index_cast %add3A_270 : i32 to index
        %get3A_287 = arith.constant 16 : index
        %get3A_288 = tpu.vector_load %arg9[%get3A_285, %get3A_286, %get3A_287] {strides = array<i32>} : memref<2x128x64xf32, #tpu.memory_space<vmem>>, vector<1x1x16xf32>,
        %get3A_289 = vector.shape_cast %get3A_288 : vector<1x1x16xf32> to vector<16xf32>
        %mul3A_290 = arith.mulf %get3A_289, %gather3A_266 : vector<16xf32>
        %swap3A_291 = arith.constant 1 : i32
        %swap3A_292 = arith.index_cast %swap3A_291 : i32 to index
        %swap3A_293 = arith.index_cast %add3A_270 : i32 to index
        %swap3A_294 = arith.constant 16 : index
        %swap3A_295 = tpu.vector_load %arg10[%swap3A_292, %swap3A_293, %swap3A_294] {strides = array<i32>} : memref<2x128x64xf32, #tpu.memory_space<vmem>>, vector<1x1x16xf32>,
        %swap3A_296 = vector.shape_cast %swap3A_295 : vector<1x1x16xf32> to vector<16xf32>
        %swap3A_297 = vector.shape_cast %mul3A_290 : vector<16xf32> to vector<1x1x16xf32>
        tpu.vector_store %arg10[%swap3A_292, %swap3A_293, %swap3A_294], %swap3A_297 {strides = array<i32>} : memref<2x128x64xf32, #tpu.memory_space<vmem>>, vector<1x1x16xf32>,
        %get3A_298 = arith.constant 1 : i32
        %get3A_299 = arith.index_cast %get3A_298 : i32 to index
        %get3A_300 = arith.index_cast %add3A_270 : i32 to index
        %get3A_301 = arith.constant 32 : index
        %get3A_302 = tpu.vector_load %arg9[%get3A_299, %get3A_300, %get3A_301] {strides = array<i32>} : memref<2x128x64xf32, #tpu.memory_space<vmem>>, vector<1x1x16xf32>,
        %get3A_303 = vector.shape_cast %get3A_302 : vector<1x1x16xf32> to vector<16xf32>
        %mul3A_304 = arith.mulf %get3A_303, %gather3A_266 : vector<16xf32>
        %swap3A_305 = arith.constant 1 : i32
        %swap3A_306 = arith.index_cast %swap3A_305 : i32 to index
        %swap3A_307 = arith.index_cast %add3A_270 : i32 to index
        %swap3A_308 = arith.constant 32 : index
        %swap3A_309 = tpu.vector_load %arg10[%swap3A_306, %swap3A_307, %swap3A_308] {strides = array<i32>} : memref<2x128x64xf32, #tpu.memory_space<vmem>>, vector<1x1x16xf32>,
        %swap3A_310 = vector.shape_cast %swap3A_309 : vector<1x1x16xf32> to vector<16xf32>
        %swap3A_311 = vector.shape_cast %mul3A_304 : vector<16xf32> to vector<1x1x16xf32>
        tpu.vector_store %arg10[%swap3A_306, %swap3A_307, %swap3A_308], %swap3A_311 {strides = array<i32>} : memref<2x128x64xf32, #tpu.memory_space<vmem>>, vector<1x1x16xf32>,
        %get3A_312 = arith.constant 1 : i32
        %get3A_313 = arith.index_cast %get3A_312 : i32 to index
        %get3A_314 = arith.index_cast %add3A_270 : i32 to index
        %get3A_315 = arith.constant 48 : index
        %get3A_316 = tpu.vector_load %arg9[%get3A_313, %get3A_314, %get3A_315] {strides = array<i32>} : memref<2x128x64xf32, #tpu.memory_space<vmem>>, vector<1x1x16xf32>,
        %get3A_317 = vector.shape_cast %get3A_316 : vector<1x1x16xf32> to vector<16xf32>
        %mul3A_318 = arith.mulf %get3A_317, %gather3A_266 : vector<16xf32>
        %swap3A_319 = arith.constant 1 : i32
        %swap3A_320 = arith.index_cast %swap3A_319 : i32 to index
        %swap3A_321 = arith.index_cast %add3A_270 : i32 to index
        %swap3A_322 = arith.constant 48 : index
        %swap3A_323 = tpu.vector_load %arg10[%swap3A_320, %swap3A_321, %swap3A_322] {strides = array<i32>} : memref<2x128x64xf32, #tpu.memory_space<vmem>>, vector<1x1x16xf32>,
        %swap3A_324 = vector.shape_cast %swap3A_323 : vector<1x1x16xf32> to vector<16xf32>
        %swap3A_325 = vector.shape_cast %mul3A_318 : vector<16xf32> to vector<1x1x16xf32>
        tpu.vector_store %arg10[%swap3A_320, %swap3A_321, %swap3A_322], %swap3A_325 {strides = array<i32>} : memref<2x128x64xf32, #tpu.memory_space<vmem>>, vector<1x1x16xf32>,
        %broadcast_in_dim3A_326 = arith.constant 1 : i32
        %broadcast_in_dim3A_327 = vector.broadcast %broadcast_in_dim3A_326 : i32 to vector<16x1xi32>
        %gather3A_328 = vector.shape_cast %broadcast_in_dim3A_327 : vector<16x1xi32> to vector<16xi32>
        %gather3A_329 = tpu.dynamic_gather %get3A_263[%gather3A_328] in [0] : vector<16xf32>, vector<16xi32> -> vector<16xf32>
        %mul3A_330 = arith.constant 16 : i32
        %mul3A_331 = arith.muli %scan3A_255, %mul3A_330 : i32
        %add3A_332 = arith.constant 1 : i32
        %add3A_333 = arith.addi %mul3A_331, %add3A_332 : i32
        %get3A_334 = arith.constant 1 : i32
        %get3A_335 = arith.index_cast %get3A_334 : i32 to index
        %get3A_336 = arith.index_cast %add3A_333 : i32 to index
        %get3A_337 = arith.constant 0 : index
        %get3A_338 = tpu.vector_load %arg9[%get3A_335, %get3A_336, %get3A_337] {strides = array<i32>} : memref<2x128x64xf32, #tpu.memory_space<vmem>>, vector<1x1x16xf32>,
        %get3A_339 = vector.shape_cast %get3A_338 : vector<1x1x16xf32> to vector<16xf32>
        %mul3A_340 = arith.mulf %get3A_339, %gather3A_329 : vector<16xf32>
        %swap3A_341 = arith.constant 1 : i32
        %swap3A_342 = arith.index_cast %swap3A_341 : i32 to index
        %swap3A_343 = arith.index_cast %add3A_333 : i32 to index
        %swap3A_344 = arith.constant 0 : index
        %swap3A_345 = tpu.vector_load %arg10[%swap3A_342, %swap3A_343, %swap3A_344] {strides = array<i32>} : memref<2x128x64xf32, #tpu.memory_space<vmem>>, vector<1x1x16xf32>,
        %swap3A_346 = vector.shape_cast %swap3A_345 : vector<1x1x16xf32> to vector<16xf32>
        %swap3A_347 = vector.shape_cast %mul3A_340 : vector<16xf32> to vector<1x1x16xf32>
        tpu.vector_store %arg10[%swap3A_342, %swap3A_343, %swap3A_344], %swap3A_347 {strides = array<i32>} : memref<2x128x64xf32, #tpu.memory_space<vmem>>, vector<1x1x16xf32>,
        %get3A_348 = arith.constant 1 : i32
        %get3A_349 = arith.index_cast %get3A_348 : i32 to index
        %get3A_350 = arith.index_cast %add3A_333 : i32 to index
        %get3A_351 = arith.constant 16 : index
        %get3A_352 = tpu.vector_load %arg9[%get3A_349, %get3A_350, %get3A_351] {strides = array<i32>} : memref<2x128x64xf32, #tpu.memory_space<vmem>>, vector<1x1x16xf32>,
        %get3A_353 = vector.shape_cast %get3A_352 : vector<1x1x16xf32> to vector<16xf32>
        %mul3A_354 = arith.mulf %get3A_353, %gather3A_329 : vector<16xf32>
        %swap3A_355 = arith.constant 1 : i32
        %swap3A_356 = arith.index_cast %swap3A_355 : i32 to index
        %swap3A_357 = arith.index_cast %add3A_333 : i32 to index
        %swap3A_358 = arith.constant 16 : index
        %swap3A_359 = tpu.vector_load %arg10[%swap3A_356, %swap3A_357, %swap3A_358] {strides = array<i32>} : memref<2x128x64xf32, #tpu.memory_space<vmem>>, vector<1x1x16xf32>,
        %swap3A_360 = vector.shape_cast %swap3A_359 : vector<1x1x16xf32> to vector<16xf32>
        %swap3A_361 = vector.shape_cast %mul3A_354 : vector<16xf32> to vector<1x1x16xf32>
        tpu.vector_store %arg10[%swap3A_356, %swap3A_357, %swap3A_358], %swap3A_361 {strides = array<i32>} : memref<2x128x64xf32, #tpu.memory_space<vmem>>, vector<1x1x16xf32>,
        %get3A_362 = arith.constant 1 : i32
        %get3A_363 = arith.index_cast %get3A_362 : i32 to index
        %get3A_364 = arith.index_cast %add3A_333 : i32 to index
        %get3A_365 = arith.constant 32 : index
        %get3A_366 = tpu.vector_load %arg9[%get3A_363, %get3A_364, %get3A_365] {strides = array<i32>} : memref<2x128x64xf32, #tpu.memory_space<vmem>>, vector<1x1x16xf32>,
        %get3A_367 = vector.shape_cast %get3A_366 : vector<1x1x16xf32> to vector<16xf32>
        %mul3A_368 = arith.mulf %get3A_367, %gather3A_329 : vector<16xf32>
        %swap3A_369 = arith.constant 1 : i32
        %swap3A_370 = arith.index_cast %swap3A_369 : i32 to index
        %swap3A_371 = arith.index_cast %add3A_333 : i32 to index
        %swap3A_372 = arith.constant 32 : index
        %swap3A_373 = tpu.vector_load %arg10[%swap3A_370, %swap3A_371, %swap3A_372] {strides = array<i32>} : memref<2x128x64xf32, #tpu.memory_space<vmem>>, vector<1x1x16xf32>,
        %swap3A_374 = vector.shape_cast %swap3A_373 : vector<1x1x16xf32> to vector<16xf32>
        %swap3A_375 = vector.shape_cast %mul3A_368 : vector<16xf32> to vector<1x1x16xf32>
        tpu.vector_store %arg10[%swap3A_370, %swap3A_371, %swap3A_372], %swap3A_375 {strides = array<i32>} : memref<2x128x64xf32, #tpu.memory_space<vmem>>, vector<1x1x16xf32>,
        %get3A_376 = arith.constant 1 : i32
        %get3A_377 = arith.index_cast %get3A_376 : i32 to index
        %get3A_378 = arith.index_cast %add3A_333 : i32 to index
        %get3A_379 = arith.constant 48 : index
        %get3A_380 = tpu.vector_load %arg9[%get3A_377, %get3A_378, %get3A_379] {strides = array<i32>} : memref<2x128x64xf32, #tpu.memory_space<vmem>>, vector<1x1x16xf32>,
        %get3A_381 = vector.shape_cast %get3A_380 : vector<1x1x16xf32> to vector<16xf32>
        %mul3A_382 = arith.mulf %get3A_381, %gather3A_329 : vector<16xf32>
        %swap3A_383 = arith.constant 1 : i32
        %swap3A_384 = arith.index_cast %swap3A_383 : i32 to index
        %swap3A_385 = arith.index_cast %add3A_333 : i32 to index
        %swap3A_386 = arith.constant 48 : index
        %swap3A_387 = tpu.vector_load %arg10[%swap3A_384, %swap3A_385, %swap3A_386] {strides = array<i32>} : memref<2x128x64xf32, #tpu.memory_space<vmem>>, vector<1x1x16xf32>,
        %swap3A_388 = vector.shape_cast %swap3A_387 : vector<1x1x16xf32> to vector<16xf32>
        %swap3A_389 = vector.shape_cast %mul3A_382 : vector<16xf32> to vector<1x1x16xf32>
        tpu.vector_store %arg10[%swap3A_384, %swap3A_385, %swap3A_386], %swap3A_389 {strides = array<i32>} : memref<2x128x64xf32, #tpu.memory_space<vmem>>, vector<1x1x16xf32>,
        %broadcast_in_dim3A_390 = arith.constant 2 : i32
        %broadcast_in_dim3A_391 = vector.broadcast %broadcast_in_dim3A_390 : i32 to vector<16x1xi32>
        %gather3A_392 = vector.shape_cast %broadcast_in_dim3A_391 : vector<16x1xi32> to vector<16xi32>
        %gather3A_393 = tpu.dynamic_gather %get3A_263[%gather3A_392] in [0] : vector<16xf32>, vector<16xi32> -> vector<16xf32>
        %mul3A_394 = arith.constant 16 : i32
        %mul3A_395 = arith.muli %scan3A_255, %mul3A_394 : i32
        %add3A_396 = arith.constant 2 : i32
        %add3A_397 = arith.addi %mul3A_395, %add3A_396 : i32
        %get3A_398 = arith.constant 1 : i32
        %get3A_399 = arith.index_cast %get3A_398 : i32 to index
        %get3A_400 = arith.index_cast %add3A_397 : i32 to index
        %get3A_401 = arith.constant 0 : index
        %get3A_402 = tpu.vector_load %arg9[%get3A_399, %get3A_400, %get3A_401] {strides = array<i32>} : memref<2x128x64xf32, #tpu.memory_space<vmem>>, vector<1x1x16xf32>,
        %get3A_403 = vector.shape_cast %get3A_402 : vector<1x1x16xf32> to vector<16xf32>
        %mul3A_404 = arith.mulf %get3A_403, %gather3A_393 : vector<16xf32>
        %swap3A_405 = arith.constant 1 : i32
        %swap3A_406 = arith.index_cast %swap3A_405 : i32 to index
        %swap3A_407 = arith.index_cast %add3A_397 : i32 to index
        %swap3A_408 = arith.constant 0 : index
        %swap3A_409 = tpu.vector_load %arg10[%swap3A_406, %swap3A_407, %swap3A_408] {strides = array<i32>} : memref<2x128x64xf32, #tpu.memory_space<vmem>>, vector<1x1x16xf32>,
        %swap3A_410 = vector.shape_cast %swap3A_409 : vector<1x1x16xf32> to vector<16xf32>
        %swap3A_411 = vector.shape_cast %mul3A_404 : vector<16xf32> to vector<1x1x16xf32>
        tpu.vector_store %arg10[%swap3A_406, %swap3A_407, %swap3A_408], %swap3A_411 {strides = array<i32>} : memref<2x128x64xf32, #tpu.memory_space<vmem>>, vector<1x1x16xf32>,
        %get3A_412 = arith.constant 1 : i32
        %get3A_413 = arith.index_cast %get3A_412 : i32 to index
        %get3A_414 = arith.index_cast %add3A_397 : i32 to index
        %get3A_415 = arith.constant 16 : index
        %get3A_416 = tpu.vector_load %arg9[%get3A_413, %get3A_414, %get3A_415] {strides = array<i32>} : memref<2x128x64xf32, #tpu.memory_space<vmem>>, vector<1x1x16xf32>,
        %get3A_417 = vector.shape_cast %get3A_416 : vector<1x1x16xf32> to vector<16xf32>
        %mul3A_418 = arith.mulf %get3A_417, %gather3A_393 : vector<16xf32>
        %swap3A_419 = arith.constant 1 : i32
        %swap3A_420 = arith.index_cast %swap3A_419 : i32 to index
        %swap3A_421 = arith.index_cast %add3A_397 : i32 to index
        %swap3A_422 = arith.constant 16 : index
        %swap3A_423 = tpu.vector_load %arg10[%swap3A_420, %swap3A_421, %swap3A_422] {strides = array<i32>} : memref<2x128x64xf32, #tpu.memory_space<vmem>>, vector<1x1x16xf32>,
        %swap3A_424 = vector.shape_cast %swap3A_423 : vector<1x1x16xf32> to vector<16xf32>
        %swap3A_425 = vector.shape_cast %mul3A_418 : vector<16xf32> to vector<1x1x16xf32>
        tpu.vector_store %arg10[%swap3A_420, %swap3A_421, %swap3A_422], %swap3A_425 {strides = array<i32>} : memref<2x128x64xf32, #tpu.memory_space<vmem>>, vector<1x1x16xf32>,
        %get3A_426 = arith.constant 1 : i32
        %get3A_427 = arith.index_cast %get3A_426 : i32 to index
        %get3A_428 = arith.index_cast %add3A_397 : i32 to index
        %get3A_429 = arith.constant 32 : index
        %get3A_430 = tpu.vector_load %arg9[%get3A_427, %get3A_428, %get3A_429] {strides = array<i32>} : memref<2x128x64xf32, #tpu.memory_space<vmem>>, vector<1x1x16xf32>,
        %get3A_431 = vector.shape_cast %get3A_430 : vector<1x1x16xf32> to vector<16xf32>
        %mul3A_432 = arith.mulf %get3A_431, %gather3A_393 : vector<16xf32>
        %swap3A_433 = arith.constant 1 : i32
        %swap3A_434 = arith.index_cast %swap3A_433 : i32 to index
        %swap3A_435 = arith.index_cast %add3A_397 : i32 to index
        %swap3A_436 = arith.constant 32 : index
        %swap3A_437 = tpu.vector_load %arg10[%swap3A_434, %swap3A_435, %swap3A_436] {strides = array<i32>} : memref<2x128x64xf32, #tpu.memory_space<vmem>>, vector<1x1x16xf32>,
        %swap3A_438 = vector.shape_cast %swap3A_437 : vector<1x1x16xf32> to vector<16xf32>
        %swap3A_439 = vector.shape_cast %mul3A_432 : vector<16xf32> to vector<1x1x16xf32>
        tpu.vector_store %arg10[%swap3A_434, %swap3A_435, %swap3A_436], %swap3A_439 {strides = array<i32>} : memref<2x128x64xf32, #tpu.memory_space<vmem>>, vector<1x1x16xf32>,
        %get3A_440 = arith.constant 1 : i32
        %get3A_441 = arith.index_cast %get3A_440 : i32 to index
        %get3A_442 = arith.index_cast %add3A_397 : i32 to index
        %get3A_443 = arith.constant 48 : index
        %get3A_444 = tpu.vector_load %arg9[%get3A_441, %get3A_442, %get3A_443] {strides = array<i32>} : memref<2x128x64xf32, #tpu.memory_space<vmem>>, vector<1x1x16xf32>,
        %get3A_445 = vector.shape_cast %get3A_444 : vector<1x1x16xf32> to vector<16xf32>
        %mul3A_446 = arith.mulf %get3A_445, %gather3A_393 : vector<16xf32>
        %swap3A_447 = arith.constant 1 : i32
        %swap3A_448 = arith.index_cast %swap3A_447 : i32 to index
        %swap3A_449 = arith.index_cast %add3A_397 : i32 to index
        %swap3A_450 = arith.constant 48 : index
        %swap3A_451 = tpu.vector_load %arg10[%swap3A_448, %swap3A_449, %swap3A_450] {strides = array<i32>} : memref<2x128x64xf32, #tpu.memory_space<vmem>>, vector<1x1x16xf32>,
        %swap3A_452 = vector.shape_cast %swap3A_451 : vector<1x1x16xf32> to vector<16xf32>
        %swap3A_453 = vector.shape_cast %mul3A_446 : vector<16xf32> to vector<1x1x16xf32>
        tpu.vector_store %arg10[%swap3A_448, %swap3A_449, %swap3A_450], %swap3A_453 {strides = array<i32>} : memref<2x128x64xf32, #tpu.memory_space<vmem>>, vector<1x1x16xf32>,
        %broadcast_in_dim3A_454 = arith.constant 3 : i32
        %broadcast_in_dim3A_455 = vector.broadcast %broadcast_in_dim3A_454 : i32 to vector<16x1xi32>
        %gather3A_456 = vector.shape_cast %broadcast_in_dim3A_455 : vector<16x1xi32> to vector<16xi32>
        %gather3A_457 = tpu.dynamic_gather %get3A_263[%gather3A_456] in [0] : vector<16xf32>, vector<16xi32> -> vector<16xf32>
        %mul3A_458 = arith.constant 16 : i32
        %mul3A_459 = arith.muli %scan3A_255, %mul3A_458 : i32
        %add3A_460 = arith.constant 3 : i32
        %add3A_461 = arith.addi %mul3A_459, %add3A_460 : i32
        %get3A_462 = arith.constant 1 : i32
        %get3A_463 = arith.index_cast %get3A_462 : i32 to index
        %get3A_464 = arith.index_cast %add3A_461 : i32 to index
        %get3A_465 = arith.constant 0 : index
        %get3A_466 = tpu.vector_load %arg9[%get3A_463, %get3A_464, %get3A_465] {strides = array<i32>} : memref<2x128x64xf32, #tpu.memory_space<vmem>>, vector<1x1x16xf32>,
        %get3A_467 = vector.shape_cast %get3A_466 : vector<1x1x16xf32> to vector<16xf32>
        %mul3A_468 = arith.mulf %get3A_467, %gather3A_457 : vector<16xf32>
        %swap3A_469 = arith.constant 1 : i32
        %swap3A_470 = arith.index_cast %swap3A_469 : i32 to index
        %swap3A_471 = arith.index_cast %add3A_461 : i32 to index
        %swap3A_472 = arith.constant 0 : index
        %swap3A_473 = tpu.vector_load %arg10[%swap3A_470, %swap3A_471, %swap3A_472] {strides = array<i32>} : memref<2x128x64xf32, #tpu.memory_space<vmem>>, vector<1x1x16xf32>,
        %swap3A_474 = vector.shape_cast %swap3A_473 : vector<1x1x16xf32> to vector<16xf32>
        %swap3A_475 = vector.shape_cast %mul3A_468 : vector<16xf32> to vector<1x1x16xf32>
        tpu.vector_store %arg10[%swap3A_470, %swap3A_471, %swap3A_472], %swap3A_475 {strides = array<i32>} : memref<2x128x64xf32, #tpu.memory_space<vmem>>, vector<1x1x16xf32>,
        %get3A_476 = arith.constant 1 : i32
        %get3A_477 = arith.index_cast %get3A_476 : i32 to index
        %get3A_478 = arith.index_cast %add3A_461 : i32 to index
        %get3A_479 = arith.constant 16 : index
        %get3A_480 = tpu.vector_load %arg9[%get3A_477, %get3A_478, %get3A_479] {strides = array<i32>} : memref<2x128x64xf32, #tpu.memory_space<vmem>>, vector<1x1x16xf32>,
        %get3A_481 = vector.shape_cast %get3A_480 : vector<1x1x16xf32> to vector<16xf32>
        %mul3A_482 = arith.mulf %get3A_481, %gather3A_457 : vector<16xf32>
        %swap3A_483 = arith.constant 1 : i32
        %swap3A_484 = arith.index_cast %swap3A_483 : i32 to index
        %swap3A_485 = arith.index_cast %add3A_461 : i32 to index
        %swap3A_486 = arith.constant 16 : index
        %swap3A_487 = tpu.vector_load %arg10[%swap3A_484, %swap3A_485, %swap3A_486] {strides = array<i32>} : memref<2x128x64xf32, #tpu.memory_space<vmem>>, vector<1x1x16xf32>,
        %swap3A_488 = vector.shape_cast %swap3A_487 : vector<1x1x16xf32> to vector<16xf32>
        %swap3A_489 = vector.shape_cast %mul3A_482 : vector<16xf32> to vector<1x1x16xf32>
        tpu.vector_store %arg10[%swap3A_484, %swap3A_485, %swap3A_486], %swap3A_489 {strides = array<i32>} : memref<2x128x64xf32, #tpu.memory_space<vmem>>, vector<1x1x16xf32>,
        %get3A_490 = arith.constant 1 : i32
        %get3A_491 = arith.index_cast %get3A_490 : i32 to index
        %get3A_492 = arith.index_cast %add3A_461 : i32 to index
        %get3A_493 = arith.constant 32 : index
        %get3A_494 = tpu.vector_load %arg9[%get3A_491, %get3A_492, %get3A_493] {strides = array<i32>} : memref<2x128x64xf32, #tpu.memory_space<vmem>>, vector<1x1x16xf32>,
        %get3A_495 = vector.shape_cast %get3A_494 : vector<1x1x16xf32> to vector<16xf32>
        %mul3A_496 = arith.mulf %get3A_495, %gather3A_457 : vector<16xf32>
        %swap3A_497 = arith.constant 1 : i32
        %swap3A_498 = arith.index_cast %swap3A_497 : i32 to index
        %swap3A_499 = arith.index_cast %add3A_461 : i32 to index
        %swap3A_500 = arith.constant 32 : index
        %swap3A_501 = tpu.vector_load %arg10[%swap3A_498, %swap3A_499, %swap3A_500] {strides = array<i32>} : memref<2x128x64xf32, #tpu.memory_space<vmem>>, vector<1x1x16xf32>,
        %swap3A_502 = vector.shape_cast %swap3A_501 : vector<1x1x16xf32> to vector<16xf32>
        %swap3A_503 = vector.shape_cast %mul3A_496 : vector<16xf32> to vector<1x1x16xf32>
        tpu.vector_store %arg10[%swap3A_498, %swap3A_499, %swap3A_500], %swap3A_503 {strides = array<i32>} : memref<2x128x64xf32, #tpu.memory_space<vmem>>, vector<1x1x16xf32>,
        %get3A_504 = arith.constant 1 : i32
        %get3A_505 = arith.index_cast %get3A_504 : i32 to index
        %get3A_506 = arith.index_cast %add3A_461 : i32 to index
        %get3A_507 = arith.constant 48 : index
        %get3A_508 = tpu.vector_load %arg9[%get3A_505, %get3A_506, %get3A_507] {strides = array<i32>} : memref<2x128x64xf32, #tpu.memory_space<vmem>>, vector<1x1x16xf32>,
        %get3A_509 = vector.shape_cast %get3A_508 : vector<1x1x16xf32> to vector<16xf32>
        %mul3A_510 = arith.mulf %get3A_509, %gather3A_457 : vector<16xf32>
        %swap3A_511 = arith.constant 1 : i32
        %swap3A_512 = arith.index_cast %swap3A_511 : i32 to index
        %swap3A_513 = arith.index_cast %add3A_461 : i32 to index
        %swap3A_514 = arith.constant 48 : index
        %swap3A_515 = tpu.vector_load %arg10[%swap3A_512, %swap3A_513, %swap3A_514] {strides = array<i32>} : memref<2x128x64xf32, #tpu.memory_space<vmem>>, vector<1x1x16xf32>,
        %swap3A_516 = vector.shape_cast %swap3A_515 : vector<1x1x16xf32> to vector<16xf32>
        %swap3A_517 = vector.shape_cast %mul3A_510 : vector<16xf32> to vector<1x1x16xf32>
        tpu.vector_store %arg10[%swap3A_512, %swap3A_513, %swap3A_514], %swap3A_517 {strides = array<i32>} : memref<2x128x64xf32, #tpu.memory_space<vmem>>, vector<1x1x16xf32>,
        %broadcast_in_dim3A_518 = arith.constant 4 : i32
        %broadcast_in_dim3A_519 = vector.broadcast %broadcast_in_dim3A_518 : i32 to vector<16x1xi32>
        %gather3A_520 = vector.shape_cast %broadcast_in_dim3A_519 : vector<16x1xi32> to vector<16xi32>
        %gather3A_521 = tpu.dynamic_gather %get3A_263[%gather3A_520] in [0] : vector<16xf32>, vector<16xi32> -> vector<16xf32>
        %mul3A_522 = arith.constant 16 : i32
        %mul3A_523 = arith.muli %scan3A_255, %mul3A_522 : i32
        %add3A_524 = arith.constant 4 : i32
        %add3A_525 = arith.addi %mul3A_523, %add3A_524 : i32
        %get3A_526 = arith.constant 1 : i32
        %get3A_527 = arith.index_cast %get3A_526 : i32 to index
        %get3A_528 = arith.index_cast %add3A_525 : i32 to index
        %get3A_529 = arith.constant 0 : index
        %get3A_530 = tpu.vector_load %arg9[%get3A_527, %get3A_528, %get3A_529] {strides = array<i32>} : memref<2x128x64xf32, #tpu.memory_space<vmem>>, vector<1x1x16xf32>,
        %get3A_531 = vector.shape_cast %get3A_530 : vector<1x1x16xf32> to vector<16xf32>
        %mul3A_532 = arith.mulf %get3A_531, %gather3A_521 : vector<16xf32>
        %swap3A_533 = arith.constant 1 : i32
        %swap3A_534 = arith.index_cast %swap3A_533 : i32 to index
        %swap3A_535 = arith.index_cast %add3A_525 : i32 to index
        %swap3A_536 = arith.constant 0 : index
        %swap3A_537 = tpu.vector_load %arg10[%swap3A_534, %swap3A_535, %swap3A_536] {strides = array<i32>} : memref<2x128x64xf32, #tpu.memory_space<vmem>>, vector<1x1x16xf32>,
        %swap3A_538 = vector.shape_cast %swap3A_537 : vector<1x1x16xf32> to vector<16xf32>
        %swap3A_539 = vector.shape_cast %mul3A_532 : vector<16xf32> to vector<1x1x16xf32>
        tpu.vector_store %arg10[%swap3A_534, %swap3A_535, %swap3A_536], %swap3A_539 {strides = array<i32>} : memref<2x128x64xf32, #tpu.memory_space<vmem>>, vector<1x1x16xf32>,
        %get3A_540 = arith.constant 1 : i32
        %get3A_541 = arith.index_cast %get3A_540 : i32 to index
        %get3A_542 = arith.index_cast %add3A_525 : i32 to index
        %get3A_543 = arith.constant 16 : index
        %get3A_544 = tpu.vector_load %arg9[%get3A_541, %get3A_542, %get3A_543] {strides = array<i32>} : memref<2x128x64xf32, #tpu.memory_space<vmem>>, vector<1x1x16xf32>,
        %get3A_545 = vector.shape_cast %get3A_544 : vector<1x1x16xf32> to vector<16xf32>
        %mul3A_546 = arith.mulf %get3A_545, %gather3A_521 : vector<16xf32>
        %swap3A_547 = arith.constant 1 : i32
        %swap3A_548 = arith.index_cast %swap3A_547 : i32 to index
        %swap3A_549 = arith.index_cast %add3A_525 : i32 to index
        %swap3A_550 = arith.constant 16 : index
        %swap3A_551 = tpu.vector_load %arg10[%swap3A_548, %swap3A_549, %swap3A_550] {strides = array<i32>} : memref<2x128x64xf32, #tpu.memory_space<vmem>>, vector<1x1x16xf32>,
        %swap3A_552 = vector.shape_cast %swap3A_551 : vector<1x1x16xf32> to vector<16xf32>
        %swap3A_553 = vector.shape_cast %mul3A_546 : vector<16xf32> to vector<1x1x16xf32>
        tpu.vector_store %arg10[%swap3A_548, %swap3A_549, %swap3A_550], %swap3A_553 {strides = array<i32>} : memref<2x128x64xf32, #tpu.memory_space<vmem>>, vector<1x1x16xf32>,
        %get3A_554 = arith.constant 1 : i32
        %get3A_555 = arith.index_cast %get3A_554 : i32 to index
        %get3A_556 = arith.index_cast %add3A_525 : i32 to index
        %get3A_557 = arith.constant 32 : index
        %get3A_558 = tpu.vector_load %arg9[%get3A_555, %get3A_556, %get3A_557] {strides = array<i32>} : memref<2x128x64xf32, #tpu.memory_space<vmem>>, vector<1x1x16xf32>,
        %get3A_559 = vector.shape_cast %get3A_558 : vector<1x1x16xf32> to vector<16xf32>
        %mul3A_560 = arith.mulf %get3A_559, %gather3A_521 : vector<16xf32>
        %swap3A_561 = arith.constant 1 : i32
        %swap3A_562 = arith.index_cast %swap3A_561 : i32 to index
        %swap3A_563 = arith.index_cast %add3A_525 : i32 to index
        %swap3A_564 = arith.constant 32 : index
        %swap3A_565 = tpu.vector_load %arg10[%swap3A_562, %swap3A_563, %swap3A_564] {strides = array<i32>} : memref<2x128x64xf32, #tpu.memory_space<vmem>>, vector<1x1x16xf32>,
        %swap3A_566 = vector.shape_cast %swap3A_565 : vector<1x1x16xf32> to vector<16xf32>
        %swap3A_567 = vector.shape_cast %mul3A_560 : vector<16xf32> to vector<1x1x16xf32>
        tpu.vector_store %arg10[%swap3A_562, %swap3A_563, %swap3A_564], %swap3A_567 {strides = array<i32>} : memref<2x128x64xf32, #tpu.memory_space<vmem>>, vector<1x1x16xf32>,
        %get3A_568 = arith.constant 1 : i32
        %get3A_569 = arith.index_cast %get3A_568 : i32 to index
        %get3A_570 = arith.index_cast %add3A_525 : i32 to index
        %get3A_571 = arith.constant 48 : index
        %get3A_572 = tpu.vector_load %arg9[%get3A_569, %get3A_570, %get3A_571] {strides = array<i32>} : memref<2x128x64xf32, #tpu.memory_space<vmem>>, vector<1x1x16xf32>,
        %get3A_573 = vector.shape_cast %get3A_572 : vector<1x1x16xf32> to vector<16xf32>
        %mul3A_574 = arith.mulf %get3A_573, %gather3A_521 : vector<16xf32>
        %swap3A_575 = arith.constant 1 : i32
        %swap3A_576 = arith.index_cast %swap3A_575 : i32 to index
        %swap3A_577 = arith.index_cast %add3A_525 : i32 to index
        %swap3A_578 = arith.constant 48 : index
        %swap3A_579 = tpu.vector_load %arg10[%swap3A_576, %swap3A_577, %swap3A_578] {strides = array<i32>} : memref<2x128x64xf32, #tpu.memory_space<vmem>>, vector<1x1x16xf32>,
        %swap3A_580 = vector.shape_cast %swap3A_579 : vector<1x1x16xf32> to vector<16xf32>
        %swap3A_581 = vector.shape_cast %mul3A_574 : vector<16xf32> to vector<1x1x16xf32>
        tpu.vector_store %arg10[%swap3A_576, %swap3A_577, %swap3A_578], %swap3A_581 {strides = array<i32>} : memref<2x128x64xf32, #tpu.memory_space<vmem>>, vector<1x1x16xf32>,
        %broadcast_in_dim3A_582 = arith.constant 5 : i32
        %broadcast_in_dim3A_583 = vector.broadcast %broadcast_in_dim3A_582 : i32 to vector<16x1xi32>
        %gather3A_584 = vector.shape_cast %broadcast_in_dim3A_583 : vector<16x1xi32> to vector<16xi32>
        %gather3A_585 = tpu.dynamic_gather %get3A_263[%gather3A_584] in [0] : vector<16xf32>, vector<16xi32> -> vector<16xf32>
        %mul3A_586 = arith.constant 16 : i32
        %mul3A_587 = arith.muli %scan3A_255, %mul3A_586 : i32
        %add3A_588 = arith.constant 5 : i32
        %add3A_589 = arith.addi %mul3A_587, %add3A_588 : i32
        %get3A_590 = arith.constant 1 : i32
        %get3A_591 = arith.index_cast %get3A_590 : i32 to index
        %get3A_592 = arith.index_cast %add3A_589 : i32 to index
        %get3A_593 = arith.constant 0 : index
        %get3A_594 = tpu.vector_load %arg9[%get3A_591, %get3A_592, %get3A_593] {strides = array<i32>} : memref<2x128x64xf32, #tpu.memory_space<vmem>>, vector<1x1x16xf32>,
        %get3A_595 = vector.shape_cast %get3A_594 : vector<1x1x16xf32> to vector<16xf32>
        %mul3A_596 = arith.mulf %get3A_595, %gather3A_585 : vector<16xf32>
        %swap3A_597 = arith.constant 1 : i32
        %swap3A_598 = arith.index_cast %swap3A_597 : i32 to index
        %swap3A_599 = arith.index_cast %add3A_589 : i32 to index
        %swap3A_600 = arith.constant 0 : index
        %swap3A_601 = tpu.vector_load %arg10[%swap3A_598, %swap3A_599, %swap3A_600] {strides = array<i32>} : memref<2x128x64xf32, #tpu.memory_space<vmem>>, vector<1x1x16xf32>,
        %swap3A_602 = vector.shape_cast %swap3A_601 : vector<1x1x16xf32> to vector<16xf32>
        %swap3A_603 = vector.shape_cast %mul3A_596 : vector<16xf32> to vector<1x1x16xf32>
        tpu.vector_store %arg10[%swap3A_598, %swap3A_599, %swap3A_600], %swap3A_603 {strides = array<i32>} : memref<2x128x64xf32, #tpu.memory_space<vmem>>, vector<1x1x16xf32>,
        %get3A_604 = arith.constant 1 : i32
        %get3A_605 = arith.index_cast %get3A_604 : i32 to index
        %get3A_606 = arith.index_cast %add3A_589 : i32 to index
        %get3A_607 = arith.constant 16 : index
        %get3A_608 = tpu.vector_load %arg9[%get3A_605, %get3A_606, %get3A_607] {strides = array<i32>} : memref<2x128x64xf32, #tpu.memory_space<vmem>>, vector<1x1x16xf32>,
        %get3A_609 = vector.shape_cast %get3A_608 : vector<1x1x16xf32> to vector<16xf32>
        %mul3A_610 = arith.mulf %get3A_609, %gather3A_585 : vector<16xf32>
        %swap3A_611 = arith.constant 1 : i32
        %swap3A_612 = arith.index_cast %swap3A_611 : i32 to index
        %swap3A_613 = arith.index_cast %add3A_589 : i32 to index
        %swap3A_614 = arith.constant 16 : index
        %swap3A_615 = tpu.vector_load %arg10[%swap3A_612, %swap3A_613, %swap3A_614] {strides = array<i32>} : memref<2x128x64xf32, #tpu.memory_space<vmem>>, vector<1x1x16xf32>,
        %swap3A_616 = vector.shape_cast %swap3A_615 : vector<1x1x16xf32> to vector<16xf32>
        %swap3A_617 = vector.shape_cast %mul3A_610 : vector<16xf32> to vector<1x1x16xf32>
        tpu.vector_store %arg10[%swap3A_612, %swap3A_613, %swap3A_614], %swap3A_617 {strides = array<i32>} : memref<2x128x64xf32, #tpu.memory_space<vmem>>, vector<1x1x16xf32>,
        %get3A_618 = arith.constant 1 : i32
        %get3A_619 = arith.index_cast %get3A_618 : i32 to index
        %get3A_620 = arith.index_cast %add3A_589 : i32 to index
        %get3A_621 = arith.constant 32 : index
        %get3A_622 = tpu.vector_load %arg9[%get3A_619, %get3A_620, %get3A_621] {strides = array<i32>} : memref<2x128x64xf32, #tpu.memory_space<vmem>>, vector<1x1x16xf32>,
        %get3A_623 = vector.shape_cast %get3A_622 : vector<1x1x16xf32> to vector<16xf32>
        %mul3A_624 = arith.mulf %get3A_623, %gather3A_585 : vector<16xf32>
        %swap3A_625 = arith.constant 1 : i32
        %swap3A_626 = arith.index_cast %swap3A_625 : i32 to index
        %swap3A_627 = arith.index_cast %add3A_589 : i32 to index
        %swap3A_628 = arith.constant 32 : index
        %swap3A_629 = tpu.vector_load %arg10[%swap3A_626, %swap3A_627, %swap3A_628] {strides = array<i32>} : memref<2x128x64xf32, #tpu.memory_space<vmem>>, vector<1x1x16xf32>,
        %swap3A_630 = vector.shape_cast %swap3A_629 : vector<1x1x16xf32> to vector<16xf32>
        %swap3A_631 = vector.shape_cast %mul3A_624 : vector<16xf32> to vector<1x1x16xf32>
        tpu.vector_store %arg10[%swap3A_626, %swap3A_627, %swap3A_628], %swap3A_631 {strides = array<i32>} : memref<2x128x64xf32, #tpu.memory_space<vmem>>, vector<1x1x16xf32>,
        %get3A_632 = arith.constant 1 : i32
        %get3A_633 = arith.index_cast %get3A_632 : i32 to index
        %get3A_634 = arith.index_cast %add3A_589 : i32 to index
        %get3A_635 = arith.constant 48 : index
        %get3A_636 = tpu.vector_load %arg9[%get3A_633, %get3A_634, %get3A_635] {strides = array<i32>} : memref<2x128x64xf32, #tpu.memory_space<vmem>>, vector<1x1x16xf32>,
        %get3A_637 = vector.shape_cast %get3A_636 : vector<1x1x16xf32> to vector<16xf32>
        %mul3A_638 = arith.mulf %get3A_637, %gather3A_585 : vector<16xf32>
        %swap3A_639 = arith.constant 1 : i32
        %swap3A_640 = arith.index_cast %swap3A_639 : i32 to index
        %swap3A_641 = arith.index_cast %add3A_589 : i32 to index
        %swap3A_642 = arith.constant 48 : index
        %swap3A_643 = tpu.vector_load %arg10[%swap3A_640, %swap3A_641, %swap3A_642] {strides = array<i32>} : memref<2x128x64xf32, #tpu.memory_space<vmem>>, vector<1x1x16xf32>,
        %swap3A_644 = vector.shape_cast %swap3A_643 : vector<1x1x16xf32> to vector<16xf32>
        %swap3A_645 = vector.shape_cast %mul3A_638 : vector<16xf32> to vector<1x1x16xf32>
        tpu.vector_store %arg10[%swap3A_640, %swap3A_641, %swap3A_642], %swap3A_645 {strides = array<i32>} : memref<2x128x64xf32, #tpu.memory_space<vmem>>, vector<1x1x16xf32>,
        %broadcast_in_dim3A_646 = arith.constant 6 : i32
        %broadcast_in_dim3A_647 = vector.broadcast %broadcast_in_dim3A_646 : i32 to vector<16x1xi32>
        %gather3A_648 = vector.shape_cast %broadcast_in_dim3A_647 : vector<16x1xi32> to vector<16xi32>
        %gather3A_649 = tpu.dynamic_gather %get3A_263[%gather3A_648] in [0] : vector<16xf32>, vector<16xi32> -> vector<16xf32>
        %mul3A_650 = arith.constant 16 : i32
        %mul3A_651 = arith.muli %scan3A_255, %mul3A_650 : i32
        %add3A_652 = arith.constant 6 : i32
        %add3A_653 = arith.addi %mul3A_651, %add3A_652 : i32
        %get3A_654 = arith.constant 1 : i32
        %get3A_655 = arith.index_cast %get3A_654 : i32 to index
        %get3A_656 = arith.index_cast %add3A_653 : i32 to index
        %get3A_657 = arith.constant 0 : index
        %get3A_658 = tpu.vector_load %arg9[%get3A_655, %get3A_656, %get3A_657] {strides = array<i32>} : memref<2x128x64xf32, #tpu.memory_space<vmem>>, vector<1x1x16xf32>,
        %get3A_659 = vector.shape_cast %get3A_658 : vector<1x1x16xf32> to vector<16xf32>
        %mul3A_660 = arith.mulf %get3A_659, %gather3A_649 : vector<16xf32>
        %swap3A_661 = arith.constant 1 : i32
        %swap3A_662 = arith.index_cast %swap3A_661 : i32 to index
        %swap3A_663 = arith.index_cast %add3A_653 : i32 to index
        %swap3A_664 = arith.constant 0 : index
        %swap3A_665 = tpu.vector_load %arg10[%swap3A_662, %swap3A_663, %swap3A_664] {strides = array<i32>} : memref<2x128x64xf32, #tpu.memory_space<vmem>>, vector<1x1x16xf32>,
        %swap3A_666 = vector.shape_cast %swap3A_665 : vector<1x1x16xf32> to vector<16xf32>
        %swap3A_667 = vector.shape_cast %mul3A_660 : vector<16xf32> to vector<1x1x16xf32>
        tpu.vector_store %arg10[%swap3A_662, %swap3A_663, %swap3A_664], %swap3A_667 {strides = array<i32>} : memref<2x128x64xf32, #tpu.memory_space<vmem>>, vector<1x1x16xf32>,
        %get3A_668 = arith.constant 1 : i32
        %get3A_669 = arith.index_cast %get3A_668 : i32 to index
        %get3A_670 = arith.index_cast %add3A_653 : i32 to index
        %get3A_671 = arith.constant 16 : index
        %get3A_672 = tpu.vector_load %arg9[%get3A_669, %get3A_670, %get3A_671] {strides = array<i32>} : memref<2x128x64xf32, #tpu.memory_space<vmem>>, vector<1x1x16xf32>,
        %get3A_673 = vector.shape_cast %get3A_672 : vector<1x1x16xf32> to vector<16xf32>
        %mul3A_674 = arith.mulf %get3A_673, %gather3A_649 : vector<16xf32>
        %swap3A_675 = arith.constant 1 : i32
        %swap3A_676 = arith.index_cast %swap3A_675 : i32 to index
        %swap3A_677 = arith.index_cast %add3A_653 : i32 to index
        %swap3A_678 = arith.constant 16 : index
        %swap3A_679 = tpu.vector_load %arg10[%swap3A_676, %swap3A_677, %swap3A_678] {strides = array<i32>} : memref<2x128x64xf32, #tpu.memory_space<vmem>>, vector<1x1x16xf32>,
        %swap3A_680 = vector.shape_cast %swap3A_679 : vector<1x1x16xf32> to vector<16xf32>
        %swap3A_681 = vector.shape_cast %mul3A_674 : vector<16xf32> to vector<1x1x16xf32>
        tpu.vector_store %arg10[%swap3A_676, %swap3A_677, %swap3A_678], %swap3A_681 {strides = array<i32>} : memref<2x128x64xf32, #tpu.memory_space<vmem>>, vector<1x1x16xf32>,
        %get3A_682 = arith.constant 1 : i32
        %get3A_683 = arith.index_cast %get3A_682 : i32 to index
        %get3A_684 = arith.index_cast %add3A_653 : i32 to index
        %get3A_685 = arith.constant 32 : index
        %get3A_686 = tpu.vector_load %arg9[%get3A_683, %get3A_684, %get3A_685] {strides = array<i32>} : memref<2x128x64xf32, #tpu.memory_space<vmem>>, vector<1x1x16xf32>,
        %get3A_687 = vector.shape_cast %get3A_686 : vector<1x1x16xf32> to vector<16xf32>
        %mul3A_688 = arith.mulf %get3A_687, %gather3A_649 : vector<16xf32>
        %swap3A_689 = arith.constant 1 : i32
        %swap3A_690 = arith.index_cast %swap3A_689 : i32 to index
        %swap3A_691 = arith.index_cast %add3A_653 : i32 to index
        %swap3A_692 = arith.constant 32 : index
        %swap3A_693 = tpu.vector_load %arg10[%swap3A_690, %swap3A_691, %swap3A_692] {strides = array<i32>} : memref<2x128x64xf32, #tpu.memory_space<vmem>>, vector<1x1x16xf32>,
        %swap3A_694 = vector.shape_cast %swap3A_693 : vector<1x1x16xf32> to vector<16xf32>
        %swap3A_695 = vector.shape_cast %mul3A_688 : vector<16xf32> to vector<1x1x16xf32>
        tpu.vector_store %arg10[%swap3A_690, %swap3A_691, %swap3A_692], %swap3A_695 {strides = array<i32>} : memref<2x128x64xf32, #tpu.memory_space<vmem>>, vector<1x1x16xf32>,
        %get3A_696 = arith.constant 1 : i32
        %get3A_697 = arith.index_cast %get3A_696 : i32 to index
        %get3A_698 = arith.index_cast %add3A_653 : i32 to index
        %get3A_699 = arith.constant 48 : index
        %get3A_700 = tpu.vector_load %arg9[%get3A_697, %get3A_698, %get3A_699] {strides = array<i32>} : memref<2x128x64xf32, #tpu.memory_space<vmem>>, vector<1x1x16xf32>,
        %get3A_701 = vector.shape_cast %get3A_700 : vector<1x1x16xf32> to vector<16xf32>
        %mul3A_702 = arith.mulf %get3A_701, %gather3A_649 : vector<16xf32>
        %swap3A_703 = arith.constant 1 : i32
        %swap3A_704 = arith.index_cast %swap3A_703 : i32 to index
        %swap3A_705 = arith.index_cast %add3A_653 : i32 to index
        %swap3A_706 = arith.constant 48 : index
        %swap3A_707 = tpu.vector_load %arg10[%swap3A_704, %swap3A_705, %swap3A_706] {strides = array<i32>} : memref<2x128x64xf32, #tpu.memory_space<vmem>>, vector<1x1x16xf32>,
        %swap3A_708 = vector.shape_cast %swap3A_707 : vector<1x1x16xf32> to vector<16xf32>
        %swap3A_709 = vector.shape_cast %mul3A_702 : vector<16xf32> to vector<1x1x16xf32>
        tpu.vector_store %arg10[%swap3A_704, %swap3A_705, %swap3A_706], %swap3A_709 {strides = array<i32>} : memref<2x128x64xf32, #tpu.memory_space<vmem>>, vector<1x1x16xf32>,
        %broadcast_in_dim3A_710 = arith.constant 7 : i32
        %broadcast_in_dim3A_711 = vector.broadcast %broadcast_in_dim3A_710 : i32 to vector<16x1xi32>
        %gather3A_712 = vector.shape_cast %broadcast_in_dim3A_711 : vector<16x1xi32> to vector<16xi32>
        %gather3A_713 = tpu.dynamic_gather %get3A_263[%gather3A_712] in [0] : vector<16xf32>, vector<16xi32> -> vector<16xf32>
        %mul3A_714 = arith.constant 16 : i32
        %mul3A_715 = arith.muli %scan3A_255, %mul3A_714 : i32
        %add3A_716 = arith.constant 7 : i32
        %add3A_717 = arith.addi %mul3A_715, %add3A_716 : i32
        %get3A_718 = arith.constant 1 : i32
        %get3A_719 = arith.index_cast %get3A_718 : i32 to index
        %get3A_720 = arith.index_cast %add3A_717 : i32 to index
        %get3A_721 = arith.constant 0 : index
        %get3A_722 = tpu.vector_load %arg9[%get3A_719, %get3A_720, %get3A_721] {strides = array<i32>} : memref<2x128x64xf32, #tpu.memory_space<vmem>>, vector<1x1x16xf32>,
        %get3A_723 = vector.shape_cast %get3A_722 : vector<1x1x16xf32> to vector<16xf32>
        %mul3A_724 = arith.mulf %get3A_723, %gather3A_713 : vector<16xf32>
        %swap3A_725 = arith.constant 1 : i32
        %swap3A_726 = arith.index_cast %swap3A_725 : i32 to index
        %swap3A_727 = arith.index_cast %add3A_717 : i32 to index
        %swap3A_728 = arith.constant 0 : index
        %swap3A_729 = tpu.vector_load %arg10[%swap3A_726, %swap3A_727, %swap3A_728] {strides = array<i32>} : memref<2x128x64xf32, #tpu.memory_space<vmem>>, vector<1x1x16xf32>,
        %swap3A_730 = vector.shape_cast %swap3A_729 : vector<1x1x16xf32> to vector<16xf32>
        %swap3A_731 = vector.shape_cast %mul3A_724 : vector<16xf32> to vector<1x1x16xf32>
        tpu.vector_store %arg10[%swap3A_726, %swap3A_727, %swap3A_728], %swap3A_731 {strides = array<i32>} : memref<2x128x64xf32, #tpu.memory_space<vmem>>, vector<1x1x16xf32>,
        %get3A_732 = arith.constant 1 : i32
        %get3A_733 = arith.index_cast %get3A_732 : i32 to index
        %get3A_734 = arith.index_cast %add3A_717 : i32 to index
        %get3A_735 = arith.constant 16 : index
        %get3A_736 = tpu.vector_load %arg9[%get3A_733, %get3A_734, %get3A_735] {strides = array<i32>} : memref<2x128x64xf32, #tpu.memory_space<vmem>>, vector<1x1x16xf32>,
        %get3A_737 = vector.shape_cast %get3A_736 : vector<1x1x16xf32> to vector<16xf32>
        %mul3A_738 = arith.mulf %get3A_737, %gather3A_713 : vector<16xf32>
        %swap3A_739 = arith.constant 1 : i32
        %swap3A_740 = arith.index_cast %swap3A_739 : i32 to index
        %swap3A_741 = arith.index_cast %add3A_717 : i32 to index
        %swap3A_742 = arith.constant 16 : index
        %swap3A_743 = tpu.vector_load %arg10[%swap3A_740, %swap3A_741, %swap3A_742] {strides = array<i32>} : memref<2x128x64xf32, #tpu.memory_space<vmem>>, vector<1x1x16xf32>,
        %swap3A_744 = vector.shape_cast %swap3A_743 : vector<1x1x16xf32> to vector<16xf32>
        %swap3A_745 = vector.shape_cast %mul3A_738 : vector<16xf32> to vector<1x1x16xf32>
        tpu.vector_store %arg10[%swap3A_740, %swap3A_741, %swap3A_742], %swap3A_745 {strides = array<i32>} : memref<2x128x64xf32, #tpu.memory_space<vmem>>, vector<1x1x16xf32>,
        %get3A_746 = arith.constant 1 : i32
        %get3A_747 = arith.index_cast %get3A_746 : i32 to index
        %get3A_748 = arith.index_cast %add3A_717 : i32 to index
        %get3A_749 = arith.constant 32 : index
        %get3A_750 = tpu.vector_load %arg9[%get3A_747, %get3A_748, %get3A_749] {strides = array<i32>} : memref<2x128x64xf32, #tpu.memory_space<vmem>>, vector<1x1x16xf32>,
        %get3A_751 = vector.shape_cast %get3A_750 : vector<1x1x16xf32> to vector<16xf32>
        %mul3A_752 = arith.mulf %get3A_751, %gather3A_713 : vector<16xf32>
        %swap3A_753 = arith.constant 1 : i32
        %swap3A_754 = arith.index_cast %swap3A_753 : i32 to index
        %swap3A_755 = arith.index_cast %add3A_717 : i32 to index
        %swap3A_756 = arith.constant 32 : index
        %swap3A_757 = tpu.vector_load %arg10[%swap3A_754, %swap3A_755, %swap3A_756] {strides = array<i32>} : memref<2x128x64xf32, #tpu.memory_space<vmem>>, vector<1x1x16xf32>,
        %swap3A_758 = vector.shape_cast %swap3A_757 : vector<1x1x16xf32> to vector<16xf32>
        %swap3A_759 = vector.shape_cast %mul3A_752 : vector<16xf32> to vector<1x1x16xf32>
        tpu.vector_store %arg10[%swap3A_754, %swap3A_755, %swap3A_756], %swap3A_759 {strides = array<i32>} : memref<2x128x64xf32, #tpu.memory_space<vmem>>, vector<1x1x16xf32>,
        %get3A_760 = arith.constant 1 : i32
        %get3A_761 = arith.index_cast %get3A_760 : i32 to index
        %get3A_762 = arith.index_cast %add3A_717 : i32 to index
        %get3A_763 = arith.constant 48 : index
        %get3A_764 = tpu.vector_load %arg9[%get3A_761, %get3A_762, %get3A_763] {strides = array<i32>} : memref<2x128x64xf32, #tpu.memory_space<vmem>>, vector<1x1x16xf32>,
        %get3A_765 = vector.shape_cast %get3A_764 : vector<1x1x16xf32> to vector<16xf32>
        %mul3A_766 = arith.mulf %get3A_765, %gather3A_713 : vector<16xf32>
        %swap3A_767 = arith.constant 1 : i32
        %swap3A_768 = arith.index_cast %swap3A_767 : i32 to index
        %swap3A_769 = arith.index_cast %add3A_717 : i32 to index
        %swap3A_770 = arith.constant 48 : index
        %swap3A_771 = tpu.vector_load %arg10[%swap3A_768, %swap3A_769, %swap3A_770] {strides = array<i32>} : memref<2x128x64xf32, #tpu.memory_space<vmem>>, vector<1x1x16xf32>,
        %swap3A_772 = vector.shape_cast %swap3A_771 : vector<1x1x16xf32> to vector<16xf32>
        %swap3A_773 = vector.shape_cast %mul3A_766 : vector<16xf32> to vector<1x1x16xf32>
        tpu.vector_store %arg10[%swap3A_768, %swap3A_769, %swap3A_770], %swap3A_773 {strides = array<i32>} : memref<2x128x64xf32, #tpu.memory_space<vmem>>, vector<1x1x16xf32>,
        %broadcast_in_dim3A_774 = arith.constant 8 : i32
        %broadcast_in_dim3A_775 = vector.broadcast %broadcast_in_dim3A_774 : i32 to vector<16x1xi32>
        %gather3A_776 = vector.shape_cast %broadcast_in_dim3A_775 : vector<16x1xi32> to vector<16xi32>
        %gather3A_777 = tpu.dynamic_gather %get3A_263[%gather3A_776] in [0] : vector<16xf32>, vector<16xi32> -> vector<16xf32>
        %mul3A_778 = arith.constant 16 : i32
        %mul3A_779 = arith.muli %scan3A_255, %mul3A_778 : i32
        %add3A_780 = arith.constant 8 : i32
        %add3A_781 = arith.addi %mul3A_779, %add3A_780 : i32
        %get3A_782 = arith.constant 1 : i32
        %get3A_783 = arith.index_cast %get3A_782 : i32 to index
        %get3A_784 = arith.index_cast %add3A_781 : i32 to index
        %get3A_785 = arith.constant 0 : index
        %get3A_786 = tpu.vector_load %arg9[%get3A_783, %get3A_784, %get3A_785] {strides = array<i32>} : memref<2x128x64xf32, #tpu.memory_space<vmem>>, vector<1x1x16xf32>,
        %get3A_787 = vector.shape_cast %get3A_786 : vector<1x1x16xf32> to vector<16xf32>
        %mul3A_788 = arith.mulf %get3A_787, %gather3A_777 : vector<16xf32>
        %swap3A_789 = arith.constant 1 : i32
        %swap3A_790 = arith.index_cast %swap3A_789 : i32 to index
        %swap3A_791 = arith.index_cast %add3A_781 : i32 to index
        %swap3A_792 = arith.constant 0 : index
        %swap3A_793 = tpu.vector_load %arg10[%swap3A_790, %swap3A_791, %swap3A_792] {strides = array<i32>} : memref<2x128x64xf32, #tpu.memory_space<vmem>>, vector<1x1x16xf32>,
        %swap3A_794 = vector.shape_cast %swap3A_793 : vector<1x1x16xf32> to vector<16xf32>
        %swap3A_795 = vector.shape_cast %mul3A_788 : vector<16xf32> to vector<1x1x16xf32>
        tpu.vector_store %arg10[%swap3A_790, %swap3A_791, %swap3A_792], %swap3A_795 {strides = array<i32>} : memref<2x128x64xf32, #tpu.memory_space<vmem>>, vector<1x1x16xf32>,
        %get3A_796 = arith.constant 1 : i32
        %get3A_797 = arith.index_cast %get3A_796 : i32 to index
        %get3A_798 = arith.index_cast %add3A_781 : i32 to index
        %get3A_799 = arith.constant 16 : index
        %get3A_800 = tpu.vector_load %arg9[%get3A_797, %get3A_798, %get3A_799] {strides = array<i32>} : memref<2x128x64xf32, #tpu.memory_space<vmem>>, vector<1x1x16xf32>,
        %get3A_801 = vector.shape_cast %get3A_800 : vector<1x1x16xf32> to vector<16xf32>
        %mul3A_802 = arith.mulf %get3A_801, %gather3A_777 : vector<16xf32>
        %swap3A_803 = arith.constant 1 : i32
        %swap3A_804 = arith.index_cast %swap3A_803 : i32 to index
        %swap3A_805 = arith.index_cast %add3A_781 : i32 to index
        %swap3A_806 = arith.constant 16 : index
        %swap3A_807 = tpu.vector_load %arg10[%swap3A_804, %swap3A_805, %swap3A_806] {strides = array<i32>} : memref<2x128x64xf32, #tpu.memory_space<vmem>>, vector<1x1x16xf32>,
        %swap3A_808 = vector.shape_cast %swap3A_807 : vector<1x1x16xf32> to vector<16xf32>
        %swap3A_809 = vector.shape_cast %mul3A_802 : vector<16xf32> to vector<1x1x16xf32>
        tpu.vector_store %arg10[%swap3A_804, %swap3A_805, %swap3A_806], %swap3A_809 {strides = array<i32>} : memref<2x128x64xf32, #tpu.memory_space<vmem>>, vector<1x1x16xf32>,
        %get3A_810 = arith.constant 1 : i32
        %get3A_811 = arith.index_cast %get3A_810 : i32 to index
        %get3A_812 = arith.index_cast %add3A_781 : i32 to index
        %get3A_813 = arith.constant 32 : index
        %get3A_814 = tpu.vector_load %arg9[%get3A_811, %get3A_812, %get3A_813] {strides = array<i32>} : memref<2x128x64xf32, #tpu.memory_space<vmem>>, vector<1x1x16xf32>,
        %get3A_815 = vector.shape_cast %get3A_814 : vector<1x1x16xf32> to vector<16xf32>
        %mul3A_816 = arith.mulf %get3A_815, %gather3A_777 : vector<16xf32>
        %swap3A_817 = arith.constant 1 : i32
        %swap3A_818 = arith.index_cast %swap3A_817 : i32 to index
        %swap3A_819 = arith.index_cast %add3A_781 : i32 to index
        %swap3A_820 = arith.constant 32 : index
        %swap3A_821 = tpu.vector_load %arg10[%swap3A_818, %swap3A_819, %swap3A_820] {strides = array<i32>} : memref<2x128x64xf32, #tpu.memory_space<vmem>>, vector<1x1x16xf32>,
        %swap3A_822 = vector.shape_cast %swap3A_821 : vector<1x1x16xf32> to vector<16xf32>
        %swap3A_823 = vector.shape_cast %mul3A_816 : vector<16xf32> to vector<1x1x16xf32>
        tpu.vector_store %arg10[%swap3A_818, %swap3A_819, %swap3A_820], %swap3A_823 {strides = array<i32>} : memref<2x128x64xf32, #tpu.memory_space<vmem>>, vector<1x1x16xf32>,
        %get3A_824 = arith.constant 1 : i32
        %get3A_825 = arith.index_cast %get3A_824 : i32 to index
        %get3A_826 = arith.index_cast %add3A_781 : i32 to index
        %get3A_827 = arith.constant 48 : index
        %get3A_828 = tpu.vector_load %arg9[%get3A_825, %get3A_826, %get3A_827] {strides = array<i32>} : memref<2x128x64xf32, #tpu.memory_space<vmem>>, vector<1x1x16xf32>,
        %get3A_829 = vector.shape_cast %get3A_828 : vector<1x1x16xf32> to vector<16xf32>
        %mul3A_830 = arith.mulf %get3A_829, %gather3A_777 : vector<16xf32>
        %swap3A_831 = arith.constant 1 : i32
        %swap3A_832 = arith.index_cast %swap3A_831 : i32 to index
        %swap3A_833 = arith.index_cast %add3A_781 : i32 to index
        %swap3A_834 = arith.constant 48 : index
        %swap3A_835 = tpu.vector_load %arg10[%swap3A_832, %swap3A_833, %swap3A_834] {strides = array<i32>} : memref<2x128x64xf32, #tpu.memory_space<vmem>>, vector<1x1x16xf32>,
        %swap3A_836 = vector.shape_cast %swap3A_835 : vector<1x1x16xf32> to vector<16xf32>
        %swap3A_837 = vector.shape_cast %mul3A_830 : vector<16xf32> to vector<1x1x16xf32>
        tpu.vector_store %arg10[%swap3A_832, %swap3A_833, %swap3A_834], %swap3A_837 {strides = array<i32>} : memref<2x128x64xf32, #tpu.memory_space<vmem>>, vector<1x1x16xf32>,
        %broadcast_in_dim3A_838 = arith.constant 9 : i32
        %broadcast_in_dim3A_839 = vector.broadcast %broadcast_in_dim3A_838 : i32 to vector<16x1xi32>
        %gather3A_840 = vector.shape_cast %broadcast_in_dim3A_839 : vector<16x1xi32> to vector<16xi32>
        %gather3A_841 = tpu.dynamic_gather %get3A_263[%gather3A_840] in [0] : vector<16xf32>, vector<16xi32> -> vector<16xf32>
        %mul3A_842 = arith.constant 16 : i32
        %mul3A_843 = arith.muli %scan3A_255, %mul3A_842 : i32
        %add3A_844 = arith.constant 9 : i32
        %add3A_845 = arith.addi %mul3A_843, %add3A_844 : i32
        %get3A_846 = arith.constant 1 : i32
        %get3A_847 = arith.index_cast %get3A_846 : i32 to index
        %get3A_848 = arith.index_cast %add3A_845 : i32 to index
        %get3A_849 = arith.constant 0 : index
        %get3A_850 = tpu.vector_load %arg9[%get3A_847, %get3A_848, %get3A_849] {strides = array<i32>} : memref<2x128x64xf32, #tpu.memory_space<vmem>>, vector<1x1x16xf32>,
        %get3A_851 = vector.shape_cast %get3A_850 : vector<1x1x16xf32> to vector<16xf32>
        %mul3A_852 = arith.mulf %get3A_851, %gather3A_841 : vector<16xf32>
        %swap3A_853 = arith.constant 1 : i32
        %swap3A_854 = arith.index_cast %swap3A_853 : i32 to index
        %swap3A_855 = arith.index_cast %add3A_845 : i32 to index
        %swap3A_856 = arith.constant 0 : index
        %swap3A_857 = tpu.vector_load %arg10[%swap3A_854, %swap3A_855, %swap3A_856] {strides = array<i32>} : memref<2x128x64xf32, #tpu.memory_space<vmem>>, vector<1x1x16xf32>,
        %swap3A_858 = vector.shape_cast %swap3A_857 : vector<1x1x16xf32> to vector<16xf32>
        %swap3A_859 = vector.shape_cast %mul3A_852 : vector<16xf32> to vector<1x1x16xf32>
        tpu.vector_store %arg10[%swap3A_854, %swap3A_855, %swap3A_856], %swap3A_859 {strides = array<i32>} : memref<2x128x64xf32, #tpu.memory_space<vmem>>, vector<1x1x16xf32>,
        %get3A_860 = arith.constant 1 : i32
        %get3A_861 = arith.index_cast %get3A_860 : i32 to index
        %get3A_862 = arith.index_cast %add3A_845 : i32 to index
        %get3A_863 = arith.constant 16 : index
        %get3A_864 = tpu.vector_load %arg9[%get3A_861, %get3A_862, %get3A_863] {strides = array<i32>} : memref<2x128x64xf32, #tpu.memory_space<vmem>>, vector<1x1x16xf32>,
        %get3A_865 = vector.shape_cast %get3A_864 : vector<1x1x16xf32> to vector<16xf32>
        %mul3A_866 = arith.mulf %get3A_865, %gather3A_841 : vector<16xf32>
        %swap3A_867 = arith.constant 1 : i32
        %swap3A_868 = arith.index_cast %swap3A_867 : i32 to index
        %swap3A_869 = arith.index_cast %add3A_845 : i32 to index
        %swap3A_870 = arith.constant 16 : index
        %swap3A_871 = tpu.vector_load %arg10[%swap3A_868, %swap3A_869, %swap3A_870] {strides = array<i32>} : memref<2x128x64xf32, #tpu.memory_space<vmem>>, vector<1x1x16xf32>,
        %swap3A_872 = vector.shape_cast %swap3A_871 : vector<1x1x16xf32> to vector<16xf32>
        %swap3A_873 = vector.shape_cast %mul3A_866 : vector<16xf32> to vector<1x1x16xf32>
        tpu.vector_store %arg10[%swap3A_868, %swap3A_869, %swap3A_870], %swap3A_873 {strides = array<i32>} : memref<2x128x64xf32, #tpu.memory_space<vmem>>, vector<1x1x16xf32>,
        %get3A_874 = arith.constant 1 : i32
        %get3A_875 = arith.index_cast %get3A_874 : i32 to index
        %get3A_876 = arith.index_cast %add3A_845 : i32 to index
        %get3A_877 = arith.constant 32 : index
        %get3A_878 = tpu.vector_load %arg9[%get3A_875, %get3A_876, %get3A_877] {strides = array<i32>} : memref<2x128x64xf32, #tpu.memory_space<vmem>>, vector<1x1x16xf32>,
        %get3A_879 = vector.shape_cast %get3A_878 : vector<1x1x16xf32> to vector<16xf32>
        %mul3A_880 = arith.mulf %get3A_879, %gather3A_841 : vector<16xf32>
        %swap3A_881 = arith.constant 1 : i32
        %swap3A_882 = arith.index_cast %swap3A_881 : i32 to index
        %swap3A_883 = arith.index_cast %add3A_845 : i32 to index
        %swap3A_884 = arith.constant 32 : index
        %swap3A_885 = tpu.vector_load %arg10[%swap3A_882, %swap3A_883, %swap3A_884] {strides = array<i32>} : memref<2x128x64xf32, #tpu.memory_space<vmem>>, vector<1x1x16xf32>,
        %swap3A_886 = vector.shape_cast %swap3A_885 : vector<1x1x16xf32> to vector<16xf32>
        %swap3A_887 = vector.shape_cast %mul3A_880 : vector<16xf32> to vector<1x1x16xf32>
        tpu.vector_store %arg10[%swap3A_882, %swap3A_883, %swap3A_884], %swap3A_887 {strides = array<i32>} : memref<2x128x64xf32, #tpu.memory_space<vmem>>, vector<1x1x16xf32>,
        %get3A_888 = arith.constant 1 : i32
        %get3A_889 = arith.index_cast %get3A_888 : i32 to index
        %get3A_890 = arith.index_cast %add3A_845 : i32 to index
        %get3A_891 = arith.constant 48 : index
        %get3A_892 = tpu.vector_load %arg9[%get3A_889, %get3A_890, %get3A_891] {strides = array<i32>} : memref<2x128x64xf32, #tpu.memory_space<vmem>>, vector<1x1x16xf32>,
        %get3A_893 = vector.shape_cast %get3A_892 : vector<1x1x16xf32> to vector<16xf32>
        %mul3A_894 = arith.mulf %get3A_893, %gather3A_841 : vector<16xf32>
        %swap3A_895 = arith.constant 1 : i32
        %swap3A_896 = arith.index_cast %swap3A_895 : i32 to index
        %swap3A_897 = arith.index_cast %add3A_845 : i32 to index
        %swap3A_898 = arith.constant 48 : index
        %swap3A_899 = tpu.vector_load %arg10[%swap3A_896, %swap3A_897, %swap3A_898] {strides = array<i32>} : memref<2x128x64xf32, #tpu.memory_space<vmem>>, vector<1x1x16xf32>,
        %swap3A_900 = vector.shape_cast %swap3A_899 : vector<1x1x16xf32> to vector<16xf32>
        %swap3A_901 = vector.shape_cast %mul3A_894 : vector<16xf32> to vector<1x1x16xf32>
        tpu.vector_store %arg10[%swap3A_896, %swap3A_897, %swap3A_898], %swap3A_901 {strides = array<i32>} : memref<2x128x64xf32, #tpu.memory_space<vmem>>, vector<1x1x16xf32>,
        %broadcast_in_dim3A_902 = arith.constant 10 : i32
        %broadcast_in_dim3A_903 = vector.broadcast %broadcast_in_dim3A_902 : i32 to vector<16x1xi32>
        %gather3A_904 = vector.shape_cast %broadcast_in_dim3A_903 : vector<16x1xi32> to vector<16xi32>
        %gather3A_905 = tpu.dynamic_gather %get3A_263[%gather3A_904] in [0] : vector<16xf32>, vector<16xi32> -> vector<16xf32>
        %mul3A_906 = arith.constant 16 : i32
        %mul3A_907 = arith.muli %scan3A_255, %mul3A_906 : i32
        %add3A_908 = arith.constant 10 : i32
        %add3A_909 = arith.addi %mul3A_907, %add3A_908 : i32
        %get3A_910 = arith.constant 1 : i32
        %get3A_911 = arith.index_cast %get3A_910 : i32 to index
        %get3A_912 = arith.index_cast %add3A_909 : i32 to index
        %get3A_913 = arith.constant 0 : index
        %get3A_914 = tpu.vector_load %arg9[%get3A_911, %get3A_912, %get3A_913] {strides = array<i32>} : memref<2x128x64xf32, #tpu.memory_space<vmem>>, vector<1x1x16xf32>,
        %get3A_915 = vector.shape_cast %get3A_914 : vector<1x1x16xf32> to vector<16xf32>
        %mul3A_916 = arith.mulf %get3A_915, %gather3A_905 : vector<16xf32>
        %swap3A_917 = arith.constant 1 : i32
        %swap3A_918 = arith.index_cast %swap3A_917 : i32 to index
        %swap3A_919 = arith.index_cast %add3A_909 : i32 to index
        %swap3A_920 = arith.constant 0 : index
        %swap3A_921 = tpu.vector_load %arg10[%swap3A_918, %swap3A_919, %swap3A_920] {strides = array<i32>} : memref<2x128x64xf32, #tpu.memory_space<vmem>>, vector<1x1x16xf32>,
        %swap3A_922 = vector.shape_cast %swap3A_921 : vector<1x1x16xf32> to vector<16xf32>
        %swap3A_923 = vector.shape_cast %mul3A_916 : vector<16xf32> to vector<1x1x16xf32>
        tpu.vector_store %arg10[%swap3A_918, %swap3A_919, %swap3A_920], %swap3A_923 {strides = array<i32>} : memref<2x128x64xf32, #tpu.memory_space<vmem>>, vector<1x1x16xf32>,
        %get3A_924 = arith.constant 1 : i32
        %get3A_925 = arith.index_cast %get3A_924 : i32 to index
        %get3A_926 = arith.index_cast %add3A_909 : i32 to index
        %get3A_927 = arith.constant 16 : index
        %get3A_928 = tpu.vector_load %arg9[%get3A_925, %get3A_926, %get3A_927] {strides = array<i32>} : memref<2x128x64xf32, #tpu.memory_space<vmem>>, vector<1x1x16xf32>,
        %get3A_929 = vector.shape_cast %get3A_928 : vector<1x1x16xf32> to vector<16xf32>
        %mul3A_930 = arith.mulf %get3A_929, %gather3A_905 : vector<16xf32>
        %swap3A_931 = arith.constant 1 : i32
        %swap3A_932 = arith.index_cast %swap3A_931 : i32 to index
        %swap3A_933 = arith.index_cast %add3A_909 : i32 to index
        %swap3A_934 = arith.constant 16 : index
        %swap3A_935 = tpu.vector_load %arg10[%swap3A_932, %swap3A_933, %swap3A_934] {strides = array<i32>} : memref<2x128x64xf32, #tpu.memory_space<vmem>>, vector<1x1x16xf32>,
        %swap3A_936 = vector.shape_cast %swap3A_935 : vector<1x1x16xf32> to vector<16xf32>
        %swap3A_937 = vector.shape_cast %mul3A_930 : vector<16xf32> to vector<1x1x16xf32>
        tpu.vector_store %arg10[%swap3A_932, %swap3A_933, %swap3A_934], %swap3A_937 {strides = array<i32>} : memref<2x128x64xf32, #tpu.memory_space<vmem>>, vector<1x1x16xf32>,
        %get3A_938 = arith.constant 1 : i32
        %get3A_939 = arith.index_cast %get3A_938 : i32 to index
        %get3A_940 = arith.index_cast %add3A_909 : i32 to index
        %get3A_941 = arith.constant 32 : index
        %get3A_942 = tpu.vector_load %arg9[%get3A_939, %get3A_940, %get3A_941] {strides = array<i32>} : memref<2x128x64xf32, #tpu.memory_space<vmem>>, vector<1x1x16xf32>,
        %get3A_943 = vector.shape_cast %get3A_942 : vector<1x1x16xf32> to vector<16xf32>
        %mul3A_944 = arith.mulf %get3A_943, %gather3A_905 : vector<16xf32>
        %swap3A_945 = arith.constant 1 : i32
        %swap3A_946 = arith.index_cast %swap3A_945 : i32 to index
        %swap3A_947 = arith.index_cast %add3A_909 : i32 to index
        %swap3A_948 = arith.constant 32 : index
        %swap3A_949 = tpu.vector_load %arg10[%swap3A_946, %swap3A_947, %swap3A_948] {strides = array<i32>} : memref<2x128x64xf32, #tpu.memory_space<vmem>>, vector<1x1x16xf32>,
        %swap3A_950 = vector.shape_cast %swap3A_949 : vector<1x1x16xf32> to vector<16xf32>
        %swap3A_951 = vector.shape_cast %mul3A_944 : vector<16xf32> to vector<1x1x16xf32>
        tpu.vector_store %arg10[%swap3A_946, %swap3A_947, %swap3A_948], %swap3A_951 {strides = array<i32>} : memref<2x128x64xf32, #tpu.memory_space<vmem>>, vector<1x1x16xf32>,
        %get3A_952 = arith.constant 1 : i32
        %get3A_953 = arith.index_cast %get3A_952 : i32 to index
        %get3A_954 = arith.index_cast %add3A_909 : i32 to index
        %get3A_955 = arith.constant 48 : index
        %get3A_956 = tpu.vector_load %arg9[%get3A_953, %get3A_954, %get3A_955] {strides = array<i32>} : memref<2x128x64xf32, #tpu.memory_space<vmem>>, vector<1x1x16xf32>,
        %get3A_957 = vector.shape_cast %get3A_956 : vector<1x1x16xf32> to vector<16xf32>
        %mul3A_958 = arith.mulf %get3A_957, %gather3A_905 : vector<16xf32>
        %swap3A_959 = arith.constant 1 : i32
        %swap3A_960 = arith.index_cast %swap3A_959 : i32 to index
        %swap3A_961 = arith.index_cast %add3A_909 : i32 to index
        %swap3A_962 = arith.constant 48 : index
        %swap3A_963 = tpu.vector_load %arg10[%swap3A_960, %swap3A_961, %swap3A_962] {strides = array<i32>} : memref<2x128x64xf32, #tpu.memory_space<vmem>>, vector<1x1x16xf32>,
        %swap3A_964 = vector.shape_cast %swap3A_963 : vector<1x1x16xf32> to vector<16xf32>
        %swap3A_965 = vector.shape_cast %mul3A_958 : vector<16xf32> to vector<1x1x16xf32>
        tpu.vector_store %arg10[%swap3A_960, %swap3A_961, %swap3A_962], %swap3A_965 {strides = array<i32>} : memref<2x128x64xf32, #tpu.memory_space<vmem>>, vector<1x1x16xf32>,
        %broadcast_in_dim3A_966 = arith.constant 11 : i32
        %broadcast_in_dim3A_967 = vector.broadcast %broadcast_in_dim3A_966 : i32 to vector<16x1xi32>
        %gather3A_968 = vector.shape_cast %broadcast_in_dim3A_967 : vector<16x1xi32> to vector<16xi32>
        %gather3A_969 = tpu.dynamic_gather %get3A_263[%gather3A_968] in [0] : vector<16xf32>, vector<16xi32> -> vector<16xf32>
        %mul3A_970 = arith.constant 16 : i32
        %mul3A_971 = arith.muli %scan3A_255, %mul3A_970 : i32
        %add3A_972 = arith.constant 11 : i32
        %add3A_973 = arith.addi %mul3A_971, %add3A_972 : i32
        %get3A_974 = arith.constant 1 : i32
        %get3A_975 = arith.index_cast %get3A_974 : i32 to index
        %get3A_976 = arith.index_cast %add3A_973 : i32 to index
        %get3A_977 = arith.constant 0 : index
        %get3A_978 = tpu.vector_load %arg9[%get3A_975, %get3A_976, %get3A_977] {strides = array<i32>} : memref<2x128x64xf32, #tpu.memory_space<vmem>>, vector<1x1x16xf32>,
        %get3A_979 = vector.shape_cast %get3A_978 : vector<1x1x16xf32> to vector<16xf32>
        %mul3A_980 = arith.mulf %get3A_979, %gather3A_969 : vector<16xf32>
        %swap3A_981 = arith.constant 1 : i32
        %swap3A_982 = arith.index_cast %swap3A_981 : i32 to index
        %swap3A_983 = arith.index_cast %add3A_973 : i32 to index
        %swap3A_984 = arith.constant 0 : index
        %swap3A_985 = tpu.vector_load %arg10[%swap3A_982, %swap3A_983, %swap3A_984] {strides = array<i32>} : memref<2x128x64xf32, #tpu.memory_space<vmem>>, vector<1x1x16xf32>,
        %swap3A_986 = vector.shape_cast %swap3A_985 : vector<1x1x16xf32> to vector<16xf32>
        %swap3A_987 = vector.shape_cast %mul3A_980 : vector<16xf32> to vector<1x1x16xf32>
        tpu.vector_store %arg10[%swap3A_982, %swap3A_983, %swap3A_984], %swap3A_987 {strides = array<i32>} : memref<2x128x64xf32, #tpu.memory_space<vmem>>, vector<1x1x16xf32>,
        %get3A_988 = arith.constant 1 : i32
        %get3A_989 = arith.index_cast %get3A_988 : i32 to index
        %get3A_990 = arith.index_cast %add3A_973 : i32 to index
        %get3A_991 = arith.constant 16 : index
        %get3A_992 = tpu.vector_load %arg9[%get3A_989, %get3A_990, %get3A_991] {strides = array<i32>} : memref<2x128x64xf32, #tpu.memory_space<vmem>>, vector<1x1x16xf32>,
        %get3A_993 = vector.shape_cast %get3A_992 : vector<1x1x16xf32> to vector<16xf32>
        %mul3A_994 = arith.mulf %get3A_993, %gather3A_969 : vector<16xf32>
        %swap3A_995 = arith.constant 1 : i32
        %swap3A_996 = arith.index_cast %swap3A_995 : i32 to index
        %swap3A_997 = arith.index_cast %add3A_973 : i32 to index
        %swap3A_998 = arith.constant 16 : index
        %swap3A_999 = tpu.vector_load %arg10[%swap3A_996, %swap3A_997, %swap3A_998] {strides = array<i32>} : memref<2x128x64xf32, #tpu.memory_space<vmem>>, vector<1x1x16xf32>,
        %swap3A_1000 = vector.shape_cast %swap3A_999 : vector<1x1x16xf32> to vector<16xf32>
        %swap3A_1001 = vector.shape_cast %mul3A_994 : vector<16xf32> to vector<1x1x16xf32>
        tpu.vector_store %arg10[%swap3A_996, %swap3A_997, %swap3A_998], %swap3A_1001 {strides = array<i32>} : memref<2x128x64xf32, #tpu.memory_space<vmem>>, vector<1x1x16xf32>,
        %get3A_1002 = arith.constant 1 : i32
        %get3A_1003 = arith.index_cast %get3A_1002 : i32 to index
        %get3A_1004 = arith.index_cast %add3A_973 : i32 to index
        %get3A_1005 = arith.constant 32 : index
        %get3A_1006 = tpu.vector_load %arg9[%get3A_1003, %get3A_1004, %get3A_1005] {strides = array<i32>} : memref<2x128x64xf32, #tpu.memory_space<vmem>>, vector<1x1x16xf32>,
        %get3A_1007 = vector.shape_cast %get3A_1006 : vector<1x1x16xf32> to vector<16xf32>
        %mul3A_1008 = arith.mulf %get3A_1007, %gather3A_969 : vector<16xf32>
        %swap3A_1009 = arith.constant 1 : i32
        %swap3A_1010 = arith.index_cast %swap3A_1009 : i32 to index
        %swap3A_1011 = arith.index_cast %add3A_973 : i32 to index
        %swap3A_1012 = arith.constant 32 : index
        %swap3A_1013 = tpu.vector_load %arg10[%swap3A_1010, %swap3A_1011, %swap3A_1012] {strides = array<i32>} : memref<2x128x64xf32, #tpu.memory_space<vmem>>, vector<1x1x16xf32>,
        %swap3A_1014 = vector.shape_cast %swap3A_1013 : vector<1x1x16xf32> to vector<16xf32>
        %swap3A_1015 = vector.shape_cast %mul3A_1008 : vector<16xf32> to vector<1x1x16xf32>
        tpu.vector_store %arg10[%swap3A_1010, %swap3A_1011, %swap3A_1012], %swap3A_1015 {strides = array<i32>} : memref<2x128x64xf32, #tpu.memory_space<vmem>>, vector<1x1x16xf32>,
        %get3A_1016 = arith.constant 1 : i32
        %get3A_1017 = arith.index_cast %get3A_1016 : i32 to index
        %get3A_1018 = arith.index_cast %add3A_973 : i32 to index
        %get3A_1019 = arith.constant 48 : index
        %get3A_1020 = tpu.vector_load %arg9[%get3A_1017, %get3A_1018, %get3A_1019] {strides = array<i32>} : memref<2x128x64xf32, #tpu.memory_space<vmem>>, vector<1x1x16xf32>,
        %get3A_1021 = vector.shape_cast %get3A_1020 : vector<1x1x16xf32> to vector<16xf32>
        %mul3A_1022 = arith.mulf %get3A_1021, %gather3A_969 : vector<16xf32>
        %swap3A_1023 = arith.constant 1 : i32
        %swap3A_1024 = arith.index_cast %swap3A_1023 : i32 to index
        %swap3A_1025 = arith.index_cast %add3A_973 : i32 to index
        %swap3A_1026 = arith.constant 48 : index
        %swap3A_1027 = tpu.vector_load %arg10[%swap3A_1024, %swap3A_1025, %swap3A_1026] {strides = array<i32>} : memref<2x128x64xf32, #tpu.memory_space<vmem>>, vector<1x1x16xf32>,
        %swap3A_1028 = vector.shape_cast %swap3A_1027 : vector<1x1x16xf32> to vector<16xf32>
        %swap3A_1029 = vector.shape_cast %mul3A_1022 : vector<16xf32> to vector<1x1x16xf32>
        tpu.vector_store %arg10[%swap3A_1024, %swap3A_1025, %swap3A_1026], %swap3A_1029 {strides = array<i32>} : memref<2x128x64xf32, #tpu.memory_space<vmem>>, vector<1x1x16xf32>,
        %broadcast_in_dim3A_1030 = arith.constant 12 : i32
        %broadcast_in_dim3A_1031 = vector.broadcast %broadcast_in_dim3A_1030 : i32 to vector<16x1xi32>
        %gather3A_1032 = vector.shape_cast %broadcast_in_dim3A_1031 : vector<16x1xi32> to vector<16xi32>
        %gather3A_1033 = tpu.dynamic_gather %get3A_263[%gather3A_1032] in [0] : vector<16xf32>, vector<16xi32> -> vector<16xf32>
        %mul3A_1034 = arith.constant 16 : i32
        %mul3A_1035 = arith.muli %scan3A_255, %mul3A_1034 : i32
        %add3A_1036 = arith.constant 12 : i32
        %add3A_1037 = arith.addi %mul3A_1035, %add3A_1036 : i32
        %get3A_1038 = arith.constant 1 : i32
        %get3A_1039 = arith.index_cast %get3A_1038 : i32 to index
        %get3A_1040 = arith.index_cast %add3A_1037 : i32 to index
        %get3A_1041 = arith.constant 0 : index
        %get3A_1042 = tpu.vector_load %arg9[%get3A_1039, %get3A_1040, %get3A_1041] {strides = array<i32>} : memref<2x128x64xf32, #tpu.memory_space<vmem>>, vector<1x1x16xf32>,
        %get3A_1043 = vector.shape_cast %get3A_1042 : vector<1x1x16xf32> to vector<16xf32>
        %mul3A_1044 = arith.mulf %get3A_1043, %gather3A_1033 : vector<16xf32>
        %swap3A_1045 = arith.constant 1 : i32
        %swap3A_1046 = arith.index_cast %swap3A_1045 : i32 to index
        %swap3A_1047 = arith.index_cast %add3A_1037 : i32 to index
        %swap3A_1048 = arith.constant 0 : index
        %swap3A_1049 = tpu.vector_load %arg10[%swap3A_1046, %swap3A_1047, %swap3A_1048] {strides = array<i32>} : memref<2x128x64xf32, #tpu.memory_space<vmem>>, vector<1x1x16xf32>,
        %swap3A_1050 = vector.shape_cast %swap3A_1049 : vector<1x1x16xf32> to vector<16xf32>
        %swap3A_1051 = vector.shape_cast %mul3A_1044 : vector<16xf32> to vector<1x1x16xf32>
        tpu.vector_store %arg10[%swap3A_1046, %swap3A_1047, %swap3A_1048], %swap3A_1051 {strides = array<i32>} : memref<2x128x64xf32, #tpu.memory_space<vmem>>, vector<1x1x16xf32>,
        %get3A_1052 = arith.constant 1 : i32
        %get3A_1053 = arith.index_cast %get3A_1052 : i32 to index
        %get3A_1054 = arith.index_cast %add3A_1037 : i32 to index
        %get3A_1055 = arith.constant 16 : index
        %get3A_1056 = tpu.vector_load %arg9[%get3A_1053, %get3A_1054, %get3A_1055] {strides = array<i32>} : memref<2x128x64xf32, #tpu.memory_space<vmem>>, vector<1x1x16xf32>,
        %get3A_1057 = vector.shape_cast %get3A_1056 : vector<1x1x16xf32> to vector<16xf32>
        %mul3A_1058 = arith.mulf %get3A_1057, %gather3A_1033 : vector<16xf32>
        %swap3A_1059 = arith.constant 1 : i32
        %swap3A_1060 = arith.index_cast %swap3A_1059 : i32 to index
        %swap3A_1061 = arith.index_cast %add3A_1037 : i32 to index
        %swap3A_1062 = arith.constant 16 : index
        %swap3A_1063 = tpu.vector_load %arg10[%swap3A_1060, %swap3A_1061, %swap3A_1062] {strides = array<i32>} : memref<2x128x64xf32, #tpu.memory_space<vmem>>, vector<1x1x16xf32>,
        %swap3A_1064 = vector.shape_cast %swap3A_1063 : vector<1x1x16xf32> to vector<16xf32>
        %swap3A_1065 = vector.shape_cast %mul3A_1058 : vector<16xf32> to vector<1x1x16xf32>
        tpu.vector_store %arg10[%swap3A_1060, %swap3A_1061, %swap3A_1062], %swap3A_1065 {strides = array<i32>} : memref<2x128x64xf32, #tpu.memory_space<vmem>>, vector<1x1x16xf32>,
        %get3A_1066 = arith.constant 1 : i32
        %get3A_1067 = arith.index_cast %get3A_1066 : i32 to index
        %get3A_1068 = arith.index_cast %add3A_1037 : i32 to index
        %get3A_1069 = arith.constant 32 : index
        %get3A_1070 = tpu.vector_load %arg9[%get3A_1067, %get3A_1068, %get3A_1069] {strides = array<i32>} : memref<2x128x64xf32, #tpu.memory_space<vmem>>, vector<1x1x16xf32>,
        %get3A_1071 = vector.shape_cast %get3A_1070 : vector<1x1x16xf32> to vector<16xf32>
        %mul3A_1072 = arith.mulf %get3A_1071, %gather3A_1033 : vector<16xf32>
        %swap3A_1073 = arith.constant 1 : i32
        %swap3A_1074 = arith.index_cast %swap3A_1073 : i32 to index
        %swap3A_1075 = arith.index_cast %add3A_1037 : i32 to index
        %swap3A_1076 = arith.constant 32 : index
        %swap3A_1077 = tpu.vector_load %arg10[%swap3A_1074, %swap3A_1075, %swap3A_1076] {strides = array<i32>} : memref<2x128x64xf32, #tpu.memory_space<vmem>>, vector<1x1x16xf32>,
        %swap3A_1078 = vector.shape_cast %swap3A_1077 : vector<1x1x16xf32> to vector<16xf32>
        %swap3A_1079 = vector.shape_cast %mul3A_1072 : vector<16xf32> to vector<1x1x16xf32>
        tpu.vector_store %arg10[%swap3A_1074, %swap3A_1075, %swap3A_1076], %swap3A_1079 {strides = array<i32>} : memref<2x128x64xf32, #tpu.memory_space<vmem>>, vector<1x1x16xf32>,
        %get3A_1080 = arith.constant 1 : i32
        %get3A_1081 = arith.index_cast %get3A_1080 : i32 to index
        %get3A_1082 = arith.index_cast %add3A_1037 : i32 to index
        %get3A_1083 = arith.constant 48 : index
        %get3A_1084 = tpu.vector_load %arg9[%get3A_1081, %get3A_1082, %get3A_1083] {strides = array<i32>} : memref<2x128x64xf32, #tpu.memory_space<vmem>>, vector<1x1x16xf32>,
        %get3A_1085 = vector.shape_cast %get3A_1084 : vector<1x1x16xf32> to vector<16xf32>
        %mul3A_1086 = arith.mulf %get3A_1085, %gather3A_1033 : vector<16xf32>
        %swap3A_1087 = arith.constant 1 : i32
        %swap3A_1088 = arith.index_cast %swap3A_1087 : i32 to index
        %swap3A_1089 = arith.index_cast %add3A_1037 : i32 to index
        %swap3A_1090 = arith.constant 48 : index
        %swap3A_1091 = tpu.vector_load %arg10[%swap3A_1088, %swap3A_1089, %swap3A_1090] {strides = array<i32>} : memref<2x128x64xf32, #tpu.memory_space<vmem>>, vector<1x1x16xf32>,
        %swap3A_1092 = vector.shape_cast %swap3A_1091 : vector<1x1x16xf32> to vector<16xf32>
        %swap3A_1093 = vector.shape_cast %mul3A_1086 : vector<16xf32> to vector<1x1x16xf32>
        tpu.vector_store %arg10[%swap3A_1088, %swap3A_1089, %swap3A_1090], %swap3A_1093 {strides = array<i32>} : memref<2x128x64xf32, #tpu.memory_space<vmem>>, vector<1x1x16xf32>,
        %broadcast_in_dim3A_1094 = arith.constant 13 : i32
        %broadcast_in_dim3A_1095 = vector.broadcast %broadcast_in_dim3A_1094 : i32 to vector<16x1xi32>
        %gather3A_1096 = vector.shape_cast %broadcast_in_dim3A_1095 : vector<16x1xi32> to vector<16xi32>
        %gather3A_1097 = tpu.dynamic_gather %get3A_263[%gather3A_1096] in [0] : vector<16xf32>, vector<16xi32> -> vector<16xf32>
        %mul3A_1098 = arith.constant 16 : i32
        %mul3A_1099 = arith.muli %scan3A_255, %mul3A_1098 : i32
        %add3A_1100 = arith.constant 13 : i32
        %add3A_1101 = arith.addi %mul3A_1099, %add3A_1100 : i32
        %get3A_1102 = arith.constant 1 : i32
        %get3A_1103 = arith.index_cast %get3A_1102 : i32 to index
        %get3A_1104 = arith.index_cast %add3A_1101 : i32 to index
        %get3A_1105 = arith.constant 0 : index
        %get3A_1106 = tpu.vector_load %arg9[%get3A_1103, %get3A_1104, %get3A_1105] {strides = array<i32>} : memref<2x128x64xf32, #tpu.memory_space<vmem>>, vector<1x1x16xf32>,
        %get3A_1107 = vector.shape_cast %get3A_1106 : vector<1x1x16xf32> to vector<16xf32>
        %mul3A_1108 = arith.mulf %get3A_1107, %gather3A_1097 : vector<16xf32>
        %swap3A_1109 = arith.constant 1 : i32
        %swap3A_1110 = arith.index_cast %swap3A_1109 : i32 to index
        %swap3A_1111 = arith.index_cast %add3A_1101 : i32 to index
        %swap3A_1112 = arith.constant 0 : index
        %swap3A_1113 = tpu.vector_load %arg10[%swap3A_1110, %swap3A_1111, %swap3A_1112] {strides = array<i32>} : memref<2x128x64xf32, #tpu.memory_space<vmem>>, vector<1x1x16xf32>,
        %swap3A_1114 = vector.shape_cast %swap3A_1113 : vector<1x1x16xf32> to vector<16xf32>
        %swap3A_1115 = vector.shape_cast %mul3A_1108 : vector<16xf32> to vector<1x1x16xf32>
        tpu.vector_store %arg10[%swap3A_1110, %swap3A_1111, %swap3A_1112], %swap3A_1115 {strides = array<i32>} : memref<2x128x64xf32, #tpu.memory_space<vmem>>, vector<1x1x16xf32>,
        %get3A_1116 = arith.constant 1 : i32
        %get3A_1117 = arith.index_cast %get3A_1116 : i32 to index
        %get3A_1118 = arith.index_cast %add3A_1101 : i32 to index
        %get3A_1119 = arith.constant 16 : index
        %get3A_1120 = tpu.vector_load %arg9[%get3A_1117, %get3A_1118, %get3A_1119] {strides = array<i32>} : memref<2x128x64xf32, #tpu.memory_space<vmem>>, vector<1x1x16xf32>,
        %get3A_1121 = vector.shape_cast %get3A_1120 : vector<1x1x16xf32> to vector<16xf32>
        %mul3A_1122 = arith.mulf %get3A_1121, %gather3A_1097 : vector<16xf32>
        %swap3A_1123 = arith.constant 1 : i32
        %swap3A_1124 = arith.index_cast %swap3A_1123 : i32 to index
        %swap3A_1125 = arith.index_cast %add3A_1101 : i32 to index
        %swap3A_1126 = arith.constant 16 : index
        %swap3A_1127 = tpu.vector_load %arg10[%swap3A_1124, %swap3A_1125, %swap3A_1126] {strides = array<i32>} : memref<2x128x64xf32, #tpu.memory_space<vmem>>, vector<1x1x16xf32>,
        %swap3A_1128 = vector.shape_cast %swap3A_1127 : vector<1x1x16xf32> to vector<16xf32>
        %swap3A_1129 = vector.shape_cast %mul3A_1122 : vector<16xf32> to vector<1x1x16xf32>
        tpu.vector_store %arg10[%swap3A_1124, %swap3A_1125, %swap3A_1126], %swap3A_1129 {strides = array<i32>} : memref<2x128x64xf32, #tpu.memory_space<vmem>>, vector<1x1x16xf32>,
        %get3A_1130 = arith.constant 1 : i32
        %get3A_1131 = arith.index_cast %get3A_1130 : i32 to index
        %get3A_1132 = arith.index_cast %add3A_1101 : i32 to index
        %get3A_1133 = arith.constant 32 : index
        %get3A_1134 = tpu.vector_load %arg9[%get3A_1131, %get3A_1132, %get3A_1133] {strides = array<i32>} : memref<2x128x64xf32, #tpu.memory_space<vmem>>, vector<1x1x16xf32>,
        %get3A_1135 = vector.shape_cast %get3A_1134 : vector<1x1x16xf32> to vector<16xf32>
        %mul3A_1136 = arith.mulf %get3A_1135, %gather3A_1097 : vector<16xf32>
        %swap3A_1137 = arith.constant 1 : i32
        %swap3A_1138 = arith.index_cast %swap3A_1137 : i32 to index
        %swap3A_1139 = arith.index_cast %add3A_1101 : i32 to index
        %swap3A_1140 = arith.constant 32 : index
        %swap3A_1141 = tpu.vector_load %arg10[%swap3A_1138, %swap3A_1139, %swap3A_1140] {strides = array<i32>} : memref<2x128x64xf32, #tpu.memory_space<vmem>>, vector<1x1x16xf32>,
        %swap3A_1142 = vector.shape_cast %swap3A_1141 : vector<1x1x16xf32> to vector<16xf32>
        %swap3A_1143 = vector.shape_cast %mul3A_1136 : vector<16xf32> to vector<1x1x16xf32>
        tpu.vector_store %arg10[%swap3A_1138, %swap3A_1139, %swap3A_1140], %swap3A_1143 {strides = array<i32>} : memref<2x128x64xf32, #tpu.memory_space<vmem>>, vector<1x1x16xf32>,
        %get3A_1144 = arith.constant 1 : i32
        %get3A_1145 = arith.index_cast %get3A_1144 : i32 to index
        %get3A_1146 = arith.index_cast %add3A_1101 : i32 to index
        %get3A_1147 = arith.constant 48 : index
        %get3A_1148 = tpu.vector_load %arg9[%get3A_1145, %get3A_1146, %get3A_1147] {strides = array<i32>} : memref<2x128x64xf32, #tpu.memory_space<vmem>>, vector<1x1x16xf32>,
        %get3A_1149 = vector.shape_cast %get3A_1148 : vector<1x1x16xf32> to vector<16xf32>
        %mul3A_1150 = arith.mulf %get3A_1149, %gather3A_1097 : vector<16xf32>
        %swap3A_1151 = arith.constant 1 : i32
        %swap3A_1152 = arith.index_cast %swap3A_1151 : i32 to index
        %swap3A_1153 = arith.index_cast %add3A_1101 : i32 to index
        %swap3A_1154 = arith.constant 48 : index
        %swap3A_1155 = tpu.vector_load %arg10[%swap3A_1152, %swap3A_1153, %swap3A_1154] {strides = array<i32>} : memref<2x128x64xf32, #tpu.memory_space<vmem>>, vector<1x1x16xf32>,
        %swap3A_1156 = vector.shape_cast %swap3A_1155 : vector<1x1x16xf32> to vector<16xf32>
        %swap3A_1157 = vector.shape_cast %mul3A_1150 : vector<16xf32> to vector<1x1x16xf32>
        tpu.vector_store %arg10[%swap3A_1152, %swap3A_1153, %swap3A_1154], %swap3A_1157 {strides = array<i32>} : memref<2x128x64xf32, #tpu.memory_space<vmem>>, vector<1x1x16xf32>,
        %broadcast_in_dim3A_1158 = arith.constant 14 : i32
        %broadcast_in_dim3A_1159 = vector.broadcast %broadcast_in_dim3A_1158 : i32 to vector<16x1xi32>
        %gather3A_1160 = vector.shape_cast %broadcast_in_dim3A_1159 : vector<16x1xi32> to vector<16xi32>
        %gather3A_1161 = tpu.dynamic_gather %get3A_263[%gather3A_1160] in [0] : vector<16xf32>, vector<16xi32> -> vector<16xf32>
        %mul3A_1162 = arith.constant 16 : i32
        %mul3A_1163 = arith.muli %scan3A_255, %mul3A_1162 : i32
        %add3A_1164 = arith.constant 14 : i32
        %add3A_1165 = arith.addi %mul3A_1163, %add3A_1164 : i32
        %get3A_1166 = arith.constant 1 : i32
        %get3A_1167 = arith.index_cast %get3A_1166 : i32 to index
        %get3A_1168 = arith.index_cast %add3A_1165 : i32 to index
        %get3A_1169 = arith.constant 0 : index
        %get3A_1170 = tpu.vector_load %arg9[%get3A_1167, %get3A_1168, %get3A_1169] {strides = array<i32>} : memref<2x128x64xf32, #tpu.memory_space<vmem>>, vector<1x1x16xf32>,
        %get3A_1171 = vector.shape_cast %get3A_1170 : vector<1x1x16xf32> to vector<16xf32>
        %mul3A_1172 = arith.mulf %get3A_1171, %gather3A_1161 : vector<16xf32>
        %swap3A_1173 = arith.constant 1 : i32
        %swap3A_1174 = arith.index_cast %swap3A_1173 : i32 to index
        %swap3A_1175 = arith.index_cast %add3A_1165 : i32 to index
        %swap3A_1176 = arith.constant 0 : index
        %swap3A_1177 = tpu.vector_load %arg10[%swap3A_1174, %swap3A_1175, %swap3A_1176] {strides = array<i32>} : memref<2x128x64xf32, #tpu.memory_space<vmem>>, vector<1x1x16xf32>,
        %swap3A_1178 = vector.shape_cast %swap3A_1177 : vector<1x1x16xf32> to vector<16xf32>
        %swap3A_1179 = vector.shape_cast %mul3A_1172 : vector<16xf32> to vector<1x1x16xf32>
        tpu.vector_store %arg10[%swap3A_1174, %swap3A_1175, %swap3A_1176], %swap3A_1179 {strides = array<i32>} : memref<2x128x64xf32, #tpu.memory_space<vmem>>, vector<1x1x16xf32>,
        %get3A_1180 = arith.constant 1 : i32
        %get3A_1181 = arith.index_cast %get3A_1180 : i32 to index
        %get3A_1182 = arith.index_cast %add3A_1165 : i32 to index
        %get3A_1183 = arith.constant 16 : index
        %get3A_1184 = tpu.vector_load %arg9[%get3A_1181, %get3A_1182, %get3A_1183] {strides = array<i32>} : memref<2x128x64xf32, #tpu.memory_space<vmem>>, vector<1x1x16xf32>,
        %get3A_1185 = vector.shape_cast %get3A_1184 : vector<1x1x16xf32> to vector<16xf32>
        %mul3A_1186 = arith.mulf %get3A_1185, %gather3A_1161 : vector<16xf32>
        %swap3A_1187 = arith.constant 1 : i32
        %swap3A_1188 = arith.index_cast %swap3A_1187 : i32 to index
        %swap3A_1189 = arith.index_cast %add3A_1165 : i32 to index
        %swap3A_1190 = arith.constant 16 : index
        %swap3A_1191 = tpu.vector_load %arg10[%swap3A_1188, %swap3A_1189, %swap3A_1190] {strides = array<i32>} : memref<2x128x64xf32, #tpu.memory_space<vmem>>, vector<1x1x16xf32>,
        %swap3A_1192 = vector.shape_cast %swap3A_1191 : vector<1x1x16xf32> to vector<16xf32>
        %swap3A_1193 = vector.shape_cast %mul3A_1186 : vector<16xf32> to vector<1x1x16xf32>
        tpu.vector_store %arg10[%swap3A_1188, %swap3A_1189, %swap3A_1190], %swap3A_1193 {strides = array<i32>} : memref<2x128x64xf32, #tpu.memory_space<vmem>>, vector<1x1x16xf32>,
        %get3A_1194 = arith.constant 1 : i32
        %get3A_1195 = arith.index_cast %get3A_1194 : i32 to index
        %get3A_1196 = arith.index_cast %add3A_1165 : i32 to index
        %get3A_1197 = arith.constant 32 : index
        %get3A_1198 = tpu.vector_load %arg9[%get3A_1195, %get3A_1196, %get3A_1197] {strides = array<i32>} : memref<2x128x64xf32, #tpu.memory_space<vmem>>, vector<1x1x16xf32>,
        %get3A_1199 = vector.shape_cast %get3A_1198 : vector<1x1x16xf32> to vector<16xf32>
        %mul3A_1200 = arith.mulf %get3A_1199, %gather3A_1161 : vector<16xf32>
        %swap3A_1201 = arith.constant 1 : i32
        %swap3A_1202 = arith.index_cast %swap3A_1201 : i32 to index
        %swap3A_1203 = arith.index_cast %add3A_1165 : i32 to index
        %swap3A_1204 = arith.constant 32 : index
        %swap3A_1205 = tpu.vector_load %arg10[%swap3A_1202, %swap3A_1203, %swap3A_1204] {strides = array<i32>} : memref<2x128x64xf32, #tpu.memory_space<vmem>>, vector<1x1x16xf32>,
        %swap3A_1206 = vector.shape_cast %swap3A_1205 : vector<1x1x16xf32> to vector<16xf32>
        %swap3A_1207 = vector.shape_cast %mul3A_1200 : vector<16xf32> to vector<1x1x16xf32>
        tpu.vector_store %arg10[%swap3A_1202, %swap3A_1203, %swap3A_1204], %swap3A_1207 {strides = array<i32>} : memref<2x128x64xf32, #tpu.memory_space<vmem>>, vector<1x1x16xf32>,
        %get3A_1208 = arith.constant 1 : i32
        %get3A_1209 = arith.index_cast %get3A_1208 : i32 to index
        %get3A_1210 = arith.index_cast %add3A_1165 : i32 to index
        %get3A_1211 = arith.constant 48 : index
        %get3A_1212 = tpu.vector_load %arg9[%get3A_1209, %get3A_1210, %get3A_1211] {strides = array<i32>} : memref<2x128x64xf32, #tpu.memory_space<vmem>>, vector<1x1x16xf32>,
        %get3A_1213 = vector.shape_cast %get3A_1212 : vector<1x1x16xf32> to vector<16xf32>
        %mul3A_1214 = arith.mulf %get3A_1213, %gather3A_1161 : vector<16xf32>
        %swap3A_1215 = arith.constant 1 : i32
        %swap3A_1216 = arith.index_cast %swap3A_1215 : i32 to index
        %swap3A_1217 = arith.index_cast %add3A_1165 : i32 to index
        %swap3A_1218 = arith.constant 48 : index
        %swap3A_1219 = tpu.vector_load %arg10[%swap3A_1216, %swap3A_1217, %swap3A_1218] {strides = array<i32>} : memref<2x128x64xf32, #tpu.memory_space<vmem>>, vector<1x1x16xf32>,
        %swap3A_1220 = vector.shape_cast %swap3A_1219 : vector<1x1x16xf32> to vector<16xf32>
        %swap3A_1221 = vector.shape_cast %mul3A_1214 : vector<16xf32> to vector<1x1x16xf32>
        tpu.vector_store %arg10[%swap3A_1216, %swap3A_1217, %swap3A_1218], %swap3A_1221 {strides = array<i32>} : memref<2x128x64xf32, #tpu.memory_space<vmem>>, vector<1x1x16xf32>,
        %broadcast_in_dim3A_1222 = arith.constant 15 : i32
        %broadcast_in_dim3A_1223 = vector.broadcast %broadcast_in_dim3A_1222 : i32 to vector<16x1xi32>
        %gather3A_1224 = vector.shape_cast %broadcast_in_dim3A_1223 : vector<16x1xi32> to vector<16xi32>
        %gather3A_1225 = tpu.dynamic_gather %get3A_263[%gather3A_1224] in [0] : vector<16xf32>, vector<16xi32> -> vector<16xf32>
        %mul3A_1226 = arith.constant 16 : i32
        %mul3A_1227 = arith.muli %scan3A_255, %mul3A_1226 : i32
        %add3A_1228 = arith.constant 15 : i32
        %add3A_1229 = arith.addi %mul3A_1227, %add3A_1228 : i32
        %get3A_1230 = arith.constant 1 : i32
        %get3A_1231 = arith.index_cast %get3A_1230 : i32 to index
        %get3A_1232 = arith.index_cast %add3A_1229 : i32 to index
        %get3A_1233 = arith.constant 0 : index
        %get3A_1234 = tpu.vector_load %arg9[%get3A_1231, %get3A_1232, %get3A_1233] {strides = array<i32>} : memref<2x128x64xf32, #tpu.memory_space<vmem>>, vector<1x1x16xf32>,
        %get3A_1235 = vector.shape_cast %get3A_1234 : vector<1x1x16xf32> to vector<16xf32>
        %mul3A_1236 = arith.mulf %get3A_1235, %gather3A_1225 : vector<16xf32>
        %swap3A_1237 = arith.constant 1 : i32
        %swap3A_1238 = arith.index_cast %swap3A_1237 : i32 to index
        %swap3A_1239 = arith.index_cast %add3A_1229 : i32 to index
        %swap3A_1240 = arith.constant 0 : index
        %swap3A_1241 = tpu.vector_load %arg10[%swap3A_1238, %swap3A_1239, %swap3A_1240] {strides = array<i32>} : memref<2x128x64xf32, #tpu.memory_space<vmem>>, vector<1x1x16xf32>,
        %swap3A_1242 = vector.shape_cast %swap3A_1241 : vector<1x1x16xf32> to vector<16xf32>
        %swap3A_1243 = vector.shape_cast %mul3A_1236 : vector<16xf32> to vector<1x1x16xf32>
        tpu.vector_store %arg10[%swap3A_1238, %swap3A_1239, %swap3A_1240], %swap3A_1243 {strides = array<i32>} : memref<2x128x64xf32, #tpu.memory_space<vmem>>, vector<1x1x16xf32>,
        %get3A_1244 = arith.constant 1 : i32
        %get3A_1245 = arith.index_cast %get3A_1244 : i32 to index
        %get3A_1246 = arith.index_cast %add3A_1229 : i32 to index
        %get3A_1247 = arith.constant 16 : index
        %get3A_1248 = tpu.vector_load %arg9[%get3A_1245, %get3A_1246, %get3A_1247] {strides = array<i32>} : memref<2x128x64xf32, #tpu.memory_space<vmem>>, vector<1x1x16xf32>,
        %get3A_1249 = vector.shape_cast %get3A_1248 : vector<1x1x16xf32> to vector<16xf32>
        %mul3A_1250 = arith.mulf %get3A_1249, %gather3A_1225 : vector<16xf32>
        %swap3A_1251 = arith.constant 1 : i32
        %swap3A_1252 = arith.index_cast %swap3A_1251 : i32 to index
        %swap3A_1253 = arith.index_cast %add3A_1229 : i32 to index
        %swap3A_1254 = arith.constant 16 : index
        %swap3A_1255 = tpu.vector_load %arg10[%swap3A_1252, %swap3A_1253, %swap3A_1254] {strides = array<i32>} : memref<2x128x64xf32, #tpu.memory_space<vmem>>, vector<1x1x16xf32>,
        %swap3A_1256 = vector.shape_cast %swap3A_1255 : vector<1x1x16xf32> to vector<16xf32>
        %swap3A_1257 = vector.shape_cast %mul3A_1250 : vector<16xf32> to vector<1x1x16xf32>
        tpu.vector_store %arg10[%swap3A_1252, %swap3A_1253, %swap3A_1254], %swap3A_1257 {strides = array<i32>} : memref<2x128x64xf32, #tpu.memory_space<vmem>>, vector<1x1x16xf32>,
        %get3A_1258 = arith.constant 1 : i32
        %get3A_1259 = arith.index_cast %get3A_1258 : i32 to index
        %get3A_1260 = arith.index_cast %add3A_1229 : i32 to index
        %get3A_1261 = arith.constant 32 : index
        %get3A_1262 = tpu.vector_load %arg9[%get3A_1259, %get3A_1260, %get3A_1261] {strides = array<i32>} : memref<2x128x64xf32, #tpu.memory_space<vmem>>, vector<1x1x16xf32>,
        %get3A_1263 = vector.shape_cast %get3A_1262 : vector<1x1x16xf32> to vector<16xf32>
        %mul3A_1264 = arith.mulf %get3A_1263, %gather3A_1225 : vector<16xf32>
        %swap3A_1265 = arith.constant 1 : i32
        %swap3A_1266 = arith.index_cast %swap3A_1265 : i32 to index
        %swap3A_1267 = arith.index_cast %add3A_1229 : i32 to index
        %swap3A_1268 = arith.constant 32 : index
        %swap3A_1269 = tpu.vector_load %arg10[%swap3A_1266, %swap3A_1267, %swap3A_1268] {strides = array<i32>} : memref<2x128x64xf32, #tpu.memory_space<vmem>>, vector<1x1x16xf32>,
        %swap3A_1270 = vector.shape_cast %swap3A_1269 : vector<1x1x16xf32> to vector<16xf32>
        %swap3A_1271 = vector.shape_cast %mul3A_1264 : vector<16xf32> to vector<1x1x16xf32>
        tpu.vector_store %arg10[%swap3A_1266, %swap3A_1267, %swap3A_1268], %swap3A_1271 {strides = array<i32>} : memref<2x128x64xf32, #tpu.memory_space<vmem>>, vector<1x1x16xf32>,
        %get3A_1272 = arith.constant 1 : i32
        %get3A_1273 = arith.index_cast %get3A_1272 : i32 to index
        %get3A_1274 = arith.index_cast %add3A_1229 : i32 to index
        %get3A_1275 = arith.constant 48 : index
        %get3A_1276 = tpu.vector_load %arg9[%get3A_1273, %get3A_1274, %get3A_1275] {strides = array<i32>} : memref<2x128x64xf32, #tpu.memory_space<vmem>>, vector<1x1x16xf32>,
        %get3A_1277 = vector.shape_cast %get3A_1276 : vector<1x1x16xf32> to vector<16xf32>
        %mul3A_1278 = arith.mulf %get3A_1277, %gather3A_1225 : vector<16xf32>
        %swap3A_1279 = arith.constant 1 : i32
        %swap3A_1280 = arith.index_cast %swap3A_1279 : i32 to index
        %swap3A_1281 = arith.index_cast %add3A_1229 : i32 to index
        %swap3A_1282 = arith.constant 48 : index
        %swap3A_1283 = tpu.vector_load %arg10[%swap3A_1280, %swap3A_1281, %swap3A_1282] {strides = array<i32>} : memref<2x128x64xf32, #tpu.memory_space<vmem>>, vector<1x1x16xf32>,
        %swap3A_1284 = vector.shape_cast %swap3A_1283 : vector<1x1x16xf32> to vector<16xf32>
        %swap3A_1285 = vector.shape_cast %mul3A_1278 : vector<16xf32> to vector<1x1x16xf32>
        tpu.vector_store %arg10[%swap3A_1280, %swap3A_1281, %swap3A_1282], %swap3A_1285 {strides = array<i32>} : memref<2x128x64xf32, #tpu.memory_space<vmem>>, vector<1x1x16xf32>,
        %scan3A_1286 = arith.constant 0 : i32
        scf.yield %scan3A_1286 : i32
      }
      %scan3A_224 = arith.constant 8 : i32
      %lt3A_225 = arith.constant 32 : i32
      %lt3A_226 = arith.cmpi slt, %scan3A_118, %lt3A_225 : i32
      %convert_element_type3A_227 = arith.extui %lt3A_226 : i1 to i32
      %cond3A_228 = arith.constant 0 : i32
      %cond3A_229 = arith.cmpi ne, %convert_element_type3A_227, %cond3A_228 : i32
      scf.if %cond3A_229 {
        %add3A_255 = arith.constant 2 : i32
        %add3A_256 = arith.addi %add3A_189, %add3A_255 : i32
        %mul3A_257 = arith.constant 128 : i32
        %mul3A_258 = arith.muli %add3A_256, %mul3A_257 : i32
        %dma_start3A_259 = arith.constant 1 : i32
        %dma_start3A_260 = arith.constant 0 : i32
        %dma_start3A_261 = arith.constant 0 : i32
        %dma_start3A_262 = tpu.memref_slice %arg9[%dma_start3A_259, %dma_start3A_260, %dma_start3A_261] : memref<2x128x64xf32, #tpu.memory_space<vmem>> -> memref<1x128x64xf32, #tpu.memory_space<vmem>>
        %dma_start3A_263 = tpu.memref_squeeze %dma_start3A_262 : memref<1x128x64xf32, #tpu.memory_space<vmem>> -> memref<128x64xf32, #tpu.memory_space<vmem>>
        %dma_start3A_264 = tpu.memref_slice %arg6[%mul3A_258] : memref<8448xi32, #tpu.memory_space<vmem>> -> memref<128xi32, #tpu.memory_space<vmem>>
        %dma_start3A_265 = arith.constant 0 : i32
        %dma_start3A_266 = arith.constant 0 : i32
        %dma_start3A_267 = tpu.memref_slice %arg2[%dma_start3A_265, %dma_start3A_266] : memref<16384x64xf32, #tpu.memory_space<hbm>> -> memref<16384x64xf32, #tpu.memory_space<hbm>>
        tpu.enqueue_indirect_dma source(%dma_start3A_267 : memref<16384x64xf32, #tpu.memory_space<hbm>>) target(%dma_start3A_263 : memref<128x64xf32, #tpu.memory_space<vmem>>) offsets(%dma_start3A_264 : memref<128xi32, #tpu.memory_space<vmem>>) semaphore(%arg13 : memref<!tpu.dma_semaphore, #tpu.memory_space<semaphore_mem>>)
      } else {
      }
      %mul3A_230 = arith.constant 128 : i32
      %mul3A_231 = arith.muli %add3A_189, %mul3A_230 : i32
      %add3A_232 = arith.addi %min3A_3, %mul3A_231 : i32
      %dma_wait3A_233 = arith.constant 1 : i32
      %dma_wait3A_234 = arith.constant 0 : i32
      %dma_wait3A_235 = tpu.memref_slice %arg8[%dma_wait3A_233, %dma_wait3A_234] : memref<2x128xi32, #tpu.memory_space<vmem>> -> memref<1x128xi32, #tpu.memory_space<vmem>>
      %dma_wait3A_236 = tpu.memref_squeeze %dma_wait3A_235 : memref<1x128xi32, #tpu.memory_space<vmem>> -> memref<128xi32, #tpu.memory_space<vmem>>
      %dma_wait3A_237 = tpu.memref_slice %arg3[%add3A_232] : memref<536907xi32, #tpu.memory_space<hbm>> -> memref<128xi32, #tpu.memory_space<hbm>>
      %dma_wait3A_238 = arith.constant 0 : i32
      %dma_wait3A_239 = tpu.memref_slice %arg8[%dma_wait3A_233, %dma_wait3A_238] : memref<2x128xi32, #tpu.memory_space<vmem>> -> memref<1x128xi32, #tpu.memory_space<vmem>>
      %dma_wait3A_240 = tpu.memref_squeeze %dma_wait3A_239 : memref<1x128xi32, #tpu.memory_space<vmem>> -> memref<128xi32, #tpu.memory_space<vmem>>
      %dma_wait3A_241 = tpu.memref_slice %arg3[%add3A_232] : memref<536907xi32, #tpu.memory_space<hbm>> -> memref<128xi32, #tpu.memory_space<hbm>>
      tpu.wait_dma2 semaphore(%arg17 : memref<!tpu.dma_semaphore, #tpu.memory_space<semaphore_mem>>) src(%dma_wait3A_241 : memref<128xi32, #tpu.memory_space<hbm>>) dst(%dma_wait3A_240 : memref<128xi32, #tpu.memory_space<vmem>>)
      %dma_start3A_242 = arith.constant 1 : i32
      %dma_start3A_243 = arith.constant 1 : i32
      %dma_start3A_244 = arith.constant 0 : i32
      %dma_start3A_245 = arith.constant 0 : i32
      %dma_start3A_246 = tpu.memref_slice %arg10[%dma_start3A_242, %dma_start3A_244, %dma_start3A_245] : memref<2x128x64xf32, #tpu.memory_space<vmem>> -> memref<1x128x64xf32, #tpu.memory_space<vmem>>
      %dma_start3A_247 = tpu.memref_squeeze %dma_start3A_246 : memref<1x128x64xf32, #tpu.memory_space<vmem>> -> memref<128x64xf32, #tpu.memory_space<vmem>>
      %dma_start3A_248 = arith.constant 0 : i32
      %dma_start3A_249 = tpu.memref_slice %arg8[%dma_start3A_243, %dma_start3A_248] : memref<2x128xi32, #tpu.memory_space<vmem>> -> memref<1x128xi32, #tpu.memory_space<vmem>>
      %dma_start3A_250 = tpu.memref_squeeze %dma_start3A_249 : memref<1x128xi32, #tpu.memory_space<vmem>> -> memref<128xi32, #tpu.memory_space<vmem>>
      %dma_start3A_251 = arith.constant 0 : i32
      %dma_start3A_252 = arith.constant 0 : i32
      %dma_start3A_253 = tpu.memref_slice %arg11[%dma_start3A_251, %dma_start3A_252] : memref<16384x64xf32, #tpu.memory_space<vmem_shared>> -> memref<16384x64xf32, #tpu.memory_space<vmem_shared>>
      tpu.enqueue_indirect_dma source(%dma_start3A_247 : memref<128x64xf32, #tpu.memory_space<vmem>>) target(%dma_start3A_253 : memref<16384x64xf32, #tpu.memory_space<vmem_shared>>) offsets(%dma_start3A_250 : memref<128xi32, #tpu.memory_space<vmem>>) semaphore(%arg15 : memref<!tpu.dma_semaphore, #tpu.memory_space<semaphore_mem>>) {add = true}
      %scan3A_254 = arith.constant 0 : i32
      scf.yield %scan3A_254 : i32
    }
    %scan3A_88 = arith.constant 33 : i32
    %dma_wait3A_89 = arith.constant 0 : i32
    %dma_wait3A_90 = arith.constant 0 : i32
    %dma_wait3A_91 = arith.constant 0 : i32
    %dma_wait3A_92 = arith.constant 0 : i32
    %dma_wait3A_93 = tpu.memref_slice %arg10[%dma_wait3A_89, %dma_wait3A_91, %dma_wait3A_92] : memref<2x128x64xf32, #tpu.memory_space<vmem>> -> memref<1x128x64xf32, #tpu.memory_space<vmem>>
    %dma_wait3A_94 = tpu.memref_squeeze %dma_wait3A_93 : memref<1x128x64xf32, #tpu.memory_space<vmem>> -> memref<128x64xf32, #tpu.memory_space<vmem>>
    %dma_wait3A_95 = arith.constant 0 : i32
    %dma_wait3A_96 = tpu.memref_slice %arg8[%dma_wait3A_90, %dma_wait3A_95] : memref<2x128xi32, #tpu.memory_space<vmem>> -> memref<1x128xi32, #tpu.memory_space<vmem>>
    %dma_wait3A_97 = tpu.memref_squeeze %dma_wait3A_96 : memref<1x128xi32, #tpu.memory_space<vmem>> -> memref<128xi32, #tpu.memory_space<vmem>>
    %dma_wait3A_98 = arith.constant 0 : i32
    %dma_wait3A_99 = arith.constant 0 : i32
    %dma_wait3A_100 = tpu.memref_slice %arg11[%dma_wait3A_98, %dma_wait3A_99] : memref<16384x64xf32, #tpu.memory_space<vmem_shared>> -> memref<16384x64xf32, #tpu.memory_space<vmem_shared>>
    tpu.wait_indirect_dma semaphore(%arg14 : memref<!tpu.dma_semaphore, #tpu.memory_space<semaphore_mem>>) src(%dma_wait3A_94 : memref<128x64xf32, #tpu.memory_space<vmem>>) dst(%dma_wait3A_100 : memref<16384x64xf32, #tpu.memory_space<vmem_shared>>)
    %dma_wait3A_101 = arith.constant 1 : i32
    %dma_wait3A_102 = arith.constant 1 : i32
    %dma_wait3A_103 = arith.constant 0 : i32
    %dma_wait3A_104 = arith.constant 0 : i32
    %dma_wait3A_105 = tpu.memref_slice %arg10[%dma_wait3A_101, %dma_wait3A_103, %dma_wait3A_104] : memref<2x128x64xf32, #tpu.memory_space<vmem>> -> memref<1x128x64xf32, #tpu.memory_space<vmem>>
    %dma_wait3A_106 = tpu.memref_squeeze %dma_wait3A_105 : memref<1x128x64xf32, #tpu.memory_space<vmem>> -> memref<128x64xf32, #tpu.memory_space<vmem>>
    %dma_wait3A_107 = arith.constant 0 : i32
    %dma_wait3A_108 = tpu.memref_slice %arg8[%dma_wait3A_102, %dma_wait3A_107] : memref<2x128xi32, #tpu.memory_space<vmem>> -> memref<1x128xi32, #tpu.memory_space<vmem>>
    %dma_wait3A_109 = tpu.memref_squeeze %dma_wait3A_108 : memref<1x128xi32, #tpu.memory_space<vmem>> -> memref<128xi32, #tpu.memory_space<vmem>>
    %dma_wait3A_110 = arith.constant 0 : i32
    %dma_wait3A_111 = arith.constant 0 : i32
    %dma_wait3A_112 = tpu.memref_slice %arg11[%dma_wait3A_110, %dma_wait3A_111] : memref<16384x64xf32, #tpu.memory_space<vmem_shared>> -> memref<16384x64xf32, #tpu.memory_space<vmem_shared>>
    tpu.wait_indirect_dma semaphore(%arg15 : memref<!tpu.dma_semaphore, #tpu.memory_space<semaphore_mem>>) src(%dma_wait3A_106 : memref<128x64xf32, #tpu.memory_space<vmem>>) dst(%dma_wait3A_112 : memref<16384x64xf32, #tpu.memory_space<vmem_shared>>)
    %barrier3A_113 = arith.constant 0 : index
    tpu.barrier barrier_id(%barrier3A_113)
    %mul3A_114 = arith.constant 1024 : i32
    %mul3A_115 = arith.muli %arg1, %mul3A_114 : i32
    %mul3A_116 = arith.constant 1024 : i32
    %mul3A_117 = arith.muli %arg1, %mul3A_116 : i32
    "tpu.region"() ({
      %run_scoped3A_118 = tpu.sem_alloc : memref<!tpu.dma_semaphore, #tpu.memory_space<semaphore_mem>>
      %dma_start3A_119 = arith.constant 0 : i32
      %dma_start3A_120 = tpu.memref_slice %arg5[%arg0, %mul3A_117, %dma_start3A_119] : memref<2x16384x64xf32, #tpu.memory_space<hbm>> -> memref<1x1024x64xf32, #tpu.memory_space<hbm>>
      %dma_start3A_121 = tpu.memref_squeeze %dma_start3A_120 : memref<1x1024x64xf32, #tpu.memory_space<hbm>> -> memref<1024x64xf32, #tpu.memory_space<hbm>>
      %dma_start3A_122 = arith.constant 0 : i32
      %dma_start3A_123 = tpu.memref_slice %arg11[%mul3A_115, %dma_start3A_122] : memref<16384x64xf32, #tpu.memory_space<vmem_shared>> -> memref<1024x64xf32, #tpu.memory_space<vmem_shared>>
      tpu.enqueue_dma source(%dma_start3A_123 : memref<1024x64xf32, #tpu.memory_space<vmem_shared>>) target(%dma_start3A_121 : memref<1024x64xf32, #tpu.memory_space<hbm>>) target_semaphore(%run_scoped3A_118 : memref<!tpu.dma_semaphore, #tpu.memory_space<semaphore_mem>>)
      %dma_wait3A_124 = arith.constant 0 : i32
      %dma_wait3A_125 = tpu.memref_slice %arg5[%arg0, %mul3A_117, %dma_wait3A_124] : memref<2x16384x64xf32, #tpu.memory_space<hbm>> -> memref<1x1024x64xf32, #tpu.memory_space<hbm>>
      %dma_wait3A_126 = tpu.memref_squeeze %dma_wait3A_125 : memref<1x1024x64xf32, #tpu.memory_space<hbm>> -> memref<1024x64xf32, #tpu.memory_space<hbm>>
      %dma_wait3A_127 = arith.constant 0 : i32
      %dma_wait3A_128 = tpu.memref_slice %arg11[%mul3A_115, %dma_wait3A_127] : memref<16384x64xf32, #tpu.memory_space<vmem_shared>> -> memref<1024x64xf32, #tpu.memory_space<vmem_shared>>
      tpu.wait_dma2 semaphore(%run_scoped3A_118 : memref<!tpu.dma_semaphore, #tpu.memory_space<semaphore_mem>>) src(%dma_wait3A_128 : memref<1024x64xf32, #tpu.memory_space<vmem_shared>>) dst(%dma_wait3A_126 : memref<1024x64xf32, #tpu.memory_space<hbm>>)
      tpu.yield
    }) : () -> ()
    return
  }
}

module attributes {stable_mosaic.version = 14 : i64} {
  func.func @_combine_body(%arg0: i32, %arg1: memref<2x1024x64xf32, #tpu.memory_space<vmem>>, %arg2: memref<1x1024xf32, #tpu.memory_space<vmem>>, %arg3: memref<64x1024xf32, #tpu.memory_space<vmem>>) attributes {dimension_semantics = [#tpu.dimension_semantics<arbitrary>], iteration_bounds = array<i64: 16>, scalar_prefetch = 0 : i64, scratch_operands = 0 : i64, tpu.core_type = #tpu.core_type<tc>, window_params = [{transform_indices = @transform_0, window_bounds = array<i64: 2, 1024, 64>}, {transform_indices = @transform_1, window_bounds = array<i64: 1, 1024>}, {transform_indices = @transform_2, window_bounds = array<i64: 64, 1024>}]} {
    %get3A = arith.constant 0 : index
    %get3A_0 = arith.constant 0 : index
    %get3A_1 = arith.constant 0 : index
    %get3A_2 = vector.load %arg1[%get3A, %get3A_0, %get3A_1] : memref<2x1024x64xf32, #tpu.memory_space<vmem>>, vector<1x1024x64xf32>
    %get3A_3 = vector.shape_cast %get3A_2 : vector<1x1024x64xf32> to vector<1024x64xf32>
    %get3A_4 = arith.constant 1 : index
    %get3A_5 = arith.constant 0 : index
    %get3A_6 = arith.constant 0 : index
    %get3A_7 = vector.load %arg1[%get3A_4, %get3A_5, %get3A_6] : memref<2x1024x64xf32, #tpu.memory_space<vmem>>, vector<1x1024x64xf32>
    %get3A_8 = vector.shape_cast %get3A_7 : vector<1x1024x64xf32> to vector<1024x64xf32>
    %add3A = arith.addf %get3A_3, %get3A_8 : vector<1024x64xf32>
    %transpose3A = tpu.transpose %add3A, [1, 0] : vector<1024x64xf32> -> vector<64x1024xf32>
    %get3A_9 = arith.constant 0 : index
    %get3A_10 = arith.constant 0 : index
    %get3A_11 = vector.load %arg2[%get3A_9, %get3A_10] : memref<1x1024xf32, #tpu.memory_space<vmem>>, vector<1x1024xf32>
    %add3A_12 = vector.broadcast %get3A_11 : vector<1x1024xf32> to vector<64x1024xf32>
    %add3A_13 = arith.addf %transpose3A, %add3A_12 : vector<64x1024xf32>
    %swap3A = arith.constant 0 : index
    %swap3A_14 = arith.constant 0 : index
    %swap3A_15 = vector.load %arg3[%swap3A, %swap3A_14] : memref<64x1024xf32, #tpu.memory_space<vmem>>, vector<64x1024xf32>
    tpu.vector_store %arg3[%swap3A, %swap3A_14], %add3A_13 {strides = array<i32>} : memref<64x1024xf32, #tpu.memory_space<vmem>>, vector<64x1024xf32>,
    return
  }
  func.func @transform_0(%arg0: i32) -> (i32, i32, i32) {
    %c0_i32 = arith.constant 0 : i32
    %c0_i32_0 = arith.constant 0 : i32
    %c0_i32_1 = arith.constant 0 : i32
    return %c0_i32, %arg0, %c0_i32_0 : i32, i32, i32
  }
  func.func @transform_1(%arg0: i32) -> (i32, i32) {
    %c0_i32 = arith.constant 0 : i32
    %c0_i32_0 = arith.constant 0 : i32
    return %c0_i32, %arg0 : i32, i32
  }
  func.func @transform_2(%arg0: i32) -> (i32, i32) {
    %c0_i32 = arith.constant 0 : i32
    %c0_i32_0 = arith.constant 0 : i32
    return %c0_i32, %arg0 : i32, i32
  }
}

</mosaic_0001>

<sc_bundles>
// kernel: kernel.4.cloned.1.call-start
scs
__scs_entry_jumppad:
0x0: {  	(pc) =	sbr.rel $0x88, $3  }
0x1: {  	(tag) =	ssettag $0x0;
	lr =	simm.s32 $0x1  }
0x2: {  	[smem:$0x3F9D] =	sst lr;
	_ =	strace $0xD0000000  }
0x3: {  	_ = 	snop  }
0x4: {  	_ = 	snop  }
0x5: {  	_ = 	snop  }
0x6: {  	_ = 	snop  }
0x7: {  	_ = 	snop  }
__scs_overlays_trampoline_lowered:
0x8: {  	[smem:$0x3FAC] =	sst s0  }
0x9: {  	[smem:$0x3FAD] =	sst s1  }
0xa: {  	[smem:$0x3FAE] =	sst s2  }
0xb: {  	[smem:$0x3FAF] =	sst s3  }
0xc: {  	[smem:$0x3FB0] =	sst s4  }
0xd: {  	[smem:$0x3FB1] =	sst s5  }
0xe: {  	[smem:$0x3FB2] =	sst s6  }
0xf: {  	[smem:$0x3FB3] =	sst s7  }
0x10: {  	[smem:$0x3FB4] =	sst s8  }
0x11: {  	[smem:$0x3FB5] =	sst s9;
	s0 =	simm.s32 @!p0 $0x0  }
0x12: {  	s1 =	sld [smem:$0x3F9B];
	s0 =	simm.s32 @p0 $0x1  }
0x13: {  	[smem:$0x3FB6] =	sst s0;
	s0 =	simm.s32 @!p1 $0x0  }
0x14: {  	s2 =	sld [smem:$0x3F9A];
	s0 =	simm.s32 @p1 $0x1  }
0x15: {  	[smem:$0x3FB7] =	sst s0;
	s0 =	simm.s32 @!p2 $0x0  }
0x16: {  	s3 =	sld [smem:$0x3FDB];
	s0 =	simm.s32 @p2 $0x1  }
0x17: {  	s4 =	simm.s32 $0x1BF5;
	[smem:$0x3FB9] =	sst s0  }
0x18: {  	s0 =	sld [smem:$0x3F9C];
	_ =	swait.ge [sflag:s4], $0x0  }
0x19: {  	s7 =	sld [smem:$0x3F9D]  }
0x1a: {  	s8 =	sadd.s32 $0xFFFFE003, lr  }
0x1b: {  	s9 =	sadd.s32 $0xFFFFFEF7, lr;
	s5 =	simm.s32 $0xFFFFFFFF;
	p2 =	slt.u32 s8, $0xFFFFF086  }
0x1c: {  	p1 =	slt.u32 s9, $0xF7A;
	s5 =	simm.s32 @!p2 $0x0  }
0x1d: {  	s5 =	simm.s32 @p1 $0x1;
	p0 =	seq.s32 s7, s2  }
0x1e: {  	s7 =	smul.u32 @!p0 $0xF7A, s2;
	p2 =	seq.s32 @!p0 s5, $0x0  }
0x1f: {  	s9 =	smul.u32 $0xF7A, s1;
	s8 =	simm.s32 @!p0 $0x1BF5;
	p2 =	por !p2, p0  }
0x20: {  	[sflag:s8] =	ssyncset.s32 @!p0 $0xFFFFF086;
	s6 =	sadd.s32 @!p0 s3, s7;
	s7 =	simm.s32 @!p0 $0x108  }
0x21: {  	s3 =	sadd.s32 s3, s9;
	s6 =	sadd.s32 @!p0 $0x88, s6;
	s7 =	simm.s32 @p2 $0x1082  }
0x22: {  	[simem:s7], [sflag:s8] =	dma.local @!p0 [hbm:s6], $0xF7A  }
0x23: {  	s9 =	sor.u32 $0xD0000000, s2;
	s6 =	simm.s32 $0x108;
	_ =	swait.ge @!p0 [sflag:s8], $0x0  }
0x24: {  	s3 =	sadd.s32 $0x88, s3;
	s6 =	simm.s32 @!p1 $0x1082;
	[sflag:s4] =	ssyncset.s32 $0xFFFFF086  }
0x25: {  	[simem:s6], [sflag:s4] =	dma.local [hbm:s3], $0xF7A  }
0x26: {  	[smem:$0x3F9D] =	sst s1;
	(tag) =	ssettag s2;
	_ =	strace s9  }
0x27: {  	s1 =	sld [smem:$0x3FAD]  }
0x28: {  	s2 =	sld [smem:$0x3FAE]  }
0x29: {  	s4 =	sld [smem:$0x3FB0]  }
0x2a: {  	p0 =	seq.s32 s5, $0x0;
	s5 =	sld [smem:$0x3FB1]  }
0x2b: {  	s6 =	sld [smem:$0x3FB2]  }
0x2c: {  	s7 =	sld [smem:$0x3FB3]  }
0x2d: {  	s3 =	simm.s32 $0x108;
	s8 =	sld [smem:$0x3FB4]  }
0x2e: {  	s3 =	simm.s32 @!p0 $0x1082;
	s9 =	sld [smem:$0x3FB5]  }
0x2f: {  	lr =	sadd.s32 s0, s3;
	s0 =	sld [smem:$0x3FAC]  }
0x30: {  	s3 =	sld [smem:$0x3FAF]  }
0x31: {  	[smem:$0x3FB8] =	sst s10  }
0x32: {  	s10 =	sld [smem:$0x3FB6];
	_ =	sdelay $0x3  }
0x33: {  	p0 =	seq.s32 s10, $0x1;
	s10 =	sld [smem:$0x3FB8];
	_ =	sdelay $0x3  }
0x34: {  	[smem:$0x3FB8] =	sst s10  }
0x35: {  	s10 =	sld [smem:$0x3FB7];
	_ =	sdelay $0x3  }
0x36: {  	p1 =	seq.s32 s10, $0x1;
	s10 =	sld [smem:$0x3FB8];
	_ =	sdelay $0x3  }
0x37: {  	[smem:$0x3FB8] =	sst s10  }
0x38: {  	s10 =	sld [smem:$0x3FB9]  }
0x39: {  	_ = 	snop;
	(pc) =	sbr.ind lr, $3  }
0x3a: {  	_ = 	snop  }
0x3b: {  	_ = 	snop  }
0x3c: {  	p2 =	seq.s32 s10, $0x1;
	s10 =	sld [smem:$0x3FB8]  }
0x3d: {  	_ =	shalt  }
0x3e: {  	_ =	shalt  }
0x3f: {  	_ =	shalt  }
0x40: {  	_ =	shalt  }
0x41: {  	_ =	shalt  }
0x42: {  	_ =	shalt  }
0x43: {  	_ =	shalt  }
0x44: {  	_ =	shalt  }
0x45: {  	_ =	shalt  }
0x46: {  	_ =	shalt  }
0x47: {  	_ =	shalt  }
0x48: {  	_ =	shalt  }
0x49: {  	_ =	shalt  }
0x4a: {  	_ =	shalt  }
0x4b: {  	_ =	shalt  }
0x4c: {  	_ =	shalt  }
0x4d: {  	_ =	shalt  }
0x4e: {  	_ =	shalt  }
0x4f: {  	_ =	shalt  }
0x50: {  	_ =	shalt  }
0x51: {  	_ =	shalt  }
0x52: {  	_ =	shalt  }
0x53: {  	_ =	shalt  }
0x54: {  	_ =	shalt  }
0x55: {  	_ =	shalt  }
0x56: {  	_ =	shalt  }
0x57: {  	_ =	shalt  }
0x58: {  	_ =	shalt  }
0x59: {  	_ =	shalt  }
0x5a: {  	_ =	shalt  }
0x5b: {  	_ =	shalt  }
0x5c: {  	_ =	shalt  }
0x5d: {  	_ =	shalt  }
0x5e: {  	_ =	shalt  }
0x5f: {  	_ =	shalt  }
0x60: {  	_ =	shalt  }
0x61: {  	_ =	shalt  }
0x62: {  	_ =	shalt  }
0x63: {  	_ =	shalt  }
0x64: {  	_ =	shalt  }
0x65: {  	_ =	shalt  }
0x66: {  	_ =	shalt  }
0x67: {  	_ =	shalt  }
0x68: {  	_ =	shalt  }
0x69: {  	_ =	shalt  }
0x6a: {  	_ =	shalt  }
0x6b: {  	_ =	shalt  }
0x6c: {  	_ =	shalt  }
0x6d: {  	_ =	shalt  }
0x6e: {  	_ =	shalt  }
0x6f: {  	_ =	shalt  }
0x70: {  	_ =	shalt  }
0x71: {  	_ =	shalt  }
0x72: {  	_ =	shalt  }
0x73: {  	_ =	shalt  }
0x74: {  	_ =	shalt  }
0x75: {  	_ =	shalt  }
0x76: {  	_ =	shalt  }
0x77: {  	_ =	shalt  }
0x78: {  	_ =	shalt  }
0x79: {  	_ =	shalt  }
0x7a: {  	_ =	shalt  }
0x7b: {  	_ =	shalt  }
0x7c: {  	_ =	shalt  }
0x7d: {  	_ =	shalt  }
0x7e: {  	_ =	shalt  }
0x7f: {  	_ =	shalt  }
0x80: {  	_ =	shalt  }
0x81: {  	_ =	shalt  }
0x82: {  	_ =	shalt  }
0x83: {  	_ =	shalt  }
0x84: {  	_ =	shalt  }
0x85: {  	_ =	shalt  }
0x86: {  	_ =	shalt  }
0x87: {  	_ =	shalt  }
.Lfunc_end0:
.L_simem_size_0:
called_computation_lowered:
.L_overlay_start_0:
0x88: {  	s2 =	sld [smem:$0x3FD9]  }
0x89: {  	s3 =	sld [smem:$0x3FFE];
	_ =	sdelay $0x1  }
0x8a: {  	s1 =	srdreg.scid  }
0x8b: {  	s0 =	sand.u32 $0x1, s1  }
0x8c: {  	s17 =	sshll.u32 s0, $0xA;
	s2 =	sadd.s32 s3, s2  }
0x8d: {  	s2 =	sadd.s32 s2, s17  }
0x8e: {  	[smem:$0x3FC4] =	sst s2  }
0x8f: {  	_ = 	snop  }
0x90: {  	s2 =	sld [smem:$0x3FD0];
	(tm) =	ssettm $0x1  }
0x91: {  	s18 =	sld [smem:$0x3FFB];
	_ =	sdelay $0x3  }
0x92: {  	_ =	strace s18  }
0x93: {  	s3 =	sld [smem:$0x3FFC];
	_ =	sdelay $0x3  }
0x94: {  	_ =	strace s3  }
0x95: {  	s3 =	sld [smem:$0x3FFD];
	_ =	sdelay $0x3  }
0x96: {  	_ =	strace s3  }
0x97: {  	_ =	strace $0x8FFFFFFF  }
0x98: {  	s19 =	sld [smem:$0x3FDB];
	_ =	sdelay $0x1  }
0x99: {  	s4 =	simm.s32 $_scs_section_size  }
0x9a: {  	s5 =	simm.s32 $_size__tile_overlayer_lowered;
	s6 =	simm.s32 $_tile_overlayer_lowered  }
0x9b: {  	s22 =	simm.s32 $0x1BFF;
	s21 =	sshll.u32 s6, $0x1;
	s3 =	sadd.s32 s4, s19  }
0x9c: {  	s7 =	simm.s32 $0x0;
	s20 =	sshll.u32 s5, $0x1;
	s5 =	sadd.s32 s21, s3  }
0x9d: {  	[timem:s7], [sflag:s22] =	dma.local [hbm:s5], s20  }
0x9e: {  	_ =	swait.ge [sflag:s22], s20  }
0x9f: {  	s4 =	ssub.s32 $0x0, s20;
	[sflag:s22] =	ssyncset.done $0x0  }
0xa0: {  	[sflag:s22] =	ssyncadd.s32 s4;
	_ =	sdelay $0x1  }
0xa1: {  	s23 =	simm.s32 $0x1B8B  }
0xa2: {  	_ =	swait.ge [sflag:s23], $0x1  }
0xa3: {  	[sflag:s23] =	ssyncset.done $0x0  }
0xa4: {  	s25 =	simm.s32 $0x1B8E;
	s24 =	sld [smem:$0x3FFE];
	[sflag:s23] =	ssyncadd.s32 $0xFFFFFFFF  }
0xa5: {  	s26 =	simm.s32 $execute0_lowered;
	[smem:$0x3FD2] =	sst s25  }
0xa6: {  	s5 =	sshll.u32 s26, $0x1;
	_ =	strace $0x80000046;
	[dreg:$0x1] =	wrdreg $0xFFFFFFFF  }
0xa7: {  	s28 =	simm.s32 $_size_execute0_lowered;
	s3 =	sadd.s32 s3, s5;
	[dreg:$0x0] =	wrdreg $0x0  }
0xa8: {  	s5 =	sshll.u32 s28, $0x1;
	[dreg:$0x2] =	wrdreg s3  }
0xa9: {  	[dreg:$0x3] =	wrdreg s5  }
0xaa: {  	[dreg:$0x4] =	wrdreg $0xC0  }
0xab: {  	_ =	task [dreg:s7], $0x5FFFF  }
0xac: {  	[dreg:$0x1] =	wrdreg $0xFFFFFFFF  }
0xad: {  	[dreg:$0x0] =	wrdreg $0x60  }
0xae: {  	[dreg:$0x2] =	wrdreg s2  }
0xaf: {  	[dreg:$0x3] =	wrdreg s24  }
0xb0: {  	[dreg:$0x4] =	wrdreg $0xC3000  }
0xb1: {  	[dreg:$0x5] =	wrdreg $0x9  }
0xb2: {  	_ =	task.clear_ibuf [dreg:s7], $0x6FFFF;
	_ =	strace $0x90000046  }
0xb3: {  	s29 =	simm.s32 $0x9;
	_ =	strace $0x80000048  }
0xb4: {  	_ =	swait.ge [sflag:s29], $0x1  }
0xb5: {  	[sflag:s29] =	ssyncadd.s32 $0xFFFFFFFF  }
0xb6: {  	_ =	strace $0x90000048  }
0xb7: {  	_ =	sfence  }
0xb8: {  	s30 =	sld [smem:$0x0];
	_ =	sdelay $0x2  }
0xb9: {  	s31 =	sshll.u32 s1, $0xD;
	s1 =	sshrl.u32 s1, $0x2  }
0xba: {  	s3 =	sand.u32 $0x4000, s31;
	s1 =	sadd.s32 s1, s30  }
0xbb: {  	s0 =	sor.u32 s3, s0;
	s1 =	sshll.u32 s1, $0x11  }
0xbc: {  	s0 =	sor.u32 s1, s0  }
0xbd: {  	s0 =	sadd.s32 $0x8F2B, s0  }
0xbe: {  	[sflag:s0] =	ssyncadd.remote.s32 $0x1  }
0xbf: {  	_ =	sfence.sel $0xFFFF  }
0xc0: {  	[dreg:$0x0] =	wrdreg $0xFFFFFFFF;
	(pc) =	sbr.abs _section_cstart, $3  }
0xc1: {  	[dreg:$0x1] =	wrdreg $0xFFFFFFFF  }
0xc2: {  	_ =	task.clear_ibuf [dreg:s7], $0x2FFFF;
	_ =	strace $0x9FFFFFFF  }
0xc3: {  	(tm) =	ssettm $0x7FFFFFFF  }
tec
execute0_lowered:
.L_overlay_start_1:
0x0: {  	(tag) =	ssettag $0x1  }
0x1: {  	s1 =	rddreg [dreg:$0x0]  }
0x2: {  	s0 =	srdreg.scid;
	s2 =	rddreg [dreg:$0x1]  }
0x3: {  	s6 =	stileid.u32;
	s3 =	rddreg [dreg:$0x2]  }
0x4: {  	s28 =	simm.s32 $0x1;
	s0 =	sand.u32 $0x1, s0;
	s4 =	sshll.u32 s6, $0x1  }
0x5: {  	s29 =	simm.s32 $0x8300;
	s30 =	simm.s32 $0x4280;
	s7 =	sor.u32 s0, s4  }
0x6: {  	s31 =	simm.s32 $0x2;
	s9 =	sshll.u32 s6, $0x10;
	s5 =	smul.u32 $0x2100, s7  }
0x7: {  	s6 =	sadd.s32 $0x8600, s2;
	s4 =	simm.s32 $0x0;
	s10 =	sshll.u32 s0, $0x14  }
0x8: {  	s0 =	ssub.s32 $0x2, s0;
	[smem:$0x7FF] =	sst s4;
	s5 =	smin.u32 s5, $0x3F798  }
0x9: {  	s15 =	sor.u32 s9, s10;
	s8 =	sshrl.u32 s5, $0x3;
	s16 =	sadd.s32 $0x41898, s5  }
0xa: {  	s11 =	sadd.s32 s8, s2;
	s8 =	sshrl.u32 s15, $0x3;
	s10 =	sshrl.u32 s16, $0x3  }
0xb: {  	_ =	strace $0x80000047;
	s2 =	sadd.s32 s8, s2;
	s18 =	sadd.s32 s6, s10  }
0xc: {  	s8 =	sadd.s32 s9, s3;
	s19 =	sadd.s32 $0x200, s11;
	[dreg:$0x4] =	wrdreg s18  }
0xd: {  	s17 =	sshrl.u32 s0, $0x1;
	[dreg:$0x5] =	wrdreg s19;
	s20 =	sadd.s32 $0x2000, s8  }
0xe: {  	p0 =	sne.s32 s7, $0x1F;
	s21 =	sadd.s32 $0x4000, s8;
	[dreg:$0x6] =	wrdreg s20  }
0xf: {  	s0 =	ssub.s32 s0, s17;
	s22 =	sadd.s32 $0x6000, s8;
	[dreg:$0x7] =	wrdreg s21  }
0x10: {  	s23 =	sadd.s32 $0x8000, s8;
	s24 =	sadd.s32 $0xA000, s8;
	[dreg:$0x8] =	wrdreg s22  }
0x11: {  	v0 =	vimm.f32 $0.0e+00;
	vm0 =	vmmov $0xff;
	v1 =	vimm.s32 $0x0;
	s25 =	sadd.s32 $0xC000, s8;
	s26 =	sadd.s32 $0xE000, s8;
	[dreg:$0x9] =	wrdreg s23  }
0x12: {  	v2 =	vimm.s32 $0x1;
	v3 =	vimm.s32 $0x2;
	v4 =	vimm.s32 $0x3;
	s17 =	sadd.s32 $0x18E00, s2;
	s18 =	smax.u32 s0, $0x1;
	[dreg:$0xa] =	wrdreg s24  }
0x13: {  	v5 =	vimm.s32 $0x4;
	v6 =	vimm.s32 $0x5;
	v7 =	vimm.s32 $0x6;
	s2 =	simm.s32 $0xA300;
	s19 =	simm.s32 $0x3;
	[dreg:$0xb] =	wrdreg s25  }
0x14: {  	v8 =	vimm.s32 $0x7;
	v9 =	vimm.s32 $0x8;
	v10 =	vimm.s32 $0x9;
	s0 =	simm.s32 $0x0;
	[dreg:$0xc] =	wrdreg s26;
	s20 =	simm.s32 $0x4300  }
0x15: {  	v11 =	vimm.s32 $0xA;
	v12 =	vimm.s32 $0xB;
	v13 =	vimm.s32 $0xC;
	s21 =	simm.s32 $0x7;
	s22 =	simm.s32 $0x5;
	s23 =	simm.s32 $0x6  }
0x16: {  	v14 =	vimm.s32 $0xD;
	v15 =	vimm.s32 $0xE;
	v16 =	vimm.s32 $0xF;
	s24 =	simm.s32 $0x80;
	s26 =	simm.s32 $0x4200;
	s25 =	simm.s32 $0x4  }
.LBB2_1:
0x17: {  	s7 =	rddreg [dreg:$0x4]  }
0x18: {  	s14 =	rddreg [dreg:$0x5];
	s15 =	sand.u32 $0x7F00, s4  }
0x19: {  	[tilespmem:s4], [sflag:$0x5] =	stream.linear.gather [hbm4b:s7+s4], $0x2100, $0x38;
	[tilespmem:$0x1C300] =	vst v63  }
0x1a: {  	s9 =	simm.s32 $0x2100;
	s16 =	sand.u32 $0x30, s4;
	s10 =	sshrl.u32 s15, $0x2  }
0x1b: {  	[tilespmem:s9], [sflag:$0x6] =	stream.linear.gather [hbm4b:s14+s4], $0x2100, $0x38;
	[tilespmem:$0x1C300] =	vst v63  }
0x1c: {  	s7 =	simm.s32 $0x40;
	s10 =	sor.u32 s16, s10;
	s9 =	simm.s32 $0x0  }
.LBB2_2:
0x1d: {  	p1 =	sne.s32 s7, $0x7FC0  }
0x1e: {  	[tilespmem:s10+$0x4300] =	vst v0;
	s9 =	sadd.s32 $0x10, s9;
	s10 =	smov.u32 s7;
	s7 =	sadd.s32 $0x40, s7  }
.Ltmp0:
0x1f: {  	(pc) =	sbr.rel @p1 .LBB2_2-.Ltmp0, $4  }
0x20: {  	_ = 	snop  }
0x21: {  	s10 =	sand.u32 $0x7F00, s10  }
0x22: {  	s11 =	sand.u32 $0x30, s9;
	s10 =	sshrl.u32 s10, $0x2  }
0x23: {  	s10 =	sor.u32 s11, s10  }
0x24: {  	[tilespmem:s10+$0x4300] =	vst v0  }
0x25: {  	[spmem:s8] =	stream.linear.scatter [tilespmem:s20], [sflag:$0x7], $0x2000, $0x38;
	[tilespmem:$0x1C300] =	vst v63  }
0x26: {  	_ =	swait.ge [sflag:s21], $0x2000  }
0x27: {  	[sflag:s21] =	ssyncset.done $0x0  }
0x28: {  	s7 =	rddreg [dreg:$0x6];
	[sflag:s21] =	ssyncadd.s32 $0xFFFFE000  }
0x29: {  	[spmem:s7] =	stream.linear.scatter [tilespmem:s20], [sflag:$0x7], $0x2000, $0x38;
	[tilespmem:$0x1C300] =	vst v63  }
0x2a: {  	_ =	swait.ge [sflag:s21], $0x2000  }
0x2b: {  	[sflag:s21] =	ssyncset.done $0x0  }
0x2c: {  	s11 =	rddreg [dreg:$0x7];
	[sflag:s21] =	ssyncadd.s32 $0xFFFFE000  }
0x2d: {  	[spmem:s11] =	stream.linear.scatter [tilespmem:s20], [sflag:$0x7], $0x2000, $0x38;
	[tilespmem:$0x1C300] =	vst v63  }
0x2e: {  	_ =	swait.ge [sflag:s21], $0x2000  }
0x2f: {  	[sflag:s21] =	ssyncset.done $0x0  }
0x30: {  	s12 =	rddreg [dreg:$0x8];
	[sflag:s21] =	ssyncadd.s32 $0xFFFFE000  }
0x31: {  	[spmem:s12] =	stream.linear.scatter [tilespmem:s20], [sflag:$0x7], $0x2000, $0x38;
	[tilespmem:$0x1C300] =	vst v63  }
0x32: {  	_ =	swait.ge [sflag:s21], $0x2000  }
0x33: {  	[sflag:s21] =	ssyncset.done $0x0  }
0x34: {  	s13 =	rddreg [dreg:$0x9];
	[sflag:s21] =	ssyncadd.s32 $0xFFFFE000  }
0x35: {  	[spmem:s13] =	stream.linear.scatter [tilespmem:s20], [sflag:$0x7], $0x2000, $0x38;
	[tilespmem:$0x1C300] =	vst v63  }
0x36: {  	_ =	swait.ge [sflag:s21], $0x2000  }
0x37: {  	[sflag:s21] =	ssyncset.done $0x0  }
0x38: {  	s14 =	rddreg [dreg:$0xa];
	[sflag:s21] =	ssyncadd.s32 $0xFFFFE000  }
0x39: {  	[spmem:s14] =	stream.linear.scatter [tilespmem:s20], [sflag:$0x7], $0x2000, $0x38;
	[tilespmem:$0x1C300] =	vst v63  }
0x3a: {  	_ =	swait.ge [sflag:s21], $0x2000  }
0x3b: {  	[sflag:s21] =	ssyncset.done $0x0  }
0x3c: {  	s15 =	rddreg [dreg:$0xb];
	[sflag:s21] =	ssyncadd.s32 $0xFFFFE000  }
0x3d: {  	[spmem:s15] =	stream.linear.scatter [tilespmem:s20], [sflag:$0x7], $0x2000, $0x38;
	[tilespmem:$0x1C300] =	vst v63  }
0x3e: {  	_ =	swait.ge [sflag:s21], $0x2000  }
0x3f: {  	[sflag:s21] =	ssyncset.done $0x0  }
0x40: {  	s16 =	rddreg [dreg:$0xc];
	[sflag:s21] =	ssyncadd.s32 $0xFFFFE000  }
0x41: {  	[spmem:s16] =	stream.linear.scatter [tilespmem:s20], [sflag:$0x7], $0x2000, $0x38;
	[tilespmem:$0x1C300] =	vst v63  }
0x42: {  	_ =	swait.ge [sflag:s21], $0x2000  }
0x43: {  	[sflag:s21] =	ssyncset.done $0x0  }
0x44: {  	[sflag:s21] =	ssyncadd.s32 $0xFFFFE000  }
0x45: {  	_ =	swait.ge [sflag:s22], $0x2100  }
.Ltmp1:
0x46: {  	[sflag:s22] =	ssyncset.done $0x0;
	(pc) =	sbr.rel @p0 .LBB2_5-.Ltmp1, $4  }
0x47: {  	[sflag:s22] =	ssyncadd.s32 $0xFFFFDF00  }
0x48: {  	_ =	swait.ge [sflag:s23], $0x2100  }
0x49: {  	[sflag:s23] =	ssyncset.done $0x0  }
0x4a: {  	[sflag:s23] =	ssyncadd.s32 $0xFFFFDF00  }
0x4b: {  	[tilespmem:$0x2100] =	vst v0  }
0x4c: {  	[tilespmem:$0x2110] =	vst v0  }
0x4d: {  	[tilespmem:$0x2120] =	vst v0  }
0x4e: {  	[tilespmem:$0x2130] =	vst v0  }
0x4f: {  	[tilespmem:$0x2140] =	vst v0  }
0x50: {  	[tilespmem:$0x2150] =	vst v0  }
0x51: {  	[tilespmem:$0x2160] =	vst v0  }
0x52: {  	[tilespmem:$0x2170] =	vst v0  }
0x53: {  	[tilespmem:$0x2180] =	vst v0  }
0x54: {  	[tilespmem:$0x2190] =	vst v0  }
0x55: {  	[tilespmem:$0x21A0] =	vst v0  }
0x56: {  	[tilespmem:$0x21B0] =	vst v0  }
0x57: {  	[tilespmem:$0x21C0] =	vst v0  }
0x58: {  	[tilespmem:$0x21D0] =	vst v0  }
0x59: {  	[tilespmem:$0x21E0] =	vst v0  }
0x5a: {  	[tilespmem:$0x21F0] =	vst v0  }
0x5b: {  	[tilespmem:$0x2200] =	vst v0  }
0x5c: {  	[tilespmem:$0x2210] =	vst v0  }
0x5d: {  	[tilespmem:$0x2220] =	vst v0  }
0x5e: {  	[tilespmem:$0x2230] =	vst v0  }
0x5f: {  	[tilespmem:$0x2240] =	vst v0  }
0x60: {  	[tilespmem:$0x2250] =	vst v0  }
0x61: {  	[tilespmem:$0x2260] =	vst v0  }
0x62: {  	[tilespmem:$0x2270] =	vst v0  }
0x63: {  	[tilespmem:$0x2280] =	vst v0  }
0x64: {  	[tilespmem:$0x2290] =	vst v0  }
0x65: {  	[tilespmem:$0x22A0] =	vst v0  }
0x66: {  	[tilespmem:$0x22B0] =	vst v0  }
0x67: {  	[tilespmem:$0x22C0] =	vst v0  }
0x68: {  	[tilespmem:$0x22D0] =	vst v0  }
0x69: {  	[tilespmem:$0x22E0] =	vst v0  }
0x6a: {  	[tilespmem:$0x22F0] =	vst v0  }
0x6b: {  	[tilespmem:$0x2300] =	vst v0  }
0x6c: {  	[tilespmem:$0x2310] =	vst v0  }
0x6d: {  	[tilespmem:$0x2320] =	vst v0  }
0x6e: {  	[tilespmem:$0x2330] =	vst v0  }
0x6f: {  	[tilespmem:$0x2340] =	vst v0  }
0x70: {  	[tilespmem:$0x2350] =	vst v0  }
0x71: {  	[tilespmem:$0x2360] =	vst v0  }
0x72: {  	[tilespmem:$0x2370] =	vst v0  }
0x73: {  	[tilespmem:$0x2380] =	vst v0  }
0x74: {  	[tilespmem:$0x2390] =	vst v0  }
0x75: {  	[tilespmem:$0x23A0] =	vst v0  }
0x76: {  	[tilespmem:$0x23B0] =	vst v0  }
0x77: {  	[tilespmem:$0x23C0] =	vst v0  }
0x78: {  	[tilespmem:$0x23D0] =	vst v0  }
0x79: {  	[tilespmem:$0x23E0] =	vst v0  }
0x7a: {  	[tilespmem:$0x23F0] =	vst v0  }
0x7b: {  	[tilespmem:$0x2400] =	vst v0  }
0x7c: {  	[tilespmem:$0x2410] =	vst v0  }
0x7d: {  	[tilespmem:$0x2420] =	vst v0  }
0x7e: {  	[tilespmem:$0x2430] =	vst v0  }
0x7f: {  	[tilespmem:$0x2440] =	vst v0  }
0x80: {  	[tilespmem:$0x2450] =	vst v0  }
0x81: {  	[tilespmem:$0x2460] =	vst v0  }
0x82: {  	[tilespmem:$0x2470] =	vst v0  }
0x83: {  	[tilespmem:$0x2480] =	vst v0  }
0x84: {  	[tilespmem:$0x2490] =	vst v0  }
0x85: {  	[tilespmem:$0x24A0] =	vst v0  }
0x86: {  	[tilespmem:$0x24B0] =	vst v0  }
0x87: {  	[tilespmem:$0x24C0] =	vst v0  }
0x88: {  	[tilespmem:$0x24D0] =	vst v0  }
0x89: {  	[tilespmem:$0x24E0] =	vst v0  }
0x8a: {  	[tilespmem:$0x24F0] =	vst v0  }
0x8b: {  	[tilespmem:$0x2500] =	vst v0  }
0x8c: {  	[tilespmem:$0x2510] =	vst v0  }
0x8d: {  	[tilespmem:$0x2520] =	vst v0  }
0x8e: {  	[tilespmem:$0x2530] =	vst v0  }
0x8f: {  	[tilespmem:$0x2540] =	vst v0  }
0x90: {  	[tilespmem:$0x2550] =	vst v0  }
0x91: {  	[tilespmem:$0x2560] =	vst v0  }
0x92: {  	[tilespmem:$0x2570] =	vst v0  }
0x93: {  	[tilespmem:$0x2580] =	vst v0  }
0x94: {  	[tilespmem:$0x2590] =	vst v0  }
0x95: {  	[tilespmem:$0x25A0] =	vst v0  }
0x96: {  	[tilespmem:$0x25B0] =	vst v0  }
0x97: {  	[tilespmem:$0x25C0] =	vst v0  }
0x98: {  	[tilespmem:$0x25D0] =	vst v0  }
0x99: {  	[tilespmem:$0x25E0] =	vst v0  }
0x9a: {  	[tilespmem:$0x25F0] =	vst v0  }
0x9b: {  	[tilespmem:$0x2600] =	vst v0  }
0x9c: {  	[tilespmem:$0x2610] =	vst v0  }
0x9d: {  	[tilespmem:$0x2620] =	vst v0  }
0x9e: {  	[tilespmem:$0x2630] =	vst v0  }
0x9f: {  	[tilespmem:$0x2640] =	vst v0  }
0xa0: {  	[tilespmem:$0x2650] =	vst v0  }
0xa1: {  	[tilespmem:$0x2660] =	vst v0  }
0xa2: {  	[tilespmem:$0x2670] =	vst v0  }
0xa3: {  	[tilespmem:$0x2680] =	vst v0  }
0xa4: {  	[tilespmem:$0x2690] =	vst v0  }
0xa5: {  	[tilespmem:$0x26A0] =	vst v0  }
0xa6: {  	[tilespmem:$0x26B0] =	vst v0  }
0xa7: {  	[tilespmem:$0x26C0] =	vst v0  }
0xa8: {  	[tilespmem:$0x26D0] =	vst v0  }
0xa9: {  	[tilespmem:$0x26E0] =	vst v0  }
0xaa: {  	[tilespmem:$0x26F0] =	vst v0  }
0xab: {  	[tilespmem:$0x2700] =	vst v0  }
0xac: {  	[tilespmem:$0x2710] =	vst v0  }
0xad: {  	[tilespmem:$0x2720] =	vst v0  }
0xae: {  	[tilespmem:$0x2730] =	vst v0  }
0xaf: {  	[tilespmem:$0x2740] =	vst v0  }
0xb0: {  	[tilespmem:$0x2750] =	vst v0  }
0xb1: {  	[tilespmem:$0x2760] =	vst v0  }
0xb2: {  	[tilespmem:$0x2770] =	vst v0  }
0xb3: {  	[tilespmem:$0x2780] =	vst v0  }
0xb4: {  	[tilespmem:$0x2790] =	vst v0  }
0xb5: {  	[tilespmem:$0x27A0] =	vst v0  }
0xb6: {  	[tilespmem:$0x27B0] =	vst v0  }
0xb7: {  	[tilespmem:$0x27C0] =	vst v0  }
0xb8: {  	[tilespmem:$0x27D0] =	vst v0  }
0xb9: {  	[tilespmem:$0x27E0] =	vst v0  }
0xba: {  	[tilespmem:$0x27F0] =	vst v0  }
0xbb: {  	[tilespmem:$0x2800] =	vst v0;
	v17 =	vld [tilespmem:$0x2860]  }
0xbc: {  	[tilespmem:$0x2810] =	vst v0  }
0xbd: {  	[tilespmem:$0x2820] =	vst v0  }
0xbe: {  	[tilespmem:$0x2830] =	vst v0  }
0xbf: {  	[tilespmem:$0x2840] =	vst v0  }
0xc0: {  	[tilespmem:$0x2850] =	vst v0;
	v17 =	vsel vm0, $0x0, v17  }
0xc1: {  	[tilespmem:$0x2860] =	vst v17  }
.LBB2_5:
0xc2: {  	[bflag:$0x0] =	sbarrier.arrive $0xFFFF;
	s7 =	simm.s32 $0x0;
	s9 =	simm.s32 $0x6300  }
0xc3: {  	[tilespmem:s20], [sflag:$0x1] =	stream.indirect.gather [hbm4b:s1+s24], $0x40, s7, s24, $0xb8;
	[tilespmem:$0x1C300] =	vst v63  }
0xc4: {  	s15 =	simm.s32 $0x2100;
	s10 =	simm.s32 $0x2180;
	s11 =	simm.s32 $0x0  }
0xc5: {  	[tilespmem:s9], [sflag:$0x2] =	stream.indirect.gather [hbm4b:s1+s24], $0x40, s24, s24, $0xb8;
	[tilespmem:$0x1C300] =	vst v63  }
.LBB2_6:
0xc6: {  	p2 =	seq.s32 s11, $0x0  }
0xc7: {  	s12 =	sshll.u32 s11, $0x8;
	s9 =	simm.s32 @!p2 $0x3  }
0xc8: {  	s13 =	sadd.s32 s5, s12;
	_ =	swait.ge @!p2 [sflag:s9], $0x2000  }
0xc9: {  	s13 =	sshrl.u32 s13, $0x3;
	[sflag:s9] =	ssyncset.done @!p2 $0x0  }
0xca: {  	s16 =	sadd.s32 s6, s13;
	[sflag:s9] =	ssyncadd.s32 @!p2 $0xFFFFE000  }
0xcb: {  	[tilespmem:s26], [sflag:$0x5] =	stream.linear.gather [hbm4b:s16+s7], $0x80, $0x38;
	[tilespmem:$0x1C300] =	vst v63  }
0xcc: {  	_ =	swait.ge [sflag:s28], $0x2000  }
0xcd: {  	[sflag:s28] =	ssyncset.done $0x0  }
0xce: {  	s14 =	simm.s32 $0x0;
	[sflag:s28] =	ssyncadd.s32 $0xFFFFE000  }
0xcf: {  	v41 =	vld [tilespmem:s14+$0x4300]  }
0xd0: {  	v42 =	vld [tilespmem:s14+$0x4310]  }
0xd1: {  	v40 =	vld [tilespmem:s14+$0x4320]  }
0xd2: {  	v39 =	vld [tilespmem:s14+$0x4330]  }
0xd3: {  	v37 =	vld [tilespmem:s14+$0x4340]  }
0xd4: {  	v38 =	vld [tilespmem:s14+$0x4350]  }
0xd5: {  	v36 =	vld [tilespmem:s14+$0x4360]  }
0xd6: {  	v35 =	vld [tilespmem:s14+$0x4370]  }
0xd7: {  	v33 =	vld [tilespmem:s14+$0x4380]  }
0xd8: {  	v34 =	vld [tilespmem:s14+$0x4390]  }
0xd9: {  	v32 =	vld [tilespmem:s14+$0x43A0]  }
0xda: {  	v31 =	vld [tilespmem:s14+$0x43B0]  }
0xdb: {  	v29 =	vld [tilespmem:s14+$0x43C0]  }
0xdc: {  	v30 =	vld [tilespmem:s14+$0x43D0]  }
0xdd: {  	v27 =	vld [tilespmem:s14+$0x43E0]  }
0xde: {  	v28 =	vld [tilespmem:s14+$0x43F0]  }
0xdf: {  	v25 =	vld [tilespmem:s14+$0x4400]  }
0xe0: {  	v26 =	vld [tilespmem:s14+$0x4410]  }
0xe1: {  	v24 =	vld [tilespmem:s14+$0x4420]  }
0xe2: {  	v23 =	vld [tilespmem:s14+$0x4430]  }
0xe3: {  	v21 =	vld [tilespmem:s14+$0x4440]  }
0xe4: {  	v22 =	vld [tilespmem:s14+$0x4450]  }
0xe5: {  	v20 =	vld [tilespmem:s14+$0x4460]  }
0xe6: {  	v19 =	vld [tilespmem:s14+$0x4470]  }
0xe7: {  	v18 =	vld [tilespmem:s14+$0x4480]  }
0xe8: {  	s13 =	simm.s32 $0x1000;
	s9 =	smov.u32 s15;
	v17 =	vld [tilespmem:s15+$0x0]  }
.LBB2_7:
0xe9: {  	p1 =	sne.s32 s13, $0x7000;
	v43 =	vld [tilespmem:s14+$0x4490]  }
0xea: {  	v44 =	vld [tilespmem:s14+$0x44A0]  }
0xeb: {  	v45 =	vld [tilespmem:s14+$0x44B0]  }
0xec: {  	v46 =	vld [tilespmem:s14+$0x44C0]  }
0xed: {  	v47 =	vperm.xlane v17, v1;
	v48 =	vperm.xlane v17, v2;
	v49 =	vld [tilespmem:s14+$0x44D0]  }
0xee: {  	v50 =	vperm.xlane v17, v3;
	v51 =	vperm.xlane v17, v4;
	v52 =	vld [tilespmem:s14+$0x44E0]  }
0xef: {  	v41 =	vmul.f32 v41, v47;
	v42 =	vmul.f32 v42, v47;
	v53 =	vld [tilespmem:s14+$0x44F0]  }
0xf0: {  	v40 =	vmul.f32 v40, v47;
	v39 =	vmul.f32 v39, v47;
	v47 =	vld [tilespmem:s14+$0x4500]  }
0xf1: {  	v37 =	vmul.f32 v37, v48;
	v38 =	vmul.f32 v38, v48;
	[tilespmem:s14+$0x8300] =	vst v41;
	v41 =	vld [tilespmem:s14+$0x4510]  }
0xf2: {  	v36 =	vmul.f32 v36, v48;
	v35 =	vmul.f32 v35, v48;
	[tilespmem:s14+$0x8310] =	vst v42;
	v42 =	vld [tilespmem:s14+$0x4520]  }
0xf3: {  	v33 =	vmul.f32 v33, v50;
	v34 =	vmul.f32 v34, v50;
	[tilespmem:s14+$0x8320] =	vst v40;
	v40 =	vld [tilespmem:s14+$0x4530]  }
0xf4: {  	v32 =	vmul.f32 v32, v50;
	v31 =	vmul.f32 v31, v50;
	[tilespmem:s14+$0x8330] =	vst v39;
	v39 =	vld [tilespmem:s14+$0x4540]  }
0xf5: {  	v29 =	vmul.f32 v29, v51;
	v30 =	vmul.f32 v30, v51;
	[tilespmem:s14+$0x8340] =	vst v37;
	v37 =	vld [tilespmem:s14+$0x4550]  }
0xf6: {  	v27 =	vmul.f32 v27, v51;
	v28 =	vmul.f32 v28, v51;
	[tilespmem:s14+$0x8350] =	vst v38;
	v38 =	vld [tilespmem:s14+$0x4560]  }
0xf7: {  	v48 =	vperm.xlane v17, v6;
	[tilespmem:s14+$0x8360] =	vst v36;
	v36 =	vperm.xlane v17, v5;
	v50 =	vld [tilespmem:s14+$0x4570]  }
0xf8: {  	v51 =	vperm.xlane v17, v8;
	[tilespmem:s14+$0x8370] =	vst v35;
	v35 =	vperm.xlane v17, v7;
	v54 =	vld [tilespmem:s14+$0x4580]  }
0xf9: {  	[tilespmem:s14+$0x8380] =	vst v33;
	v25 =	vmul.f32 v25, v36;
	v26 =	vmul.f32 v26, v36;
	v33 =	vld [tilespmem:s14+$0x4590]  }
0xfa: {  	v24 =	vmul.f32 v24, v36;
	v23 =	vmul.f32 v23, v36;
	[tilespmem:s14+$0x8390] =	vst v34;
	v34 =	vld [tilespmem:s14+$0x45A0]  }
0xfb: {  	v21 =	vmul.f32 v21, v48;
	v22 =	vmul.f32 v22, v48;
	[tilespmem:s14+$0x83A0] =	vst v32;
	v32 =	vld [tilespmem:s14+$0x45B0]  }
0xfc: {  	v20 =	vmul.f32 v20, v48;
	v19 =	vmul.f32 v19, v48;
	[tilespmem:s14+$0x83B0] =	vst v31;
	v31 =	vld [tilespmem:s14+$0x45C0]  }
0xfd: {  	v18 =	vmul.f32 v18, v35;
	[tilespmem:s14+$0x83C0] =	vst v29;
	v29 =	vmul.f32 v43, v35;
	v36 =	vld [tilespmem:s14+$0x45D0]  }
0xfe: {  	[tilespmem:s14+$0x83D0] =	vst v30;
	v30 =	vmul.f32 v44, v35;
	v35 =	vmul.f32 v45, v35;
	v43 =	vld [tilespmem:s14+$0x45E0]  }
0xff: {  	v44 =	vmul.f32 v49, v51;
	[tilespmem:s14+$0x83E0] =	vst v27;
	v27 =	vmul.f32 v46, v51;
	v45 =	vld [tilespmem:s14+$0x45F0]  }
0x100: {  	v46 =	vmul.f32 v53, v51;
	[tilespmem:s14+$0x83F0] =	vst v28;
	v28 =	vmul.f32 v52, v51;
	v48 =	vld [tilespmem:s14+$0x4600]  }
0x101: {  	v49 =	vperm.xlane v17, v10;
	[tilespmem:s14+$0x8400] =	vst v25;
	v25 =	vperm.xlane v17, v9;
	v51 =	vld [tilespmem:s14+$0x4610]  }
0x102: {  	v52 =	vperm.xlane v17, v12;
	[tilespmem:s14+$0x8410] =	vst v26;
	v26 =	vperm.xlane v17, v11;
	v53 =	vld [tilespmem:s14+$0x4620]  }
0x103: {  	[tilespmem:s14+$0x8420] =	vst v24;
	v24 =	vmul.f32 v47, v25;
	v41 =	vmul.f32 v41, v25;
	v47 =	vld [tilespmem:s14+$0x4630]  }
0x104: {  	[tilespmem:s14+$0x8430] =	vst v23;
	v23 =	vmul.f32 v42, v25;
	v25 =	vmul.f32 v40, v25;
	v40 =	vld [tilespmem:s14+$0x4640]  }
0x105: {  	v37 =	vmul.f32 v37, v49;
	[tilespmem:s14+$0x8440] =	vst v21;
	v21 =	vmul.f32 v39, v49;
	v39 =	vld [tilespmem:s14+$0x4650]  }
0x106: {  	[tilespmem:s14+$0x8450] =	vst v22;
	v22 =	vmul.f32 v38, v49;
	v38 =	vmul.f32 v50, v49;
	v42 =	vld [tilespmem:s14+$0x4660]  }
0x107: {  	v33 =	vmul.f32 v33, v26;
	[tilespmem:s14+$0x8460] =	vst v20;
	v20 =	vmul.f32 v54, v26;
	v49 =	vld [tilespmem:s14+$0x4670]  }
0x108: {  	[tilespmem:s14+$0x8470] =	vst v19;
	v19 =	vmul.f32 v34, v26;
	v26 =	vmul.f32 v32, v26;
	v32 =	vld [tilespmem:s14+$0x4680]  }
0x109: {  	[tilespmem:s14+$0x8480] =	vst v18;
	v18 =	vmul.f32 v31, v52;
	v31 =	vmul.f32 v36, v52;
	v34 =	vld [tilespmem:s14+$0x4690]  }
0x10a: {  	[tilespmem:s14+$0x8490] =	vst v29;
	v29 =	vmul.f32 v43, v52;
	v43 =	vmul.f32 v45, v52;
	v36 =	vld [tilespmem:s14+$0x46A0]  }
0x10b: {  	v45 =	vperm.xlane v17, v14;
	[tilespmem:s14+$0x84A0] =	vst v30;
	v30 =	vperm.xlane v17, v13;
	v50 =	vld [tilespmem:s14+$0x46B0]  }
0x10c: {  	[tilespmem:s14+$0x84B0] =	vst v35;
	v35 =	vperm.xlane v17, v15;
	v17 =	vperm.xlane v17, v16;
	v52 =	vld [tilespmem:s14+$0x46C0]  }
0x10d: {  	[tilespmem:s14+$0x84C0] =	vst v27;
	v27 =	vmul.f32 v48, v30;
	v48 =	vmul.f32 v51, v30;
	v51 =	vld [tilespmem:s14+$0x46D0]  }
0x10e: {  	[tilespmem:s14+$0x84D0] =	vst v44;
	v44 =	vmul.f32 v53, v30;
	v30 =	vmul.f32 v47, v30;
	v47 =	vld [tilespmem:s14+$0x46E0]  }
0x10f: {  	v53 =	vmul.f32 v39, v45;
	[tilespmem:s14+$0x84E0] =	vst v28;
	v28 =	vmul.f32 v40, v45;
	v39 =	vld [tilespmem:s14+$0x46F0]  }
0x110: {  	[tilespmem:s14+$0x84F0] =	vst v46;
	v46 =	vmul.f32 v42, v45;
	v45 =	vmul.f32 v49, v45  }
0x111: {  	v49 =	vmul.f32 v34, v35;
	[tilespmem:s14+$0x8500] =	vst v24;
	v24 =	vmul.f32 v32, v35  }
0x112: {  	v54 =	vmul.f32 v36, v35;
	v50 =	vmul.f32 v50, v35;
	[tilespmem:s14+$0x8510] =	vst v41  }
0x113: {  	v52 =	vmul.f32 v52, v17;
	v51 =	vmul.f32 v51, v17;
	[tilespmem:s14+$0x8520] =	vst v23  }
0x114: {  	v47 =	vmul.f32 v47, v17;
	[tilespmem:s14+$0x8530] =	vst v25;
	v17 =	vmul.f32 v39, v17  }
0x115: {  	[tilespmem:s14+$0x8540] =	vst v21  }
0x116: {  	[tilespmem:s14+$0x8550] =	vst v37  }
0x117: {  	s16 =	sshra.s32 s13, $0x2;
	[tilespmem:s14+$0x8560] =	vst v22  }
0x118: {  	v41 =	vld [tilespmem:s16+$0x4300];
	[tilespmem:s14+$0x8570] =	vst v38  }
0x119: {  	v42 =	vld [tilespmem:s16+$0x4310];
	[tilespmem:s14+$0x8580] =	vst v20  }
0x11a: {  	v40 =	vld [tilespmem:s16+$0x4320];
	[tilespmem:s14+$0x8590] =	vst v33  }
0x11b: {  	v39 =	vld [tilespmem:s16+$0x4330];
	[tilespmem:s14+$0x85A0] =	vst v19  }
0x11c: {  	v37 =	vld [tilespmem:s16+$0x4340];
	[tilespmem:s14+$0x85B0] =	vst v26  }
0x11d: {  	v38 =	vld [tilespmem:s16+$0x4350];
	[tilespmem:s14+$0x85C0] =	vst v18  }
0x11e: {  	v36 =	vld [tilespmem:s16+$0x4360];
	[tilespmem:s14+$0x85D0] =	vst v31  }
0x11f: {  	v35 =	vld [tilespmem:s16+$0x4370];
	[tilespmem:s14+$0x85E0] =	vst v29  }
0x120: {  	v33 =	vld [tilespmem:s16+$0x4380];
	[tilespmem:s14+$0x85F0] =	vst v43  }
0x121: {  	v34 =	vld [tilespmem:s16+$0x4390];
	[tilespmem:s14+$0x8600] =	vst v27  }
0x122: {  	v32 =	vld [tilespmem:s16+$0x43A0];
	[tilespmem:s14+$0x8610] =	vst v48  }
0x123: {  	v31 =	vld [tilespmem:s16+$0x43B0];
	[tilespmem:s14+$0x8620] =	vst v44  }
0x124: {  	v29 =	vld [tilespmem:s16+$0x43C0];
	[tilespmem:s14+$0x8630] =	vst v30  }
0x125: {  	v30 =	vld [tilespmem:s16+$0x43D0];
	[tilespmem:s14+$0x8640] =	vst v28  }
0x126: {  	v27 =	vld [tilespmem:s16+$0x43E0];
	[tilespmem:s14+$0x8650] =	vst v53  }
0x127: {  	v28 =	vld [tilespmem:s16+$0x43F0];
	[tilespmem:s14+$0x8660] =	vst v46  }
0x128: {  	v25 =	vld [tilespmem:s16+$0x4400];
	[tilespmem:s14+$0x8670] =	vst v45  }
0x129: {  	v26 =	vld [tilespmem:s16+$0x4410];
	[tilespmem:s14+$0x8680] =	vst v24  }
0x12a: {  	v24 =	vld [tilespmem:s16+$0x4420];
	[tilespmem:s14+$0x8690] =	vst v49  }
0x12b: {  	v23 =	vld [tilespmem:s16+$0x4430];
	[tilespmem:s14+$0x86A0] =	vst v54  }
0x12c: {  	v21 =	vld [tilespmem:s16+$0x4440];
	[tilespmem:s14+$0x86B0] =	vst v50  }
.Ltmp2:
0x12d: {  	v22 =	vld [tilespmem:s16+$0x4450];
	[tilespmem:s14+$0x86C0] =	vst v52;
	(pc) =	sbr.rel @p1 .LBB2_7-.Ltmp2, $4  }
0x12e: {  	v20 =	vld [tilespmem:s16+$0x4460];
	[tilespmem:s14+$0x86D0] =	vst v51  }
0x12f: {  	v19 =	vld [tilespmem:s16+$0x4470];
	[tilespmem:s14+$0x86E0] =	vst v47  }
0x130: {  	s9 =	sadd.s32 $0x10, s9;
	v18 =	vld [tilespmem:s16+$0x4480];
	[tilespmem:s14+$0x86F0] =	vst v17;
	s14 =	smov.u32 s16  }
0x131: {  	s13 =	sadd.s32 $0x1000, s13;
	v17 =	vld [tilespmem:s9+$0x0]  }
0x132: {  	_ =	sdelay $0x3  }
0x133: {  	v47 =	vperm.xlane v17, v1;
	_ =	sdelay $0x1  }
0x134: {  	v41 =	vmul.f32 v41, v47  }
0x135: {  	v42 =	vmul.f32 v42, v47  }
0x136: {  	v52 =	vperm.xlane v17, v2;
	v40 =	vmul.f32 v40, v47;
	[tilespmem:s14+$0x8300] =	vst v41  }
0x137: {  	v39 =	vmul.f32 v39, v47;
	[tilespmem:s14+$0x8310] =	vst v42  }
0x138: {  	v37 =	vmul.f32 v37, v52;
	[tilespmem:s14+$0x8320] =	vst v40  }
0x139: {  	v38 =	vmul.f32 v38, v52;
	[tilespmem:s14+$0x8330] =	vst v39  }
0x13a: {  	v58 =	vperm.xlane v17, v3;
	v36 =	vmul.f32 v36, v52;
	[tilespmem:s14+$0x8340] =	vst v37  }
0x13b: {  	v35 =	vmul.f32 v35, v52;
	[tilespmem:s14+$0x8350] =	vst v38  }
0x13c: {  	v33 =	vmul.f32 v33, v58;
	[tilespmem:s14+$0x8360] =	vst v36  }
0x13d: {  	v34 =	vmul.f32 v34, v58;
	[tilespmem:s14+$0x8370] =	vst v35  }
0x13e: {  	v59 =	vperm.xlane v17, v4;
	v32 =	vmul.f32 v32, v58;
	[tilespmem:s14+$0x8380] =	vst v33  }
0x13f: {  	v31 =	vmul.f32 v31, v58;
	[tilespmem:s14+$0x8390] =	vst v34  }
0x140: {  	v29 =	vmul.f32 v29, v59;
	[tilespmem:s14+$0x83A0] =	vst v32  }
0x141: {  	v30 =	vmul.f32 v30, v59;
	[tilespmem:s14+$0x83B0] =	vst v31  }
0x142: {  	v60 =	vperm.xlane v17, v5;
	v27 =	vmul.f32 v27, v59;
	[tilespmem:s14+$0x83C0] =	vst v29  }
0x143: {  	v28 =	vmul.f32 v28, v59;
	[tilespmem:s14+$0x83D0] =	vst v30  }
0x144: {  	v25 =	vmul.f32 v25, v60;
	[tilespmem:s14+$0x83E0] =	vst v27  }
0x145: {  	v26 =	vmul.f32 v26, v60;
	[tilespmem:s14+$0x83F0] =	vst v28  }
0x146: {  	v61 =	vperm.xlane v17, v6;
	v24 =	vmul.f32 v24, v60;
	[tilespmem:s14+$0x8400] =	vst v25  }
0x147: {  	v23 =	vmul.f32 v23, v60;
	[tilespmem:s14+$0x8410] =	vst v26  }
0x148: {  	v43 =	vld [tilespmem:s14+$0x4490];
	v21 =	vmul.f32 v21, v61;
	[tilespmem:s14+$0x8420] =	vst v24  }
0x149: {  	v44 =	vld [tilespmem:s14+$0x44A0];
	v22 =	vmul.f32 v22, v61;
	[tilespmem:s14+$0x8430] =	vst v23  }
0x14a: {  	v45 =	vld [tilespmem:s14+$0x44B0];
	v62 =	vperm.xlane v17, v7;
	v20 =	vmul.f32 v20, v61;
	[tilespmem:s14+$0x8440] =	vst v21  }
0x14b: {  	v46 =	vld [tilespmem:s14+$0x44C0];
	v19 =	vmul.f32 v19, v61;
	[tilespmem:s14+$0x8450] =	vst v22  }
0x14c: {  	v48 =	vld [tilespmem:s14+$0x44D0];
	v18 =	vmul.f32 v18, v62;
	[tilespmem:s14+$0x8460] =	vst v20  }
0x14d: {  	v49 =	vld [tilespmem:s14+$0x44E0];
	v43 =	vmul.f32 v43, v62;
	[tilespmem:s14+$0x8470] =	vst v19  }
0x14e: {  	v50 =	vld [tilespmem:s14+$0x44F0];
	v63 =	vperm.xlane v17, v8;
	v44 =	vmul.f32 v44, v62;
	[tilespmem:s14+$0x8480] =	vst v18  }
0x14f: {  	v51 =	vld [tilespmem:s14+$0x4500];
	v45 =	vmul.f32 v45, v62;
	[tilespmem:s14+$0x8490] =	vst v43  }
0x150: {  	v46 =	vmul.f32 v46, v63;
	v41 =	vld [tilespmem:s14+$0x4510];
	[tilespmem:s14+$0x84A0] =	vst v44  }
0x151: {  	v53 =	vmul.f32 v48, v63;
	v42 =	vld [tilespmem:s14+$0x4520];
	[tilespmem:s14+$0x84B0] =	vst v45  }
0x152: {  	v56 =	vperm.xlane v17, v9;
	v55 =	vmul.f32 v49, v63;
	v40 =	vld [tilespmem:s14+$0x4530];
	[tilespmem:s14+$0x84C0] =	vst v46  }
0x153: {  	v50 =	vmul.f32 v50, v63;
	v39 =	vld [tilespmem:s14+$0x4540];
	[tilespmem:s14+$0x84D0] =	vst v53  }
0x154: {  	v58 =	vmul.f32 v51, v56;
	v37 =	vld [tilespmem:s14+$0x4550];
	[tilespmem:s14+$0x84E0] =	vst v55  }
0x155: {  	v38 =	vld [tilespmem:s14+$0x4560];
	[tilespmem:s14+$0x84F0] =	vst v50;
	v41 =	vmul.f32 v41, v56  }
0x156: {  	v60 =	vperm.xlane v17, v10;
	v36 =	vld [tilespmem:s14+$0x4570];
	[tilespmem:s14+$0x8500] =	vst v58;
	v42 =	vmul.f32 v42, v56  }
0x157: {  	v35 =	vld [tilespmem:s14+$0x4580];
	v40 =	vmul.f32 v40, v56;
	[tilespmem:s14+$0x8510] =	vst v41  }
0x158: {  	v33 =	vld [tilespmem:s14+$0x4590];
	v39 =	vmul.f32 v39, v60;
	[tilespmem:s14+$0x8520] =	vst v42  }
0x159: {  	v34 =	vld [tilespmem:s14+$0x45A0];
	v37 =	vmul.f32 v37, v60;
	[tilespmem:s14+$0x8530] =	vst v40  }
0x15a: {  	v61 =	vperm.xlane v17, v11;
	v32 =	vld [tilespmem:s14+$0x45B0];
	v38 =	vmul.f32 v38, v60;
	[tilespmem:s14+$0x8540] =	vst v39  }
0x15b: {  	v31 =	vld [tilespmem:s14+$0x45C0];
	v36 =	vmul.f32 v36, v60;
	[tilespmem:s14+$0x8550] =	vst v37  }
0x15c: {  	v29 =	vld [tilespmem:s14+$0x45D0];
	v35 =	vmul.f32 v35, v61;
	[tilespmem:s14+$0x8560] =	vst v38  }
0x15d: {  	v30 =	vld [tilespmem:s14+$0x45E0];
	v33 =	vmul.f32 v33, v61;
	[tilespmem:s14+$0x8570] =	vst v36  }
0x15e: {  	v62 =	vperm.xlane v17, v12;
	v27 =	vld [tilespmem:s14+$0x45F0];
	v34 =	vmul.f32 v34, v61;
	[tilespmem:s14+$0x8580] =	vst v35  }
0x15f: {  	v28 =	vld [tilespmem:s14+$0x4600];
	v32 =	vmul.f32 v32, v61;
	[tilespmem:s14+$0x8590] =	vst v33  }
0x160: {  	v25 =	vld [tilespmem:s14+$0x4610];
	v31 =	vmul.f32 v31, v62;
	[tilespmem:s14+$0x85A0] =	vst v34  }
0x161: {  	v26 =	vld [tilespmem:s14+$0x4620];
	v29 =	vmul.f32 v29, v62;
	[tilespmem:s14+$0x85B0] =	vst v32  }
0x162: {  	v63 =	vperm.xlane v17, v13;
	v24 =	vld [tilespmem:s14+$0x4630];
	v30 =	vmul.f32 v30, v62;
	[tilespmem:s14+$0x85C0] =	vst v31  }
0x163: {  	v23 =	vld [tilespmem:s14+$0x4640];
	v27 =	vmul.f32 v27, v62;
	[tilespmem:s14+$0x85D0] =	vst v29  }
0x164: {  	v21 =	vld [tilespmem:s14+$0x4650];
	v28 =	vmul.f32 v28, v63;
	[tilespmem:s14+$0x85E0] =	vst v30  }
0x165: {  	v22 =	vld [tilespmem:s14+$0x4660];
	v25 =	vmul.f32 v25, v63;
	[tilespmem:s14+$0x85F0] =	vst v27  }
0x166: {  	v20 =	vld [tilespmem:s14+$0x4670];
	v26 =	vmul.f32 v26, v63;
	v27 =	vperm.xlane v17, v14;
	[tilespmem:s14+$0x8600] =	vst v28  }
0x167: {  	v19 =	vld [tilespmem:s14+$0x4680];
	v24 =	vmul.f32 v24, v63;
	[tilespmem:s14+$0x8610] =	vst v25  }
0x168: {  	v18 =	vld [tilespmem:s14+$0x4690];
	[tilespmem:s14+$0x8620] =	vst v26;
	v23 =	vmul.f32 v23, v27  }
0x169: {  	v43 =	vld [tilespmem:s14+$0x46A0];
	[tilespmem:s14+$0x8630] =	vst v24;
	v21 =	vmul.f32 v21, v27  }
0x16a: {  	v44 =	vld [tilespmem:s14+$0x46B0];
	v24 =	vperm.xlane v17, v15;
	v22 =	vmul.f32 v22, v27;
	[tilespmem:s14+$0x8640] =	vst v23  }
0x16b: {  	v45 =	vld [tilespmem:s14+$0x46C0];
	v20 =	vmul.f32 v20, v27;
	[tilespmem:s14+$0x8650] =	vst v21  }
0x16c: {  	v54 =	vld [tilespmem:s14+$0x46D0];
	v19 =	vmul.f32 v19, v24;
	[tilespmem:s14+$0x8660] =	vst v22  }
0x16d: {  	v57 =	vld [tilespmem:s14+$0x46E0];
	v18 =	vmul.f32 v18, v24;
	[tilespmem:s14+$0x8670] =	vst v20  }
0x16e: {  	v59 =	vld [tilespmem:s14+$0x46F0];
	v17 =	vperm.xlane v17, v16;
	v20 =	vmul.f32 v43, v24;
	[tilespmem:s14+$0x8680] =	vst v19  }
0x16f: {  	v19 =	vmul.f32 v44, v24;
	[tilespmem:s14+$0x8690] =	vst v18  }
0x170: {  	v18 =	vmul.f32 v45, v17;
	[tilespmem:s14+$0x86A0] =	vst v20  }
0x171: {  	v20 =	vmul.f32 v54, v17;
	[tilespmem:s14+$0x86B0] =	vst v19  }
0x172: {  	p1 =	seq.s32 s11, $0x20;
	v19 =	vmul.f32 v57, v17;
	[tilespmem:s14+$0x86C0] =	vst v18  }
0x173: {  	s9 =	sshll.u32 @!p1 s11, $0x8;
	v17 =	vmul.f32 v59, v17;
	[tilespmem:s14+$0x86D0] =	vst v20  }
0x174: {  	s13 =	sand.u32 @!p1 $0x3FFFFF00, s9;
	[tilespmem:s14+$0x86E0] =	vst v19  }
0x175: {  	s16 =	simm.s32 @!p1 $0x4300;
	s9 =	sadd.s32 @!p1 $0x100, s13;
	[tilespmem:s14+$0x86F0] =	vst v17;
	s14 =	simm.s32 @!p1 $0x80  }
0x176: {  	[tilespmem:s16], [sflag:$0x1] =	stream.indirect.gather @!p1 [hbm4b:s1+s14], $0x40, s9, s14, $0xb8;
	[tilespmem:$0x1C300] =	vst v63  }
0x177: {  	_ =	swait.ge [sflag:s22], $0x80  }
0x178: {  	[sflag:s22] =	ssyncset.done $0x0  }
0x179: {  	s12 =	sadd.s32 s12, s5;
	s9 =	simm.s32 @!p2 $0x4;
	[sflag:s22] =	ssyncadd.s32 $0xFFFFFF80  }
0x17a: {  	[spmem:s3] =	stream.indirect.scatter.add.f32 [tilespmem:s29], [sflag:$0x3], $0x40, s26, s24, $0xb8;
	[tilespmem:$0x1C300] =	vst v63  }
0x17b: {  	s12 =	sadd.s32 $0x80, s12;
	_ =	swait.ge @!p2 [sflag:s9], $0x2000  }
0x17c: {  	s12 =	sshrl.u32 s12, $0x3;
	[sflag:s9] =	ssyncset.done @!p2 $0x0  }
0x17d: {  	s14 =	sadd.s32 s6, s12;
	s16 =	simm.s32 $0x0;
	[sflag:s9] =	ssyncadd.s32 @!p2 $0xFFFFE000  }
0x17e: {  	[tilespmem:s30], [sflag:$0x6] =	stream.linear.gather [hbm4b:s14+s16], $0x80, $0x38;
	[tilespmem:$0x1C300] =	vst v63  }
0x17f: {  	_ =	swait.ge [sflag:s31], $0x2000  }
0x180: {  	[sflag:s31] =	ssyncset.done $0x0  }
0x181: {  	s12 =	simm.s32 $0x0;
	[sflag:s31] =	ssyncadd.s32 $0xFFFFE000  }
0x182: {  	v41 =	vld [tilespmem:s12+$0x6300]  }
0x183: {  	v42 =	vld [tilespmem:s12+$0x6310]  }
0x184: {  	v40 =	vld [tilespmem:s12+$0x6320]  }
0x185: {  	v39 =	vld [tilespmem:s12+$0x6330]  }
0x186: {  	v37 =	vld [tilespmem:s12+$0x6340]  }
0x187: {  	v38 =	vld [tilespmem:s12+$0x6350]  }
0x188: {  	v36 =	vld [tilespmem:s12+$0x6360]  }
0x189: {  	v35 =	vld [tilespmem:s12+$0x6370]  }
0x18a: {  	v33 =	vld [tilespmem:s12+$0x6380]  }
0x18b: {  	v34 =	vld [tilespmem:s12+$0x6390]  }
0x18c: {  	v32 =	vld [tilespmem:s12+$0x63A0]  }
0x18d: {  	v31 =	vld [tilespmem:s12+$0x63B0]  }
0x18e: {  	v29 =	vld [tilespmem:s12+$0x63C0]  }
0x18f: {  	v30 =	vld [tilespmem:s12+$0x63D0]  }
0x190: {  	v27 =	vld [tilespmem:s12+$0x63E0]  }
0x191: {  	v28 =	vld [tilespmem:s12+$0x63F0]  }
0x192: {  	v25 =	vld [tilespmem:s12+$0x6400]  }
0x193: {  	v26 =	vld [tilespmem:s12+$0x6410]  }
0x194: {  	v24 =	vld [tilespmem:s12+$0x6420]  }
0x195: {  	v23 =	vld [tilespmem:s12+$0x6430]  }
0x196: {  	v21 =	vld [tilespmem:s12+$0x6440]  }
0x197: {  	v22 =	vld [tilespmem:s12+$0x6450]  }
0x198: {  	v20 =	vld [tilespmem:s12+$0x6460]  }
0x199: {  	v19 =	vld [tilespmem:s12+$0x6470]  }
0x19a: {  	v18 =	vld [tilespmem:s12+$0x6480]  }
0x19b: {  	s9 =	smov.u32 s10;
	s14 =	simm.s32 $0x1000;
	v17 =	vld [tilespmem:s10+$0x0]  }
.LBB2_9:
0x19c: {  	p2 =	sne.s32 s14, $0x7000;
	v43 =	vld [tilespmem:s12+$0x6490]  }
0x19d: {  	v44 =	vld [tilespmem:s12+$0x64A0]  }
0x19e: {  	v45 =	vld [tilespmem:s12+$0x64B0]  }
0x19f: {  	v46 =	vld [tilespmem:s12+$0x64C0]  }
0x1a0: {  	v47 =	vperm.xlane v17, v1;
	v48 =	vperm.xlane v17, v2;
	v49 =	vld [tilespmem:s12+$0x64D0]  }
0x1a1: {  	v50 =	vperm.xlane v17, v3;
	v51 =	vperm.xlane v17, v4;
	v52 =	vld [tilespmem:s12+$0x64E0]  }
0x1a2: {  	v41 =	vmul.f32 v41, v47;
	v42 =	vmul.f32 v42, v47;
	v53 =	vld [tilespmem:s12+$0x64F0]  }
0x1a3: {  	v40 =	vmul.f32 v40, v47;
	v39 =	vmul.f32 v39, v47;
	v47 =	vld [tilespmem:s12+$0x6500]  }
0x1a4: {  	v37 =	vmul.f32 v37, v48;
	v38 =	vmul.f32 v38, v48;
	[tilespmem:s12+$0xA300] =	vst v41;
	v41 =	vld [tilespmem:s12+$0x6510]  }
0x1a5: {  	v36 =	vmul.f32 v36, v48;
	v35 =	vmul.f32 v35, v48;
	[tilespmem:s12+$0xA310] =	vst v42;
	v42 =	vld [tilespmem:s12+$0x6520]  }
0x1a6: {  	v33 =	vmul.f32 v33, v50;
	v34 =	vmul.f32 v34, v50;
	[tilespmem:s12+$0xA320] =	vst v40;
	v40 =	vld [tilespmem:s12+$0x6530]  }
0x1a7: {  	v32 =	vmul.f32 v32, v50;
	v31 =	vmul.f32 v31, v50;
	[tilespmem:s12+$0xA330] =	vst v39;
	v39 =	vld [tilespmem:s12+$0x6540]  }
0x1a8: {  	v29 =	vmul.f32 v29, v51;
	v30 =	vmul.f32 v30, v51;
	[tilespmem:s12+$0xA340] =	vst v37;
	v37 =	vld [tilespmem:s12+$0x6550]  }
0x1a9: {  	v27 =	vmul.f32 v27, v51;
	v28 =	vmul.f32 v28, v51;
	[tilespmem:s12+$0xA350] =	vst v38;
	v38 =	vld [tilespmem:s12+$0x6560]  }
0x1aa: {  	v48 =	vperm.xlane v17, v6;
	[tilespmem:s12+$0xA360] =	vst v36;
	v36 =	vperm.xlane v17, v5;
	v50 =	vld [tilespmem:s12+$0x6570]  }
0x1ab: {  	v51 =	vperm.xlane v17, v8;
	[tilespmem:s12+$0xA370] =	vst v35;
	v35 =	vperm.xlane v17, v7;
	v54 =	vld [tilespmem:s12+$0x6580]  }
0x1ac: {  	[tilespmem:s12+$0xA380] =	vst v33;
	v25 =	vmul.f32 v25, v36;
	v26 =	vmul.f32 v26, v36;
	v33 =	vld [tilespmem:s12+$0x6590]  }
0x1ad: {  	v24 =	vmul.f32 v24, v36;
	v23 =	vmul.f32 v23, v36;
	[tilespmem:s12+$0xA390] =	vst v34;
	v34 =	vld [tilespmem:s12+$0x65A0]  }
0x1ae: {  	v21 =	vmul.f32 v21, v48;
	v22 =	vmul.f32 v22, v48;
	[tilespmem:s12+$0xA3A0] =	vst v32;
	v32 =	vld [tilespmem:s12+$0x65B0]  }
0x1af: {  	v20 =	vmul.f32 v20, v48;
	v19 =	vmul.f32 v19, v48;
	[tilespmem:s12+$0xA3B0] =	vst v31;
	v31 =	vld [tilespmem:s12+$0x65C0]  }
0x1b0: {  	v18 =	vmul.f32 v18, v35;
	[tilespmem:s12+$0xA3C0] =	vst v29;
	v29 =	vmul.f32 v43, v35;
	v36 =	vld [tilespmem:s12+$0x65D0]  }
0x1b1: {  	[tilespmem:s12+$0xA3D0] =	vst v30;
	v30 =	vmul.f32 v44, v35;
	v35 =	vmul.f32 v45, v35;
	v43 =	vld [tilespmem:s12+$0x65E0]  }
0x1b2: {  	v44 =	vmul.f32 v49, v51;
	[tilespmem:s12+$0xA3E0] =	vst v27;
	v27 =	vmul.f32 v46, v51;
	v45 =	vld [tilespmem:s12+$0x65F0]  }
0x1b3: {  	v46 =	vmul.f32 v53, v51;
	[tilespmem:s12+$0xA3F0] =	vst v28;
	v28 =	vmul.f32 v52, v51;
	v48 =	vld [tilespmem:s12+$0x6600]  }
0x1b4: {  	v49 =	vperm.xlane v17, v10;
	[tilespmem:s12+$0xA400] =	vst v25;
	v25 =	vperm.xlane v17, v9;
	v51 =	vld [tilespmem:s12+$0x6610]  }
0x1b5: {  	v52 =	vperm.xlane v17, v12;
	[tilespmem:s12+$0xA410] =	vst v26;
	v26 =	vperm.xlane v17, v11;
	v53 =	vld [tilespmem:s12+$0x6620]  }
0x1b6: {  	[tilespmem:s12+$0xA420] =	vst v24;
	v24 =	vmul.f32 v47, v25;
	v41 =	vmul.f32 v41, v25;
	v47 =	vld [tilespmem:s12+$0x6630]  }
0x1b7: {  	[tilespmem:s12+$0xA430] =	vst v23;
	v23 =	vmul.f32 v42, v25;
	v25 =	vmul.f32 v40, v25;
	v40 =	vld [tilespmem:s12+$0x6640]  }
0x1b8: {  	v37 =	vmul.f32 v37, v49;
	[tilespmem:s12+$0xA440] =	vst v21;
	v21 =	vmul.f32 v39, v49;
	v39 =	vld [tilespmem:s12+$0x6650]  }
0x1b9: {  	[tilespmem:s12+$0xA450] =	vst v22;
	v22 =	vmul.f32 v38, v49;
	v38 =	vmul.f32 v50, v49;
	v42 =	vld [tilespmem:s12+$0x6660]  }
0x1ba: {  	v33 =	vmul.f32 v33, v26;
	[tilespmem:s12+$0xA460] =	vst v20;
	v20 =	vmul.f32 v54, v26;
	v49 =	vld [tilespmem:s12+$0x6670]  }
0x1bb: {  	[tilespmem:s12+$0xA470] =	vst v19;
	v19 =	vmul.f32 v34, v26;
	v26 =	vmul.f32 v32, v26;
	v32 =	vld [tilespmem:s12+$0x6680]  }
0x1bc: {  	[tilespmem:s12+$0xA480] =	vst v18;
	v18 =	vmul.f32 v31, v52;
	v31 =	vmul.f32 v36, v52;
	v34 =	vld [tilespmem:s12+$0x6690]  }
0x1bd: {  	[tilespmem:s12+$0xA490] =	vst v29;
	v29 =	vmul.f32 v43, v52;
	v43 =	vmul.f32 v45, v52;
	v36 =	vld [tilespmem:s12+$0x66A0]  }
0x1be: {  	v45 =	vperm.xlane v17, v14;
	[tilespmem:s12+$0xA4A0] =	vst v30;
	v30 =	vperm.xlane v17, v13;
	v50 =	vld [tilespmem:s12+$0x66B0]  }
0x1bf: {  	[tilespmem:s12+$0xA4B0] =	vst v35;
	v35 =	vperm.xlane v17, v15;
	v17 =	vperm.xlane v17, v16;
	v52 =	vld [tilespmem:s12+$0x66C0]  }
0x1c0: {  	[tilespmem:s12+$0xA4C0] =	vst v27;
	v27 =	vmul.f32 v48, v30;
	v48 =	vmul.f32 v51, v30;
	v51 =	vld [tilespmem:s12+$0x66D0]  }
0x1c1: {  	[tilespmem:s12+$0xA4D0] =	vst v44;
	v44 =	vmul.f32 v53, v30;
	v30 =	vmul.f32 v47, v30;
	v47 =	vld [tilespmem:s12+$0x66E0]  }
0x1c2: {  	v53 =	vmul.f32 v39, v45;
	[tilespmem:s12+$0xA4E0] =	vst v28;
	v28 =	vmul.f32 v40, v45;
	v39 =	vld [tilespmem:s12+$0x66F0]  }
0x1c3: {  	[tilespmem:s12+$0xA4F0] =	vst v46;
	v46 =	vmul.f32 v42, v45;
	v45 =	vmul.f32 v49, v45  }
0x1c4: {  	v49 =	vmul.f32 v34, v35;
	[tilespmem:s12+$0xA500] =	vst v24;
	v24 =	vmul.f32 v32, v35  }
0x1c5: {  	v54 =	vmul.f32 v36, v35;
	v50 =	vmul.f32 v50, v35;
	[tilespmem:s12+$0xA510] =	vst v41  }
0x1c6: {  	v52 =	vmul.f32 v52, v17;
	v51 =	vmul.f32 v51, v17;
	[tilespmem:s12+$0xA520] =	vst v23  }
0x1c7: {  	v47 =	vmul.f32 v47, v17;
	[tilespmem:s12+$0xA530] =	vst v25;
	v17 =	vmul.f32 v39, v17  }
0x1c8: {  	[tilespmem:s12+$0xA540] =	vst v21  }
0x1c9: {  	[tilespmem:s12+$0xA550] =	vst v37  }
0x1ca: {  	s16 =	sshra.s32 s14, $0x2;
	[tilespmem:s12+$0xA560] =	vst v22  }
0x1cb: {  	v41 =	vld [tilespmem:s16+$0x6300];
	[tilespmem:s12+$0xA570] =	vst v38  }
0x1cc: {  	v42 =	vld [tilespmem:s16+$0x6310];
	[tilespmem:s12+$0xA580] =	vst v20  }
0x1cd: {  	v40 =	vld [tilespmem:s16+$0x6320];
	[tilespmem:s12+$0xA590] =	vst v33  }
0x1ce: {  	v39 =	vld [tilespmem:s16+$0x6330];
	[tilespmem:s12+$0xA5A0] =	vst v19  }
0x1cf: {  	v37 =	vld [tilespmem:s16+$0x6340];
	[tilespmem:s12+$0xA5B0] =	vst v26  }
0x1d0: {  	v38 =	vld [tilespmem:s16+$0x6350];
	[tilespmem:s12+$0xA5C0] =	vst v18  }
0x1d1: {  	v36 =	vld [tilespmem:s16+$0x6360];
	[tilespmem:s12+$0xA5D0] =	vst v31  }
0x1d2: {  	v35 =	vld [tilespmem:s16+$0x6370];
	[tilespmem:s12+$0xA5E0] =	vst v29  }
0x1d3: {  	v33 =	vld [tilespmem:s16+$0x6380];
	[tilespmem:s12+$0xA5F0] =	vst v43  }
0x1d4: {  	v34 =	vld [tilespmem:s16+$0x6390];
	[tilespmem:s12+$0xA600] =	vst v27  }
0x1d5: {  	v32 =	vld [tilespmem:s16+$0x63A0];
	[tilespmem:s12+$0xA610] =	vst v48  }
0x1d6: {  	v31 =	vld [tilespmem:s16+$0x63B0];
	[tilespmem:s12+$0xA620] =	vst v44  }
0x1d7: {  	v29 =	vld [tilespmem:s16+$0x63C0];
	[tilespmem:s12+$0xA630] =	vst v30  }
0x1d8: {  	v30 =	vld [tilespmem:s16+$0x63D0];
	[tilespmem:s12+$0xA640] =	vst v28  }
0x1d9: {  	v27 =	vld [tilespmem:s16+$0x63E0];
	[tilespmem:s12+$0xA650] =	vst v53  }
0x1da: {  	v28 =	vld [tilespmem:s16+$0x63F0];
	[tilespmem:s12+$0xA660] =	vst v46  }
0x1db: {  	v25 =	vld [tilespmem:s16+$0x6400];
	[tilespmem:s12+$0xA670] =	vst v45  }
0x1dc: {  	v26 =	vld [tilespmem:s16+$0x6410];
	[tilespmem:s12+$0xA680] =	vst v24  }
0x1dd: {  	v24 =	vld [tilespmem:s16+$0x6420];
	[tilespmem:s12+$0xA690] =	vst v49  }
0x1de: {  	v23 =	vld [tilespmem:s16+$0x6430];
	[tilespmem:s12+$0xA6A0] =	vst v54  }
0x1df: {  	v21 =	vld [tilespmem:s16+$0x6440];
	[tilespmem:s12+$0xA6B0] =	vst v50  }
.Ltmp3:
0x1e0: {  	v22 =	vld [tilespmem:s16+$0x6450];
	[tilespmem:s12+$0xA6C0] =	vst v52;
	(pc) =	sbr.rel @p2 .LBB2_9-.Ltmp3, $4  }
0x1e1: {  	v20 =	vld [tilespmem:s16+$0x6460];
	[tilespmem:s12+$0xA6D0] =	vst v51  }
0x1e2: {  	v19 =	vld [tilespmem:s16+$0x6470];
	[tilespmem:s12+$0xA6E0] =	vst v47  }
0x1e3: {  	s9 =	sadd.s32 $0x10, s9;
	v18 =	vld [tilespmem:s16+$0x6480];
	[tilespmem:s12+$0xA6F0] =	vst v17;
	s12 =	smov.u32 s16  }
0x1e4: {  	s14 =	sadd.s32 $0x1000, s14;
	v17 =	vld [tilespmem:s9+$0x0]  }
0x1e5: {  	_ =	sdelay $0x3  }
0x1e6: {  	v47 =	vperm.xlane v17, v1;
	_ =	sdelay $0x1  }
0x1e7: {  	v41 =	vmul.f32 v41, v47  }
0x1e8: {  	v42 =	vmul.f32 v42, v47  }
0x1e9: {  	v52 =	vperm.xlane v17, v2;
	v40 =	vmul.f32 v40, v47;
	[tilespmem:s12+$0xA300] =	vst v41  }
0x1ea: {  	v39 =	vmul.f32 v39, v47;
	[tilespmem:s12+$0xA310] =	vst v42  }
0x1eb: {  	v37 =	vmul.f32 v37, v52;
	[tilespmem:s12+$0xA320] =	vst v40  }
0x1ec: {  	v38 =	vmul.f32 v38, v52;
	[tilespmem:s12+$0xA330] =	vst v39  }
0x1ed: {  	v63 =	vperm.xlane v17, v3;
	v36 =	vmul.f32 v36, v52;
	[tilespmem:s12+$0xA340] =	vst v37  }
0x1ee: {  	v35 =	vmul.f32 v35, v52;
	[tilespmem:s12+$0xA350] =	vst v38  }
0x1ef: {  	v33 =	vmul.f32 v33, v63;
	[tilespmem:s12+$0xA360] =	vst v36  }
0x1f0: {  	v34 =	vmul.f32 v34, v63;
	[tilespmem:s12+$0xA370] =	vst v35  }
0x1f1: {  	v56 =	vperm.xlane v17, v4;
	v32 =	vmul.f32 v32, v63;
	[tilespmem:s12+$0xA380] =	vst v33  }
0x1f2: {  	v31 =	vmul.f32 v31, v63;
	[tilespmem:s12+$0xA390] =	vst v34  }
0x1f3: {  	v29 =	vmul.f32 v29, v56;
	[tilespmem:s12+$0xA3A0] =	vst v32  }
0x1f4: {  	v30 =	vmul.f32 v30, v56;
	[tilespmem:s12+$0xA3B0] =	vst v31  }
0x1f5: {  	v57 =	vperm.xlane v17, v5;
	v27 =	vmul.f32 v27, v56;
	[tilespmem:s12+$0xA3C0] =	vst v29  }
0x1f6: {  	v28 =	vmul.f32 v28, v56;
	[tilespmem:s12+$0xA3D0] =	vst v30  }
0x1f7: {  	v25 =	vmul.f32 v25, v57;
	[tilespmem:s12+$0xA3E0] =	vst v27  }
0x1f8: {  	v26 =	vmul.f32 v26, v57;
	[tilespmem:s12+$0xA3F0] =	vst v28  }
0x1f9: {  	v58 =	vperm.xlane v17, v6;
	v24 =	vmul.f32 v24, v57;
	[tilespmem:s12+$0xA400] =	vst v25  }
0x1fa: {  	v23 =	vmul.f32 v23, v57;
	[tilespmem:s12+$0xA410] =	vst v26  }
0x1fb: {  	v43 =	vld [tilespmem:s12+$0x6490];
	v21 =	vmul.f32 v21, v58;
	[tilespmem:s12+$0xA420] =	vst v24  }
0x1fc: {  	v44 =	vld [tilespmem:s12+$0x64A0];
	v22 =	vmul.f32 v22, v58;
	[tilespmem:s12+$0xA430] =	vst v23  }
0x1fd: {  	v45 =	vld [tilespmem:s12+$0x64B0];
	v59 =	vperm.xlane v17, v7;
	v20 =	vmul.f32 v20, v58;
	[tilespmem:s12+$0xA440] =	vst v21  }
0x1fe: {  	v46 =	vld [tilespmem:s12+$0x64C0];
	v19 =	vmul.f32 v19, v58;
	[tilespmem:s12+$0xA450] =	vst v22  }
0x1ff: {  	v48 =	vld [tilespmem:s12+$0x64D0];
	v18 =	vmul.f32 v18, v59;
	[tilespmem:s12+$0xA460] =	vst v20  }
0x200: {  	v49 =	vld [tilespmem:s12+$0x64E0];
	v43 =	vmul.f32 v43, v59;
	[tilespmem:s12+$0xA470] =	vst v19  }
0x201: {  	v50 =	vld [tilespmem:s12+$0x64F0];
	v60 =	vperm.xlane v17, v8;
	v44 =	vmul.f32 v44, v59;
	[tilespmem:s12+$0xA480] =	vst v18  }
0x202: {  	v51 =	vld [tilespmem:s12+$0x6500];
	v45 =	vmul.f32 v45, v59;
	[tilespmem:s12+$0xA490] =	vst v43  }
0x203: {  	v46 =	vmul.f32 v46, v60;
	v41 =	vld [tilespmem:s12+$0x6510];
	[tilespmem:s12+$0xA4A0] =	vst v44  }
0x204: {  	v61 =	vmul.f32 v48, v60;
	v42 =	vld [tilespmem:s12+$0x6520];
	[tilespmem:s12+$0xA4B0] =	vst v45  }
0x205: {  	v62 =	vmul.f32 v49, v60;
	v63 =	vperm.xlane v17, v9;
	v40 =	vld [tilespmem:s12+$0x6530];
	[tilespmem:s12+$0xA4C0] =	vst v46  }
0x206: {  	v50 =	vmul.f32 v50, v60;
	v39 =	vld [tilespmem:s12+$0x6540];
	[tilespmem:s12+$0xA4D0] =	vst v61  }
0x207: {  	v37 =	vld [tilespmem:s12+$0x6550];
	[tilespmem:s12+$0xA4E0] =	vst v62;
	v54 =	vmul.f32 v51, v63  }
0x208: {  	v38 =	vld [tilespmem:s12+$0x6560];
	[tilespmem:s12+$0xA4F0] =	vst v50;
	v41 =	vmul.f32 v41, v63  }
0x209: {  	v56 =	vperm.xlane v17, v10;
	v36 =	vld [tilespmem:s12+$0x6570];
	[tilespmem:s12+$0xA500] =	vst v54;
	v42 =	vmul.f32 v42, v63  }
0x20a: {  	v35 =	vld [tilespmem:s12+$0x6580];
	v40 =	vmul.f32 v40, v63;
	[tilespmem:s12+$0xA510] =	vst v41  }
0x20b: {  	v33 =	vld [tilespmem:s12+$0x6590];
	v39 =	vmul.f32 v39, v56;
	[tilespmem:s12+$0xA520] =	vst v42  }
0x20c: {  	v34 =	vld [tilespmem:s12+$0x65A0];
	v37 =	vmul.f32 v37, v56;
	[tilespmem:s12+$0xA530] =	vst v40  }
0x20d: {  	v57 =	vperm.xlane v17, v11;
	v32 =	vld [tilespmem:s12+$0x65B0];
	v38 =	vmul.f32 v38, v56;
	[tilespmem:s12+$0xA540] =	vst v39  }
0x20e: {  	v31 =	vld [tilespmem:s12+$0x65C0];
	v36 =	vmul.f32 v36, v56;
	[tilespmem:s12+$0xA550] =	vst v37  }
0x20f: {  	v29 =	vld [tilespmem:s12+$0x65D0];
	v35 =	vmul.f32 v35, v57;
	[tilespmem:s12+$0xA560] =	vst v38  }
0x210: {  	v30 =	vld [tilespmem:s12+$0x65E0];
	v33 =	vmul.f32 v33, v57;
	[tilespmem:s12+$0xA570] =	vst v36  }
0x211: {  	v58 =	vperm.xlane v17, v12;
	v27 =	vld [tilespmem:s12+$0x65F0];
	v34 =	vmul.f32 v34, v57;
	[tilespmem:s12+$0xA580] =	vst v35  }
0x212: {  	v28 =	vld [tilespmem:s12+$0x6600];
	v32 =	vmul.f32 v32, v57;
	[tilespmem:s12+$0xA590] =	vst v33  }
0x213: {  	v25 =	vld [tilespmem:s12+$0x6610];
	v31 =	vmul.f32 v31, v58;
	[tilespmem:s12+$0xA5A0] =	vst v34  }
0x214: {  	v26 =	vld [tilespmem:s12+$0x6620];
	v29 =	vmul.f32 v29, v58;
	[tilespmem:s12+$0xA5B0] =	vst v32  }
0x215: {  	v59 =	vperm.xlane v17, v13;
	v24 =	vld [tilespmem:s12+$0x6630];
	v30 =	vmul.f32 v30, v58;
	[tilespmem:s12+$0xA5C0] =	vst v31  }
0x216: {  	v23 =	vld [tilespmem:s12+$0x6640];
	v27 =	vmul.f32 v27, v58;
	[tilespmem:s12+$0xA5D0] =	vst v29  }
0x217: {  	v21 =	vld [tilespmem:s12+$0x6650];
	v28 =	vmul.f32 v28, v59;
	[tilespmem:s12+$0xA5E0] =	vst v30  }
0x218: {  	v22 =	vld [tilespmem:s12+$0x6660];
	v25 =	vmul.f32 v25, v59;
	[tilespmem:s12+$0xA5F0] =	vst v27  }
0x219: {  	v60 =	vperm.xlane v17, v14;
	v20 =	vld [tilespmem:s12+$0x6670];
	v26 =	vmul.f32 v26, v59;
	[tilespmem:s12+$0xA600] =	vst v28  }
0x21a: {  	v19 =	vld [tilespmem:s12+$0x6680];
	v24 =	vmul.f32 v24, v59;
	[tilespmem:s12+$0xA610] =	vst v25  }
0x21b: {  	v18 =	vld [tilespmem:s12+$0x6690];
	v23 =	vmul.f32 v23, v60;
	[tilespmem:s12+$0xA620] =	vst v26  }
0x21c: {  	v43 =	vld [tilespmem:s12+$0x66A0];
	v21 =	vmul.f32 v21, v60;
	[tilespmem:s12+$0xA630] =	vst v24  }
0x21d: {  	v46 =	vld [tilespmem:s12+$0x66D0];
	v61 =	vperm.xlane v17, v15;
	v22 =	vmul.f32 v22, v60;
	[tilespmem:s12+$0xA640] =	vst v23  }
0x21e: {  	v44 =	vld [tilespmem:s12+$0x66B0];
	v20 =	vmul.f32 v20, v60;
	[tilespmem:s12+$0xA650] =	vst v21  }
0x21f: {  	v45 =	vld [tilespmem:s12+$0x66C0];
	v19 =	vmul.f32 v19, v61;
	[tilespmem:s12+$0xA660] =	vst v22  }
0x220: {  	v49 =	vld [tilespmem:s12+$0x66E0];
	v17 =	vperm.xlane v17, v16;
	v18 =	vmul.f32 v18, v61;
	[tilespmem:s12+$0xA670] =	vst v20  }
0x221: {  	v55 =	vld [tilespmem:s12+$0x66F0];
	v62 =	vmul.f32 v43, v61;
	[tilespmem:s12+$0xA680] =	vst v19  }
0x222: {  	v63 =	vmul.f32 v46, v17;
	[tilespmem:s12+$0xA690] =	vst v18  }
0x223: {  	v19 =	vmul.f32 v44, v61;
	[tilespmem:s12+$0xA6A0] =	vst v62  }
0x224: {  	v18 =	vmul.f32 v45, v17;
	[tilespmem:s12+$0xA6D0] =	vst v63  }
0x225: {  	[tilespmem:s12+$0xA6B0] =	vst v19;
	v19 =	vmul.f32 v49, v17  }
0x226: {  	[tilespmem:s12+$0xA6C0] =	vst v18;
	v17 =	vmul.f32 v55, v17  }
0x227: {  	s9 =	sadd.s32 @!p1 $0x180, s13;
	[tilespmem:s12+$0xA6E0] =	vst v19  }
0x228: {  	s13 =	simm.s32 @!p1 $0x6300;
	s11 =	sadd.s32 $0x1, s11;
	[tilespmem:s12+$0xA6F0] =	vst v17;
	s12 =	simm.s32 @!p1 $0x80  }
0x229: {  	[tilespmem:s13], [sflag:$0x2] =	stream.indirect.gather @!p1 [hbm4b:s1+s12], $0x40, s9, s12, $0xb8;
	[tilespmem:$0x1C300] =	vst v63  }
0x22a: {  	p1 =	sne.s32 s11, $0x21  }
.Ltmp4:
0x22b: {  	_ = 	snop;
	(pc) =	sbr.rel @p1 .LBB2_6-.Ltmp4, $4  }
0x22c: {  	_ =	swait.ge [sflag:s23], $0x80  }
0x22d: {  	[sflag:s23] =	ssyncset.done $0x0  }
0x22e: {  	s15 =	sadd.s32 $0x100, s15;
	s10 =	sadd.s32 $0x100, s10;
	[sflag:s23] =	ssyncadd.s32 $0xFFFFFF80  }
0x22f: {  	[spmem:s3] =	stream.indirect.scatter.add.f32 [tilespmem:s2], [sflag:$0x4], $0x40, s30, s24, $0xb8;
	[tilespmem:$0x1C300] =	vst v63  }
0x230: {  	_ =	swait.ge [sflag:s19], $0x2000  }
0x231: {  	[sflag:s19] =	ssyncset.done $0x0  }
0x232: {  	[sflag:s19] =	ssyncadd.s32 $0xFFFFE000  }
0x233: {  	s7 =	stileid.u32;
	_ =	swait.ge [sflag:s25], $0x2000  }
0x234: {  	s9 =	sshrl.u32 s8, $0x3;
	s0 =	sadd.s32 $0x1, s0;
	[sflag:s25] =	ssyncset.done $0x0  }
0x235: {  	s7 =	sshll.u32 s7, $0x6;
	p1 =	sne.s32 s0, s18;
	[sflag:s25] =	ssyncadd.s32 $0xFFFFE000  }
.Ltmp5:
0x236: {  	s7 =	sor.u32 $0x1C07, s7;
	[bflag:$0x0] =	sbarrier.arrive $0xFFFF;
	(pc) =	sbr.rel @p1 .LBB2_1-.Ltmp5, $4  }
0x237: {  	[hbm:s17], [sflag:s7] =	dma.local [spmem:s9], $0x2000  }
0x238: {  	_ =	swait.ge [sflag:s21], $0x2000  }
0x239: {  	[sflag:s21] =	ssyncset.done $0x0  }
0x23a: {  	[sflag:s21] =	ssyncadd.s32 $0xFFFFE000  }
0x23b: {  	_ =	sfence.sel $0x180000  }
0x23c: {  	[bflag:$0x0] =	sbarrier.arrive $0xFFFF  }
0x23d: {  	_ =	strace $0x90000047  }
0x23e: {  	s0 =	stileid.u32;
	[bflag:$0x2] =	sbarrier.arrive $0xFFFF  }
0x23f: {  	p0 =	sne.s32 s0, $0x0;
	s0 =	rddreg [dreg:$0x3]  }
0x240: {  	s0 =	sadd.s32 @!p0 $0x100000, s0  }
0x241: {  	[sflag:s0] =	ssyncadd.tile.s32 @!p0 $0x1;
	_ =	shalt  }
.Lfunc_end2:
_tile_overlayer_lowered:
.L_overlay_start_2:
0x242: {  	(tag) =	ssettag $0x2  }
0x243: {  	s0 =	rddreg [dreg:$0x0];
	s2 =	stileid.u32  }
0x244: {  	s1 =	rddreg [dreg:$0x1];
	p0 =	sne.s32 s2, $0x0  }
0x245: {  	s3 =	rddreg [dreg:$0x2];
	[bflag:$0x3] =	sbarrier.arrive $0xFFFF;
	s2 =	simm.s32 @!p0 $0x1C07  }
0x246: {  	[timem:s3], [sflag:s2] =	dma.local @!p0 [hbm:s0], s1  }
0x247: {  	s0 =	simm.s32 @!p0 $0x7  }
0x248: {  	_ =	swait.ge @!p0 [sflag:s0], s1  }
0x249: {  	s1 =	ssub.s32 @!p0 $0x0, s1;
	[sflag:s0] =	ssyncset.done @!p0 $0x0  }
0x24a: {  	[sflag:s0] =	ssyncadd.s32 @!p0 s1  }
0x24b: {  	[bflag:$0x3] =	sbarrier.arrive $0xFFFF  }
0x24c: {  	_ =	shalt  }

</sc_bundles>
